<compile_context>
chip_gen: v7x
topology: tpu7x:2x2x1
jax: 0.10.2.dev20260603
libtpu: 0.0.44.dev20260713+nightly
codegen_flags: <defaults>
</compile_context>

<pallas_src>
import functools

import jax
import jax.numpy as jnp
from jax import lax
from jax.experimental import pallas as pl
from jax.experimental.pallas import tpu as pltpu
from jax.experimental.pallas import tpu_sc as plsc

_NUM_TABLE_ROWS = 100000
_DIM = 300
_DIM_PAD = 384
_G = _DIM_PAD // 128
_DT = 304 // 8

_INFO = plsc.get_sparse_core_info()
_NC = _INFO.num_cores
_NS = _INFO.num_subcores
_NW = _NC * _NS

_A = 4096
_W = 50
_AB = 64
_NCH = _W * (_A // _AB)
_CPW = _NCH // _NW
_IPC = _AB * _G


def _make_body(t):
    def _sc_body(idx_hbm, table_hbm, out, idx_v, gb, stages, gsems, wsems):
        cid = lax.axis_index("c")
        sid = lax.axis_index("s")
        wid = sid * _NC + cid
        base = (t * _NCH + wid * _CPW) * _IPC
        pltpu.sync_copy(idx_hbm.at[pl.ds(base, _CPW * _IPC)], idx_v)

        iota = lax.iota(jnp.int32, 16)
        iota_shr3 = lax.shift_right_logical(iota, 3)
        i8_vec = lax.bitwise_and(iota, 7)
        dt_vecs = [[iota_shr3 + (g * 16 + 2 * k) for k in range(8)]
                   for g in range(_G)]
        col_vecs = [iota + 16 * k for k in range(8)]
        kmax = (8, 8, 3)

        def g_start(j, b):
            for g in range(_G):
                pltpu.make_async_copy(
                    table_hbm.at[idx_v.at[pl.ds(j * _IPC + g * _AB, _AB)]],
                    gb[b * _G + g], gsems[b]).start()

        def g_wait(j, b):
            for g in range(_G):
                pltpu.make_async_copy(
                    table_hbm.at[idx_v.at[pl.ds(j * _IPC + g * _AB, _AB)]],
                    gb[b * _G + g], gsems[b]).wait()

        def w_copy(j, b):
            m = wid * _CPW + j
            w = m // _AB
            h = m % _AB
            return pltpu.make_async_copy(
                stages[b],
                out.at[w, :, h // 2, :, pl.ds((h % 2) * _AB, _AB)],
                wsems[b])

        def transpose(b):
            stage = stages[b]

            @pl.loop(0, _AB, unroll=2)
            def _(a):
                a_vec = jnp.full((16,), a, jnp.int32)
                for g in range(_G):
                    src = gb[b * _G + g]
                    for k in range(kmax[g]):
                        v = src[a, pl.ds(16 * k, 16)]
                        plsc.store_scatter(stage, [dt_vecs[g][k], i8_vec,
                                                   a_vec], v)

        g_start(0, 0)

        @pl.loop(0, _CPW, step=2)
        def _(j):
            for b in range(2):
                jj = j + b

                @pl.when(jj + 1 < _CPW)
                def _():
                    g_start(jj + 1, (b + 1) % 2)

                g_wait(jj, b)

                @pl.when(jj >= 2)
                def _():
                    w_copy(jj - 2, b).wait()

                transpose(b)
                w_copy(jj, b).start()

        w_copy(_CPW - 2, 0).wait()
        w_copy(_CPW - 1, 1).wait()

    return _sc_body


def _make_gather(t):
    return functools.partial(
        pl.kernel,
        out_type=jax.ShapeDtypeStruct((_W, _DT, _A // 128, 8, 128),
                                      jnp.float32),
        mesh=plsc.VectorSubcoreMesh(core_axis_name="c", subcore_axis_name="s"),
        scratch_types=[
            pltpu.VMEM((_CPW * _IPC,), jnp.int32),
            tuple(pltpu.VMEM((_AB, 128), jnp.float32) for _ in range(2 * _G)),
            tuple(pltpu.VMEM((_DT, 8, _AB), jnp.float32) for _ in range(2)),
            tuple(pltpu.SemaphoreType.DMA for _ in range(2)),
            tuple(pltpu.SemaphoreType.DMA for _ in range(2)),
        ],
        compiler_params=pltpu.CompilerParams(
            use_tc_tiling_on_sc=False, needs_layout_passes=False),
    )(_make_body(t))


_gathers = [_make_gather(t) for t in range(3)]


def kernel(x, embedding_weight):
    wt = embedding_weight.T
    wtp = jnp.pad(wt, ((0, _DIM_PAD - _DIM), (0, 0)))
    table3 = wtp.reshape(_G, 128, _NUM_TABLE_ROWS).transpose(2, 0, 1)
    table3 = table3.reshape(_NUM_TABLE_ROWS * _G, 128)

    xr = x.transpose(0, 2, 1).reshape(3, _W, _A // _AB, _AB)
    idx3 = (xr[:, :, :, None, :] * _G
            + jnp.arange(_G, dtype=jnp.int32)[None, None, None, :, None])
    idx3 = idx3.reshape(-1)

    def unpad(o5):
        o = o5.transpose(2, 4, 0, 1, 3).reshape(_A, _W, 304)
        return o[:, :, :_DIM]

    return tuple(unpad(_gathers[t](idx3, table3)) for t in range(3))

# --- scband reference (transcript-rebuilt; emitter-appended) ---
"""Pipeline reference for scband-language-model-77171972374807 (READ-ONLY COPY).

The authoritative reference and input builder live on the scoring server;
editing this copy changes nothing except your own understanding.
"""

import jax, jax.numpy as jnp
import numpy as np

N_WORDS = 100000
EMBED_DIM = 300

def setup_inputs(seed: int = 0) -> dict:
    key = jax.random.key(seed)
    k1, k2 = jax.random.split(key)
    x = jax.random.randint(k1, (3, 4096, 50), 0, N_WORDS, dtype=jnp.int32)
    embedding_weight = jax.random.normal(k2, (N_WORDS, EMBED_DIM), dtype=jnp.float32) * 0.02
    return {"x": x, "embedding_weight": embedding_weight}

def reference(x, embedding_weight):
    # forward: unpack (target_word, synonym, antonym) = x, embed each
    target_word = jnp.take(embedding_weight, x[0], axis=0)
    synonym = jnp.take(embedding_weight, x[1], axis=0)
    antonym = jnp.take(embedding_weight, x[2], axis=0)
    return (target_word, synonym, antonym)

if __name__ == "__main__":
    import jax
    _d = setup_inputs()
    print(jax.jit(kernel)(*tuple(_d.values())))

</pallas_src>

<mosaic_0001>
#map = affine_map<(d0, d1) -> (0)>
#map1 = affine_map<(d0, d1) -> (0, 0)>
#map2 = affine_map<(d0, d1) -> (0, 0, 0, 0, 0)>
module attributes {stable_mosaic.version = 14 : i64} {
  func.func @_sc_body(%arg0: i32, %arg1: i32, %arg2: memref<1843200xi32, #tpu.memory_space<hbm>>, %arg3: memref<300000x128xf32, #tpu.memory_space<hbm>>, %arg4: memref<50x38x32x8x128xf32, #tpu.memory_space<hbm>>, %arg5: memref<19200xi32, #tpu.memory_space<vmem>>, %arg6: memref<64x128xf32, #tpu.memory_space<vmem>>, %arg7: memref<64x128xf32, #tpu.memory_space<vmem>>, %arg8: memref<64x128xf32, #tpu.memory_space<vmem>>, %arg9: memref<64x128xf32, #tpu.memory_space<vmem>>, %arg10: memref<64x128xf32, #tpu.memory_space<vmem>>, %arg11: memref<64x128xf32, #tpu.memory_space<vmem>>, %arg12: memref<38x8x64xf32, #tpu.memory_space<vmem>>, %arg13: memref<38x8x64xf32, #tpu.memory_space<vmem>>, %arg14: memref<!tpu.dma_semaphore, #tpu.memory_space<semaphore_mem>>, %arg15: memref<!tpu.dma_semaphore, #tpu.memory_space<semaphore_mem>>, %arg16: memref<!tpu.dma_semaphore, #tpu.memory_space<semaphore_mem>>, %arg17: memref<!tpu.dma_semaphore, #tpu.memory_space<semaphore_mem>>) attributes {dimension_semantics = [#tpu.dimension_semantics<core_parallel>, #tpu.dimension_semantics<subcore_parallel>], iteration_bounds = array<i64: 2, 16>, scalar_prefetch = 0 : i64, scratch_operands = 13 : i64, tpu.core_type = #tpu.core_type<sc_vector_subcore>, window_params = [{transform_indices = #map}, {transform_indices = #map1}, {transform_indices = #map2}]} {
    %mul3A = arith.constant 2 : i32
    %mul3A_0 = arith.muli %arg1, %mul3A : i32
    %add3A = arith.addi %mul3A_0, %arg0 : i32
    %mul3A_1 = arith.constant 100 : i32
    %mul3A_2 = arith.muli %add3A, %mul3A_1 : i32
    %add3A_3 = arith.constant 6400 : i32
    %add3A_4 = arith.addi %add3A_3, %mul3A_2 : i32
    %mul3A_5 = arith.constant 192 : i32
    %mul3A_6 = arith.muli %add3A_4, %mul3A_5 : i32
    "tpu.region"() ({
      %run_scoped3A = tpu.sem_alloc : memref<!tpu.dma_semaphore, #tpu.memory_space<semaphore_mem>>
      %dma_start3A_303 = tpu.memref_slice %arg2[%mul3A_6] : memref<1843200xi32, #tpu.memory_space<hbm>> -> memref<19200xi32, #tpu.memory_space<hbm>>
      %dma_start3A_304 = tpu.memref_slice %arg2[%mul3A_6] : memref<1843200xi32, #tpu.memory_space<hbm>> -> memref<19200xi32, #tpu.memory_space<hbm>>
      tpu.enqueue_dma source(%dma_start3A_304 : memref<19200xi32, #tpu.memory_space<hbm>>) target(%arg5 : memref<19200xi32, #tpu.memory_space<vmem>>) target_semaphore(%run_scoped3A : memref<!tpu.dma_semaphore, #tpu.memory_space<semaphore_mem>>)
      %dma_wait3A_305 = tpu.memref_slice %arg2[%mul3A_6] : memref<1843200xi32, #tpu.memory_space<hbm>> -> memref<19200xi32, #tpu.memory_space<hbm>>
      %dma_wait3A_306 = tpu.memref_slice %arg2[%mul3A_6] : memref<1843200xi32, #tpu.memory_space<hbm>> -> memref<19200xi32, #tpu.memory_space<hbm>>
      tpu.wait_dma2 semaphore(%run_scoped3A : memref<!tpu.dma_semaphore, #tpu.memory_space<semaphore_mem>>) src(%dma_wait3A_306 : memref<19200xi32, #tpu.memory_space<hbm>>) dst(%arg5 : memref<19200xi32, #tpu.memory_space<vmem>>)
      tpu.yield
    }) : () -> ()
    %iota3A = tpu.iota {dimensions = array<i32: 0>} : vector<16xi32>
    %shift_right_logical3A = arith.constant 3 : i32
    %shift_right_logical3A_7 = vector.broadcast %shift_right_logical3A : i32 to vector<16xi32>
    %shift_right_logical3A_8 = arith.shrui %iota3A, %shift_right_logical3A_7 : vector<16xi32>
    %and3A = arith.constant 7 : i32
    %and3A_9 = vector.broadcast %and3A : i32 to vector<16xi32>
    %and3A_10 = arith.andi %iota3A, %and3A_9 : vector<16xi32>
    %add3A_11 = arith.constant 0 : i32
    %add3A_12 = vector.broadcast %add3A_11 : i32 to vector<16xi32>
    %add3A_13 = arith.addi %shift_right_logical3A_8, %add3A_12 : vector<16xi32>
    %add3A_14 = arith.constant 2 : i32
    %add3A_15 = vector.broadcast %add3A_14 : i32 to vector<16xi32>
    %add3A_16 = arith.addi %shift_right_logical3A_8, %add3A_15 : vector<16xi32>
    %add3A_17 = arith.constant 4 : i32
    %add3A_18 = vector.broadcast %add3A_17 : i32 to vector<16xi32>
    %add3A_19 = arith.addi %shift_right_logical3A_8, %add3A_18 : vector<16xi32>
    %add3A_20 = arith.constant 6 : i32
    %add3A_21 = vector.broadcast %add3A_20 : i32 to vector<16xi32>
    %add3A_22 = arith.addi %shift_right_logical3A_8, %add3A_21 : vector<16xi32>
    %add3A_23 = arith.constant 8 : i32
    %add3A_24 = vector.broadcast %add3A_23 : i32 to vector<16xi32>
    %add3A_25 = arith.addi %shift_right_logical3A_8, %add3A_24 : vector<16xi32>
    %add3A_26 = arith.constant 10 : i32
    %add3A_27 = vector.broadcast %add3A_26 : i32 to vector<16xi32>
    %add3A_28 = arith.addi %shift_right_logical3A_8, %add3A_27 : vector<16xi32>
    %add3A_29 = arith.constant 12 : i32
    %add3A_30 = vector.broadcast %add3A_29 : i32 to vector<16xi32>
    %add3A_31 = arith.addi %shift_right_logical3A_8, %add3A_30 : vector<16xi32>
    %add3A_32 = arith.constant 14 : i32
    %add3A_33 = vector.broadcast %add3A_32 : i32 to vector<16xi32>
    %add3A_34 = arith.addi %shift_right_logical3A_8, %add3A_33 : vector<16xi32>
    %add3A_35 = arith.constant 16 : i32
    %add3A_36 = vector.broadcast %add3A_35 : i32 to vector<16xi32>
    %add3A_37 = arith.addi %shift_right_logical3A_8, %add3A_36 : vector<16xi32>
    %add3A_38 = arith.constant 18 : i32
    %add3A_39 = vector.broadcast %add3A_38 : i32 to vector<16xi32>
    %add3A_40 = arith.addi %shift_right_logical3A_8, %add3A_39 : vector<16xi32>
    %add3A_41 = arith.constant 20 : i32
    %add3A_42 = vector.broadcast %add3A_41 : i32 to vector<16xi32>
    %add3A_43 = arith.addi %shift_right_logical3A_8, %add3A_42 : vector<16xi32>
    %add3A_44 = arith.constant 22 : i32
    %add3A_45 = vector.broadcast %add3A_44 : i32 to vector<16xi32>
    %add3A_46 = arith.addi %shift_right_logical3A_8, %add3A_45 : vector<16xi32>
    %add3A_47 = arith.constant 24 : i32
    %add3A_48 = vector.broadcast %add3A_47 : i32 to vector<16xi32>
    %add3A_49 = arith.addi %shift_right_logical3A_8, %add3A_48 : vector<16xi32>
    %add3A_50 = arith.constant 26 : i32
    %add3A_51 = vector.broadcast %add3A_50 : i32 to vector<16xi32>
    %add3A_52 = arith.addi %shift_right_logical3A_8, %add3A_51 : vector<16xi32>
    %add3A_53 = arith.constant 28 : i32
    %add3A_54 = vector.broadcast %add3A_53 : i32 to vector<16xi32>
    %add3A_55 = arith.addi %shift_right_logical3A_8, %add3A_54 : vector<16xi32>
    %add3A_56 = arith.constant 30 : i32
    %add3A_57 = vector.broadcast %add3A_56 : i32 to vector<16xi32>
    %add3A_58 = arith.addi %shift_right_logical3A_8, %add3A_57 : vector<16xi32>
    %add3A_59 = arith.constant 32 : i32
    %add3A_60 = vector.broadcast %add3A_59 : i32 to vector<16xi32>
    %add3A_61 = arith.addi %shift_right_logical3A_8, %add3A_60 : vector<16xi32>
    %add3A_62 = arith.constant 34 : i32
    %add3A_63 = vector.broadcast %add3A_62 : i32 to vector<16xi32>
    %add3A_64 = arith.addi %shift_right_logical3A_8, %add3A_63 : vector<16xi32>
    %add3A_65 = arith.constant 36 : i32
    %add3A_66 = vector.broadcast %add3A_65 : i32 to vector<16xi32>
    %add3A_67 = arith.addi %shift_right_logical3A_8, %add3A_66 : vector<16xi32>
    %add3A_68 = arith.constant 38 : i32
    %add3A_69 = vector.broadcast %add3A_68 : i32 to vector<16xi32>
    %add3A_70 = arith.addi %shift_right_logical3A_8, %add3A_69 : vector<16xi32>
    %add3A_71 = arith.constant 40 : i32
    %add3A_72 = vector.broadcast %add3A_71 : i32 to vector<16xi32>
    %add3A_73 = arith.addi %shift_right_logical3A_8, %add3A_72 : vector<16xi32>
    %add3A_74 = arith.constant 42 : i32
    %add3A_75 = vector.broadcast %add3A_74 : i32 to vector<16xi32>
    %add3A_76 = arith.addi %shift_right_logical3A_8, %add3A_75 : vector<16xi32>
    %add3A_77 = arith.constant 44 : i32
    %add3A_78 = vector.broadcast %add3A_77 : i32 to vector<16xi32>
    %add3A_79 = arith.addi %shift_right_logical3A_8, %add3A_78 : vector<16xi32>
    %add3A_80 = arith.constant 46 : i32
    %add3A_81 = vector.broadcast %add3A_80 : i32 to vector<16xi32>
    %add3A_82 = arith.addi %shift_right_logical3A_8, %add3A_81 : vector<16xi32>
    %add3A_83 = arith.constant 0 : i32
    %add3A_84 = vector.broadcast %add3A_83 : i32 to vector<16xi32>
    %add3A_85 = arith.addi %iota3A, %add3A_84 : vector<16xi32>
    %add3A_86 = arith.constant 16 : i32
    %add3A_87 = vector.broadcast %add3A_86 : i32 to vector<16xi32>
    %add3A_88 = arith.addi %iota3A, %add3A_87 : vector<16xi32>
    %add3A_89 = arith.constant 32 : i32
    %add3A_90 = vector.broadcast %add3A_89 : i32 to vector<16xi32>
    %add3A_91 = arith.addi %iota3A, %add3A_90 : vector<16xi32>
    %add3A_92 = arith.constant 48 : i32
    %add3A_93 = vector.broadcast %add3A_92 : i32 to vector<16xi32>
    %add3A_94 = arith.addi %iota3A, %add3A_93 : vector<16xi32>
    %add3A_95 = arith.constant 64 : i32
    %add3A_96 = vector.broadcast %add3A_95 : i32 to vector<16xi32>
    %add3A_97 = arith.addi %iota3A, %add3A_96 : vector<16xi32>
    %add3A_98 = arith.constant 80 : i32
    %add3A_99 = vector.broadcast %add3A_98 : i32 to vector<16xi32>
    %add3A_100 = arith.addi %iota3A, %add3A_99 : vector<16xi32>
    %add3A_101 = arith.constant 96 : i32
    %add3A_102 = vector.broadcast %add3A_101 : i32 to vector<16xi32>
    %add3A_103 = arith.addi %iota3A, %add3A_102 : vector<16xi32>
    %add3A_104 = arith.constant 112 : i32
    %add3A_105 = vector.broadcast %add3A_104 : i32 to vector<16xi32>
    %add3A_106 = arith.addi %iota3A, %add3A_105 : vector<16xi32>
    %dma_start3A = arith.constant 0 : i32
    %dma_start3A_107 = tpu.memref_slice %arg5[%dma_start3A] : memref<19200xi32, #tpu.memory_space<vmem>> -> memref<64xi32, #tpu.memory_space<vmem>>
    %dma_start3A_108 = arith.constant 0 : i32
    %dma_start3A_109 = arith.constant 0 : i32
    %dma_start3A_110 = tpu.memref_slice %arg3[%dma_start3A_108, %dma_start3A_109] : memref<300000x128xf32, #tpu.memory_space<hbm>> -> memref<300000x128xf32, #tpu.memory_space<hbm>>
    tpu.enqueue_indirect_dma source(%dma_start3A_110 : memref<300000x128xf32, #tpu.memory_space<hbm>>) target(%arg6 : memref<64x128xf32, #tpu.memory_space<vmem>>) offsets(%dma_start3A_107 : memref<64xi32, #tpu.memory_space<vmem>>) semaphore(%arg14 : memref<!tpu.dma_semaphore, #tpu.memory_space<semaphore_mem>>)
    %dma_start3A_111 = arith.constant 64 : i32
    %dma_start3A_112 = tpu.memref_slice %arg5[%dma_start3A_111] : memref<19200xi32, #tpu.memory_space<vmem>> -> memref<64xi32, #tpu.memory_space<vmem>>
    %dma_start3A_113 = arith.constant 0 : i32
    %dma_start3A_114 = arith.constant 0 : i32
    %dma_start3A_115 = tpu.memref_slice %arg3[%dma_start3A_113, %dma_start3A_114] : memref<300000x128xf32, #tpu.memory_space<hbm>> -> memref<300000x128xf32, #tpu.memory_space<hbm>>
    tpu.enqueue_indirect_dma source(%dma_start3A_115 : memref<300000x128xf32, #tpu.memory_space<hbm>>) target(%arg7 : memref<64x128xf32, #tpu.memory_space<vmem>>) offsets(%dma_start3A_112 : memref<64xi32, #tpu.memory_space<vmem>>) semaphore(%arg14 : memref<!tpu.dma_semaphore, #tpu.memory_space<semaphore_mem>>)
    %dma_start3A_116 = arith.constant 128 : i32
    %dma_start3A_117 = tpu.memref_slice %arg5[%dma_start3A_116] : memref<19200xi32, #tpu.memory_space<vmem>> -> memref<64xi32, #tpu.memory_space<vmem>>
    %dma_start3A_118 = arith.constant 0 : i32
    %dma_start3A_119 = arith.constant 0 : i32
    %dma_start3A_120 = tpu.memref_slice %arg3[%dma_start3A_118, %dma_start3A_119] : memref<300000x128xf32, #tpu.memory_space<hbm>> -> memref<300000x128xf32, #tpu.memory_space<hbm>>
    tpu.enqueue_indirect_dma source(%dma_start3A_120 : memref<300000x128xf32, #tpu.memory_space<hbm>>) target(%arg8 : memref<64x128xf32, #tpu.memory_space<vmem>>) offsets(%dma_start3A_117 : memref<64xi32, #tpu.memory_space<vmem>>) semaphore(%arg14 : memref<!tpu.dma_semaphore, #tpu.memory_space<semaphore_mem>>)
    %scan3A = arith.constant 0 : i32
    %scan3A_121 = arith.constant 50 : i32
    %scan3A_122 = arith.addi %scan3A, %scan3A_121 : i32
    %scan3A_123 = arith.constant 1 : i32
    scf.for %scan3A_303 = %scan3A to %scan3A_122 step %scan3A_123  : i32 {
      %mul3A_304 = arith.constant 2 : i32
      %mul3A_305 = arith.muli %scan3A_303, %mul3A_304 : i32
      %add3A_306 = arith.constant 0 : i32
      %add3A_307 = arith.addi %add3A_306, %mul3A_305 : i32
      %add3A_308 = arith.constant 0 : i32
      %add3A_309 = arith.addi %add3A_307, %add3A_308 : i32
      %add3A_310 = arith.constant 1 : i32
      %add3A_311 = arith.addi %add3A_309, %add3A_310 : i32
      %lt3A_312 = arith.constant 100 : i32
      %lt3A_313 = arith.cmpi slt, %add3A_311, %lt3A_312 : i32
      %convert_element_type3A = arith.extui %lt3A_313 : i1 to i32
      %cond3A = arith.constant 0 : i32
      %cond3A_314 = arith.cmpi ne, %convert_element_type3A, %cond3A : i32
      scf.if %cond3A_314 {
        %add3A_577 = arith.constant 1 : i32
        %add3A_578 = arith.addi %add3A_309, %add3A_577 : i32
        %mul3A_579 = arith.constant 192 : i32
        %mul3A_580 = arith.muli %add3A_578, %mul3A_579 : i32
        %add3A_581 = arith.constant 0 : i32
        %add3A_582 = arith.addi %mul3A_580, %add3A_581 : i32
        %dma_start3A_583 = tpu.memref_slice %arg5[%add3A_582] : memref<19200xi32, #tpu.memory_space<vmem>> -> memref<64xi32, #tpu.memory_space<vmem>>
        %dma_start3A_584 = arith.constant 0 : i32
        %dma_start3A_585 = arith.constant 0 : i32
        %dma_start3A_586 = tpu.memref_slice %arg3[%dma_start3A_584, %dma_start3A_585] : memref<300000x128xf32, #tpu.memory_space<hbm>> -> memref<300000x128xf32, #tpu.memory_space<hbm>>
        tpu.enqueue_indirect_dma source(%dma_start3A_586 : memref<300000x128xf32, #tpu.memory_space<hbm>>) target(%arg9 : memref<64x128xf32, #tpu.memory_space<vmem>>) offsets(%dma_start3A_583 : memref<64xi32, #tpu.memory_space<vmem>>) semaphore(%arg15 : memref<!tpu.dma_semaphore, #tpu.memory_space<semaphore_mem>>)
        %mul3A_587 = arith.constant 192 : i32
        %mul3A_588 = arith.muli %add3A_578, %mul3A_587 : i32
        %add3A_589 = arith.constant 64 : i32
        %add3A_590 = arith.addi %mul3A_588, %add3A_589 : i32
        %dma_start3A_591 = tpu.memref_slice %arg5[%add3A_590] : memref<19200xi32, #tpu.memory_space<vmem>> -> memref<64xi32, #tpu.memory_space<vmem>>
        %dma_start3A_592 = arith.constant 0 : i32
        %dma_start3A_593 = arith.constant 0 : i32
        %dma_start3A_594 = tpu.memref_slice %arg3[%dma_start3A_592, %dma_start3A_593] : memref<300000x128xf32, #tpu.memory_space<hbm>> -> memref<300000x128xf32, #tpu.memory_space<hbm>>
        tpu.enqueue_indirect_dma source(%dma_start3A_594 : memref<300000x128xf32, #tpu.memory_space<hbm>>) target(%arg10 : memref<64x128xf32, #tpu.memory_space<vmem>>) offsets(%dma_start3A_591 : memref<64xi32, #tpu.memory_space<vmem>>) semaphore(%arg15 : memref<!tpu.dma_semaphore, #tpu.memory_space<semaphore_mem>>)
        %mul3A_595 = arith.constant 192 : i32
        %mul3A_596 = arith.muli %add3A_578, %mul3A_595 : i32
        %add3A_597 = arith.constant 128 : i32
        %add3A_598 = arith.addi %mul3A_596, %add3A_597 : i32
        %dma_start3A_599 = tpu.memref_slice %arg5[%add3A_598] : memref<19200xi32, #tpu.memory_space<vmem>> -> memref<64xi32, #tpu.memory_space<vmem>>
        %dma_start3A_600 = arith.constant 0 : i32
        %dma_start3A_601 = arith.constant 0 : i32
        %dma_start3A_602 = tpu.memref_slice %arg3[%dma_start3A_600, %dma_start3A_601] : memref<300000x128xf32, #tpu.memory_space<hbm>> -> memref<300000x128xf32, #tpu.memory_space<hbm>>
        tpu.enqueue_indirect_dma source(%dma_start3A_602 : memref<300000x128xf32, #tpu.memory_space<hbm>>) target(%arg11 : memref<64x128xf32, #tpu.memory_space<vmem>>) offsets(%dma_start3A_599 : memref<64xi32, #tpu.memory_space<vmem>>) semaphore(%arg15 : memref<!tpu.dma_semaphore, #tpu.memory_space<semaphore_mem>>)
      } else {
      }
      %mul3A_315 = arith.constant 192 : i32
      %mul3A_316 = arith.muli %add3A_309, %mul3A_315 : i32
      %add3A_317 = arith.constant 0 : i32
      %add3A_318 = arith.addi %mul3A_316, %add3A_317 : i32
      %dma_wait3A_319 = tpu.memref_slice %arg5[%add3A_318] : memref<19200xi32, #tpu.memory_space<vmem>> -> memref<64xi32, #tpu.memory_space<vmem>>
      %dma_wait3A_320 = arith.constant 0 : i32
      %dma_wait3A_321 = arith.constant 0 : i32
      %dma_wait3A_322 = tpu.memref_slice %arg3[%dma_wait3A_320, %dma_wait3A_321] : memref<300000x128xf32, #tpu.memory_space<hbm>> -> memref<300000x128xf32, #tpu.memory_space<hbm>>
      tpu.wait_indirect_dma semaphore(%arg14 : memref<!tpu.dma_semaphore, #tpu.memory_space<semaphore_mem>>) src(%dma_wait3A_322 : memref<300000x128xf32, #tpu.memory_space<hbm>>) dst(%arg6 : memref<64x128xf32, #tpu.memory_space<vmem>>)
      %mul3A_323 = arith.constant 192 : i32
      %mul3A_324 = arith.muli %add3A_309, %mul3A_323 : i32
      %add3A_325 = arith.constant 64 : i32
      %add3A_326 = arith.addi %mul3A_324, %add3A_325 : i32
      %dma_wait3A_327 = tpu.memref_slice %arg5[%add3A_326] : memref<19200xi32, #tpu.memory_space<vmem>> -> memref<64xi32, #tpu.memory_space<vmem>>
      %dma_wait3A_328 = arith.constant 0 : i32
      %dma_wait3A_329 = arith.constant 0 : i32
      %dma_wait3A_330 = tpu.memref_slice %arg3[%dma_wait3A_328, %dma_wait3A_329] : memref<300000x128xf32, #tpu.memory_space<hbm>> -> memref<300000x128xf32, #tpu.memory_space<hbm>>
      tpu.wait_indirect_dma semaphore(%arg14 : memref<!tpu.dma_semaphore, #tpu.memory_space<semaphore_mem>>) src(%dma_wait3A_330 : memref<300000x128xf32, #tpu.memory_space<hbm>>) dst(%arg7 : memref<64x128xf32, #tpu.memory_space<vmem>>)
      %mul3A_331 = arith.constant 192 : i32
      %mul3A_332 = arith.muli %add3A_309, %mul3A_331 : i32
      %add3A_333 = arith.constant 128 : i32
      %add3A_334 = arith.addi %mul3A_332, %add3A_333 : i32
      %dma_wait3A_335 = tpu.memref_slice %arg5[%add3A_334] : memref<19200xi32, #tpu.memory_space<vmem>> -> memref<64xi32, #tpu.memory_space<vmem>>
      %dma_wait3A_336 = arith.constant 0 : i32
      %dma_wait3A_337 = arith.constant 0 : i32
      %dma_wait3A_338 = tpu.memref_slice %arg3[%dma_wait3A_336, %dma_wait3A_337] : memref<300000x128xf32, #tpu.memory_space<hbm>> -> memref<300000x128xf32, #tpu.memory_space<hbm>>
      tpu.wait_indirect_dma semaphore(%arg14 : memref<!tpu.dma_semaphore, #tpu.memory_space<semaphore_mem>>) src(%dma_wait3A_338 : memref<300000x128xf32, #tpu.memory_space<hbm>>) dst(%arg8 : memref<64x128xf32, #tpu.memory_space<vmem>>)
      %ge3A = arith.constant 2 : i32
      %ge3A_339 = arith.cmpi sge, %add3A_309, %ge3A : i32
      %convert_element_type3A_340 = arith.extui %ge3A_339 : i1 to i32
      %cond3A_341 = arith.constant 0 : i32
      %cond3A_342 = arith.cmpi ne, %convert_element_type3A_340, %cond3A_341 : i32
      scf.if %cond3A_342 {
        %sub3A_577 = arith.constant 2 : i32
        %sub3A_578 = arith.subi %add3A_309, %sub3A_577 : i32
        %mul3A_579 = arith.constant 100 : i32
        %mul3A_580 = arith.muli %add3A, %mul3A_579 : i32
        %add3A_581 = arith.addi %mul3A_580, %sub3A_578 : i32
        %jit3A_582 = arith.constant 64 : i32
        %div3A_583 = arith.divsi %add3A_581, %jit3A_582 : i32
        %sign3A_584 = arith.constant 0 : i32
        %sign3A_585 = arith.cmpi sgt, %add3A_581, %sign3A_584 : i32
        %sign3A_586 = arith.extui %sign3A_585 : i1 to i32
        %sign3A_587 = arith.constant 0 : i32
        %sign3A_588 = arith.cmpi slt, %add3A_581, %sign3A_587 : i32
        %sign3A_589 = arith.extui %sign3A_588 : i1 to i32
        %sign3A_590 = arith.subi %sign3A_586, %sign3A_589 : i32
        %sign3A_591 = arith.constant 0 : i32
        %sign3A_592 = arith.cmpi sgt, %jit3A_582, %sign3A_591 : i32
        %sign3A_593 = arith.extui %sign3A_592 : i1 to i32
        %sign3A_594 = arith.constant 0 : i32
        %sign3A_595 = arith.cmpi slt, %jit3A_582, %sign3A_594 : i32
        %sign3A_596 = arith.extui %sign3A_595 : i1 to i32
        %sign3A_597 = arith.subi %sign3A_593, %sign3A_596 : i32
        %ne3A_598 = arith.cmpi ne, %sign3A_590, %sign3A_597 : i32
        %rem3A_599 = arith.remsi %add3A_581, %jit3A_582 : i32
        %ne3A_600 = arith.constant 0 : i32
        %ne3A_601 = arith.cmpi ne, %rem3A_599, %ne3A_600 : i32
        %and3A_602 = arith.andi %ne3A_598, %ne3A_601 : i1
        %sub3A_603 = arith.constant 1 : i32
        %sub3A_604 = arith.subi %div3A_583, %sub3A_603 : i32
        %select_n3A_605 = arith.select %and3A_602, %sub3A_604, %div3A_583 : i32
        %jit3A_606 = arith.constant 64 : i32
        %eq3A_607 = arith.constant 0 : i32
        %eq3A_608 = arith.cmpi eq, %jit3A_606, %eq3A_607 : i32
        %jit3A_609 = arith.constant 1 : i32
        %select_n3A_610 = arith.select %eq3A_608, %jit3A_609, %jit3A_606 : i32
        %rem3A_611 = arith.remsi %add3A_581, %select_n3A_610 : i32
        %ne3A_612 = arith.constant 0 : i32
        %ne3A_613 = arith.cmpi ne, %rem3A_611, %ne3A_612 : i32
        %lt3A_614 = arith.constant 0 : i32
        %lt3A_615 = arith.cmpi slt, %rem3A_611, %lt3A_614 : i32
        %lt3A_616 = arith.constant 0 : i32
        %lt3A_617 = arith.cmpi slt, %select_n3A_610, %lt3A_616 : i32
        %ne3A_618 = arith.xori %lt3A_615, %lt3A_617 : i1
        %and3A_619 = arith.andi %ne3A_618, %ne3A_613 : i1
        %add3A_620 = arith.addi %rem3A_611, %select_n3A_610 : i32
        %select_n3A_621 = arith.select %and3A_619, %add3A_620, %rem3A_611 : i32
        %jit3A_622 = arith.constant 2 : i32
        %div3A_623 = arith.divsi %select_n3A_621, %jit3A_622 : i32
        %sign3A_624 = arith.constant 0 : i32
        %sign3A_625 = arith.cmpi sgt, %select_n3A_621, %sign3A_624 : i32
        %sign3A_626 = arith.extui %sign3A_625 : i1 to i32
        %sign3A_627 = arith.constant 0 : i32
        %sign3A_628 = arith.cmpi slt, %select_n3A_621, %sign3A_627 : i32
        %sign3A_629 = arith.extui %sign3A_628 : i1 to i32
        %sign3A_630 = arith.subi %sign3A_626, %sign3A_629 : i32
        %sign3A_631 = arith.constant 0 : i32
        %sign3A_632 = arith.cmpi sgt, %jit3A_622, %sign3A_631 : i32
        %sign3A_633 = arith.extui %sign3A_632 : i1 to i32
        %sign3A_634 = arith.constant 0 : i32
        %sign3A_635 = arith.cmpi slt, %jit3A_622, %sign3A_634 : i32
        %sign3A_636 = arith.extui %sign3A_635 : i1 to i32
        %sign3A_637 = arith.subi %sign3A_633, %sign3A_636 : i32
        %ne3A_638 = arith.cmpi ne, %sign3A_630, %sign3A_637 : i32
        %rem3A_639 = arith.remsi %select_n3A_621, %jit3A_622 : i32
        %ne3A_640 = arith.constant 0 : i32
        %ne3A_641 = arith.cmpi ne, %rem3A_639, %ne3A_640 : i32
        %and3A_642 = arith.andi %ne3A_638, %ne3A_641 : i1
        %sub3A_643 = arith.constant 1 : i32
        %sub3A_644 = arith.subi %div3A_623, %sub3A_643 : i32
        %select_n3A_645 = arith.select %and3A_642, %sub3A_644, %div3A_623 : i32
        %jit3A_646 = arith.constant 2 : i32
        %eq3A_647 = arith.constant 0 : i32
        %eq3A_648 = arith.cmpi eq, %jit3A_646, %eq3A_647 : i32
        %jit3A_649 = arith.constant 1 : i32
        %select_n3A_650 = arith.select %eq3A_648, %jit3A_649, %jit3A_646 : i32
        %rem3A_651 = arith.remsi %select_n3A_621, %select_n3A_650 : i32
        %ne3A_652 = arith.constant 0 : i32
        %ne3A_653 = arith.cmpi ne, %rem3A_651, %ne3A_652 : i32
        %lt3A_654 = arith.constant 0 : i32
        %lt3A_655 = arith.cmpi slt, %rem3A_651, %lt3A_654 : i32
        %lt3A_656 = arith.constant 0 : i32
        %lt3A_657 = arith.cmpi slt, %select_n3A_650, %lt3A_656 : i32
        %ne3A_658 = arith.xori %lt3A_655, %lt3A_657 : i1
        %and3A_659 = arith.andi %ne3A_658, %ne3A_653 : i1
        %add3A_660 = arith.addi %rem3A_651, %select_n3A_650 : i32
        %select_n3A_661 = arith.select %and3A_659, %add3A_660, %rem3A_651 : i32
        %mul3A_662 = arith.constant 64 : i32
        %mul3A_663 = arith.muli %select_n3A_661, %mul3A_662 : i32
        %dma_wait3A_664 = arith.constant 0 : i32
        %dma_wait3A_665 = arith.constant 0 : i32
        %dma_wait3A_666 = tpu.memref_slice %arg4[%select_n3A_605, %dma_wait3A_664, %select_n3A_645, %dma_wait3A_665, %mul3A_663] : memref<50x38x32x8x128xf32, #tpu.memory_space<hbm>> -> memref<1x38x1x8x64xf32, #tpu.memory_space<hbm>>
        %dma_wait3A_667 = tpu.memref_squeeze %dma_wait3A_666 : memref<1x38x1x8x64xf32, #tpu.memory_space<hbm>> -> memref<38x8x64xf32, #tpu.memory_space<hbm>>
        %dma_wait3A_668 = arith.constant 0 : i32
        %dma_wait3A_669 = arith.constant 0 : i32
        %dma_wait3A_670 = tpu.memref_slice %arg4[%select_n3A_605, %dma_wait3A_668, %select_n3A_645, %dma_wait3A_669, %mul3A_663] : memref<50x38x32x8x128xf32, #tpu.memory_space<hbm>> -> memref<1x38x1x8x64xf32, #tpu.memory_space<hbm>>
        %dma_wait3A_671 = tpu.memref_squeeze %dma_wait3A_670 : memref<1x38x1x8x64xf32, #tpu.memory_space<hbm>> -> memref<38x8x64xf32, #tpu.memory_space<hbm>>
        tpu.wait_dma2 semaphore(%arg16 : memref<!tpu.dma_semaphore, #tpu.memory_space<semaphore_mem>>) src(%arg12 : memref<38x8x64xf32, #tpu.memory_space<vmem>>) dst(%dma_wait3A_671 : memref<38x8x64xf32, #tpu.memory_space<hbm>>)
      } else {
      }
      %scan3A_343 = arith.constant 0 : i32
      %scan3A_344 = arith.constant 64 : i32
      %scan3A_345 = arith.addi %scan3A_343, %scan3A_344 : i32
      %scan3A_346 = arith.constant 2 : i32
      scf.for %scan3A_577 = %scan3A_343 to %scan3A_345 step %scan3A_346  : i32 {
        %mul3A_578 = arith.constant 1 : i32
        %mul3A_579 = arith.muli %scan3A_577, %mul3A_578 : i32
        %add3A_580 = arith.constant 0 : i32
        %add3A_581 = arith.addi %add3A_580, %mul3A_579 : i32
        %broadcast_in_dim3A = vector.broadcast %add3A_581 : i32 to vector<16xi32>
        %get3A = arith.index_cast %add3A_581 : i32 to index
        %get3A_582 = arith.constant 0 : index
        %get3A_583 = tpu.vector_load %arg6[%get3A, %get3A_582] {strides = array<i32>} : memref<64x128xf32, #tpu.memory_space<vmem>>, vector<16xf32>,
        tpu.vector_store_idx %arg12[%add3A_13, %and3A_10, %broadcast_in_dim3A], %get3A_583 : memref<38x8x64xf32, #tpu.memory_space<vmem>>[vector<16xi32>, vector<16xi32>, vector<16xi32>], vector<16xf32>,
        %get3A_584 = arith.index_cast %add3A_581 : i32 to index
        %get3A_585 = arith.constant 16 : index
        %get3A_586 = tpu.vector_load %arg6[%get3A_584, %get3A_585] {strides = array<i32>} : memref<64x128xf32, #tpu.memory_space<vmem>>, vector<16xf32>,
        tpu.vector_store_idx %arg12[%add3A_16, %and3A_10, %broadcast_in_dim3A], %get3A_586 : memref<38x8x64xf32, #tpu.memory_space<vmem>>[vector<16xi32>, vector<16xi32>, vector<16xi32>], vector<16xf32>,
        %get3A_587 = arith.index_cast %add3A_581 : i32 to index
        %get3A_588 = arith.constant 32 : index
        %get3A_589 = tpu.vector_load %arg6[%get3A_587, %get3A_588] {strides = array<i32>} : memref<64x128xf32, #tpu.memory_space<vmem>>, vector<16xf32>,
        tpu.vector_store_idx %arg12[%add3A_19, %and3A_10, %broadcast_in_dim3A], %get3A_589 : memref<38x8x64xf32, #tpu.memory_space<vmem>>[vector<16xi32>, vector<16xi32>, vector<16xi32>], vector<16xf32>,
        %get3A_590 = arith.index_cast %add3A_581 : i32 to index
        %get3A_591 = arith.constant 48 : index
        %get3A_592 = tpu.vector_load %arg6[%get3A_590, %get3A_591] {strides = array<i32>} : memref<64x128xf32, #tpu.memory_space<vmem>>, vector<16xf32>,
        tpu.vector_store_idx %arg12[%add3A_22, %and3A_10, %broadcast_in_dim3A], %get3A_592 : memref<38x8x64xf32, #tpu.memory_space<vmem>>[vector<16xi32>, vector<16xi32>, vector<16xi32>], vector<16xf32>,
        %get3A_593 = arith.index_cast %add3A_581 : i32 to index
        %get3A_594 = arith.constant 64 : index
        %get3A_595 = tpu.vector_load %arg6[%get3A_593, %get3A_594] {strides = array<i32>} : memref<64x128xf32, #tpu.memory_space<vmem>>, vector<16xf32>,
        tpu.vector_store_idx %arg12[%add3A_25, %and3A_10, %broadcast_in_dim3A], %get3A_595 : memref<38x8x64xf32, #tpu.memory_space<vmem>>[vector<16xi32>, vector<16xi32>, vector<16xi32>], vector<16xf32>,
        %get3A_596 = arith.index_cast %add3A_581 : i32 to index
        %get3A_597 = arith.constant 80 : index
        %get3A_598 = tpu.vector_load %arg6[%get3A_596, %get3A_597] {strides = array<i32>} : memref<64x128xf32, #tpu.memory_space<vmem>>, vector<16xf32>,
        tpu.vector_store_idx %arg12[%add3A_28, %and3A_10, %broadcast_in_dim3A], %get3A_598 : memref<38x8x64xf32, #tpu.memory_space<vmem>>[vector<16xi32>, vector<16xi32>, vector<16xi32>], vector<16xf32>,
        %get3A_599 = arith.index_cast %add3A_581 : i32 to index
        %get3A_600 = arith.constant 96 : index
        %get3A_601 = tpu.vector_load %arg6[%get3A_599, %get3A_600] {strides = array<i32>} : memref<64x128xf32, #tpu.memory_space<vmem>>, vector<16xf32>,
        tpu.vector_store_idx %arg12[%add3A_31, %and3A_10, %broadcast_in_dim3A], %get3A_601 : memref<38x8x64xf32, #tpu.memory_space<vmem>>[vector<16xi32>, vector<16xi32>, vector<16xi32>], vector<16xf32>,
        %get3A_602 = arith.index_cast %add3A_581 : i32 to index
        %get3A_603 = arith.constant 112 : index
        %get3A_604 = tpu.vector_load %arg6[%get3A_602, %get3A_603] {strides = array<i32>} : memref<64x128xf32, #tpu.memory_space<vmem>>, vector<16xf32>,
        tpu.vector_store_idx %arg12[%add3A_34, %and3A_10, %broadcast_in_dim3A], %get3A_604 : memref<38x8x64xf32, #tpu.memory_space<vmem>>[vector<16xi32>, vector<16xi32>, vector<16xi32>], vector<16xf32>,
        %get3A_605 = arith.index_cast %add3A_581 : i32 to index
        %get3A_606 = arith.constant 0 : index
        %get3A_607 = tpu.vector_load %arg7[%get3A_605, %get3A_606] {strides = array<i32>} : memref<64x128xf32, #tpu.memory_space<vmem>>, vector<16xf32>,
        tpu.vector_store_idx %arg12[%add3A_37, %and3A_10, %broadcast_in_dim3A], %get3A_607 : memref<38x8x64xf32, #tpu.memory_space<vmem>>[vector<16xi32>, vector<16xi32>, vector<16xi32>], vector<16xf32>,
        %get3A_608 = arith.index_cast %add3A_581 : i32 to index
        %get3A_609 = arith.constant 16 : index
        %get3A_610 = tpu.vector_load %arg7[%get3A_608, %get3A_609] {strides = array<i32>} : memref<64x128xf32, #tpu.memory_space<vmem>>, vector<16xf32>,
        tpu.vector_store_idx %arg12[%add3A_40, %and3A_10, %broadcast_in_dim3A], %get3A_610 : memref<38x8x64xf32, #tpu.memory_space<vmem>>[vector<16xi32>, vector<16xi32>, vector<16xi32>], vector<16xf32>,
        %get3A_611 = arith.index_cast %add3A_581 : i32 to index
        %get3A_612 = arith.constant 32 : index
        %get3A_613 = tpu.vector_load %arg7[%get3A_611, %get3A_612] {strides = array<i32>} : memref<64x128xf32, #tpu.memory_space<vmem>>, vector<16xf32>,
        tpu.vector_store_idx %arg12[%add3A_43, %and3A_10, %broadcast_in_dim3A], %get3A_613 : memref<38x8x64xf32, #tpu.memory_space<vmem>>[vector<16xi32>, vector<16xi32>, vector<16xi32>], vector<16xf32>,
        %get3A_614 = arith.index_cast %add3A_581 : i32 to index
        %get3A_615 = arith.constant 48 : index
        %get3A_616 = tpu.vector_load %arg7[%get3A_614, %get3A_615] {strides = array<i32>} : memref<64x128xf32, #tpu.memory_space<vmem>>, vector<16xf32>,
        tpu.vector_store_idx %arg12[%add3A_46, %and3A_10, %broadcast_in_dim3A], %get3A_616 : memref<38x8x64xf32, #tpu.memory_space<vmem>>[vector<16xi32>, vector<16xi32>, vector<16xi32>], vector<16xf32>,
        %get3A_617 = arith.index_cast %add3A_581 : i32 to index
        %get3A_618 = arith.constant 64 : index
        %get3A_619 = tpu.vector_load %arg7[%get3A_617, %get3A_618] {strides = array<i32>} : memref<64x128xf32, #tpu.memory_space<vmem>>, vector<16xf32>,
        tpu.vector_store_idx %arg12[%add3A_49, %and3A_10, %broadcast_in_dim3A], %get3A_619 : memref<38x8x64xf32, #tpu.memory_space<vmem>>[vector<16xi32>, vector<16xi32>, vector<16xi32>], vector<16xf32>,
        %get3A_620 = arith.index_cast %add3A_581 : i32 to index
        %get3A_621 = arith.constant 80 : index
        %get3A_622 = tpu.vector_load %arg7[%get3A_620, %get3A_621] {strides = array<i32>} : memref<64x128xf32, #tpu.memory_space<vmem>>, vector<16xf32>,
        tpu.vector_store_idx %arg12[%add3A_52, %and3A_10, %broadcast_in_dim3A], %get3A_622 : memref<38x8x64xf32, #tpu.memory_space<vmem>>[vector<16xi32>, vector<16xi32>, vector<16xi32>], vector<16xf32>,
        %get3A_623 = arith.index_cast %add3A_581 : i32 to index
        %get3A_624 = arith.constant 96 : index
        %get3A_625 = tpu.vector_load %arg7[%get3A_623, %get3A_624] {strides = array<i32>} : memref<64x128xf32, #tpu.memory_space<vmem>>, vector<16xf32>,
        tpu.vector_store_idx %arg12[%add3A_55, %and3A_10, %broadcast_in_dim3A], %get3A_625 : memref<38x8x64xf32, #tpu.memory_space<vmem>>[vector<16xi32>, vector<16xi32>, vector<16xi32>], vector<16xf32>,
        %get3A_626 = arith.index_cast %add3A_581 : i32 to index
        %get3A_627 = arith.constant 112 : index
        %get3A_628 = tpu.vector_load %arg7[%get3A_626, %get3A_627] {strides = array<i32>} : memref<64x128xf32, #tpu.memory_space<vmem>>, vector<16xf32>,
        tpu.vector_store_idx %arg12[%add3A_58, %and3A_10, %broadcast_in_dim3A], %get3A_628 : memref<38x8x64xf32, #tpu.memory_space<vmem>>[vector<16xi32>, vector<16xi32>, vector<16xi32>], vector<16xf32>,
        %get3A_629 = arith.index_cast %add3A_581 : i32 to index
        %get3A_630 = arith.constant 0 : index
        %get3A_631 = tpu.vector_load %arg8[%get3A_629, %get3A_630] {strides = array<i32>} : memref<64x128xf32, #tpu.memory_space<vmem>>, vector<16xf32>,
        tpu.vector_store_idx %arg12[%add3A_61, %and3A_10, %broadcast_in_dim3A], %get3A_631 : memref<38x8x64xf32, #tpu.memory_space<vmem>>[vector<16xi32>, vector<16xi32>, vector<16xi32>], vector<16xf32>,
        %get3A_632 = arith.index_cast %add3A_581 : i32 to index
        %get3A_633 = arith.constant 16 : index
        %get3A_634 = tpu.vector_load %arg8[%get3A_632, %get3A_633] {strides = array<i32>} : memref<64x128xf32, #tpu.memory_space<vmem>>, vector<16xf32>,
        tpu.vector_store_idx %arg12[%add3A_64, %and3A_10, %broadcast_in_dim3A], %get3A_634 : memref<38x8x64xf32, #tpu.memory_space<vmem>>[vector<16xi32>, vector<16xi32>, vector<16xi32>], vector<16xf32>,
        %get3A_635 = arith.index_cast %add3A_581 : i32 to index
        %get3A_636 = arith.constant 32 : index
        %get3A_637 = tpu.vector_load %arg8[%get3A_635, %get3A_636] {strides = array<i32>} : memref<64x128xf32, #tpu.memory_space<vmem>>, vector<16xf32>,
        tpu.vector_store_idx %arg12[%add3A_67, %and3A_10, %broadcast_in_dim3A], %get3A_637 : memref<38x8x64xf32, #tpu.memory_space<vmem>>[vector<16xi32>, vector<16xi32>, vector<16xi32>], vector<16xf32>,
        %scan3A_638 = arith.constant 1 : i32
        %scan3A_639 = arith.addi %scan3A_577, %scan3A_638 : i32
        %mul3A_640 = arith.constant 1 : i32
        %mul3A_641 = arith.muli %scan3A_639, %mul3A_640 : i32
        %add3A_642 = arith.constant 0 : i32
        %add3A_643 = arith.addi %add3A_642, %mul3A_641 : i32
        %broadcast_in_dim3A_644 = vector.broadcast %add3A_643 : i32 to vector<16xi32>
        %get3A_645 = arith.index_cast %add3A_643 : i32 to index
        %get3A_646 = arith.constant 0 : index
        %get3A_647 = tpu.vector_load %arg6[%get3A_645, %get3A_646] {strides = array<i32>} : memref<64x128xf32, #tpu.memory_space<vmem>>, vector<16xf32>,
        tpu.vector_store_idx %arg12[%add3A_13, %and3A_10, %broadcast_in_dim3A_644], %get3A_647 : memref<38x8x64xf32, #tpu.memory_space<vmem>>[vector<16xi32>, vector<16xi32>, vector<16xi32>], vector<16xf32>,
        %get3A_648 = arith.index_cast %add3A_643 : i32 to index
        %get3A_649 = arith.constant 16 : index
        %get3A_650 = tpu.vector_load %arg6[%get3A_648, %get3A_649] {strides = array<i32>} : memref<64x128xf32, #tpu.memory_space<vmem>>, vector<16xf32>,
        tpu.vector_store_idx %arg12[%add3A_16, %and3A_10, %broadcast_in_dim3A_644], %get3A_650 : memref<38x8x64xf32, #tpu.memory_space<vmem>>[vector<16xi32>, vector<16xi32>, vector<16xi32>], vector<16xf32>,
        %get3A_651 = arith.index_cast %add3A_643 : i32 to index
        %get3A_652 = arith.constant 32 : index
        %get3A_653 = tpu.vector_load %arg6[%get3A_651, %get3A_652] {strides = array<i32>} : memref<64x128xf32, #tpu.memory_space<vmem>>, vector<16xf32>,
        tpu.vector_store_idx %arg12[%add3A_19, %and3A_10, %broadcast_in_dim3A_644], %get3A_653 : memref<38x8x64xf32, #tpu.memory_space<vmem>>[vector<16xi32>, vector<16xi32>, vector<16xi32>], vector<16xf32>,
        %get3A_654 = arith.index_cast %add3A_643 : i32 to index
        %get3A_655 = arith.constant 48 : index
        %get3A_656 = tpu.vector_load %arg6[%get3A_654, %get3A_655] {strides = array<i32>} : memref<64x128xf32, #tpu.memory_space<vmem>>, vector<16xf32>,
        tpu.vector_store_idx %arg12[%add3A_22, %and3A_10, %broadcast_in_dim3A_644], %get3A_656 : memref<38x8x64xf32, #tpu.memory_space<vmem>>[vector<16xi32>, vector<16xi32>, vector<16xi32>], vector<16xf32>,
        %get3A_657 = arith.index_cast %add3A_643 : i32 to index
        %get3A_658 = arith.constant 64 : index
        %get3A_659 = tpu.vector_load %arg6[%get3A_657, %get3A_658] {strides = array<i32>} : memref<64x128xf32, #tpu.memory_space<vmem>>, vector<16xf32>,
        tpu.vector_store_idx %arg12[%add3A_25, %and3A_10, %broadcast_in_dim3A_644], %get3A_659 : memref<38x8x64xf32, #tpu.memory_space<vmem>>[vector<16xi32>, vector<16xi32>, vector<16xi32>], vector<16xf32>,
        %get3A_660 = arith.index_cast %add3A_643 : i32 to index
        %get3A_661 = arith.constant 80 : index
        %get3A_662 = tpu.vector_load %arg6[%get3A_660, %get3A_661] {strides = array<i32>} : memref<64x128xf32, #tpu.memory_space<vmem>>, vector<16xf32>,
        tpu.vector_store_idx %arg12[%add3A_28, %and3A_10, %broadcast_in_dim3A_644], %get3A_662 : memref<38x8x64xf32, #tpu.memory_space<vmem>>[vector<16xi32>, vector<16xi32>, vector<16xi32>], vector<16xf32>,
        %get3A_663 = arith.index_cast %add3A_643 : i32 to index
        %get3A_664 = arith.constant 96 : index
        %get3A_665 = tpu.vector_load %arg6[%get3A_663, %get3A_664] {strides = array<i32>} : memref<64x128xf32, #tpu.memory_space<vmem>>, vector<16xf32>,
        tpu.vector_store_idx %arg12[%add3A_31, %and3A_10, %broadcast_in_dim3A_644], %get3A_665 : memref<38x8x64xf32, #tpu.memory_space<vmem>>[vector<16xi32>, vector<16xi32>, vector<16xi32>], vector<16xf32>,
        %get3A_666 = arith.index_cast %add3A_643 : i32 to index
        %get3A_667 = arith.constant 112 : index
        %get3A_668 = tpu.vector_load %arg6[%get3A_666, %get3A_667] {strides = array<i32>} : memref<64x128xf32, #tpu.memory_space<vmem>>, vector<16xf32>,
        tpu.vector_store_idx %arg12[%add3A_34, %and3A_10, %broadcast_in_dim3A_644], %get3A_668 : memref<38x8x64xf32, #tpu.memory_space<vmem>>[vector<16xi32>, vector<16xi32>, vector<16xi32>], vector<16xf32>,
        %get3A_669 = arith.index_cast %add3A_643 : i32 to index
        %get3A_670 = arith.constant 0 : index
        %get3A_671 = tpu.vector_load %arg7[%get3A_669, %get3A_670] {strides = array<i32>} : memref<64x128xf32, #tpu.memory_space<vmem>>, vector<16xf32>,
        tpu.vector_store_idx %arg12[%add3A_37, %and3A_10, %broadcast_in_dim3A_644], %get3A_671 : memref<38x8x64xf32, #tpu.memory_space<vmem>>[vector<16xi32>, vector<16xi32>, vector<16xi32>], vector<16xf32>,
        %get3A_672 = arith.index_cast %add3A_643 : i32 to index
        %get3A_673 = arith.constant 16 : index
        %get3A_674 = tpu.vector_load %arg7[%get3A_672, %get3A_673] {strides = array<i32>} : memref<64x128xf32, #tpu.memory_space<vmem>>, vector<16xf32>,
        tpu.vector_store_idx %arg12[%add3A_40, %and3A_10, %broadcast_in_dim3A_644], %get3A_674 : memref<38x8x64xf32, #tpu.memory_space<vmem>>[vector<16xi32>, vector<16xi32>, vector<16xi32>], vector<16xf32>,
        %get3A_675 = arith.index_cast %add3A_643 : i32 to index
        %get3A_676 = arith.constant 32 : index
        %get3A_677 = tpu.vector_load %arg7[%get3A_675, %get3A_676] {strides = array<i32>} : memref<64x128xf32, #tpu.memory_space<vmem>>, vector<16xf32>,
        tpu.vector_store_idx %arg12[%add3A_43, %and3A_10, %broadcast_in_dim3A_644], %get3A_677 : memref<38x8x64xf32, #tpu.memory_space<vmem>>[vector<16xi32>, vector<16xi32>, vector<16xi32>], vector<16xf32>,
        %get3A_678 = arith.index_cast %add3A_643 : i32 to index
        %get3A_679 = arith.constant 48 : index
        %get3A_680 = tpu.vector_load %arg7[%get3A_678, %get3A_679] {strides = array<i32>} : memref<64x128xf32, #tpu.memory_space<vmem>>, vector<16xf32>,
        tpu.vector_store_idx %arg12[%add3A_46, %and3A_10, %broadcast_in_dim3A_644], %get3A_680 : memref<38x8x64xf32, #tpu.memory_space<vmem>>[vector<16xi32>, vector<16xi32>, vector<16xi32>], vector<16xf32>,
        %get3A_681 = arith.index_cast %add3A_643 : i32 to index
        %get3A_682 = arith.constant 64 : index
        %get3A_683 = tpu.vector_load %arg7[%get3A_681, %get3A_682] {strides = array<i32>} : memref<64x128xf32, #tpu.memory_space<vmem>>, vector<16xf32>,
        tpu.vector_store_idx %arg12[%add3A_49, %and3A_10, %broadcast_in_dim3A_644], %get3A_683 : memref<38x8x64xf32, #tpu.memory_space<vmem>>[vector<16xi32>, vector<16xi32>, vector<16xi32>], vector<16xf32>,
        %get3A_684 = arith.index_cast %add3A_643 : i32 to index
        %get3A_685 = arith.constant 80 : index
        %get3A_686 = tpu.vector_load %arg7[%get3A_684, %get3A_685] {strides = array<i32>} : memref<64x128xf32, #tpu.memory_space<vmem>>, vector<16xf32>,
        tpu.vector_store_idx %arg12[%add3A_52, %and3A_10, %broadcast_in_dim3A_644], %get3A_686 : memref<38x8x64xf32, #tpu.memory_space<vmem>>[vector<16xi32>, vector<16xi32>, vector<16xi32>], vector<16xf32>,
        %get3A_687 = arith.index_cast %add3A_643 : i32 to index
        %get3A_688 = arith.constant 96 : index
        %get3A_689 = tpu.vector_load %arg7[%get3A_687, %get3A_688] {strides = array<i32>} : memref<64x128xf32, #tpu.memory_space<vmem>>, vector<16xf32>,
        tpu.vector_store_idx %arg12[%add3A_55, %and3A_10, %broadcast_in_dim3A_644], %get3A_689 : memref<38x8x64xf32, #tpu.memory_space<vmem>>[vector<16xi32>, vector<16xi32>, vector<16xi32>], vector<16xf32>,
        %get3A_690 = arith.index_cast %add3A_643 : i32 to index
        %get3A_691 = arith.constant 112 : index
        %get3A_692 = tpu.vector_load %arg7[%get3A_690, %get3A_691] {strides = array<i32>} : memref<64x128xf32, #tpu.memory_space<vmem>>, vector<16xf32>,
        tpu.vector_store_idx %arg12[%add3A_58, %and3A_10, %broadcast_in_dim3A_644], %get3A_692 : memref<38x8x64xf32, #tpu.memory_space<vmem>>[vector<16xi32>, vector<16xi32>, vector<16xi32>], vector<16xf32>,
        %get3A_693 = arith.index_cast %add3A_643 : i32 to index
        %get3A_694 = arith.constant 0 : index
        %get3A_695 = tpu.vector_load %arg8[%get3A_693, %get3A_694] {strides = array<i32>} : memref<64x128xf32, #tpu.memory_space<vmem>>, vector<16xf32>,
        tpu.vector_store_idx %arg12[%add3A_61, %and3A_10, %broadcast_in_dim3A_644], %get3A_695 : memref<38x8x64xf32, #tpu.memory_space<vmem>>[vector<16xi32>, vector<16xi32>, vector<16xi32>], vector<16xf32>,
        %get3A_696 = arith.index_cast %add3A_643 : i32 to index
        %get3A_697 = arith.constant 16 : index
        %get3A_698 = tpu.vector_load %arg8[%get3A_696, %get3A_697] {strides = array<i32>} : memref<64x128xf32, #tpu.memory_space<vmem>>, vector<16xf32>,
        tpu.vector_store_idx %arg12[%add3A_64, %and3A_10, %broadcast_in_dim3A_644], %get3A_698 : memref<38x8x64xf32, #tpu.memory_space<vmem>>[vector<16xi32>, vector<16xi32>, vector<16xi32>], vector<16xf32>,
        %get3A_699 = arith.index_cast %add3A_643 : i32 to index
        %get3A_700 = arith.constant 32 : index
        %get3A_701 = tpu.vector_load %arg8[%get3A_699, %get3A_700] {strides = array<i32>} : memref<64x128xf32, #tpu.memory_space<vmem>>, vector<16xf32>,
        tpu.vector_store_idx %arg12[%add3A_67, %and3A_10, %broadcast_in_dim3A_644], %get3A_701 : memref<38x8x64xf32, #tpu.memory_space<vmem>>[vector<16xi32>, vector<16xi32>, vector<16xi32>], vector<16xf32>,
      }
      %scan3A_347 = arith.constant 64 : i32
      %mul3A_348 = arith.constant 100 : i32
      %mul3A_349 = arith.muli %add3A, %mul3A_348 : i32
      %add3A_350 = arith.addi %mul3A_349, %add3A_309 : i32
      %jit3A_351 = arith.constant 64 : i32
      %div3A_352 = arith.divsi %add3A_350, %jit3A_351 : i32
      %sign3A_353 = arith.constant 0 : i32
      %sign3A_354 = arith.cmpi sgt, %add3A_350, %sign3A_353 : i32
      %sign3A_355 = arith.extui %sign3A_354 : i1 to i32
      %sign3A_356 = arith.constant 0 : i32
      %sign3A_357 = arith.cmpi slt, %add3A_350, %sign3A_356 : i32
      %sign3A_358 = arith.extui %sign3A_357 : i1 to i32
      %sign3A_359 = arith.subi %sign3A_355, %sign3A_358 : i32
      %sign3A_360 = arith.constant 0 : i32
      %sign3A_361 = arith.cmpi sgt, %jit3A_351, %sign3A_360 : i32
      %sign3A_362 = arith.extui %sign3A_361 : i1 to i32
      %sign3A_363 = arith.constant 0 : i32
      %sign3A_364 = arith.cmpi slt, %jit3A_351, %sign3A_363 : i32
      %sign3A_365 = arith.extui %sign3A_364 : i1 to i32
      %sign3A_366 = arith.subi %sign3A_362, %sign3A_365 : i32
      %ne3A_367 = arith.cmpi ne, %sign3A_359, %sign3A_366 : i32
      %rem3A_368 = arith.remsi %add3A_350, %jit3A_351 : i32
      %ne3A_369 = arith.constant 0 : i32
      %ne3A_370 = arith.cmpi ne, %rem3A_368, %ne3A_369 : i32
      %and3A_371 = arith.andi %ne3A_367, %ne3A_370 : i1
      %sub3A_372 = arith.constant 1 : i32
      %sub3A_373 = arith.subi %div3A_352, %sub3A_372 : i32
      %select_n3A_374 = arith.select %and3A_371, %sub3A_373, %div3A_352 : i32
      %jit3A_375 = arith.constant 64 : i32
      %eq3A_376 = arith.constant 0 : i32
      %eq3A_377 = arith.cmpi eq, %jit3A_375, %eq3A_376 : i32
      %jit3A_378 = arith.constant 1 : i32
      %select_n3A_379 = arith.select %eq3A_377, %jit3A_378, %jit3A_375 : i32
      %rem3A_380 = arith.remsi %add3A_350, %select_n3A_379 : i32
      %ne3A_381 = arith.constant 0 : i32
      %ne3A_382 = arith.cmpi ne, %rem3A_380, %ne3A_381 : i32
      %lt3A_383 = arith.constant 0 : i32
      %lt3A_384 = arith.cmpi slt, %rem3A_380, %lt3A_383 : i32
      %lt3A_385 = arith.constant 0 : i32
      %lt3A_386 = arith.cmpi slt, %select_n3A_379, %lt3A_385 : i32
      %ne3A_387 = arith.xori %lt3A_384, %lt3A_386 : i1
      %and3A_388 = arith.andi %ne3A_387, %ne3A_382 : i1
      %add3A_389 = arith.addi %rem3A_380, %select_n3A_379 : i32
      %select_n3A_390 = arith.select %and3A_388, %add3A_389, %rem3A_380 : i32
      %jit3A_391 = arith.constant 2 : i32
      %div3A_392 = arith.divsi %select_n3A_390, %jit3A_391 : i32
      %sign3A_393 = arith.constant 0 : i32
      %sign3A_394 = arith.cmpi sgt, %select_n3A_390, %sign3A_393 : i32
      %sign3A_395 = arith.extui %sign3A_394 : i1 to i32
      %sign3A_396 = arith.constant 0 : i32
      %sign3A_397 = arith.cmpi slt, %select_n3A_390, %sign3A_396 : i32
      %sign3A_398 = arith.extui %sign3A_397 : i1 to i32
      %sign3A_399 = arith.subi %sign3A_395, %sign3A_398 : i32
      %sign3A_400 = arith.constant 0 : i32
      %sign3A_401 = arith.cmpi sgt, %jit3A_391, %sign3A_400 : i32
      %sign3A_402 = arith.extui %sign3A_401 : i1 to i32
      %sign3A_403 = arith.constant 0 : i32
      %sign3A_404 = arith.cmpi slt, %jit3A_391, %sign3A_403 : i32
      %sign3A_405 = arith.extui %sign3A_404 : i1 to i32
      %sign3A_406 = arith.subi %sign3A_402, %sign3A_405 : i32
      %ne3A_407 = arith.cmpi ne, %sign3A_399, %sign3A_406 : i32
      %rem3A_408 = arith.remsi %select_n3A_390, %jit3A_391 : i32
      %ne3A_409 = arith.constant 0 : i32
      %ne3A_410 = arith.cmpi ne, %rem3A_408, %ne3A_409 : i32
      %and3A_411 = arith.andi %ne3A_407, %ne3A_410 : i1
      %sub3A_412 = arith.constant 1 : i32
      %sub3A_413 = arith.subi %div3A_392, %sub3A_412 : i32
      %select_n3A_414 = arith.select %and3A_411, %sub3A_413, %div3A_392 : i32
      %jit3A_415 = arith.constant 2 : i32
      %eq3A_416 = arith.constant 0 : i32
      %eq3A_417 = arith.cmpi eq, %jit3A_415, %eq3A_416 : i32
      %jit3A_418 = arith.constant 1 : i32
      %select_n3A_419 = arith.select %eq3A_417, %jit3A_418, %jit3A_415 : i32
      %rem3A_420 = arith.remsi %select_n3A_390, %select_n3A_419 : i32
      %ne3A_421 = arith.constant 0 : i32
      %ne3A_422 = arith.cmpi ne, %rem3A_420, %ne3A_421 : i32
      %lt3A_423 = arith.constant 0 : i32
      %lt3A_424 = arith.cmpi slt, %rem3A_420, %lt3A_423 : i32
      %lt3A_425 = arith.constant 0 : i32
      %lt3A_426 = arith.cmpi slt, %select_n3A_419, %lt3A_425 : i32
      %ne3A_427 = arith.xori %lt3A_424, %lt3A_426 : i1
      %and3A_428 = arith.andi %ne3A_427, %ne3A_422 : i1
      %add3A_429 = arith.addi %rem3A_420, %select_n3A_419 : i32
      %select_n3A_430 = arith.select %and3A_428, %add3A_429, %rem3A_420 : i32
      %mul3A_431 = arith.constant 64 : i32
      %mul3A_432 = arith.muli %select_n3A_430, %mul3A_431 : i32
      %dma_start3A_433 = arith.constant 0 : i32
      %dma_start3A_434 = arith.constant 0 : i32
      %dma_start3A_435 = tpu.memref_slice %arg4[%select_n3A_374, %dma_start3A_433, %select_n3A_414, %dma_start3A_434, %mul3A_432] : memref<50x38x32x8x128xf32, #tpu.memory_space<hbm>> -> memref<1x38x1x8x64xf32, #tpu.memory_space<hbm>>
      %dma_start3A_436 = tpu.memref_squeeze %dma_start3A_435 : memref<1x38x1x8x64xf32, #tpu.memory_space<hbm>> -> memref<38x8x64xf32, #tpu.memory_space<hbm>>
      %dma_start3A_437 = arith.constant 0 : i32
      %dma_start3A_438 = arith.constant 0 : i32
      %dma_start3A_439 = tpu.memref_slice %arg4[%select_n3A_374, %dma_start3A_437, %select_n3A_414, %dma_start3A_438, %mul3A_432] : memref<50x38x32x8x128xf32, #tpu.memory_space<hbm>> -> memref<1x38x1x8x64xf32, #tpu.memory_space<hbm>>
      %dma_start3A_440 = tpu.memref_squeeze %dma_start3A_439 : memref<1x38x1x8x64xf32, #tpu.memory_space<hbm>> -> memref<38x8x64xf32, #tpu.memory_space<hbm>>
      tpu.enqueue_dma source(%arg12 : memref<38x8x64xf32, #tpu.memory_space<vmem>>) target(%dma_start3A_440 : memref<38x8x64xf32, #tpu.memory_space<hbm>>) target_semaphore(%arg16 : memref<!tpu.dma_semaphore, #tpu.memory_space<semaphore_mem>>)
      %add3A_441 = arith.constant 1 : i32
      %add3A_442 = arith.addi %add3A_307, %add3A_441 : i32
      %add3A_443 = arith.constant 1 : i32
      %add3A_444 = arith.addi %add3A_442, %add3A_443 : i32
      %lt3A_445 = arith.constant 100 : i32
      %lt3A_446 = arith.cmpi slt, %add3A_444, %lt3A_445 : i32
      %convert_element_type3A_447 = arith.extui %lt3A_446 : i1 to i32
      %cond3A_448 = arith.constant 0 : i32
      %cond3A_449 = arith.cmpi ne, %convert_element_type3A_447, %cond3A_448 : i32
      scf.if %cond3A_449 {
        %add3A_577 = arith.constant 1 : i32
        %add3A_578 = arith.addi %add3A_442, %add3A_577 : i32
        %mul3A_579 = arith.constant 192 : i32
        %mul3A_580 = arith.muli %add3A_578, %mul3A_579 : i32
        %add3A_581 = arith.constant 0 : i32
        %add3A_582 = arith.addi %mul3A_580, %add3A_581 : i32
        %dma_start3A_583 = tpu.memref_slice %arg5[%add3A_582] : memref<19200xi32, #tpu.memory_space<vmem>> -> memref<64xi32, #tpu.memory_space<vmem>>
        %dma_start3A_584 = arith.constant 0 : i32
        %dma_start3A_585 = arith.constant 0 : i32
        %dma_start3A_586 = tpu.memref_slice %arg3[%dma_start3A_584, %dma_start3A_585] : memref<300000x128xf32, #tpu.memory_space<hbm>> -> memref<300000x128xf32, #tpu.memory_space<hbm>>
        tpu.enqueue_indirect_dma source(%dma_start3A_586 : memref<300000x128xf32, #tpu.memory_space<hbm>>) target(%arg6 : memref<64x128xf32, #tpu.memory_space<vmem>>) offsets(%dma_start3A_583 : memref<64xi32, #tpu.memory_space<vmem>>) semaphore(%arg14 : memref<!tpu.dma_semaphore, #tpu.memory_space<semaphore_mem>>)
        %mul3A_587 = arith.constant 192 : i32
        %mul3A_588 = arith.muli %add3A_578, %mul3A_587 : i32
        %add3A_589 = arith.constant 64 : i32
        %add3A_590 = arith.addi %mul3A_588, %add3A_589 : i32
        %dma_start3A_591 = tpu.memref_slice %arg5[%add3A_590] : memref<19200xi32, #tpu.memory_space<vmem>> -> memref<64xi32, #tpu.memory_space<vmem>>
        %dma_start3A_592 = arith.constant 0 : i32
        %dma_start3A_593 = arith.constant 0 : i32
        %dma_start3A_594 = tpu.memref_slice %arg3[%dma_start3A_592, %dma_start3A_593] : memref<300000x128xf32, #tpu.memory_space<hbm>> -> memref<300000x128xf32, #tpu.memory_space<hbm>>
        tpu.enqueue_indirect_dma source(%dma_start3A_594 : memref<300000x128xf32, #tpu.memory_space<hbm>>) target(%arg7 : memref<64x128xf32, #tpu.memory_space<vmem>>) offsets(%dma_start3A_591 : memref<64xi32, #tpu.memory_space<vmem>>) semaphore(%arg14 : memref<!tpu.dma_semaphore, #tpu.memory_space<semaphore_mem>>)
        %mul3A_595 = arith.constant 192 : i32
        %mul3A_596 = arith.muli %add3A_578, %mul3A_595 : i32
        %add3A_597 = arith.constant 128 : i32
        %add3A_598 = arith.addi %mul3A_596, %add3A_597 : i32
        %dma_start3A_599 = tpu.memref_slice %arg5[%add3A_598] : memref<19200xi32, #tpu.memory_space<vmem>> -> memref<64xi32, #tpu.memory_space<vmem>>
        %dma_start3A_600 = arith.constant 0 : i32
        %dma_start3A_601 = arith.constant 0 : i32
        %dma_start3A_602 = tpu.memref_slice %arg3[%dma_start3A_600, %dma_start3A_601] : memref<300000x128xf32, #tpu.memory_space<hbm>> -> memref<300000x128xf32, #tpu.memory_space<hbm>>
        tpu.enqueue_indirect_dma source(%dma_start3A_602 : memref<300000x128xf32, #tpu.memory_space<hbm>>) target(%arg8 : memref<64x128xf32, #tpu.memory_space<vmem>>) offsets(%dma_start3A_599 : memref<64xi32, #tpu.memory_space<vmem>>) semaphore(%arg14 : memref<!tpu.dma_semaphore, #tpu.memory_space<semaphore_mem>>)
      } else {
      }
      %mul3A_450 = arith.constant 192 : i32
      %mul3A_451 = arith.muli %add3A_442, %mul3A_450 : i32
      %add3A_452 = arith.constant 0 : i32
      %add3A_453 = arith.addi %mul3A_451, %add3A_452 : i32
      %dma_wait3A_454 = tpu.memref_slice %arg5[%add3A_453] : memref<19200xi32, #tpu.memory_space<vmem>> -> memref<64xi32, #tpu.memory_space<vmem>>
      %dma_wait3A_455 = arith.constant 0 : i32
      %dma_wait3A_456 = arith.constant 0 : i32
      %dma_wait3A_457 = tpu.memref_slice %arg3[%dma_wait3A_455, %dma_wait3A_456] : memref<300000x128xf32, #tpu.memory_space<hbm>> -> memref<300000x128xf32, #tpu.memory_space<hbm>>
      tpu.wait_indirect_dma semaphore(%arg15 : memref<!tpu.dma_semaphore, #tpu.memory_space<semaphore_mem>>) src(%dma_wait3A_457 : memref<300000x128xf32, #tpu.memory_space<hbm>>) dst(%arg9 : memref<64x128xf32, #tpu.memory_space<vmem>>)
      %mul3A_458 = arith.constant 192 : i32
      %mul3A_459 = arith.muli %add3A_442, %mul3A_458 : i32
      %add3A_460 = arith.constant 64 : i32
      %add3A_461 = arith.addi %mul3A_459, %add3A_460 : i32
      %dma_wait3A_462 = tpu.memref_slice %arg5[%add3A_461] : memref<19200xi32, #tpu.memory_space<vmem>> -> memref<64xi32, #tpu.memory_space<vmem>>
      %dma_wait3A_463 = arith.constant 0 : i32
      %dma_wait3A_464 = arith.constant 0 : i32
      %dma_wait3A_465 = tpu.memref_slice %arg3[%dma_wait3A_463, %dma_wait3A_464] : memref<300000x128xf32, #tpu.memory_space<hbm>> -> memref<300000x128xf32, #tpu.memory_space<hbm>>
      tpu.wait_indirect_dma semaphore(%arg15 : memref<!tpu.dma_semaphore, #tpu.memory_space<semaphore_mem>>) src(%dma_wait3A_465 : memref<300000x128xf32, #tpu.memory_space<hbm>>) dst(%arg10 : memref<64x128xf32, #tpu.memory_space<vmem>>)
      %mul3A_466 = arith.constant 192 : i32
      %mul3A_467 = arith.muli %add3A_442, %mul3A_466 : i32
      %add3A_468 = arith.constant 128 : i32
      %add3A_469 = arith.addi %mul3A_467, %add3A_468 : i32
      %dma_wait3A_470 = tpu.memref_slice %arg5[%add3A_469] : memref<19200xi32, #tpu.memory_space<vmem>> -> memref<64xi32, #tpu.memory_space<vmem>>
      %dma_wait3A_471 = arith.constant 0 : i32
      %dma_wait3A_472 = arith.constant 0 : i32
      %dma_wait3A_473 = tpu.memref_slice %arg3[%dma_wait3A_471, %dma_wait3A_472] : memref<300000x128xf32, #tpu.memory_space<hbm>> -> memref<300000x128xf32, #tpu.memory_space<hbm>>
      tpu.wait_indirect_dma semaphore(%arg15 : memref<!tpu.dma_semaphore, #tpu.memory_space<semaphore_mem>>) src(%dma_wait3A_473 : memref<300000x128xf32, #tpu.memory_space<hbm>>) dst(%arg11 : memref<64x128xf32, #tpu.memory_space<vmem>>)
      %ge3A_474 = arith.constant 2 : i32
      %ge3A_475 = arith.cmpi sge, %add3A_442, %ge3A_474 : i32
      %convert_element_type3A_476 = arith.extui %ge3A_475 : i1 to i32
      %cond3A_477 = arith.constant 0 : i32
      %cond3A_478 = arith.cmpi ne, %convert_element_type3A_476, %cond3A_477 : i32
      scf.if %cond3A_478 {
        %sub3A_577 = arith.constant 2 : i32
        %sub3A_578 = arith.subi %add3A_442, %sub3A_577 : i32
        %mul3A_579 = arith.constant 100 : i32
        %mul3A_580 = arith.muli %add3A, %mul3A_579 : i32
        %add3A_581 = arith.addi %mul3A_580, %sub3A_578 : i32
        %jit3A_582 = arith.constant 64 : i32
        %div3A_583 = arith.divsi %add3A_581, %jit3A_582 : i32
        %sign3A_584 = arith.constant 0 : i32
        %sign3A_585 = arith.cmpi sgt, %add3A_581, %sign3A_584 : i32
        %sign3A_586 = arith.extui %sign3A_585 : i1 to i32
        %sign3A_587 = arith.constant 0 : i32
        %sign3A_588 = arith.cmpi slt, %add3A_581, %sign3A_587 : i32
        %sign3A_589 = arith.extui %sign3A_588 : i1 to i32
        %sign3A_590 = arith.subi %sign3A_586, %sign3A_589 : i32
        %sign3A_591 = arith.constant 0 : i32
        %sign3A_592 = arith.cmpi sgt, %jit3A_582, %sign3A_591 : i32
        %sign3A_593 = arith.extui %sign3A_592 : i1 to i32
        %sign3A_594 = arith.constant 0 : i32
        %sign3A_595 = arith.cmpi slt, %jit3A_582, %sign3A_594 : i32
        %sign3A_596 = arith.extui %sign3A_595 : i1 to i32
        %sign3A_597 = arith.subi %sign3A_593, %sign3A_596 : i32
        %ne3A_598 = arith.cmpi ne, %sign3A_590, %sign3A_597 : i32
        %rem3A_599 = arith.remsi %add3A_581, %jit3A_582 : i32
        %ne3A_600 = arith.constant 0 : i32
        %ne3A_601 = arith.cmpi ne, %rem3A_599, %ne3A_600 : i32
        %and3A_602 = arith.andi %ne3A_598, %ne3A_601 : i1
        %sub3A_603 = arith.constant 1 : i32
        %sub3A_604 = arith.subi %div3A_583, %sub3A_603 : i32
        %select_n3A_605 = arith.select %and3A_602, %sub3A_604, %div3A_583 : i32
        %jit3A_606 = arith.constant 64 : i32
        %eq3A_607 = arith.constant 0 : i32
        %eq3A_608 = arith.cmpi eq, %jit3A_606, %eq3A_607 : i32
        %jit3A_609 = arith.constant 1 : i32
        %select_n3A_610 = arith.select %eq3A_608, %jit3A_609, %jit3A_606 : i32
        %rem3A_611 = arith.remsi %add3A_581, %select_n3A_610 : i32
        %ne3A_612 = arith.constant 0 : i32
        %ne3A_613 = arith.cmpi ne, %rem3A_611, %ne3A_612 : i32
        %lt3A_614 = arith.constant 0 : i32
        %lt3A_615 = arith.cmpi slt, %rem3A_611, %lt3A_614 : i32
        %lt3A_616 = arith.constant 0 : i32
        %lt3A_617 = arith.cmpi slt, %select_n3A_610, %lt3A_616 : i32
        %ne3A_618 = arith.xori %lt3A_615, %lt3A_617 : i1
        %and3A_619 = arith.andi %ne3A_618, %ne3A_613 : i1
        %add3A_620 = arith.addi %rem3A_611, %select_n3A_610 : i32
        %select_n3A_621 = arith.select %and3A_619, %add3A_620, %rem3A_611 : i32
        %jit3A_622 = arith.constant 2 : i32
        %div3A_623 = arith.divsi %select_n3A_621, %jit3A_622 : i32
        %sign3A_624 = arith.constant 0 : i32
        %sign3A_625 = arith.cmpi sgt, %select_n3A_621, %sign3A_624 : i32
        %sign3A_626 = arith.extui %sign3A_625 : i1 to i32
        %sign3A_627 = arith.constant 0 : i32
        %sign3A_628 = arith.cmpi slt, %select_n3A_621, %sign3A_627 : i32
        %sign3A_629 = arith.extui %sign3A_628 : i1 to i32
        %sign3A_630 = arith.subi %sign3A_626, %sign3A_629 : i32
        %sign3A_631 = arith.constant 0 : i32
        %sign3A_632 = arith.cmpi sgt, %jit3A_622, %sign3A_631 : i32
        %sign3A_633 = arith.extui %sign3A_632 : i1 to i32
        %sign3A_634 = arith.constant 0 : i32
        %sign3A_635 = arith.cmpi slt, %jit3A_622, %sign3A_634 : i32
        %sign3A_636 = arith.extui %sign3A_635 : i1 to i32
        %sign3A_637 = arith.subi %sign3A_633, %sign3A_636 : i32
        %ne3A_638 = arith.cmpi ne, %sign3A_630, %sign3A_637 : i32
        %rem3A_639 = arith.remsi %select_n3A_621, %jit3A_622 : i32
        %ne3A_640 = arith.constant 0 : i32
        %ne3A_641 = arith.cmpi ne, %rem3A_639, %ne3A_640 : i32
        %and3A_642 = arith.andi %ne3A_638, %ne3A_641 : i1
        %sub3A_643 = arith.constant 1 : i32
        %sub3A_644 = arith.subi %div3A_623, %sub3A_643 : i32
        %select_n3A_645 = arith.select %and3A_642, %sub3A_644, %div3A_623 : i32
        %jit3A_646 = arith.constant 2 : i32
        %eq3A_647 = arith.constant 0 : i32
        %eq3A_648 = arith.cmpi eq, %jit3A_646, %eq3A_647 : i32
        %jit3A_649 = arith.constant 1 : i32
        %select_n3A_650 = arith.select %eq3A_648, %jit3A_649, %jit3A_646 : i32
        %rem3A_651 = arith.remsi %select_n3A_621, %select_n3A_650 : i32
        %ne3A_652 = arith.constant 0 : i32
        %ne3A_653 = arith.cmpi ne, %rem3A_651, %ne3A_652 : i32
        %lt3A_654 = arith.constant 0 : i32
        %lt3A_655 = arith.cmpi slt, %rem3A_651, %lt3A_654 : i32
        %lt3A_656 = arith.constant 0 : i32
        %lt3A_657 = arith.cmpi slt, %select_n3A_650, %lt3A_656 : i32
        %ne3A_658 = arith.xori %lt3A_655, %lt3A_657 : i1
        %and3A_659 = arith.andi %ne3A_658, %ne3A_653 : i1
        %add3A_660 = arith.addi %rem3A_651, %select_n3A_650 : i32
        %select_n3A_661 = arith.select %and3A_659, %add3A_660, %rem3A_651 : i32
        %mul3A_662 = arith.constant 64 : i32
        %mul3A_663 = arith.muli %select_n3A_661, %mul3A_662 : i32
        %dma_wait3A_664 = arith.constant 0 : i32
        %dma_wait3A_665 = arith.constant 0 : i32
        %dma_wait3A_666 = tpu.memref_slice %arg4[%select_n3A_605, %dma_wait3A_664, %select_n3A_645, %dma_wait3A_665, %mul3A_663] : memref<50x38x32x8x128xf32, #tpu.memory_space<hbm>> -> memref<1x38x1x8x64xf32, #tpu.memory_space<hbm>>
        %dma_wait3A_667 = tpu.memref_squeeze %dma_wait3A_666 : memref<1x38x1x8x64xf32, #tpu.memory_space<hbm>> -> memref<38x8x64xf32, #tpu.memory_space<hbm>>
        %dma_wait3A_668 = arith.constant 0 : i32
        %dma_wait3A_669 = arith.constant 0 : i32
        %dma_wait3A_670 = tpu.memref_slice %arg4[%select_n3A_605, %dma_wait3A_668, %select_n3A_645, %dma_wait3A_669, %mul3A_663] : memref<50x38x32x8x128xf32, #tpu.memory_space<hbm>> -> memref<1x38x1x8x64xf32, #tpu.memory_space<hbm>>
        %dma_wait3A_671 = tpu.memref_squeeze %dma_wait3A_670 : memref<1x38x1x8x64xf32, #tpu.memory_space<hbm>> -> memref<38x8x64xf32, #tpu.memory_space<hbm>>
        tpu.wait_dma2 semaphore(%arg17 : memref<!tpu.dma_semaphore, #tpu.memory_space<semaphore_mem>>) src(%arg13 : memref<38x8x64xf32, #tpu.memory_space<vmem>>) dst(%dma_wait3A_671 : memref<38x8x64xf32, #tpu.memory_space<hbm>>)
      } else {
      }
      %scan3A_479 = arith.constant 0 : i32
      %scan3A_480 = arith.constant 64 : i32
      %scan3A_481 = arith.addi %scan3A_479, %scan3A_480 : i32
      %scan3A_482 = arith.constant 2 : i32
      scf.for %scan3A_577 = %scan3A_479 to %scan3A_481 step %scan3A_482  : i32 {
        %mul3A_578 = arith.constant 1 : i32
        %mul3A_579 = arith.muli %scan3A_577, %mul3A_578 : i32
        %add3A_580 = arith.constant 0 : i32
        %add3A_581 = arith.addi %add3A_580, %mul3A_579 : i32
        %broadcast_in_dim3A = vector.broadcast %add3A_581 : i32 to vector<16xi32>
        %get3A = arith.index_cast %add3A_581 : i32 to index
        %get3A_582 = arith.constant 0 : index
        %get3A_583 = tpu.vector_load %arg9[%get3A, %get3A_582] {strides = array<i32>} : memref<64x128xf32, #tpu.memory_space<vmem>>, vector<16xf32>,
        tpu.vector_store_idx %arg13[%add3A_13, %and3A_10, %broadcast_in_dim3A], %get3A_583 : memref<38x8x64xf32, #tpu.memory_space<vmem>>[vector<16xi32>, vector<16xi32>, vector<16xi32>], vector<16xf32>,
        %get3A_584 = arith.index_cast %add3A_581 : i32 to index
        %get3A_585 = arith.constant 16 : index
        %get3A_586 = tpu.vector_load %arg9[%get3A_584, %get3A_585] {strides = array<i32>} : memref<64x128xf32, #tpu.memory_space<vmem>>, vector<16xf32>,
        tpu.vector_store_idx %arg13[%add3A_16, %and3A_10, %broadcast_in_dim3A], %get3A_586 : memref<38x8x64xf32, #tpu.memory_space<vmem>>[vector<16xi32>, vector<16xi32>, vector<16xi32>], vector<16xf32>,
        %get3A_587 = arith.index_cast %add3A_581 : i32 to index
        %get3A_588 = arith.constant 32 : index
        %get3A_589 = tpu.vector_load %arg9[%get3A_587, %get3A_588] {strides = array<i32>} : memref<64x128xf32, #tpu.memory_space<vmem>>, vector<16xf32>,
        tpu.vector_store_idx %arg13[%add3A_19, %and3A_10, %broadcast_in_dim3A], %get3A_589 : memref<38x8x64xf32, #tpu.memory_space<vmem>>[vector<16xi32>, vector<16xi32>, vector<16xi32>], vector<16xf32>,
        %get3A_590 = arith.index_cast %add3A_581 : i32 to index
        %get3A_591 = arith.constant 48 : index
        %get3A_592 = tpu.vector_load %arg9[%get3A_590, %get3A_591] {strides = array<i32>} : memref<64x128xf32, #tpu.memory_space<vmem>>, vector<16xf32>,
        tpu.vector_store_idx %arg13[%add3A_22, %and3A_10, %broadcast_in_dim3A], %get3A_592 : memref<38x8x64xf32, #tpu.memory_space<vmem>>[vector<16xi32>, vector<16xi32>, vector<16xi32>], vector<16xf32>,
        %get3A_593 = arith.index_cast %add3A_581 : i32 to index
        %get3A_594 = arith.constant 64 : index
        %get3A_595 = tpu.vector_load %arg9[%get3A_593, %get3A_594] {strides = array<i32>} : memref<64x128xf32, #tpu.memory_space<vmem>>, vector<16xf32>,
        tpu.vector_store_idx %arg13[%add3A_25, %and3A_10, %broadcast_in_dim3A], %get3A_595 : memref<38x8x64xf32, #tpu.memory_space<vmem>>[vector<16xi32>, vector<16xi32>, vector<16xi32>], vector<16xf32>,
        %get3A_596 = arith.index_cast %add3A_581 : i32 to index
        %get3A_597 = arith.constant 80 : index
        %get3A_598 = tpu.vector_load %arg9[%get3A_596, %get3A_597] {strides = array<i32>} : memref<64x128xf32, #tpu.memory_space<vmem>>, vector<16xf32>,
        tpu.vector_store_idx %arg13[%add3A_28, %and3A_10, %broadcast_in_dim3A], %get3A_598 : memref<38x8x64xf32, #tpu.memory_space<vmem>>[vector<16xi32>, vector<16xi32>, vector<16xi32>], vector<16xf32>,
        %get3A_599 = arith.index_cast %add3A_581 : i32 to index
        %get3A_600 = arith.constant 96 : index
        %get3A_601 = tpu.vector_load %arg9[%get3A_599, %get3A_600] {strides = array<i32>} : memref<64x128xf32, #tpu.memory_space<vmem>>, vector<16xf32>,
        tpu.vector_store_idx %arg13[%add3A_31, %and3A_10, %broadcast_in_dim3A], %get3A_601 : memref<38x8x64xf32, #tpu.memory_space<vmem>>[vector<16xi32>, vector<16xi32>, vector<16xi32>], vector<16xf32>,
        %get3A_602 = arith.index_cast %add3A_581 : i32 to index
        %get3A_603 = arith.constant 112 : index
        %get3A_604 = tpu.vector_load %arg9[%get3A_602, %get3A_603] {strides = array<i32>} : memref<64x128xf32, #tpu.memory_space<vmem>>, vector<16xf32>,
        tpu.vector_store_idx %arg13[%add3A_34, %and3A_10, %broadcast_in_dim3A], %get3A_604 : memref<38x8x64xf32, #tpu.memory_space<vmem>>[vector<16xi32>, vector<16xi32>, vector<16xi32>], vector<16xf32>,
        %get3A_605 = arith.index_cast %add3A_581 : i32 to index
        %get3A_606 = arith.constant 0 : index
        %get3A_607 = tpu.vector_load %arg10[%get3A_605, %get3A_606] {strides = array<i32>} : memref<64x128xf32, #tpu.memory_space<vmem>>, vector<16xf32>,
        tpu.vector_store_idx %arg13[%add3A_37, %and3A_10, %broadcast_in_dim3A], %get3A_607 : memref<38x8x64xf32, #tpu.memory_space<vmem>>[vector<16xi32>, vector<16xi32>, vector<16xi32>], vector<16xf32>,
        %get3A_608 = arith.index_cast %add3A_581 : i32 to index
        %get3A_609 = arith.constant 16 : index
        %get3A_610 = tpu.vector_load %arg10[%get3A_608, %get3A_609] {strides = array<i32>} : memref<64x128xf32, #tpu.memory_space<vmem>>, vector<16xf32>,
        tpu.vector_store_idx %arg13[%add3A_40, %and3A_10, %broadcast_in_dim3A], %get3A_610 : memref<38x8x64xf32, #tpu.memory_space<vmem>>[vector<16xi32>, vector<16xi32>, vector<16xi32>], vector<16xf32>,
        %get3A_611 = arith.index_cast %add3A_581 : i32 to index
        %get3A_612 = arith.constant 32 : index
        %get3A_613 = tpu.vector_load %arg10[%get3A_611, %get3A_612] {strides = array<i32>} : memref<64x128xf32, #tpu.memory_space<vmem>>, vector<16xf32>,
        tpu.vector_store_idx %arg13[%add3A_43, %and3A_10, %broadcast_in_dim3A], %get3A_613 : memref<38x8x64xf32, #tpu.memory_space<vmem>>[vector<16xi32>, vector<16xi32>, vector<16xi32>], vector<16xf32>,
        %get3A_614 = arith.index_cast %add3A_581 : i32 to index
        %get3A_615 = arith.constant 48 : index
        %get3A_616 = tpu.vector_load %arg10[%get3A_614, %get3A_615] {strides = array<i32>} : memref<64x128xf32, #tpu.memory_space<vmem>>, vector<16xf32>,
        tpu.vector_store_idx %arg13[%add3A_46, %and3A_10, %broadcast_in_dim3A], %get3A_616 : memref<38x8x64xf32, #tpu.memory_space<vmem>>[vector<16xi32>, vector<16xi32>, vector<16xi32>], vector<16xf32>,
        %get3A_617 = arith.index_cast %add3A_581 : i32 to index
        %get3A_618 = arith.constant 64 : index
        %get3A_619 = tpu.vector_load %arg10[%get3A_617, %get3A_618] {strides = array<i32>} : memref<64x128xf32, #tpu.memory_space<vmem>>, vector<16xf32>,
        tpu.vector_store_idx %arg13[%add3A_49, %and3A_10, %broadcast_in_dim3A], %get3A_619 : memref<38x8x64xf32, #tpu.memory_space<vmem>>[vector<16xi32>, vector<16xi32>, vector<16xi32>], vector<16xf32>,
        %get3A_620 = arith.index_cast %add3A_581 : i32 to index
        %get3A_621 = arith.constant 80 : index
        %get3A_622 = tpu.vector_load %arg10[%get3A_620, %get3A_621] {strides = array<i32>} : memref<64x128xf32, #tpu.memory_space<vmem>>, vector<16xf32>,
        tpu.vector_store_idx %arg13[%add3A_52, %and3A_10, %broadcast_in_dim3A], %get3A_622 : memref<38x8x64xf32, #tpu.memory_space<vmem>>[vector<16xi32>, vector<16xi32>, vector<16xi32>], vector<16xf32>,
        %get3A_623 = arith.index_cast %add3A_581 : i32 to index
        %get3A_624 = arith.constant 96 : index
        %get3A_625 = tpu.vector_load %arg10[%get3A_623, %get3A_624] {strides = array<i32>} : memref<64x128xf32, #tpu.memory_space<vmem>>, vector<16xf32>,
        tpu.vector_store_idx %arg13[%add3A_55, %and3A_10, %broadcast_in_dim3A], %get3A_625 : memref<38x8x64xf32, #tpu.memory_space<vmem>>[vector<16xi32>, vector<16xi32>, vector<16xi32>], vector<16xf32>,
        %get3A_626 = arith.index_cast %add3A_581 : i32 to index
        %get3A_627 = arith.constant 112 : index
        %get3A_628 = tpu.vector_load %arg10[%get3A_626, %get3A_627] {strides = array<i32>} : memref<64x128xf32, #tpu.memory_space<vmem>>, vector<16xf32>,
        tpu.vector_store_idx %arg13[%add3A_58, %and3A_10, %broadcast_in_dim3A], %get3A_628 : memref<38x8x64xf32, #tpu.memory_space<vmem>>[vector<16xi32>, vector<16xi32>, vector<16xi32>], vector<16xf32>,
        %get3A_629 = arith.index_cast %add3A_581 : i32 to index
        %get3A_630 = arith.constant 0 : index
        %get3A_631 = tpu.vector_load %arg11[%get3A_629, %get3A_630] {strides = array<i32>} : memref<64x128xf32, #tpu.memory_space<vmem>>, vector<16xf32>,
        tpu.vector_store_idx %arg13[%add3A_61, %and3A_10, %broadcast_in_dim3A], %get3A_631 : memref<38x8x64xf32, #tpu.memory_space<vmem>>[vector<16xi32>, vector<16xi32>, vector<16xi32>], vector<16xf32>,
        %get3A_632 = arith.index_cast %add3A_581 : i32 to index
        %get3A_633 = arith.constant 16 : index
        %get3A_634 = tpu.vector_load %arg11[%get3A_632, %get3A_633] {strides = array<i32>} : memref<64x128xf32, #tpu.memory_space<vmem>>, vector<16xf32>,
        tpu.vector_store_idx %arg13[%add3A_64, %and3A_10, %broadcast_in_dim3A], %get3A_634 : memref<38x8x64xf32, #tpu.memory_space<vmem>>[vector<16xi32>, vector<16xi32>, vector<16xi32>], vector<16xf32>,
        %get3A_635 = arith.index_cast %add3A_581 : i32 to index
        %get3A_636 = arith.constant 32 : index
        %get3A_637 = tpu.vector_load %arg11[%get3A_635, %get3A_636] {strides = array<i32>} : memref<64x128xf32, #tpu.memory_space<vmem>>, vector<16xf32>,
        tpu.vector_store_idx %arg13[%add3A_67, %and3A_10, %broadcast_in_dim3A], %get3A_637 : memref<38x8x64xf32, #tpu.memory_space<vmem>>[vector<16xi32>, vector<16xi32>, vector<16xi32>], vector<16xf32>,
        %scan3A_638 = arith.constant 1 : i32
        %scan3A_639 = arith.addi %scan3A_577, %scan3A_638 : i32
        %mul3A_640 = arith.constant 1 : i32
        %mul3A_641 = arith.muli %scan3A_639, %mul3A_640 : i32
        %add3A_642 = arith.constant 0 : i32
        %add3A_643 = arith.addi %add3A_642, %mul3A_641 : i32
        %broadcast_in_dim3A_644 = vector.broadcast %add3A_643 : i32 to vector<16xi32>
        %get3A_645 = arith.index_cast %add3A_643 : i32 to index
        %get3A_646 = arith.constant 0 : index
        %get3A_647 = tpu.vector_load %arg9[%get3A_645, %get3A_646] {strides = array<i32>} : memref<64x128xf32, #tpu.memory_space<vmem>>, vector<16xf32>,
        tpu.vector_store_idx %arg13[%add3A_13, %and3A_10, %broadcast_in_dim3A_644], %get3A_647 : memref<38x8x64xf32, #tpu.memory_space<vmem>>[vector<16xi32>, vector<16xi32>, vector<16xi32>], vector<16xf32>,
        %get3A_648 = arith.index_cast %add3A_643 : i32 to index
        %get3A_649 = arith.constant 16 : index
        %get3A_650 = tpu.vector_load %arg9[%get3A_648, %get3A_649] {strides = array<i32>} : memref<64x128xf32, #tpu.memory_space<vmem>>, vector<16xf32>,
        tpu.vector_store_idx %arg13[%add3A_16, %and3A_10, %broadcast_in_dim3A_644], %get3A_650 : memref<38x8x64xf32, #tpu.memory_space<vmem>>[vector<16xi32>, vector<16xi32>, vector<16xi32>], vector<16xf32>,
        %get3A_651 = arith.index_cast %add3A_643 : i32 to index
        %get3A_652 = arith.constant 32 : index
        %get3A_653 = tpu.vector_load %arg9[%get3A_651, %get3A_652] {strides = array<i32>} : memref<64x128xf32, #tpu.memory_space<vmem>>, vector<16xf32>,
        tpu.vector_store_idx %arg13[%add3A_19, %and3A_10, %broadcast_in_dim3A_644], %get3A_653 : memref<38x8x64xf32, #tpu.memory_space<vmem>>[vector<16xi32>, vector<16xi32>, vector<16xi32>], vector<16xf32>,
        %get3A_654 = arith.index_cast %add3A_643 : i32 to index
        %get3A_655 = arith.constant 48 : index
        %get3A_656 = tpu.vector_load %arg9[%get3A_654, %get3A_655] {strides = array<i32>} : memref<64x128xf32, #tpu.memory_space<vmem>>, vector<16xf32>,
        tpu.vector_store_idx %arg13[%add3A_22, %and3A_10, %broadcast_in_dim3A_644], %get3A_656 : memref<38x8x64xf32, #tpu.memory_space<vmem>>[vector<16xi32>, vector<16xi32>, vector<16xi32>], vector<16xf32>,
        %get3A_657 = arith.index_cast %add3A_643 : i32 to index
        %get3A_658 = arith.constant 64 : index
        %get3A_659 = tpu.vector_load %arg9[%get3A_657, %get3A_658] {strides = array<i32>} : memref<64x128xf32, #tpu.memory_space<vmem>>, vector<16xf32>,
        tpu.vector_store_idx %arg13[%add3A_25, %and3A_10, %broadcast_in_dim3A_644], %get3A_659 : memref<38x8x64xf32, #tpu.memory_space<vmem>>[vector<16xi32>, vector<16xi32>, vector<16xi32>], vector<16xf32>,
        %get3A_660 = arith.index_cast %add3A_643 : i32 to index
        %get3A_661 = arith.constant 80 : index
        %get3A_662 = tpu.vector_load %arg9[%get3A_660, %get3A_661] {strides = array<i32>} : memref<64x128xf32, #tpu.memory_space<vmem>>, vector<16xf32>,
        tpu.vector_store_idx %arg13[%add3A_28, %and3A_10, %broadcast_in_dim3A_644], %get3A_662 : memref<38x8x64xf32, #tpu.memory_space<vmem>>[vector<16xi32>, vector<16xi32>, vector<16xi32>], vector<16xf32>,
        %get3A_663 = arith.index_cast %add3A_643 : i32 to index
        %get3A_664 = arith.constant 96 : index
        %get3A_665 = tpu.vector_load %arg9[%get3A_663, %get3A_664] {strides = array<i32>} : memref<64x128xf32, #tpu.memory_space<vmem>>, vector<16xf32>,
        tpu.vector_store_idx %arg13[%add3A_31, %and3A_10, %broadcast_in_dim3A_644], %get3A_665 : memref<38x8x64xf32, #tpu.memory_space<vmem>>[vector<16xi32>, vector<16xi32>, vector<16xi32>], vector<16xf32>,
        %get3A_666 = arith.index_cast %add3A_643 : i32 to index
        %get3A_667 = arith.constant 112 : index
        %get3A_668 = tpu.vector_load %arg9[%get3A_666, %get3A_667] {strides = array<i32>} : memref<64x128xf32, #tpu.memory_space<vmem>>, vector<16xf32>,
        tpu.vector_store_idx %arg13[%add3A_34, %and3A_10, %broadcast_in_dim3A_644], %get3A_668 : memref<38x8x64xf32, #tpu.memory_space<vmem>>[vector<16xi32>, vector<16xi32>, vector<16xi32>], vector<16xf32>,
        %get3A_669 = arith.index_cast %add3A_643 : i32 to index
        %get3A_670 = arith.constant 0 : index
        %get3A_671 = tpu.vector_load %arg10[%get3A_669, %get3A_670] {strides = array<i32>} : memref<64x128xf32, #tpu.memory_space<vmem>>, vector<16xf32>,
        tpu.vector_store_idx %arg13[%add3A_37, %and3A_10, %broadcast_in_dim3A_644], %get3A_671 : memref<38x8x64xf32, #tpu.memory_space<vmem>>[vector<16xi32>, vector<16xi32>, vector<16xi32>], vector<16xf32>,
        %get3A_672 = arith.index_cast %add3A_643 : i32 to index
        %get3A_673 = arith.constant 16 : index
        %get3A_674 = tpu.vector_load %arg10[%get3A_672, %get3A_673] {strides = array<i32>} : memref<64x128xf32, #tpu.memory_space<vmem>>, vector<16xf32>,
        tpu.vector_store_idx %arg13[%add3A_40, %and3A_10, %broadcast_in_dim3A_644], %get3A_674 : memref<38x8x64xf32, #tpu.memory_space<vmem>>[vector<16xi32>, vector<16xi32>, vector<16xi32>], vector<16xf32>,
        %get3A_675 = arith.index_cast %add3A_643 : i32 to index
        %get3A_676 = arith.constant 32 : index
        %get3A_677 = tpu.vector_load %arg10[%get3A_675, %get3A_676] {strides = array<i32>} : memref<64x128xf32, #tpu.memory_space<vmem>>, vector<16xf32>,
        tpu.vector_store_idx %arg13[%add3A_43, %and3A_10, %broadcast_in_dim3A_644], %get3A_677 : memref<38x8x64xf32, #tpu.memory_space<vmem>>[vector<16xi32>, vector<16xi32>, vector<16xi32>], vector<16xf32>,
        %get3A_678 = arith.index_cast %add3A_643 : i32 to index
        %get3A_679 = arith.constant 48 : index
        %get3A_680 = tpu.vector_load %arg10[%get3A_678, %get3A_679] {strides = array<i32>} : memref<64x128xf32, #tpu.memory_space<vmem>>, vector<16xf32>,
        tpu.vector_store_idx %arg13[%add3A_46, %and3A_10, %broadcast_in_dim3A_644], %get3A_680 : memref<38x8x64xf32, #tpu.memory_space<vmem>>[vector<16xi32>, vector<16xi32>, vector<16xi32>], vector<16xf32>,
        %get3A_681 = arith.index_cast %add3A_643 : i32 to index
        %get3A_682 = arith.constant 64 : index
        %get3A_683 = tpu.vector_load %arg10[%get3A_681, %get3A_682] {strides = array<i32>} : memref<64x128xf32, #tpu.memory_space<vmem>>, vector<16xf32>,
        tpu.vector_store_idx %arg13[%add3A_49, %and3A_10, %broadcast_in_dim3A_644], %get3A_683 : memref<38x8x64xf32, #tpu.memory_space<vmem>>[vector<16xi32>, vector<16xi32>, vector<16xi32>], vector<16xf32>,
        %get3A_684 = arith.index_cast %add3A_643 : i32 to index
        %get3A_685 = arith.constant 80 : index
        %get3A_686 = tpu.vector_load %arg10[%get3A_684, %get3A_685] {strides = array<i32>} : memref<64x128xf32, #tpu.memory_space<vmem>>, vector<16xf32>,
        tpu.vector_store_idx %arg13[%add3A_52, %and3A_10, %broadcast_in_dim3A_644], %get3A_686 : memref<38x8x64xf32, #tpu.memory_space<vmem>>[vector<16xi32>, vector<16xi32>, vector<16xi32>], vector<16xf32>,
        %get3A_687 = arith.index_cast %add3A_643 : i32 to index
        %get3A_688 = arith.constant 96 : index
        %get3A_689 = tpu.vector_load %arg10[%get3A_687, %get3A_688] {strides = array<i32>} : memref<64x128xf32, #tpu.memory_space<vmem>>, vector<16xf32>,
        tpu.vector_store_idx %arg13[%add3A_55, %and3A_10, %broadcast_in_dim3A_644], %get3A_689 : memref<38x8x64xf32, #tpu.memory_space<vmem>>[vector<16xi32>, vector<16xi32>, vector<16xi32>], vector<16xf32>,
        %get3A_690 = arith.index_cast %add3A_643 : i32 to index
        %get3A_691 = arith.constant 112 : index
        %get3A_692 = tpu.vector_load %arg10[%get3A_690, %get3A_691] {strides = array<i32>} : memref<64x128xf32, #tpu.memory_space<vmem>>, vector<16xf32>,
        tpu.vector_store_idx %arg13[%add3A_58, %and3A_10, %broadcast_in_dim3A_644], %get3A_692 : memref<38x8x64xf32, #tpu.memory_space<vmem>>[vector<16xi32>, vector<16xi32>, vector<16xi32>], vector<16xf32>,
        %get3A_693 = arith.index_cast %add3A_643 : i32 to index
        %get3A_694 = arith.constant 0 : index
        %get3A_695 = tpu.vector_load %arg11[%get3A_693, %get3A_694] {strides = array<i32>} : memref<64x128xf32, #tpu.memory_space<vmem>>, vector<16xf32>,
        tpu.vector_store_idx %arg13[%add3A_61, %and3A_10, %broadcast_in_dim3A_644], %get3A_695 : memref<38x8x64xf32, #tpu.memory_space<vmem>>[vector<16xi32>, vector<16xi32>, vector<16xi32>], vector<16xf32>,
        %get3A_696 = arith.index_cast %add3A_643 : i32 to index
        %get3A_697 = arith.constant 16 : index
        %get3A_698 = tpu.vector_load %arg11[%get3A_696, %get3A_697] {strides = array<i32>} : memref<64x128xf32, #tpu.memory_space<vmem>>, vector<16xf32>,
        tpu.vector_store_idx %arg13[%add3A_64, %and3A_10, %broadcast_in_dim3A_644], %get3A_698 : memref<38x8x64xf32, #tpu.memory_space<vmem>>[vector<16xi32>, vector<16xi32>, vector<16xi32>], vector<16xf32>,
        %get3A_699 = arith.index_cast %add3A_643 : i32 to index
        %get3A_700 = arith.constant 32 : index
        %get3A_701 = tpu.vector_load %arg11[%get3A_699, %get3A_700] {strides = array<i32>} : memref<64x128xf32, #tpu.memory_space<vmem>>, vector<16xf32>,
        tpu.vector_store_idx %arg13[%add3A_67, %and3A_10, %broadcast_in_dim3A_644], %get3A_701 : memref<38x8x64xf32, #tpu.memory_space<vmem>>[vector<16xi32>, vector<16xi32>, vector<16xi32>], vector<16xf32>,
      }
      %scan3A_483 = arith.constant 64 : i32
      %mul3A_484 = arith.constant 100 : i32
      %mul3A_485 = arith.muli %add3A, %mul3A_484 : i32
      %add3A_486 = arith.addi %mul3A_485, %add3A_442 : i32
      %jit3A_487 = arith.constant 64 : i32
      %div3A_488 = arith.divsi %add3A_486, %jit3A_487 : i32
      %sign3A_489 = arith.constant 0 : i32
      %sign3A_490 = arith.cmpi sgt, %add3A_486, %sign3A_489 : i32
      %sign3A_491 = arith.extui %sign3A_490 : i1 to i32
      %sign3A_492 = arith.constant 0 : i32
      %sign3A_493 = arith.cmpi slt, %add3A_486, %sign3A_492 : i32
      %sign3A_494 = arith.extui %sign3A_493 : i1 to i32
      %sign3A_495 = arith.subi %sign3A_491, %sign3A_494 : i32
      %sign3A_496 = arith.constant 0 : i32
      %sign3A_497 = arith.cmpi sgt, %jit3A_487, %sign3A_496 : i32
      %sign3A_498 = arith.extui %sign3A_497 : i1 to i32
      %sign3A_499 = arith.constant 0 : i32
      %sign3A_500 = arith.cmpi slt, %jit3A_487, %sign3A_499 : i32
      %sign3A_501 = arith.extui %sign3A_500 : i1 to i32
      %sign3A_502 = arith.subi %sign3A_498, %sign3A_501 : i32
      %ne3A_503 = arith.cmpi ne, %sign3A_495, %sign3A_502 : i32
      %rem3A_504 = arith.remsi %add3A_486, %jit3A_487 : i32
      %ne3A_505 = arith.constant 0 : i32
      %ne3A_506 = arith.cmpi ne, %rem3A_504, %ne3A_505 : i32
      %and3A_507 = arith.andi %ne3A_503, %ne3A_506 : i1
      %sub3A_508 = arith.constant 1 : i32
      %sub3A_509 = arith.subi %div3A_488, %sub3A_508 : i32
      %select_n3A_510 = arith.select %and3A_507, %sub3A_509, %div3A_488 : i32
      %jit3A_511 = arith.constant 64 : i32
      %eq3A_512 = arith.constant 0 : i32
      %eq3A_513 = arith.cmpi eq, %jit3A_511, %eq3A_512 : i32
      %jit3A_514 = arith.constant 1 : i32
      %select_n3A_515 = arith.select %eq3A_513, %jit3A_514, %jit3A_511 : i32
      %rem3A_516 = arith.remsi %add3A_486, %select_n3A_515 : i32
      %ne3A_517 = arith.constant 0 : i32
      %ne3A_518 = arith.cmpi ne, %rem3A_516, %ne3A_517 : i32
      %lt3A_519 = arith.constant 0 : i32
      %lt3A_520 = arith.cmpi slt, %rem3A_516, %lt3A_519 : i32
      %lt3A_521 = arith.constant 0 : i32
      %lt3A_522 = arith.cmpi slt, %select_n3A_515, %lt3A_521 : i32
      %ne3A_523 = arith.xori %lt3A_520, %lt3A_522 : i1
      %and3A_524 = arith.andi %ne3A_523, %ne3A_518 : i1
      %add3A_525 = arith.addi %rem3A_516, %select_n3A_515 : i32
      %select_n3A_526 = arith.select %and3A_524, %add3A_525, %rem3A_516 : i32
      %jit3A_527 = arith.constant 2 : i32
      %div3A_528 = arith.divsi %select_n3A_526, %jit3A_527 : i32
      %sign3A_529 = arith.constant 0 : i32
      %sign3A_530 = arith.cmpi sgt, %select_n3A_526, %sign3A_529 : i32
      %sign3A_531 = arith.extui %sign3A_530 : i1 to i32
      %sign3A_532 = arith.constant 0 : i32
      %sign3A_533 = arith.cmpi slt, %select_n3A_526, %sign3A_532 : i32
      %sign3A_534 = arith.extui %sign3A_533 : i1 to i32
      %sign3A_535 = arith.subi %sign3A_531, %sign3A_534 : i32
      %sign3A_536 = arith.constant 0 : i32
      %sign3A_537 = arith.cmpi sgt, %jit3A_527, %sign3A_536 : i32
      %sign3A_538 = arith.extui %sign3A_537 : i1 to i32
      %sign3A_539 = arith.constant 0 : i32
      %sign3A_540 = arith.cmpi slt, %jit3A_527, %sign3A_539 : i32
      %sign3A_541 = arith.extui %sign3A_540 : i1 to i32
      %sign3A_542 = arith.subi %sign3A_538, %sign3A_541 : i32
      %ne3A_543 = arith.cmpi ne, %sign3A_535, %sign3A_542 : i32
      %rem3A_544 = arith.remsi %select_n3A_526, %jit3A_527 : i32
      %ne3A_545 = arith.constant 0 : i32
      %ne3A_546 = arith.cmpi ne, %rem3A_544, %ne3A_545 : i32
      %and3A_547 = arith.andi %ne3A_543, %ne3A_546 : i1
      %sub3A_548 = arith.constant 1 : i32
      %sub3A_549 = arith.subi %div3A_528, %sub3A_548 : i32
      %select_n3A_550 = arith.select %and3A_547, %sub3A_549, %div3A_528 : i32
      %jit3A_551 = arith.constant 2 : i32
      %eq3A_552 = arith.constant 0 : i32
      %eq3A_553 = arith.cmpi eq, %jit3A_551, %eq3A_552 : i32
      %jit3A_554 = arith.constant 1 : i32
      %select_n3A_555 = arith.select %eq3A_553, %jit3A_554, %jit3A_551 : i32
      %rem3A_556 = arith.remsi %select_n3A_526, %select_n3A_555 : i32
      %ne3A_557 = arith.constant 0 : i32
      %ne3A_558 = arith.cmpi ne, %rem3A_556, %ne3A_557 : i32
      %lt3A_559 = arith.constant 0 : i32
      %lt3A_560 = arith.cmpi slt, %rem3A_556, %lt3A_559 : i32
      %lt3A_561 = arith.constant 0 : i32
      %lt3A_562 = arith.cmpi slt, %select_n3A_555, %lt3A_561 : i32
      %ne3A_563 = arith.xori %lt3A_560, %lt3A_562 : i1
      %and3A_564 = arith.andi %ne3A_563, %ne3A_558 : i1
      %add3A_565 = arith.addi %rem3A_556, %select_n3A_555 : i32
      %select_n3A_566 = arith.select %and3A_564, %add3A_565, %rem3A_556 : i32
      %mul3A_567 = arith.constant 64 : i32
      %mul3A_568 = arith.muli %select_n3A_566, %mul3A_567 : i32
      %dma_start3A_569 = arith.constant 0 : i32
      %dma_start3A_570 = arith.constant 0 : i32
      %dma_start3A_571 = tpu.memref_slice %arg4[%select_n3A_510, %dma_start3A_569, %select_n3A_550, %dma_start3A_570, %mul3A_568] : memref<50x38x32x8x128xf32, #tpu.memory_space<hbm>> -> memref<1x38x1x8x64xf32, #tpu.memory_space<hbm>>
      %dma_start3A_572 = tpu.memref_squeeze %dma_start3A_571 : memref<1x38x1x8x64xf32, #tpu.memory_space<hbm>> -> memref<38x8x64xf32, #tpu.memory_space<hbm>>
      %dma_start3A_573 = arith.constant 0 : i32
      %dma_start3A_574 = arith.constant 0 : i32
      %dma_start3A_575 = tpu.memref_slice %arg4[%select_n3A_510, %dma_start3A_573, %select_n3A_550, %dma_start3A_574, %mul3A_568] : memref<50x38x32x8x128xf32, #tpu.memory_space<hbm>> -> memref<1x38x1x8x64xf32, #tpu.memory_space<hbm>>
      %dma_start3A_576 = tpu.memref_squeeze %dma_start3A_575 : memref<1x38x1x8x64xf32, #tpu.memory_space<hbm>> -> memref<38x8x64xf32, #tpu.memory_space<hbm>>
      tpu.enqueue_dma source(%arg13 : memref<38x8x64xf32, #tpu.memory_space<vmem>>) target(%dma_start3A_576 : memref<38x8x64xf32, #tpu.memory_space<hbm>>) target_semaphore(%arg17 : memref<!tpu.dma_semaphore, #tpu.memory_space<semaphore_mem>>)
    }
    %scan3A_124 = arith.constant 50 : i32
    %mul3A_125 = arith.constant 100 : i32
    %mul3A_126 = arith.muli %add3A, %mul3A_125 : i32
    %add3A_127 = arith.constant 98 : i32
    %add3A_128 = arith.addi %mul3A_126, %add3A_127 : i32
    %jit3A = arith.constant 64 : i32
    %div3A = arith.divsi %add3A_128, %jit3A : i32
    %sign3A = arith.constant 0 : i32
    %sign3A_129 = arith.cmpi sgt, %add3A_128, %sign3A : i32
    %sign3A_130 = arith.extui %sign3A_129 : i1 to i32
    %sign3A_131 = arith.constant 0 : i32
    %sign3A_132 = arith.cmpi slt, %add3A_128, %sign3A_131 : i32
    %sign3A_133 = arith.extui %sign3A_132 : i1 to i32
    %sign3A_134 = arith.subi %sign3A_130, %sign3A_133 : i32
    %sign3A_135 = arith.constant 0 : i32
    %sign3A_136 = arith.cmpi sgt, %jit3A, %sign3A_135 : i32
    %sign3A_137 = arith.extui %sign3A_136 : i1 to i32
    %sign3A_138 = arith.constant 0 : i32
    %sign3A_139 = arith.cmpi slt, %jit3A, %sign3A_138 : i32
    %sign3A_140 = arith.extui %sign3A_139 : i1 to i32
    %sign3A_141 = arith.subi %sign3A_137, %sign3A_140 : i32
    %ne3A = arith.cmpi ne, %sign3A_134, %sign3A_141 : i32
    %rem3A = arith.remsi %add3A_128, %jit3A : i32
    %ne3A_142 = arith.constant 0 : i32
    %ne3A_143 = arith.cmpi ne, %rem3A, %ne3A_142 : i32
    %and3A_144 = arith.andi %ne3A, %ne3A_143 : i1
    %sub3A = arith.constant 1 : i32
    %sub3A_145 = arith.subi %div3A, %sub3A : i32
    %select_n3A = arith.select %and3A_144, %sub3A_145, %div3A : i32
    %jit3A_146 = arith.constant 64 : i32
    %eq3A = arith.constant 0 : i32
    %eq3A_147 = arith.cmpi eq, %jit3A_146, %eq3A : i32
    %jit3A_148 = arith.constant 1 : i32
    %select_n3A_149 = arith.select %eq3A_147, %jit3A_148, %jit3A_146 : i32
    %rem3A_150 = arith.remsi %add3A_128, %select_n3A_149 : i32
    %ne3A_151 = arith.constant 0 : i32
    %ne3A_152 = arith.cmpi ne, %rem3A_150, %ne3A_151 : i32
    %lt3A = arith.constant 0 : i32
    %lt3A_153 = arith.cmpi slt, %rem3A_150, %lt3A : i32
    %lt3A_154 = arith.constant 0 : i32
    %lt3A_155 = arith.cmpi slt, %select_n3A_149, %lt3A_154 : i32
    %ne3A_156 = arith.xori %lt3A_153, %lt3A_155 : i1
    %and3A_157 = arith.andi %ne3A_156, %ne3A_152 : i1
    %add3A_158 = arith.addi %rem3A_150, %select_n3A_149 : i32
    %select_n3A_159 = arith.select %and3A_157, %add3A_158, %rem3A_150 : i32
    %jit3A_160 = arith.constant 2 : i32
    %div3A_161 = arith.divsi %select_n3A_159, %jit3A_160 : i32
    %sign3A_162 = arith.constant 0 : i32
    %sign3A_163 = arith.cmpi sgt, %select_n3A_159, %sign3A_162 : i32
    %sign3A_164 = arith.extui %sign3A_163 : i1 to i32
    %sign3A_165 = arith.constant 0 : i32
    %sign3A_166 = arith.cmpi slt, %select_n3A_159, %sign3A_165 : i32
    %sign3A_167 = arith.extui %sign3A_166 : i1 to i32
    %sign3A_168 = arith.subi %sign3A_164, %sign3A_167 : i32
    %sign3A_169 = arith.constant 0 : i32
    %sign3A_170 = arith.cmpi sgt, %jit3A_160, %sign3A_169 : i32
    %sign3A_171 = arith.extui %sign3A_170 : i1 to i32
    %sign3A_172 = arith.constant 0 : i32
    %sign3A_173 = arith.cmpi slt, %jit3A_160, %sign3A_172 : i32
    %sign3A_174 = arith.extui %sign3A_173 : i1 to i32
    %sign3A_175 = arith.subi %sign3A_171, %sign3A_174 : i32
    %ne3A_176 = arith.cmpi ne, %sign3A_168, %sign3A_175 : i32
    %rem3A_177 = arith.remsi %select_n3A_159, %jit3A_160 : i32
    %ne3A_178 = arith.constant 0 : i32
    %ne3A_179 = arith.cmpi ne, %rem3A_177, %ne3A_178 : i32
    %and3A_180 = arith.andi %ne3A_176, %ne3A_179 : i1
    %sub3A_181 = arith.constant 1 : i32
    %sub3A_182 = arith.subi %div3A_161, %sub3A_181 : i32
    %select_n3A_183 = arith.select %and3A_180, %sub3A_182, %div3A_161 : i32
    %jit3A_184 = arith.constant 2 : i32
    %eq3A_185 = arith.constant 0 : i32
    %eq3A_186 = arith.cmpi eq, %jit3A_184, %eq3A_185 : i32
    %jit3A_187 = arith.constant 1 : i32
    %select_n3A_188 = arith.select %eq3A_186, %jit3A_187, %jit3A_184 : i32
    %rem3A_189 = arith.remsi %select_n3A_159, %select_n3A_188 : i32
    %ne3A_190 = arith.constant 0 : i32
    %ne3A_191 = arith.cmpi ne, %rem3A_189, %ne3A_190 : i32
    %lt3A_192 = arith.constant 0 : i32
    %lt3A_193 = arith.cmpi slt, %rem3A_189, %lt3A_192 : i32
    %lt3A_194 = arith.constant 0 : i32
    %lt3A_195 = arith.cmpi slt, %select_n3A_188, %lt3A_194 : i32
    %ne3A_196 = arith.xori %lt3A_193, %lt3A_195 : i1
    %and3A_197 = arith.andi %ne3A_196, %ne3A_191 : i1
    %add3A_198 = arith.addi %rem3A_189, %select_n3A_188 : i32
    %select_n3A_199 = arith.select %and3A_197, %add3A_198, %rem3A_189 : i32
    %mul3A_200 = arith.constant 64 : i32
    %mul3A_201 = arith.muli %select_n3A_199, %mul3A_200 : i32
    %dma_wait3A = arith.constant 0 : i32
    %dma_wait3A_202 = arith.constant 0 : i32
    %dma_wait3A_203 = tpu.memref_slice %arg4[%select_n3A, %dma_wait3A, %select_n3A_183, %dma_wait3A_202, %mul3A_201] : memref<50x38x32x8x128xf32, #tpu.memory_space<hbm>> -> memref<1x38x1x8x64xf32, #tpu.memory_space<hbm>>
    %dma_wait3A_204 = tpu.memref_squeeze %dma_wait3A_203 : memref<1x38x1x8x64xf32, #tpu.memory_space<hbm>> -> memref<38x8x64xf32, #tpu.memory_space<hbm>>
    %dma_wait3A_205 = arith.constant 0 : i32
    %dma_wait3A_206 = arith.constant 0 : i32
    %dma_wait3A_207 = tpu.memref_slice %arg4[%select_n3A, %dma_wait3A_205, %select_n3A_183, %dma_wait3A_206, %mul3A_201] : memref<50x38x32x8x128xf32, #tpu.memory_space<hbm>> -> memref<1x38x1x8x64xf32, #tpu.memory_space<hbm>>
    %dma_wait3A_208 = tpu.memref_squeeze %dma_wait3A_207 : memref<1x38x1x8x64xf32, #tpu.memory_space<hbm>> -> memref<38x8x64xf32, #tpu.memory_space<hbm>>
    tpu.wait_dma2 semaphore(%arg16 : memref<!tpu.dma_semaphore, #tpu.memory_space<semaphore_mem>>) src(%arg12 : memref<38x8x64xf32, #tpu.memory_space<vmem>>) dst(%dma_wait3A_208 : memref<38x8x64xf32, #tpu.memory_space<hbm>>)
    %mul3A_209 = arith.constant 100 : i32
    %mul3A_210 = arith.muli %add3A, %mul3A_209 : i32
    %add3A_211 = arith.constant 99 : i32
    %add3A_212 = arith.addi %mul3A_210, %add3A_211 : i32
    %jit3A_213 = arith.constant 64 : i32
    %div3A_214 = arith.divsi %add3A_212, %jit3A_213 : i32
    %sign3A_215 = arith.constant 0 : i32
    %sign3A_216 = arith.cmpi sgt, %add3A_212, %sign3A_215 : i32
    %sign3A_217 = arith.extui %sign3A_216 : i1 to i32
    %sign3A_218 = arith.constant 0 : i32
    %sign3A_219 = arith.cmpi slt, %add3A_212, %sign3A_218 : i32
    %sign3A_220 = arith.extui %sign3A_219 : i1 to i32
    %sign3A_221 = arith.subi %sign3A_217, %sign3A_220 : i32
    %sign3A_222 = arith.constant 0 : i32
    %sign3A_223 = arith.cmpi sgt, %jit3A_213, %sign3A_222 : i32
    %sign3A_224 = arith.extui %sign3A_223 : i1 to i32
    %sign3A_225 = arith.constant 0 : i32
    %sign3A_226 = arith.cmpi slt, %jit3A_213, %sign3A_225 : i32
    %sign3A_227 = arith.extui %sign3A_226 : i1 to i32
    %sign3A_228 = arith.subi %sign3A_224, %sign3A_227 : i32
    %ne3A_229 = arith.cmpi ne, %sign3A_221, %sign3A_228 : i32
    %rem3A_230 = arith.remsi %add3A_212, %jit3A_213 : i32
    %ne3A_231 = arith.constant 0 : i32
    %ne3A_232 = arith.cmpi ne, %rem3A_230, %ne3A_231 : i32
    %and3A_233 = arith.andi %ne3A_229, %ne3A_232 : i1
    %sub3A_234 = arith.constant 1 : i32
    %sub3A_235 = arith.subi %div3A_214, %sub3A_234 : i32
    %select_n3A_236 = arith.select %and3A_233, %sub3A_235, %div3A_214 : i32
    %jit3A_237 = arith.constant 64 : i32
    %eq3A_238 = arith.constant 0 : i32
    %eq3A_239 = arith.cmpi eq, %jit3A_237, %eq3A_238 : i32
    %jit3A_240 = arith.constant 1 : i32
    %select_n3A_241 = arith.select %eq3A_239, %jit3A_240, %jit3A_237 : i32
    %rem3A_242 = arith.remsi %add3A_212, %select_n3A_241 : i32
    %ne3A_243 = arith.constant 0 : i32
    %ne3A_244 = arith.cmpi ne, %rem3A_242, %ne3A_243 : i32
    %lt3A_245 = arith.constant 0 : i32
    %lt3A_246 = arith.cmpi slt, %rem3A_242, %lt3A_245 : i32
    %lt3A_247 = arith.constant 0 : i32
    %lt3A_248 = arith.cmpi slt, %select_n3A_241, %lt3A_247 : i32
    %ne3A_249 = arith.xori %lt3A_246, %lt3A_248 : i1
    %and3A_250 = arith.andi %ne3A_249, %ne3A_244 : i1
    %add3A_251 = arith.addi %rem3A_242, %select_n3A_241 : i32
    %select_n3A_252 = arith.select %and3A_250, %add3A_251, %rem3A_242 : i32
    %jit3A_253 = arith.constant 2 : i32
    %div3A_254 = arith.divsi %select_n3A_252, %jit3A_253 : i32
    %sign3A_255 = arith.constant 0 : i32
    %sign3A_256 = arith.cmpi sgt, %select_n3A_252, %sign3A_255 : i32
    %sign3A_257 = arith.extui %sign3A_256 : i1 to i32
    %sign3A_258 = arith.constant 0 : i32
    %sign3A_259 = arith.cmpi slt, %select_n3A_252, %sign3A_258 : i32
    %sign3A_260 = arith.extui %sign3A_259 : i1 to i32
    %sign3A_261 = arith.subi %sign3A_257, %sign3A_260 : i32
    %sign3A_262 = arith.constant 0 : i32
    %sign3A_263 = arith.cmpi sgt, %jit3A_253, %sign3A_262 : i32
    %sign3A_264 = arith.extui %sign3A_263 : i1 to i32
    %sign3A_265 = arith.constant 0 : i32
    %sign3A_266 = arith.cmpi slt, %jit3A_253, %sign3A_265 : i32
    %sign3A_267 = arith.extui %sign3A_266 : i1 to i32
    %sign3A_268 = arith.subi %sign3A_264, %sign3A_267 : i32
    %ne3A_269 = arith.cmpi ne, %sign3A_261, %sign3A_268 : i32
    %rem3A_270 = arith.remsi %select_n3A_252, %jit3A_253 : i32
    %ne3A_271 = arith.constant 0 : i32
    %ne3A_272 = arith.cmpi ne, %rem3A_270, %ne3A_271 : i32
    %and3A_273 = arith.andi %ne3A_269, %ne3A_272 : i1
    %sub3A_274 = arith.constant 1 : i32
    %sub3A_275 = arith.subi %div3A_254, %sub3A_274 : i32
    %select_n3A_276 = arith.select %and3A_273, %sub3A_275, %div3A_254 : i32
    %jit3A_277 = arith.constant 2 : i32
    %eq3A_278 = arith.constant 0 : i32
    %eq3A_279 = arith.cmpi eq, %jit3A_277, %eq3A_278 : i32
    %jit3A_280 = arith.constant 1 : i32
    %select_n3A_281 = arith.select %eq3A_279, %jit3A_280, %jit3A_277 : i32
    %rem3A_282 = arith.remsi %select_n3A_252, %select_n3A_281 : i32
    %ne3A_283 = arith.constant 0 : i32
    %ne3A_284 = arith.cmpi ne, %rem3A_282, %ne3A_283 : i32
    %lt3A_285 = arith.constant 0 : i32
    %lt3A_286 = arith.cmpi slt, %rem3A_282, %lt3A_285 : i32
    %lt3A_287 = arith.constant 0 : i32
    %lt3A_288 = arith.cmpi slt, %select_n3A_281, %lt3A_287 : i32
    %ne3A_289 = arith.xori %lt3A_286, %lt3A_288 : i1
    %and3A_290 = arith.andi %ne3A_289, %ne3A_284 : i1
    %add3A_291 = arith.addi %rem3A_282, %select_n3A_281 : i32
    %select_n3A_292 = arith.select %and3A_290, %add3A_291, %rem3A_282 : i32
    %mul3A_293 = arith.constant 64 : i32
    %mul3A_294 = arith.muli %select_n3A_292, %mul3A_293 : i32
    %dma_wait3A_295 = arith.constant 0 : i32
    %dma_wait3A_296 = arith.constant 0 : i32
    %dma_wait3A_297 = tpu.memref_slice %arg4[%select_n3A_236, %dma_wait3A_295, %select_n3A_276, %dma_wait3A_296, %mul3A_294] : memref<50x38x32x8x128xf32, #tpu.memory_space<hbm>> -> memref<1x38x1x8x64xf32, #tpu.memory_space<hbm>>
    %dma_wait3A_298 = tpu.memref_squeeze %dma_wait3A_297 : memref<1x38x1x8x64xf32, #tpu.memory_space<hbm>> -> memref<38x8x64xf32, #tpu.memory_space<hbm>>
    %dma_wait3A_299 = arith.constant 0 : i32
    %dma_wait3A_300 = arith.constant 0 : i32
    %dma_wait3A_301 = tpu.memref_slice %arg4[%select_n3A_236, %dma_wait3A_299, %select_n3A_276, %dma_wait3A_300, %mul3A_294] : memref<50x38x32x8x128xf32, #tpu.memory_space<hbm>> -> memref<1x38x1x8x64xf32, #tpu.memory_space<hbm>>
    %dma_wait3A_302 = tpu.memref_squeeze %dma_wait3A_301 : memref<1x38x1x8x64xf32, #tpu.memory_space<hbm>> -> memref<38x8x64xf32, #tpu.memory_space<hbm>>
    tpu.wait_dma2 semaphore(%arg17 : memref<!tpu.dma_semaphore, #tpu.memory_space<semaphore_mem>>) src(%arg13 : memref<38x8x64xf32, #tpu.memory_space<vmem>>) dst(%dma_wait3A_302 : memref<38x8x64xf32, #tpu.memory_space<hbm>>)
    return
  }
}

#map = affine_map<(d0, d1) -> (0)>
#map1 = affine_map<(d0, d1) -> (0, 0)>
#map2 = affine_map<(d0, d1) -> (0, 0, 0, 0, 0)>
module attributes {stable_mosaic.version = 14 : i64} {
  func.func @_sc_body(%arg0: i32, %arg1: i32, %arg2: memref<1843200xi32, #tpu.memory_space<hbm>>, %arg3: memref<300000x128xf32, #tpu.memory_space<hbm>>, %arg4: memref<50x38x32x8x128xf32, #tpu.memory_space<hbm>>, %arg5: memref<19200xi32, #tpu.memory_space<vmem>>, %arg6: memref<64x128xf32, #tpu.memory_space<vmem>>, %arg7: memref<64x128xf32, #tpu.memory_space<vmem>>, %arg8: memref<64x128xf32, #tpu.memory_space<vmem>>, %arg9: memref<64x128xf32, #tpu.memory_space<vmem>>, %arg10: memref<64x128xf32, #tpu.memory_space<vmem>>, %arg11: memref<64x128xf32, #tpu.memory_space<vmem>>, %arg12: memref<38x8x64xf32, #tpu.memory_space<vmem>>, %arg13: memref<38x8x64xf32, #tpu.memory_space<vmem>>, %arg14: memref<!tpu.dma_semaphore, #tpu.memory_space<semaphore_mem>>, %arg15: memref<!tpu.dma_semaphore, #tpu.memory_space<semaphore_mem>>, %arg16: memref<!tpu.dma_semaphore, #tpu.memory_space<semaphore_mem>>, %arg17: memref<!tpu.dma_semaphore, #tpu.memory_space<semaphore_mem>>) attributes {dimension_semantics = [#tpu.dimension_semantics<core_parallel>, #tpu.dimension_semantics<subcore_parallel>], iteration_bounds = array<i64: 2, 16>, scalar_prefetch = 0 : i64, scratch_operands = 13 : i64, tpu.core_type = #tpu.core_type<sc_vector_subcore>, window_params = [{transform_indices = #map}, {transform_indices = #map1}, {transform_indices = #map2}]} {
    %mul3A = arith.constant 2 : i32
    %mul3A_0 = arith.muli %arg1, %mul3A : i32
    %add3A = arith.addi %mul3A_0, %arg0 : i32
    %mul3A_1 = arith.constant 100 : i32
    %mul3A_2 = arith.muli %add3A, %mul3A_1 : i32
    %add3A_3 = arith.constant 0 : i32
    %add3A_4 = arith.addi %add3A_3, %mul3A_2 : i32
    %mul3A_5 = arith.constant 192 : i32
    %mul3A_6 = arith.muli %add3A_4, %mul3A_5 : i32
    "tpu.region"() ({
      %run_scoped3A = tpu.sem_alloc : memref<!tpu.dma_semaphore, #tpu.memory_space<semaphore_mem>>
      %dma_start3A_303 = tpu.memref_slice %arg2[%mul3A_6] : memref<1843200xi32, #tpu.memory_space<hbm>> -> memref<19200xi32, #tpu.memory_space<hbm>>
      %dma_start3A_304 = tpu.memref_slice %arg2[%mul3A_6] : memref<1843200xi32, #tpu.memory_space<hbm>> -> memref<19200xi32, #tpu.memory_space<hbm>>
      tpu.enqueue_dma source(%dma_start3A_304 : memref<19200xi32, #tpu.memory_space<hbm>>) target(%arg5 : memref<19200xi32, #tpu.memory_space<vmem>>) target_semaphore(%run_scoped3A : memref<!tpu.dma_semaphore, #tpu.memory_space<semaphore_mem>>)
      %dma_wait3A_305 = tpu.memref_slice %arg2[%mul3A_6] : memref<1843200xi32, #tpu.memory_space<hbm>> -> memref<19200xi32, #tpu.memory_space<hbm>>
      %dma_wait3A_306 = tpu.memref_slice %arg2[%mul3A_6] : memref<1843200xi32, #tpu.memory_space<hbm>> -> memref<19200xi32, #tpu.memory_space<hbm>>
      tpu.wait_dma2 semaphore(%run_scoped3A : memref<!tpu.dma_semaphore, #tpu.memory_space<semaphore_mem>>) src(%dma_wait3A_306 : memref<19200xi32, #tpu.memory_space<hbm>>) dst(%arg5 : memref<19200xi32, #tpu.memory_space<vmem>>)
      tpu.yield
    }) : () -> ()
    %iota3A = tpu.iota {dimensions = array<i32: 0>} : vector<16xi32>
    %shift_right_logical3A = arith.constant 3 : i32
    %shift_right_logical3A_7 = vector.broadcast %shift_right_logical3A : i32 to vector<16xi32>
    %shift_right_logical3A_8 = arith.shrui %iota3A, %shift_right_logical3A_7 : vector<16xi32>
    %and3A = arith.constant 7 : i32
    %and3A_9 = vector.broadcast %and3A : i32 to vector<16xi32>
    %and3A_10 = arith.andi %iota3A, %and3A_9 : vector<16xi32>
    %add3A_11 = arith.constant 0 : i32
    %add3A_12 = vector.broadcast %add3A_11 : i32 to vector<16xi32>
    %add3A_13 = arith.addi %shift_right_logical3A_8, %add3A_12 : vector<16xi32>
    %add3A_14 = arith.constant 2 : i32
    %add3A_15 = vector.broadcast %add3A_14 : i32 to vector<16xi32>
    %add3A_16 = arith.addi %shift_right_logical3A_8, %add3A_15 : vector<16xi32>
    %add3A_17 = arith.constant 4 : i32
    %add3A_18 = vector.broadcast %add3A_17 : i32 to vector<16xi32>
    %add3A_19 = arith.addi %shift_right_logical3A_8, %add3A_18 : vector<16xi32>
    %add3A_20 = arith.constant 6 : i32
    %add3A_21 = vector.broadcast %add3A_20 : i32 to vector<16xi32>
    %add3A_22 = arith.addi %shift_right_logical3A_8, %add3A_21 : vector<16xi32>
    %add3A_23 = arith.constant 8 : i32
    %add3A_24 = vector.broadcast %add3A_23 : i32 to vector<16xi32>
    %add3A_25 = arith.addi %shift_right_logical3A_8, %add3A_24 : vector<16xi32>
    %add3A_26 = arith.constant 10 : i32
    %add3A_27 = vector.broadcast %add3A_26 : i32 to vector<16xi32>
    %add3A_28 = arith.addi %shift_right_logical3A_8, %add3A_27 : vector<16xi32>
    %add3A_29 = arith.constant 12 : i32
    %add3A_30 = vector.broadcast %add3A_29 : i32 to vector<16xi32>
    %add3A_31 = arith.addi %shift_right_logical3A_8, %add3A_30 : vector<16xi32>
    %add3A_32 = arith.constant 14 : i32
    %add3A_33 = vector.broadcast %add3A_32 : i32 to vector<16xi32>
    %add3A_34 = arith.addi %shift_right_logical3A_8, %add3A_33 : vector<16xi32>
    %add3A_35 = arith.constant 16 : i32
    %add3A_36 = vector.broadcast %add3A_35 : i32 to vector<16xi32>
    %add3A_37 = arith.addi %shift_right_logical3A_8, %add3A_36 : vector<16xi32>
    %add3A_38 = arith.constant 18 : i32
    %add3A_39 = vector.broadcast %add3A_38 : i32 to vector<16xi32>
    %add3A_40 = arith.addi %shift_right_logical3A_8, %add3A_39 : vector<16xi32>
    %add3A_41 = arith.constant 20 : i32
    %add3A_42 = vector.broadcast %add3A_41 : i32 to vector<16xi32>
    %add3A_43 = arith.addi %shift_right_logical3A_8, %add3A_42 : vector<16xi32>
    %add3A_44 = arith.constant 22 : i32
    %add3A_45 = vector.broadcast %add3A_44 : i32 to vector<16xi32>
    %add3A_46 = arith.addi %shift_right_logical3A_8, %add3A_45 : vector<16xi32>
    %add3A_47 = arith.constant 24 : i32
    %add3A_48 = vector.broadcast %add3A_47 : i32 to vector<16xi32>
    %add3A_49 = arith.addi %shift_right_logical3A_8, %add3A_48 : vector<16xi32>
    %add3A_50 = arith.constant 26 : i32
    %add3A_51 = vector.broadcast %add3A_50 : i32 to vector<16xi32>
    %add3A_52 = arith.addi %shift_right_logical3A_8, %add3A_51 : vector<16xi32>
    %add3A_53 = arith.constant 28 : i32
    %add3A_54 = vector.broadcast %add3A_53 : i32 to vector<16xi32>
    %add3A_55 = arith.addi %shift_right_logical3A_8, %add3A_54 : vector<16xi32>
    %add3A_56 = arith.constant 30 : i32
    %add3A_57 = vector.broadcast %add3A_56 : i32 to vector<16xi32>
    %add3A_58 = arith.addi %shift_right_logical3A_8, %add3A_57 : vector<16xi32>
    %add3A_59 = arith.constant 32 : i32
    %add3A_60 = vector.broadcast %add3A_59 : i32 to vector<16xi32>
    %add3A_61 = arith.addi %shift_right_logical3A_8, %add3A_60 : vector<16xi32>
    %add3A_62 = arith.constant 34 : i32
    %add3A_63 = vector.broadcast %add3A_62 : i32 to vector<16xi32>
    %add3A_64 = arith.addi %shift_right_logical3A_8, %add3A_63 : vector<16xi32>
    %add3A_65 = arith.constant 36 : i32
    %add3A_66 = vector.broadcast %add3A_65 : i32 to vector<16xi32>
    %add3A_67 = arith.addi %shift_right_logical3A_8, %add3A_66 : vector<16xi32>
    %add3A_68 = arith.constant 38 : i32
    %add3A_69 = vector.broadcast %add3A_68 : i32 to vector<16xi32>
    %add3A_70 = arith.addi %shift_right_logical3A_8, %add3A_69 : vector<16xi32>
    %add3A_71 = arith.constant 40 : i32
    %add3A_72 = vector.broadcast %add3A_71 : i32 to vector<16xi32>
    %add3A_73 = arith.addi %shift_right_logical3A_8, %add3A_72 : vector<16xi32>
    %add3A_74 = arith.constant 42 : i32
    %add3A_75 = vector.broadcast %add3A_74 : i32 to vector<16xi32>
    %add3A_76 = arith.addi %shift_right_logical3A_8, %add3A_75 : vector<16xi32>
    %add3A_77 = arith.constant 44 : i32
    %add3A_78 = vector.broadcast %add3A_77 : i32 to vector<16xi32>
    %add3A_79 = arith.addi %shift_right_logical3A_8, %add3A_78 : vector<16xi32>
    %add3A_80 = arith.constant 46 : i32
    %add3A_81 = vector.broadcast %add3A_80 : i32 to vector<16xi32>
    %add3A_82 = arith.addi %shift_right_logical3A_8, %add3A_81 : vector<16xi32>
    %add3A_83 = arith.constant 0 : i32
    %add3A_84 = vector.broadcast %add3A_83 : i32 to vector<16xi32>
    %add3A_85 = arith.addi %iota3A, %add3A_84 : vector<16xi32>
    %add3A_86 = arith.constant 16 : i32
    %add3A_87 = vector.broadcast %add3A_86 : i32 to vector<16xi32>
    %add3A_88 = arith.addi %iota3A, %add3A_87 : vector<16xi32>
    %add3A_89 = arith.constant 32 : i32
    %add3A_90 = vector.broadcast %add3A_89 : i32 to vector<16xi32>
    %add3A_91 = arith.addi %iota3A, %add3A_90 : vector<16xi32>
    %add3A_92 = arith.constant 48 : i32
    %add3A_93 = vector.broadcast %add3A_92 : i32 to vector<16xi32>
    %add3A_94 = arith.addi %iota3A, %add3A_93 : vector<16xi32>
    %add3A_95 = arith.constant 64 : i32
    %add3A_96 = vector.broadcast %add3A_95 : i32 to vector<16xi32>
    %add3A_97 = arith.addi %iota3A, %add3A_96 : vector<16xi32>
    %add3A_98 = arith.constant 80 : i32
    %add3A_99 = vector.broadcast %add3A_98 : i32 to vector<16xi32>
    %add3A_100 = arith.addi %iota3A, %add3A_99 : vector<16xi32>
    %add3A_101 = arith.constant 96 : i32
    %add3A_102 = vector.broadcast %add3A_101 : i32 to vector<16xi32>
    %add3A_103 = arith.addi %iota3A, %add3A_102 : vector<16xi32>
    %add3A_104 = arith.constant 112 : i32
    %add3A_105 = vector.broadcast %add3A_104 : i32 to vector<16xi32>
    %add3A_106 = arith.addi %iota3A, %add3A_105 : vector<16xi32>
    %dma_start3A = arith.constant 0 : i32
    %dma_start3A_107 = tpu.memref_slice %arg5[%dma_start3A] : memref<19200xi32, #tpu.memory_space<vmem>> -> memref<64xi32, #tpu.memory_space<vmem>>
    %dma_start3A_108 = arith.constant 0 : i32
    %dma_start3A_109 = arith.constant 0 : i32
    %dma_start3A_110 = tpu.memref_slice %arg3[%dma_start3A_108, %dma_start3A_109] : memref<300000x128xf32, #tpu.memory_space<hbm>> -> memref<300000x128xf32, #tpu.memory_space<hbm>>
    tpu.enqueue_indirect_dma source(%dma_start3A_110 : memref<300000x128xf32, #tpu.memory_space<hbm>>) target(%arg6 : memref<64x128xf32, #tpu.memory_space<vmem>>) offsets(%dma_start3A_107 : memref<64xi32, #tpu.memory_space<vmem>>) semaphore(%arg14 : memref<!tpu.dma_semaphore, #tpu.memory_space<semaphore_mem>>)
    %dma_start3A_111 = arith.constant 64 : i32
    %dma_start3A_112 = tpu.memref_slice %arg5[%dma_start3A_111] : memref<19200xi32, #tpu.memory_space<vmem>> -> memref<64xi32, #tpu.memory_space<vmem>>
    %dma_start3A_113 = arith.constant 0 : i32
    %dma_start3A_114 = arith.constant 0 : i32
    %dma_start3A_115 = tpu.memref_slice %arg3[%dma_start3A_113, %dma_start3A_114] : memref<300000x128xf32, #tpu.memory_space<hbm>> -> memref<300000x128xf32, #tpu.memory_space<hbm>>
    tpu.enqueue_indirect_dma source(%dma_start3A_115 : memref<300000x128xf32, #tpu.memory_space<hbm>>) target(%arg7 : memref<64x128xf32, #tpu.memory_space<vmem>>) offsets(%dma_start3A_112 : memref<64xi32, #tpu.memory_space<vmem>>) semaphore(%arg14 : memref<!tpu.dma_semaphore, #tpu.memory_space<semaphore_mem>>)
    %dma_start3A_116 = arith.constant 128 : i32
    %dma_start3A_117 = tpu.memref_slice %arg5[%dma_start3A_116] : memref<19200xi32, #tpu.memory_space<vmem>> -> memref<64xi32, #tpu.memory_space<vmem>>
    %dma_start3A_118 = arith.constant 0 : i32
    %dma_start3A_119 = arith.constant 0 : i32
    %dma_start3A_120 = tpu.memref_slice %arg3[%dma_start3A_118, %dma_start3A_119] : memref<300000x128xf32, #tpu.memory_space<hbm>> -> memref<300000x128xf32, #tpu.memory_space<hbm>>
    tpu.enqueue_indirect_dma source(%dma_start3A_120 : memref<300000x128xf32, #tpu.memory_space<hbm>>) target(%arg8 : memref<64x128xf32, #tpu.memory_space<vmem>>) offsets(%dma_start3A_117 : memref<64xi32, #tpu.memory_space<vmem>>) semaphore(%arg14 : memref<!tpu.dma_semaphore, #tpu.memory_space<semaphore_mem>>)
    %scan3A = arith.constant 0 : i32
    %scan3A_121 = arith.constant 50 : i32
    %scan3A_122 = arith.addi %scan3A, %scan3A_121 : i32
    %scan3A_123 = arith.constant 1 : i32
    scf.for %scan3A_303 = %scan3A to %scan3A_122 step %scan3A_123  : i32 {
      %mul3A_304 = arith.constant 2 : i32
      %mul3A_305 = arith.muli %scan3A_303, %mul3A_304 : i32
      %add3A_306 = arith.constant 0 : i32
      %add3A_307 = arith.addi %add3A_306, %mul3A_305 : i32
      %add3A_308 = arith.constant 0 : i32
      %add3A_309 = arith.addi %add3A_307, %add3A_308 : i32
      %add3A_310 = arith.constant 1 : i32
      %add3A_311 = arith.addi %add3A_309, %add3A_310 : i32
      %lt3A_312 = arith.constant 100 : i32
      %lt3A_313 = arith.cmpi slt, %add3A_311, %lt3A_312 : i32
      %convert_element_type3A = arith.extui %lt3A_313 : i1 to i32
      %cond3A = arith.constant 0 : i32
      %cond3A_314 = arith.cmpi ne, %convert_element_type3A, %cond3A : i32
      scf.if %cond3A_314 {
        %add3A_577 = arith.constant 1 : i32
        %add3A_578 = arith.addi %add3A_309, %add3A_577 : i32
        %mul3A_579 = arith.constant 192 : i32
        %mul3A_580 = arith.muli %add3A_578, %mul3A_579 : i32
        %add3A_581 = arith.constant 0 : i32
        %add3A_582 = arith.addi %mul3A_580, %add3A_581 : i32
        %dma_start3A_583 = tpu.memref_slice %arg5[%add3A_582] : memref<19200xi32, #tpu.memory_space<vmem>> -> memref<64xi32, #tpu.memory_space<vmem>>
        %dma_start3A_584 = arith.constant 0 : i32
        %dma_start3A_585 = arith.constant 0 : i32
        %dma_start3A_586 = tpu.memref_slice %arg3[%dma_start3A_584, %dma_start3A_585] : memref<300000x128xf32, #tpu.memory_space<hbm>> -> memref<300000x128xf32, #tpu.memory_space<hbm>>
        tpu.enqueue_indirect_dma source(%dma_start3A_586 : memref<300000x128xf32, #tpu.memory_space<hbm>>) target(%arg9 : memref<64x128xf32, #tpu.memory_space<vmem>>) offsets(%dma_start3A_583 : memref<64xi32, #tpu.memory_space<vmem>>) semaphore(%arg15 : memref<!tpu.dma_semaphore, #tpu.memory_space<semaphore_mem>>)
        %mul3A_587 = arith.constant 192 : i32
        %mul3A_588 = arith.muli %add3A_578, %mul3A_587 : i32
        %add3A_589 = arith.constant 64 : i32
        %add3A_590 = arith.addi %mul3A_588, %add3A_589 : i32
        %dma_start3A_591 = tpu.memref_slice %arg5[%add3A_590] : memref<19200xi32, #tpu.memory_space<vmem>> -> memref<64xi32, #tpu.memory_space<vmem>>
        %dma_start3A_592 = arith.constant 0 : i32
        %dma_start3A_593 = arith.constant 0 : i32
        %dma_start3A_594 = tpu.memref_slice %arg3[%dma_start3A_592, %dma_start3A_593] : memref<300000x128xf32, #tpu.memory_space<hbm>> -> memref<300000x128xf32, #tpu.memory_space<hbm>>
        tpu.enqueue_indirect_dma source(%dma_start3A_594 : memref<300000x128xf32, #tpu.memory_space<hbm>>) target(%arg10 : memref<64x128xf32, #tpu.memory_space<vmem>>) offsets(%dma_start3A_591 : memref<64xi32, #tpu.memory_space<vmem>>) semaphore(%arg15 : memref<!tpu.dma_semaphore, #tpu.memory_space<semaphore_mem>>)
        %mul3A_595 = arith.constant 192 : i32
        %mul3A_596 = arith.muli %add3A_578, %mul3A_595 : i32
        %add3A_597 = arith.constant 128 : i32
        %add3A_598 = arith.addi %mul3A_596, %add3A_597 : i32
        %dma_start3A_599 = tpu.memref_slice %arg5[%add3A_598] : memref<19200xi32, #tpu.memory_space<vmem>> -> memref<64xi32, #tpu.memory_space<vmem>>
        %dma_start3A_600 = arith.constant 0 : i32
        %dma_start3A_601 = arith.constant 0 : i32
        %dma_start3A_602 = tpu.memref_slice %arg3[%dma_start3A_600, %dma_start3A_601] : memref<300000x128xf32, #tpu.memory_space<hbm>> -> memref<300000x128xf32, #tpu.memory_space<hbm>>
        tpu.enqueue_indirect_dma source(%dma_start3A_602 : memref<300000x128xf32, #tpu.memory_space<hbm>>) target(%arg11 : memref<64x128xf32, #tpu.memory_space<vmem>>) offsets(%dma_start3A_599 : memref<64xi32, #tpu.memory_space<vmem>>) semaphore(%arg15 : memref<!tpu.dma_semaphore, #tpu.memory_space<semaphore_mem>>)
      } else {
      }
      %mul3A_315 = arith.constant 192 : i32
      %mul3A_316 = arith.muli %add3A_309, %mul3A_315 : i32
      %add3A_317 = arith.constant 0 : i32
      %add3A_318 = arith.addi %mul3A_316, %add3A_317 : i32
      %dma_wait3A_319 = tpu.memref_slice %arg5[%add3A_318] : memref<19200xi32, #tpu.memory_space<vmem>> -> memref<64xi32, #tpu.memory_space<vmem>>
      %dma_wait3A_320 = arith.constant 0 : i32
      %dma_wait3A_321 = arith.constant 0 : i32
      %dma_wait3A_322 = tpu.memref_slice %arg3[%dma_wait3A_320, %dma_wait3A_321] : memref<300000x128xf32, #tpu.memory_space<hbm>> -> memref<300000x128xf32, #tpu.memory_space<hbm>>
      tpu.wait_indirect_dma semaphore(%arg14 : memref<!tpu.dma_semaphore, #tpu.memory_space<semaphore_mem>>) src(%dma_wait3A_322 : memref<300000x128xf32, #tpu.memory_space<hbm>>) dst(%arg6 : memref<64x128xf32, #tpu.memory_space<vmem>>)
      %mul3A_323 = arith.constant 192 : i32
      %mul3A_324 = arith.muli %add3A_309, %mul3A_323 : i32
      %add3A_325 = arith.constant 64 : i32
      %add3A_326 = arith.addi %mul3A_324, %add3A_325 : i32
      %dma_wait3A_327 = tpu.memref_slice %arg5[%add3A_326] : memref<19200xi32, #tpu.memory_space<vmem>> -> memref<64xi32, #tpu.memory_space<vmem>>
      %dma_wait3A_328 = arith.constant 0 : i32
      %dma_wait3A_329 = arith.constant 0 : i32
      %dma_wait3A_330 = tpu.memref_slice %arg3[%dma_wait3A_328, %dma_wait3A_329] : memref<300000x128xf32, #tpu.memory_space<hbm>> -> memref<300000x128xf32, #tpu.memory_space<hbm>>
      tpu.wait_indirect_dma semaphore(%arg14 : memref<!tpu.dma_semaphore, #tpu.memory_space<semaphore_mem>>) src(%dma_wait3A_330 : memref<300000x128xf32, #tpu.memory_space<hbm>>) dst(%arg7 : memref<64x128xf32, #tpu.memory_space<vmem>>)
      %mul3A_331 = arith.constant 192 : i32
      %mul3A_332 = arith.muli %add3A_309, %mul3A_331 : i32
      %add3A_333 = arith.constant 128 : i32
      %add3A_334 = arith.addi %mul3A_332, %add3A_333 : i32
      %dma_wait3A_335 = tpu.memref_slice %arg5[%add3A_334] : memref<19200xi32, #tpu.memory_space<vmem>> -> memref<64xi32, #tpu.memory_space<vmem>>
      %dma_wait3A_336 = arith.constant 0 : i32
      %dma_wait3A_337 = arith.constant 0 : i32
      %dma_wait3A_338 = tpu.memref_slice %arg3[%dma_wait3A_336, %dma_wait3A_337] : memref<300000x128xf32, #tpu.memory_space<hbm>> -> memref<300000x128xf32, #tpu.memory_space<hbm>>
      tpu.wait_indirect_dma semaphore(%arg14 : memref<!tpu.dma_semaphore, #tpu.memory_space<semaphore_mem>>) src(%dma_wait3A_338 : memref<300000x128xf32, #tpu.memory_space<hbm>>) dst(%arg8 : memref<64x128xf32, #tpu.memory_space<vmem>>)
      %ge3A = arith.constant 2 : i32
      %ge3A_339 = arith.cmpi sge, %add3A_309, %ge3A : i32
      %convert_element_type3A_340 = arith.extui %ge3A_339 : i1 to i32
      %cond3A_341 = arith.constant 0 : i32
      %cond3A_342 = arith.cmpi ne, %convert_element_type3A_340, %cond3A_341 : i32
      scf.if %cond3A_342 {
        %sub3A_577 = arith.constant 2 : i32
        %sub3A_578 = arith.subi %add3A_309, %sub3A_577 : i32
        %mul3A_579 = arith.constant 100 : i32
        %mul3A_580 = arith.muli %add3A, %mul3A_579 : i32
        %add3A_581 = arith.addi %mul3A_580, %sub3A_578 : i32
        %jit3A_582 = arith.constant 64 : i32
        %div3A_583 = arith.divsi %add3A_581, %jit3A_582 : i32
        %sign3A_584 = arith.constant 0 : i32
        %sign3A_585 = arith.cmpi sgt, %add3A_581, %sign3A_584 : i32
        %sign3A_586 = arith.extui %sign3A_585 : i1 to i32
        %sign3A_587 = arith.constant 0 : i32
        %sign3A_588 = arith.cmpi slt, %add3A_581, %sign3A_587 : i32
        %sign3A_589 = arith.extui %sign3A_588 : i1 to i32
        %sign3A_590 = arith.subi %sign3A_586, %sign3A_589 : i32
        %sign3A_591 = arith.constant 0 : i32
        %sign3A_592 = arith.cmpi sgt, %jit3A_582, %sign3A_591 : i32
        %sign3A_593 = arith.extui %sign3A_592 : i1 to i32
        %sign3A_594 = arith.constant 0 : i32
        %sign3A_595 = arith.cmpi slt, %jit3A_582, %sign3A_594 : i32
        %sign3A_596 = arith.extui %sign3A_595 : i1 to i32
        %sign3A_597 = arith.subi %sign3A_593, %sign3A_596 : i32
        %ne3A_598 = arith.cmpi ne, %sign3A_590, %sign3A_597 : i32
        %rem3A_599 = arith.remsi %add3A_581, %jit3A_582 : i32
        %ne3A_600 = arith.constant 0 : i32
        %ne3A_601 = arith.cmpi ne, %rem3A_599, %ne3A_600 : i32
        %and3A_602 = arith.andi %ne3A_598, %ne3A_601 : i1
        %sub3A_603 = arith.constant 1 : i32
        %sub3A_604 = arith.subi %div3A_583, %sub3A_603 : i32
        %select_n3A_605 = arith.select %and3A_602, %sub3A_604, %div3A_583 : i32
        %jit3A_606 = arith.constant 64 : i32
        %eq3A_607 = arith.constant 0 : i32
        %eq3A_608 = arith.cmpi eq, %jit3A_606, %eq3A_607 : i32
        %jit3A_609 = arith.constant 1 : i32
        %select_n3A_610 = arith.select %eq3A_608, %jit3A_609, %jit3A_606 : i32
        %rem3A_611 = arith.remsi %add3A_581, %select_n3A_610 : i32
        %ne3A_612 = arith.constant 0 : i32
        %ne3A_613 = arith.cmpi ne, %rem3A_611, %ne3A_612 : i32
        %lt3A_614 = arith.constant 0 : i32
        %lt3A_615 = arith.cmpi slt, %rem3A_611, %lt3A_614 : i32
        %lt3A_616 = arith.constant 0 : i32
        %lt3A_617 = arith.cmpi slt, %select_n3A_610, %lt3A_616 : i32
        %ne3A_618 = arith.xori %lt3A_615, %lt3A_617 : i1
        %and3A_619 = arith.andi %ne3A_618, %ne3A_613 : i1
        %add3A_620 = arith.addi %rem3A_611, %select_n3A_610 : i32
        %select_n3A_621 = arith.select %and3A_619, %add3A_620, %rem3A_611 : i32
        %jit3A_622 = arith.constant 2 : i32
        %div3A_623 = arith.divsi %select_n3A_621, %jit3A_622 : i32
        %sign3A_624 = arith.constant 0 : i32
        %sign3A_625 = arith.cmpi sgt, %select_n3A_621, %sign3A_624 : i32
        %sign3A_626 = arith.extui %sign3A_625 : i1 to i32
        %sign3A_627 = arith.constant 0 : i32
        %sign3A_628 = arith.cmpi slt, %select_n3A_621, %sign3A_627 : i32
        %sign3A_629 = arith.extui %sign3A_628 : i1 to i32
        %sign3A_630 = arith.subi %sign3A_626, %sign3A_629 : i32
        %sign3A_631 = arith.constant 0 : i32
        %sign3A_632 = arith.cmpi sgt, %jit3A_622, %sign3A_631 : i32
        %sign3A_633 = arith.extui %sign3A_632 : i1 to i32
        %sign3A_634 = arith.constant 0 : i32
        %sign3A_635 = arith.cmpi slt, %jit3A_622, %sign3A_634 : i32
        %sign3A_636 = arith.extui %sign3A_635 : i1 to i32
        %sign3A_637 = arith.subi %sign3A_633, %sign3A_636 : i32
        %ne3A_638 = arith.cmpi ne, %sign3A_630, %sign3A_637 : i32
        %rem3A_639 = arith.remsi %select_n3A_621, %jit3A_622 : i32
        %ne3A_640 = arith.constant 0 : i32
        %ne3A_641 = arith.cmpi ne, %rem3A_639, %ne3A_640 : i32
        %and3A_642 = arith.andi %ne3A_638, %ne3A_641 : i1
        %sub3A_643 = arith.constant 1 : i32
        %sub3A_644 = arith.subi %div3A_623, %sub3A_643 : i32
        %select_n3A_645 = arith.select %and3A_642, %sub3A_644, %div3A_623 : i32
        %jit3A_646 = arith.constant 2 : i32
        %eq3A_647 = arith.constant 0 : i32
        %eq3A_648 = arith.cmpi eq, %jit3A_646, %eq3A_647 : i32
        %jit3A_649 = arith.constant 1 : i32
        %select_n3A_650 = arith.select %eq3A_648, %jit3A_649, %jit3A_646 : i32
        %rem3A_651 = arith.remsi %select_n3A_621, %select_n3A_650 : i32
        %ne3A_652 = arith.constant 0 : i32
        %ne3A_653 = arith.cmpi ne, %rem3A_651, %ne3A_652 : i32
        %lt3A_654 = arith.constant 0 : i32
        %lt3A_655 = arith.cmpi slt, %rem3A_651, %lt3A_654 : i32
        %lt3A_656 = arith.constant 0 : i32
        %lt3A_657 = arith.cmpi slt, %select_n3A_650, %lt3A_656 : i32
        %ne3A_658 = arith.xori %lt3A_655, %lt3A_657 : i1
        %and3A_659 = arith.andi %ne3A_658, %ne3A_653 : i1
        %add3A_660 = arith.addi %rem3A_651, %select_n3A_650 : i32
        %select_n3A_661 = arith.select %and3A_659, %add3A_660, %rem3A_651 : i32
        %mul3A_662 = arith.constant 64 : i32
        %mul3A_663 = arith.muli %select_n3A_661, %mul3A_662 : i32
        %dma_wait3A_664 = arith.constant 0 : i32
        %dma_wait3A_665 = arith.constant 0 : i32
        %dma_wait3A_666 = tpu.memref_slice %arg4[%select_n3A_605, %dma_wait3A_664, %select_n3A_645, %dma_wait3A_665, %mul3A_663] : memref<50x38x32x8x128xf32, #tpu.memory_space<hbm>> -> memref<1x38x1x8x64xf32, #tpu.memory_space<hbm>>
        %dma_wait3A_667 = tpu.memref_squeeze %dma_wait3A_666 : memref<1x38x1x8x64xf32, #tpu.memory_space<hbm>> -> memref<38x8x64xf32, #tpu.memory_space<hbm>>
        %dma_wait3A_668 = arith.constant 0 : i32
        %dma_wait3A_669 = arith.constant 0 : i32
        %dma_wait3A_670 = tpu.memref_slice %arg4[%select_n3A_605, %dma_wait3A_668, %select_n3A_645, %dma_wait3A_669, %mul3A_663] : memref<50x38x32x8x128xf32, #tpu.memory_space<hbm>> -> memref<1x38x1x8x64xf32, #tpu.memory_space<hbm>>
        %dma_wait3A_671 = tpu.memref_squeeze %dma_wait3A_670 : memref<1x38x1x8x64xf32, #tpu.memory_space<hbm>> -> memref<38x8x64xf32, #tpu.memory_space<hbm>>
        tpu.wait_dma2 semaphore(%arg16 : memref<!tpu.dma_semaphore, #tpu.memory_space<semaphore_mem>>) src(%arg12 : memref<38x8x64xf32, #tpu.memory_space<vmem>>) dst(%dma_wait3A_671 : memref<38x8x64xf32, #tpu.memory_space<hbm>>)
      } else {
      }
      %scan3A_343 = arith.constant 0 : i32
      %scan3A_344 = arith.constant 64 : i32
      %scan3A_345 = arith.addi %scan3A_343, %scan3A_344 : i32
      %scan3A_346 = arith.constant 2 : i32
      scf.for %scan3A_577 = %scan3A_343 to %scan3A_345 step %scan3A_346  : i32 {
        %mul3A_578 = arith.constant 1 : i32
        %mul3A_579 = arith.muli %scan3A_577, %mul3A_578 : i32
        %add3A_580 = arith.constant 0 : i32
        %add3A_581 = arith.addi %add3A_580, %mul3A_579 : i32
        %broadcast_in_dim3A = vector.broadcast %add3A_581 : i32 to vector<16xi32>
        %get3A = arith.index_cast %add3A_581 : i32 to index
        %get3A_582 = arith.constant 0 : index
        %get3A_583 = tpu.vector_load %arg6[%get3A, %get3A_582] {strides = array<i32>} : memref<64x128xf32, #tpu.memory_space<vmem>>, vector<16xf32>,
        tpu.vector_store_idx %arg12[%add3A_13, %and3A_10, %broadcast_in_dim3A], %get3A_583 : memref<38x8x64xf32, #tpu.memory_space<vmem>>[vector<16xi32>, vector<16xi32>, vector<16xi32>], vector<16xf32>,
        %get3A_584 = arith.index_cast %add3A_581 : i32 to index
        %get3A_585 = arith.constant 16 : index
        %get3A_586 = tpu.vector_load %arg6[%get3A_584, %get3A_585] {strides = array<i32>} : memref<64x128xf32, #tpu.memory_space<vmem>>, vector<16xf32>,
        tpu.vector_store_idx %arg12[%add3A_16, %and3A_10, %broadcast_in_dim3A], %get3A_586 : memref<38x8x64xf32, #tpu.memory_space<vmem>>[vector<16xi32>, vector<16xi32>, vector<16xi32>], vector<16xf32>,
        %get3A_587 = arith.index_cast %add3A_581 : i32 to index
        %get3A_588 = arith.constant 32 : index
        %get3A_589 = tpu.vector_load %arg6[%get3A_587, %get3A_588] {strides = array<i32>} : memref<64x128xf32, #tpu.memory_space<vmem>>, vector<16xf32>,
        tpu.vector_store_idx %arg12[%add3A_19, %and3A_10, %broadcast_in_dim3A], %get3A_589 : memref<38x8x64xf32, #tpu.memory_space<vmem>>[vector<16xi32>, vector<16xi32>, vector<16xi32>], vector<16xf32>,
        %get3A_590 = arith.index_cast %add3A_581 : i32 to index
        %get3A_591 = arith.constant 48 : index
        %get3A_592 = tpu.vector_load %arg6[%get3A_590, %get3A_591] {strides = array<i32>} : memref<64x128xf32, #tpu.memory_space<vmem>>, vector<16xf32>,
        tpu.vector_store_idx %arg12[%add3A_22, %and3A_10, %broadcast_in_dim3A], %get3A_592 : memref<38x8x64xf32, #tpu.memory_space<vmem>>[vector<16xi32>, vector<16xi32>, vector<16xi32>], vector<16xf32>,
        %get3A_593 = arith.index_cast %add3A_581 : i32 to index
        %get3A_594 = arith.constant 64 : index
        %get3A_595 = tpu.vector_load %arg6[%get3A_593, %get3A_594] {strides = array<i32>} : memref<64x128xf32, #tpu.memory_space<vmem>>, vector<16xf32>,
        tpu.vector_store_idx %arg12[%add3A_25, %and3A_10, %broadcast_in_dim3A], %get3A_595 : memref<38x8x64xf32, #tpu.memory_space<vmem>>[vector<16xi32>, vector<16xi32>, vector<16xi32>], vector<16xf32>,
        %get3A_596 = arith.index_cast %add3A_581 : i32 to index
        %get3A_597 = arith.constant 80 : index
        %get3A_598 = tpu.vector_load %arg6[%get3A_596, %get3A_597] {strides = array<i32>} : memref<64x128xf32, #tpu.memory_space<vmem>>, vector<16xf32>,
        tpu.vector_store_idx %arg12[%add3A_28, %and3A_10, %broadcast_in_dim3A], %get3A_598 : memref<38x8x64xf32, #tpu.memory_space<vmem>>[vector<16xi32>, vector<16xi32>, vector<16xi32>], vector<16xf32>,
        %get3A_599 = arith.index_cast %add3A_581 : i32 to index
        %get3A_600 = arith.constant 96 : index
        %get3A_601 = tpu.vector_load %arg6[%get3A_599, %get3A_600] {strides = array<i32>} : memref<64x128xf32, #tpu.memory_space<vmem>>, vector<16xf32>,
        tpu.vector_store_idx %arg12[%add3A_31, %and3A_10, %broadcast_in_dim3A], %get3A_601 : memref<38x8x64xf32, #tpu.memory_space<vmem>>[vector<16xi32>, vector<16xi32>, vector<16xi32>], vector<16xf32>,
        %get3A_602 = arith.index_cast %add3A_581 : i32 to index
        %get3A_603 = arith.constant 112 : index
        %get3A_604 = tpu.vector_load %arg6[%get3A_602, %get3A_603] {strides = array<i32>} : memref<64x128xf32, #tpu.memory_space<vmem>>, vector<16xf32>,
        tpu.vector_store_idx %arg12[%add3A_34, %and3A_10, %broadcast_in_dim3A], %get3A_604 : memref<38x8x64xf32, #tpu.memory_space<vmem>>[vector<16xi32>, vector<16xi32>, vector<16xi32>], vector<16xf32>,
        %get3A_605 = arith.index_cast %add3A_581 : i32 to index
        %get3A_606 = arith.constant 0 : index
        %get3A_607 = tpu.vector_load %arg7[%get3A_605, %get3A_606] {strides = array<i32>} : memref<64x128xf32, #tpu.memory_space<vmem>>, vector<16xf32>,
        tpu.vector_store_idx %arg12[%add3A_37, %and3A_10, %broadcast_in_dim3A], %get3A_607 : memref<38x8x64xf32, #tpu.memory_space<vmem>>[vector<16xi32>, vector<16xi32>, vector<16xi32>], vector<16xf32>,
        %get3A_608 = arith.index_cast %add3A_581 : i32 to index
        %get3A_609 = arith.constant 16 : index
        %get3A_610 = tpu.vector_load %arg7[%get3A_608, %get3A_609] {strides = array<i32>} : memref<64x128xf32, #tpu.memory_space<vmem>>, vector<16xf32>,
        tpu.vector_store_idx %arg12[%add3A_40, %and3A_10, %broadcast_in_dim3A], %get3A_610 : memref<38x8x64xf32, #tpu.memory_space<vmem>>[vector<16xi32>, vector<16xi32>, vector<16xi32>], vector<16xf32>,
        %get3A_611 = arith.index_cast %add3A_581 : i32 to index
        %get3A_612 = arith.constant 32 : index
        %get3A_613 = tpu.vector_load %arg7[%get3A_611, %get3A_612] {strides = array<i32>} : memref<64x128xf32, #tpu.memory_space<vmem>>, vector<16xf32>,
        tpu.vector_store_idx %arg12[%add3A_43, %and3A_10, %broadcast_in_dim3A], %get3A_613 : memref<38x8x64xf32, #tpu.memory_space<vmem>>[vector<16xi32>, vector<16xi32>, vector<16xi32>], vector<16xf32>,
        %get3A_614 = arith.index_cast %add3A_581 : i32 to index
        %get3A_615 = arith.constant 48 : index
        %get3A_616 = tpu.vector_load %arg7[%get3A_614, %get3A_615] {strides = array<i32>} : memref<64x128xf32, #tpu.memory_space<vmem>>, vector<16xf32>,
        tpu.vector_store_idx %arg12[%add3A_46, %and3A_10, %broadcast_in_dim3A], %get3A_616 : memref<38x8x64xf32, #tpu.memory_space<vmem>>[vector<16xi32>, vector<16xi32>, vector<16xi32>], vector<16xf32>,
        %get3A_617 = arith.index_cast %add3A_581 : i32 to index
        %get3A_618 = arith.constant 64 : index
        %get3A_619 = tpu.vector_load %arg7[%get3A_617, %get3A_618] {strides = array<i32>} : memref<64x128xf32, #tpu.memory_space<vmem>>, vector<16xf32>,
        tpu.vector_store_idx %arg12[%add3A_49, %and3A_10, %broadcast_in_dim3A], %get3A_619 : memref<38x8x64xf32, #tpu.memory_space<vmem>>[vector<16xi32>, vector<16xi32>, vector<16xi32>], vector<16xf32>,
        %get3A_620 = arith.index_cast %add3A_581 : i32 to index
        %get3A_621 = arith.constant 80 : index
        %get3A_622 = tpu.vector_load %arg7[%get3A_620, %get3A_621] {strides = array<i32>} : memref<64x128xf32, #tpu.memory_space<vmem>>, vector<16xf32>,
        tpu.vector_store_idx %arg12[%add3A_52, %and3A_10, %broadcast_in_dim3A], %get3A_622 : memref<38x8x64xf32, #tpu.memory_space<vmem>>[vector<16xi32>, vector<16xi32>, vector<16xi32>], vector<16xf32>,
        %get3A_623 = arith.index_cast %add3A_581 : i32 to index
        %get3A_624 = arith.constant 96 : index
        %get3A_625 = tpu.vector_load %arg7[%get3A_623, %get3A_624] {strides = array<i32>} : memref<64x128xf32, #tpu.memory_space<vmem>>, vector<16xf32>,
        tpu.vector_store_idx %arg12[%add3A_55, %and3A_10, %broadcast_in_dim3A], %get3A_625 : memref<38x8x64xf32, #tpu.memory_space<vmem>>[vector<16xi32>, vector<16xi32>, vector<16xi32>], vector<16xf32>,
        %get3A_626 = arith.index_cast %add3A_581 : i32 to index
        %get3A_627 = arith.constant 112 : index
        %get3A_628 = tpu.vector_load %arg7[%get3A_626, %get3A_627] {strides = array<i32>} : memref<64x128xf32, #tpu.memory_space<vmem>>, vector<16xf32>,
        tpu.vector_store_idx %arg12[%add3A_58, %and3A_10, %broadcast_in_dim3A], %get3A_628 : memref<38x8x64xf32, #tpu.memory_space<vmem>>[vector<16xi32>, vector<16xi32>, vector<16xi32>], vector<16xf32>,
        %get3A_629 = arith.index_cast %add3A_581 : i32 to index
        %get3A_630 = arith.constant 0 : index
        %get3A_631 = tpu.vector_load %arg8[%get3A_629, %get3A_630] {strides = array<i32>} : memref<64x128xf32, #tpu.memory_space<vmem>>, vector<16xf32>,
        tpu.vector_store_idx %arg12[%add3A_61, %and3A_10, %broadcast_in_dim3A], %get3A_631 : memref<38x8x64xf32, #tpu.memory_space<vmem>>[vector<16xi32>, vector<16xi32>, vector<16xi32>], vector<16xf32>,
        %get3A_632 = arith.index_cast %add3A_581 : i32 to index
        %get3A_633 = arith.constant 16 : index
        %get3A_634 = tpu.vector_load %arg8[%get3A_632, %get3A_633] {strides = array<i32>} : memref<64x128xf32, #tpu.memory_space<vmem>>, vector<16xf32>,
        tpu.vector_store_idx %arg12[%add3A_64, %and3A_10, %broadcast_in_dim3A], %get3A_634 : memref<38x8x64xf32, #tpu.memory_space<vmem>>[vector<16xi32>, vector<16xi32>, vector<16xi32>], vector<16xf32>,
        %get3A_635 = arith.index_cast %add3A_581 : i32 to index
        %get3A_636 = arith.constant 32 : index
        %get3A_637 = tpu.vector_load %arg8[%get3A_635, %get3A_636] {strides = array<i32>} : memref<64x128xf32, #tpu.memory_space<vmem>>, vector<16xf32>,
        tpu.vector_store_idx %arg12[%add3A_67, %and3A_10, %broadcast_in_dim3A], %get3A_637 : memref<38x8x64xf32, #tpu.memory_space<vmem>>[vector<16xi32>, vector<16xi32>, vector<16xi32>], vector<16xf32>,
        %scan3A_638 = arith.constant 1 : i32
        %scan3A_639 = arith.addi %scan3A_577, %scan3A_638 : i32
        %mul3A_640 = arith.constant 1 : i32
        %mul3A_641 = arith.muli %scan3A_639, %mul3A_640 : i32
        %add3A_642 = arith.constant 0 : i32
        %add3A_643 = arith.addi %add3A_642, %mul3A_641 : i32
        %broadcast_in_dim3A_644 = vector.broadcast %add3A_643 : i32 to vector<16xi32>
        %get3A_645 = arith.index_cast %add3A_643 : i32 to index
        %get3A_646 = arith.constant 0 : index
        %get3A_647 = tpu.vector_load %arg6[%get3A_645, %get3A_646] {strides = array<i32>} : memref<64x128xf32, #tpu.memory_space<vmem>>, vector<16xf32>,
        tpu.vector_store_idx %arg12[%add3A_13, %and3A_10, %broadcast_in_dim3A_644], %get3A_647 : memref<38x8x64xf32, #tpu.memory_space<vmem>>[vector<16xi32>, vector<16xi32>, vector<16xi32>], vector<16xf32>,
        %get3A_648 = arith.index_cast %add3A_643 : i32 to index
        %get3A_649 = arith.constant 16 : index
        %get3A_650 = tpu.vector_load %arg6[%get3A_648, %get3A_649] {strides = array<i32>} : memref<64x128xf32, #tpu.memory_space<vmem>>, vector<16xf32>,
        tpu.vector_store_idx %arg12[%add3A_16, %and3A_10, %broadcast_in_dim3A_644], %get3A_650 : memref<38x8x64xf32, #tpu.memory_space<vmem>>[vector<16xi32>, vector<16xi32>, vector<16xi32>], vector<16xf32>,
        %get3A_651 = arith.index_cast %add3A_643 : i32 to index
        %get3A_652 = arith.constant 32 : index
        %get3A_653 = tpu.vector_load %arg6[%get3A_651, %get3A_652] {strides = array<i32>} : memref<64x128xf32, #tpu.memory_space<vmem>>, vector<16xf32>,
        tpu.vector_store_idx %arg12[%add3A_19, %and3A_10, %broadcast_in_dim3A_644], %get3A_653 : memref<38x8x64xf32, #tpu.memory_space<vmem>>[vector<16xi32>, vector<16xi32>, vector<16xi32>], vector<16xf32>,
        %get3A_654 = arith.index_cast %add3A_643 : i32 to index
        %get3A_655 = arith.constant 48 : index
        %get3A_656 = tpu.vector_load %arg6[%get3A_654, %get3A_655] {strides = array<i32>} : memref<64x128xf32, #tpu.memory_space<vmem>>, vector<16xf32>,
        tpu.vector_store_idx %arg12[%add3A_22, %and3A_10, %broadcast_in_dim3A_644], %get3A_656 : memref<38x8x64xf32, #tpu.memory_space<vmem>>[vector<16xi32>, vector<16xi32>, vector<16xi32>], vector<16xf32>,
        %get3A_657 = arith.index_cast %add3A_643 : i32 to index
        %get3A_658 = arith.constant 64 : index
        %get3A_659 = tpu.vector_load %arg6[%get3A_657, %get3A_658] {strides = array<i32>} : memref<64x128xf32, #tpu.memory_space<vmem>>, vector<16xf32>,
        tpu.vector_store_idx %arg12[%add3A_25, %and3A_10, %broadcast_in_dim3A_644], %get3A_659 : memref<38x8x64xf32, #tpu.memory_space<vmem>>[vector<16xi32>, vector<16xi32>, vector<16xi32>], vector<16xf32>,
        %get3A_660 = arith.index_cast %add3A_643 : i32 to index
        %get3A_661 = arith.constant 80 : index
        %get3A_662 = tpu.vector_load %arg6[%get3A_660, %get3A_661] {strides = array<i32>} : memref<64x128xf32, #tpu.memory_space<vmem>>, vector<16xf32>,
        tpu.vector_store_idx %arg12[%add3A_28, %and3A_10, %broadcast_in_dim3A_644], %get3A_662 : memref<38x8x64xf32, #tpu.memory_space<vmem>>[vector<16xi32>, vector<16xi32>, vector<16xi32>], vector<16xf32>,
        %get3A_663 = arith.index_cast %add3A_643 : i32 to index
        %get3A_664 = arith.constant 96 : index
        %get3A_665 = tpu.vector_load %arg6[%get3A_663, %get3A_664] {strides = array<i32>} : memref<64x128xf32, #tpu.memory_space<vmem>>, vector<16xf32>,
        tpu.vector_store_idx %arg12[%add3A_31, %and3A_10, %broadcast_in_dim3A_644], %get3A_665 : memref<38x8x64xf32, #tpu.memory_space<vmem>>[vector<16xi32>, vector<16xi32>, vector<16xi32>], vector<16xf32>,
        %get3A_666 = arith.index_cast %add3A_643 : i32 to index
        %get3A_667 = arith.constant 112 : index
        %get3A_668 = tpu.vector_load %arg6[%get3A_666, %get3A_667] {strides = array<i32>} : memref<64x128xf32, #tpu.memory_space<vmem>>, vector<16xf32>,
        tpu.vector_store_idx %arg12[%add3A_34, %and3A_10, %broadcast_in_dim3A_644], %get3A_668 : memref<38x8x64xf32, #tpu.memory_space<vmem>>[vector<16xi32>, vector<16xi32>, vector<16xi32>], vector<16xf32>,
        %get3A_669 = arith.index_cast %add3A_643 : i32 to index
        %get3A_670 = arith.constant 0 : index
        %get3A_671 = tpu.vector_load %arg7[%get3A_669, %get3A_670] {strides = array<i32>} : memref<64x128xf32, #tpu.memory_space<vmem>>, vector<16xf32>,
        tpu.vector_store_idx %arg12[%add3A_37, %and3A_10, %broadcast_in_dim3A_644], %get3A_671 : memref<38x8x64xf32, #tpu.memory_space<vmem>>[vector<16xi32>, vector<16xi32>, vector<16xi32>], vector<16xf32>,
        %get3A_672 = arith.index_cast %add3A_643 : i32 to index
        %get3A_673 = arith.constant 16 : index
        %get3A_674 = tpu.vector_load %arg7[%get3A_672, %get3A_673] {strides = array<i32>} : memref<64x128xf32, #tpu.memory_space<vmem>>, vector<16xf32>,
        tpu.vector_store_idx %arg12[%add3A_40, %and3A_10, %broadcast_in_dim3A_644], %get3A_674 : memref<38x8x64xf32, #tpu.memory_space<vmem>>[vector<16xi32>, vector<16xi32>, vector<16xi32>], vector<16xf32>,
        %get3A_675 = arith.index_cast %add3A_643 : i32 to index
        %get3A_676 = arith.constant 32 : index
        %get3A_677 = tpu.vector_load %arg7[%get3A_675, %get3A_676] {strides = array<i32>} : memref<64x128xf32, #tpu.memory_space<vmem>>, vector<16xf32>,
        tpu.vector_store_idx %arg12[%add3A_43, %and3A_10, %broadcast_in_dim3A_644], %get3A_677 : memref<38x8x64xf32, #tpu.memory_space<vmem>>[vector<16xi32>, vector<16xi32>, vector<16xi32>], vector<16xf32>,
        %get3A_678 = arith.index_cast %add3A_643 : i32 to index
        %get3A_679 = arith.constant 48 : index
        %get3A_680 = tpu.vector_load %arg7[%get3A_678, %get3A_679] {strides = array<i32>} : memref<64x128xf32, #tpu.memory_space<vmem>>, vector<16xf32>,
        tpu.vector_store_idx %arg12[%add3A_46, %and3A_10, %broadcast_in_dim3A_644], %get3A_680 : memref<38x8x64xf32, #tpu.memory_space<vmem>>[vector<16xi32>, vector<16xi32>, vector<16xi32>], vector<16xf32>,
        %get3A_681 = arith.index_cast %add3A_643 : i32 to index
        %get3A_682 = arith.constant 64 : index
        %get3A_683 = tpu.vector_load %arg7[%get3A_681, %get3A_682] {strides = array<i32>} : memref<64x128xf32, #tpu.memory_space<vmem>>, vector<16xf32>,
        tpu.vector_store_idx %arg12[%add3A_49, %and3A_10, %broadcast_in_dim3A_644], %get3A_683 : memref<38x8x64xf32, #tpu.memory_space<vmem>>[vector<16xi32>, vector<16xi32>, vector<16xi32>], vector<16xf32>,
        %get3A_684 = arith.index_cast %add3A_643 : i32 to index
        %get3A_685 = arith.constant 80 : index
        %get3A_686 = tpu.vector_load %arg7[%get3A_684, %get3A_685] {strides = array<i32>} : memref<64x128xf32, #tpu.memory_space<vmem>>, vector<16xf32>,
        tpu.vector_store_idx %arg12[%add3A_52, %and3A_10, %broadcast_in_dim3A_644], %get3A_686 : memref<38x8x64xf32, #tpu.memory_space<vmem>>[vector<16xi32>, vector<16xi32>, vector<16xi32>], vector<16xf32>,
        %get3A_687 = arith.index_cast %add3A_643 : i32 to index
        %get3A_688 = arith.constant 96 : index
        %get3A_689 = tpu.vector_load %arg7[%get3A_687, %get3A_688] {strides = array<i32>} : memref<64x128xf32, #tpu.memory_space<vmem>>, vector<16xf32>,
        tpu.vector_store_idx %arg12[%add3A_55, %and3A_10, %broadcast_in_dim3A_644], %get3A_689 : memref<38x8x64xf32, #tpu.memory_space<vmem>>[vector<16xi32>, vector<16xi32>, vector<16xi32>], vector<16xf32>,
        %get3A_690 = arith.index_cast %add3A_643 : i32 to index
        %get3A_691 = arith.constant 112 : index
        %get3A_692 = tpu.vector_load %arg7[%get3A_690, %get3A_691] {strides = array<i32>} : memref<64x128xf32, #tpu.memory_space<vmem>>, vector<16xf32>,
        tpu.vector_store_idx %arg12[%add3A_58, %and3A_10, %broadcast_in_dim3A_644], %get3A_692 : memref<38x8x64xf32, #tpu.memory_space<vmem>>[vector<16xi32>, vector<16xi32>, vector<16xi32>], vector<16xf32>,
        %get3A_693 = arith.index_cast %add3A_643 : i32 to index
        %get3A_694 = arith.constant 0 : index
        %get3A_695 = tpu.vector_load %arg8[%get3A_693, %get3A_694] {strides = array<i32>} : memref<64x128xf32, #tpu.memory_space<vmem>>, vector<16xf32>,
        tpu.vector_store_idx %arg12[%add3A_61, %and3A_10, %broadcast_in_dim3A_644], %get3A_695 : memref<38x8x64xf32, #tpu.memory_space<vmem>>[vector<16xi32>, vector<16xi32>, vector<16xi32>], vector<16xf32>,
        %get3A_696 = arith.index_cast %add3A_643 : i32 to index
        %get3A_697 = arith.constant 16 : index
        %get3A_698 = tpu.vector_load %arg8[%get3A_696, %get3A_697] {strides = array<i32>} : memref<64x128xf32, #tpu.memory_space<vmem>>, vector<16xf32>,
        tpu.vector_store_idx %arg12[%add3A_64, %and3A_10, %broadcast_in_dim3A_644], %get3A_698 : memref<38x8x64xf32, #tpu.memory_space<vmem>>[vector<16xi32>, vector<16xi32>, vector<16xi32>], vector<16xf32>,
        %get3A_699 = arith.index_cast %add3A_643 : i32 to index
        %get3A_700 = arith.constant 32 : index
        %get3A_701 = tpu.vector_load %arg8[%get3A_699, %get3A_700] {strides = array<i32>} : memref<64x128xf32, #tpu.memory_space<vmem>>, vector<16xf32>,
        tpu.vector_store_idx %arg12[%add3A_67, %and3A_10, %broadcast_in_dim3A_644], %get3A_701 : memref<38x8x64xf32, #tpu.memory_space<vmem>>[vector<16xi32>, vector<16xi32>, vector<16xi32>], vector<16xf32>,
      }
      %scan3A_347 = arith.constant 64 : i32
      %mul3A_348 = arith.constant 100 : i32
      %mul3A_349 = arith.muli %add3A, %mul3A_348 : i32
      %add3A_350 = arith.addi %mul3A_349, %add3A_309 : i32
      %jit3A_351 = arith.constant 64 : i32
      %div3A_352 = arith.divsi %add3A_350, %jit3A_351 : i32
      %sign3A_353 = arith.constant 0 : i32
      %sign3A_354 = arith.cmpi sgt, %add3A_350, %sign3A_353 : i32
      %sign3A_355 = arith.extui %sign3A_354 : i1 to i32
      %sign3A_356 = arith.constant 0 : i32
      %sign3A_357 = arith.cmpi slt, %add3A_350, %sign3A_356 : i32
      %sign3A_358 = arith.extui %sign3A_357 : i1 to i32
      %sign3A_359 = arith.subi %sign3A_355, %sign3A_358 : i32
      %sign3A_360 = arith.constant 0 : i32
      %sign3A_361 = arith.cmpi sgt, %jit3A_351, %sign3A_360 : i32
      %sign3A_362 = arith.extui %sign3A_361 : i1 to i32
      %sign3A_363 = arith.constant 0 : i32
      %sign3A_364 = arith.cmpi slt, %jit3A_351, %sign3A_363 : i32
      %sign3A_365 = arith.extui %sign3A_364 : i1 to i32
      %sign3A_366 = arith.subi %sign3A_362, %sign3A_365 : i32
      %ne3A_367 = arith.cmpi ne, %sign3A_359, %sign3A_366 : i32
      %rem3A_368 = arith.remsi %add3A_350, %jit3A_351 : i32
      %ne3A_369 = arith.constant 0 : i32
      %ne3A_370 = arith.cmpi ne, %rem3A_368, %ne3A_369 : i32
      %and3A_371 = arith.andi %ne3A_367, %ne3A_370 : i1
      %sub3A_372 = arith.constant 1 : i32
      %sub3A_373 = arith.subi %div3A_352, %sub3A_372 : i32
      %select_n3A_374 = arith.select %and3A_371, %sub3A_373, %div3A_352 : i32
      %jit3A_375 = arith.constant 64 : i32
      %eq3A_376 = arith.constant 0 : i32
      %eq3A_377 = arith.cmpi eq, %jit3A_375, %eq3A_376 : i32
      %jit3A_378 = arith.constant 1 : i32
      %select_n3A_379 = arith.select %eq3A_377, %jit3A_378, %jit3A_375 : i32
      %rem3A_380 = arith.remsi %add3A_350, %select_n3A_379 : i32
      %ne3A_381 = arith.constant 0 : i32
      %ne3A_382 = arith.cmpi ne, %rem3A_380, %ne3A_381 : i32
      %lt3A_383 = arith.constant 0 : i32
      %lt3A_384 = arith.cmpi slt, %rem3A_380, %lt3A_383 : i32
      %lt3A_385 = arith.constant 0 : i32
      %lt3A_386 = arith.cmpi slt, %select_n3A_379, %lt3A_385 : i32
      %ne3A_387 = arith.xori %lt3A_384, %lt3A_386 : i1
      %and3A_388 = arith.andi %ne3A_387, %ne3A_382 : i1
      %add3A_389 = arith.addi %rem3A_380, %select_n3A_379 : i32
      %select_n3A_390 = arith.select %and3A_388, %add3A_389, %rem3A_380 : i32
      %jit3A_391 = arith.constant 2 : i32
      %div3A_392 = arith.divsi %select_n3A_390, %jit3A_391 : i32
      %sign3A_393 = arith.constant 0 : i32
      %sign3A_394 = arith.cmpi sgt, %select_n3A_390, %sign3A_393 : i32
      %sign3A_395 = arith.extui %sign3A_394 : i1 to i32
      %sign3A_396 = arith.constant 0 : i32
      %sign3A_397 = arith.cmpi slt, %select_n3A_390, %sign3A_396 : i32
      %sign3A_398 = arith.extui %sign3A_397 : i1 to i32
      %sign3A_399 = arith.subi %sign3A_395, %sign3A_398 : i32
      %sign3A_400 = arith.constant 0 : i32
      %sign3A_401 = arith.cmpi sgt, %jit3A_391, %sign3A_400 : i32
      %sign3A_402 = arith.extui %sign3A_401 : i1 to i32
      %sign3A_403 = arith.constant 0 : i32
      %sign3A_404 = arith.cmpi slt, %jit3A_391, %sign3A_403 : i32
      %sign3A_405 = arith.extui %sign3A_404 : i1 to i32
      %sign3A_406 = arith.subi %sign3A_402, %sign3A_405 : i32
      %ne3A_407 = arith.cmpi ne, %sign3A_399, %sign3A_406 : i32
      %rem3A_408 = arith.remsi %select_n3A_390, %jit3A_391 : i32
      %ne3A_409 = arith.constant 0 : i32
      %ne3A_410 = arith.cmpi ne, %rem3A_408, %ne3A_409 : i32
      %and3A_411 = arith.andi %ne3A_407, %ne3A_410 : i1
      %sub3A_412 = arith.constant 1 : i32
      %sub3A_413 = arith.subi %div3A_392, %sub3A_412 : i32
      %select_n3A_414 = arith.select %and3A_411, %sub3A_413, %div3A_392 : i32
      %jit3A_415 = arith.constant 2 : i32
      %eq3A_416 = arith.constant 0 : i32
      %eq3A_417 = arith.cmpi eq, %jit3A_415, %eq3A_416 : i32
      %jit3A_418 = arith.constant 1 : i32
      %select_n3A_419 = arith.select %eq3A_417, %jit3A_418, %jit3A_415 : i32
      %rem3A_420 = arith.remsi %select_n3A_390, %select_n3A_419 : i32
      %ne3A_421 = arith.constant 0 : i32
      %ne3A_422 = arith.cmpi ne, %rem3A_420, %ne3A_421 : i32
      %lt3A_423 = arith.constant 0 : i32
      %lt3A_424 = arith.cmpi slt, %rem3A_420, %lt3A_423 : i32
      %lt3A_425 = arith.constant 0 : i32
      %lt3A_426 = arith.cmpi slt, %select_n3A_419, %lt3A_425 : i32
      %ne3A_427 = arith.xori %lt3A_424, %lt3A_426 : i1
      %and3A_428 = arith.andi %ne3A_427, %ne3A_422 : i1
      %add3A_429 = arith.addi %rem3A_420, %select_n3A_419 : i32
      %select_n3A_430 = arith.select %and3A_428, %add3A_429, %rem3A_420 : i32
      %mul3A_431 = arith.constant 64 : i32
      %mul3A_432 = arith.muli %select_n3A_430, %mul3A_431 : i32
      %dma_start3A_433 = arith.constant 0 : i32
      %dma_start3A_434 = arith.constant 0 : i32
      %dma_start3A_435 = tpu.memref_slice %arg4[%select_n3A_374, %dma_start3A_433, %select_n3A_414, %dma_start3A_434, %mul3A_432] : memref<50x38x32x8x128xf32, #tpu.memory_space<hbm>> -> memref<1x38x1x8x64xf32, #tpu.memory_space<hbm>>
      %dma_start3A_436 = tpu.memref_squeeze %dma_start3A_435 : memref<1x38x1x8x64xf32, #tpu.memory_space<hbm>> -> memref<38x8x64xf32, #tpu.memory_space<hbm>>
      %dma_start3A_437 = arith.constant 0 : i32
      %dma_start3A_438 = arith.constant 0 : i32
      %dma_start3A_439 = tpu.memref_slice %arg4[%select_n3A_374, %dma_start3A_437, %select_n3A_414, %dma_start3A_438, %mul3A_432] : memref<50x38x32x8x128xf32, #tpu.memory_space<hbm>> -> memref<1x38x1x8x64xf32, #tpu.memory_space<hbm>>
      %dma_start3A_440 = tpu.memref_squeeze %dma_start3A_439 : memref<1x38x1x8x64xf32, #tpu.memory_space<hbm>> -> memref<38x8x64xf32, #tpu.memory_space<hbm>>
      tpu.enqueue_dma source(%arg12 : memref<38x8x64xf32, #tpu.memory_space<vmem>>) target(%dma_start3A_440 : memref<38x8x64xf32, #tpu.memory_space<hbm>>) target_semaphore(%arg16 : memref<!tpu.dma_semaphore, #tpu.memory_space<semaphore_mem>>)
      %add3A_441 = arith.constant 1 : i32
      %add3A_442 = arith.addi %add3A_307, %add3A_441 : i32
      %add3A_443 = arith.constant 1 : i32
      %add3A_444 = arith.addi %add3A_442, %add3A_443 : i32
      %lt3A_445 = arith.constant 100 : i32
      %lt3A_446 = arith.cmpi slt, %add3A_444, %lt3A_445 : i32
      %convert_element_type3A_447 = arith.extui %lt3A_446 : i1 to i32
      %cond3A_448 = arith.constant 0 : i32
      %cond3A_449 = arith.cmpi ne, %convert_element_type3A_447, %cond3A_448 : i32
      scf.if %cond3A_449 {
        %add3A_577 = arith.constant 1 : i32
        %add3A_578 = arith.addi %add3A_442, %add3A_577 : i32
        %mul3A_579 = arith.constant 192 : i32
        %mul3A_580 = arith.muli %add3A_578, %mul3A_579 : i32
        %add3A_581 = arith.constant 0 : i32
        %add3A_582 = arith.addi %mul3A_580, %add3A_581 : i32
        %dma_start3A_583 = tpu.memref_slice %arg5[%add3A_582] : memref<19200xi32, #tpu.memory_space<vmem>> -> memref<64xi32, #tpu.memory_space<vmem>>
        %dma_start3A_584 = arith.constant 0 : i32
        %dma_start3A_585 = arith.constant 0 : i32
        %dma_start3A_586 = tpu.memref_slice %arg3[%dma_start3A_584, %dma_start3A_585] : memref<300000x128xf32, #tpu.memory_space<hbm>> -> memref<300000x128xf32, #tpu.memory_space<hbm>>
        tpu.enqueue_indirect_dma source(%dma_start3A_586 : memref<300000x128xf32, #tpu.memory_space<hbm>>) target(%arg6 : memref<64x128xf32, #tpu.memory_space<vmem>>) offsets(%dma_start3A_583 : memref<64xi32, #tpu.memory_space<vmem>>) semaphore(%arg14 : memref<!tpu.dma_semaphore, #tpu.memory_space<semaphore_mem>>)
        %mul3A_587 = arith.constant 192 : i32
        %mul3A_588 = arith.muli %add3A_578, %mul3A_587 : i32
        %add3A_589 = arith.constant 64 : i32
        %add3A_590 = arith.addi %mul3A_588, %add3A_589 : i32
        %dma_start3A_591 = tpu.memref_slice %arg5[%add3A_590] : memref<19200xi32, #tpu.memory_space<vmem>> -> memref<64xi32, #tpu.memory_space<vmem>>
        %dma_start3A_592 = arith.constant 0 : i32
        %dma_start3A_593 = arith.constant 0 : i32
        %dma_start3A_594 = tpu.memref_slice %arg3[%dma_start3A_592, %dma_start3A_593] : memref<300000x128xf32, #tpu.memory_space<hbm>> -> memref<300000x128xf32, #tpu.memory_space<hbm>>
        tpu.enqueue_indirect_dma source(%dma_start3A_594 : memref<300000x128xf32, #tpu.memory_space<hbm>>) target(%arg7 : memref<64x128xf32, #tpu.memory_space<vmem>>) offsets(%dma_start3A_591 : memref<64xi32, #tpu.memory_space<vmem>>) semaphore(%arg14 : memref<!tpu.dma_semaphore, #tpu.memory_space<semaphore_mem>>)
        %mul3A_595 = arith.constant 192 : i32
        %mul3A_596 = arith.muli %add3A_578, %mul3A_595 : i32
        %add3A_597 = arith.constant 128 : i32
        %add3A_598 = arith.addi %mul3A_596, %add3A_597 : i32
        %dma_start3A_599 = tpu.memref_slice %arg5[%add3A_598] : memref<19200xi32, #tpu.memory_space<vmem>> -> memref<64xi32, #tpu.memory_space<vmem>>
        %dma_start3A_600 = arith.constant 0 : i32
        %dma_start3A_601 = arith.constant 0 : i32
        %dma_start3A_602 = tpu.memref_slice %arg3[%dma_start3A_600, %dma_start3A_601] : memref<300000x128xf32, #tpu.memory_space<hbm>> -> memref<300000x128xf32, #tpu.memory_space<hbm>>
        tpu.enqueue_indirect_dma source(%dma_start3A_602 : memref<300000x128xf32, #tpu.memory_space<hbm>>) target(%arg8 : memref<64x128xf32, #tpu.memory_space<vmem>>) offsets(%dma_start3A_599 : memref<64xi32, #tpu.memory_space<vmem>>) semaphore(%arg14 : memref<!tpu.dma_semaphore, #tpu.memory_space<semaphore_mem>>)
      } else {
      }
      %mul3A_450 = arith.constant 192 : i32
      %mul3A_451 = arith.muli %add3A_442, %mul3A_450 : i32
      %add3A_452 = arith.constant 0 : i32
      %add3A_453 = arith.addi %mul3A_451, %add3A_452 : i32
      %dma_wait3A_454 = tpu.memref_slice %arg5[%add3A_453] : memref<19200xi32, #tpu.memory_space<vmem>> -> memref<64xi32, #tpu.memory_space<vmem>>
      %dma_wait3A_455 = arith.constant 0 : i32
      %dma_wait3A_456 = arith.constant 0 : i32
      %dma_wait3A_457 = tpu.memref_slice %arg3[%dma_wait3A_455, %dma_wait3A_456] : memref<300000x128xf32, #tpu.memory_space<hbm>> -> memref<300000x128xf32, #tpu.memory_space<hbm>>
      tpu.wait_indirect_dma semaphore(%arg15 : memref<!tpu.dma_semaphore, #tpu.memory_space<semaphore_mem>>) src(%dma_wait3A_457 : memref<300000x128xf32, #tpu.memory_space<hbm>>) dst(%arg9 : memref<64x128xf32, #tpu.memory_space<vmem>>)
      %mul3A_458 = arith.constant 192 : i32
      %mul3A_459 = arith.muli %add3A_442, %mul3A_458 : i32
      %add3A_460 = arith.constant 64 : i32
      %add3A_461 = arith.addi %mul3A_459, %add3A_460 : i32
      %dma_wait3A_462 = tpu.memref_slice %arg5[%add3A_461] : memref<19200xi32, #tpu.memory_space<vmem>> -> memref<64xi32, #tpu.memory_space<vmem>>
      %dma_wait3A_463 = arith.constant 0 : i32
      %dma_wait3A_464 = arith.constant 0 : i32
      %dma_wait3A_465 = tpu.memref_slice %arg3[%dma_wait3A_463, %dma_wait3A_464] : memref<300000x128xf32, #tpu.memory_space<hbm>> -> memref<300000x128xf32, #tpu.memory_space<hbm>>
      tpu.wait_indirect_dma semaphore(%arg15 : memref<!tpu.dma_semaphore, #tpu.memory_space<semaphore_mem>>) src(%dma_wait3A_465 : memref<300000x128xf32, #tpu.memory_space<hbm>>) dst(%arg10 : memref<64x128xf32, #tpu.memory_space<vmem>>)
      %mul3A_466 = arith.constant 192 : i32
      %mul3A_467 = arith.muli %add3A_442, %mul3A_466 : i32
      %add3A_468 = arith.constant 128 : i32
      %add3A_469 = arith.addi %mul3A_467, %add3A_468 : i32
      %dma_wait3A_470 = tpu.memref_slice %arg5[%add3A_469] : memref<19200xi32, #tpu.memory_space<vmem>> -> memref<64xi32, #tpu.memory_space<vmem>>
      %dma_wait3A_471 = arith.constant 0 : i32
      %dma_wait3A_472 = arith.constant 0 : i32
      %dma_wait3A_473 = tpu.memref_slice %arg3[%dma_wait3A_471, %dma_wait3A_472] : memref<300000x128xf32, #tpu.memory_space<hbm>> -> memref<300000x128xf32, #tpu.memory_space<hbm>>
      tpu.wait_indirect_dma semaphore(%arg15 : memref<!tpu.dma_semaphore, #tpu.memory_space<semaphore_mem>>) src(%dma_wait3A_473 : memref<300000x128xf32, #tpu.memory_space<hbm>>) dst(%arg11 : memref<64x128xf32, #tpu.memory_space<vmem>>)
      %ge3A_474 = arith.constant 2 : i32
      %ge3A_475 = arith.cmpi sge, %add3A_442, %ge3A_474 : i32
      %convert_element_type3A_476 = arith.extui %ge3A_475 : i1 to i32
      %cond3A_477 = arith.constant 0 : i32
      %cond3A_478 = arith.cmpi ne, %convert_element_type3A_476, %cond3A_477 : i32
      scf.if %cond3A_478 {
        %sub3A_577 = arith.constant 2 : i32
        %sub3A_578 = arith.subi %add3A_442, %sub3A_577 : i32
        %mul3A_579 = arith.constant 100 : i32
        %mul3A_580 = arith.muli %add3A, %mul3A_579 : i32
        %add3A_581 = arith.addi %mul3A_580, %sub3A_578 : i32
        %jit3A_582 = arith.constant 64 : i32
        %div3A_583 = arith.divsi %add3A_581, %jit3A_582 : i32
        %sign3A_584 = arith.constant 0 : i32
        %sign3A_585 = arith.cmpi sgt, %add3A_581, %sign3A_584 : i32
        %sign3A_586 = arith.extui %sign3A_585 : i1 to i32
        %sign3A_587 = arith.constant 0 : i32
        %sign3A_588 = arith.cmpi slt, %add3A_581, %sign3A_587 : i32
        %sign3A_589 = arith.extui %sign3A_588 : i1 to i32
        %sign3A_590 = arith.subi %sign3A_586, %sign3A_589 : i32
        %sign3A_591 = arith.constant 0 : i32
        %sign3A_592 = arith.cmpi sgt, %jit3A_582, %sign3A_591 : i32
        %sign3A_593 = arith.extui %sign3A_592 : i1 to i32
        %sign3A_594 = arith.constant 0 : i32
        %sign3A_595 = arith.cmpi slt, %jit3A_582, %sign3A_594 : i32
        %sign3A_596 = arith.extui %sign3A_595 : i1 to i32
        %sign3A_597 = arith.subi %sign3A_593, %sign3A_596 : i32
        %ne3A_598 = arith.cmpi ne, %sign3A_590, %sign3A_597 : i32
        %rem3A_599 = arith.remsi %add3A_581, %jit3A_582 : i32
        %ne3A_600 = arith.constant 0 : i32
        %ne3A_601 = arith.cmpi ne, %rem3A_599, %ne3A_600 : i32
        %and3A_602 = arith.andi %ne3A_598, %ne3A_601 : i1
        %sub3A_603 = arith.constant 1 : i32
        %sub3A_604 = arith.subi %div3A_583, %sub3A_603 : i32
        %select_n3A_605 = arith.select %and3A_602, %sub3A_604, %div3A_583 : i32
        %jit3A_606 = arith.constant 64 : i32
        %eq3A_607 = arith.constant 0 : i32
        %eq3A_608 = arith.cmpi eq, %jit3A_606, %eq3A_607 : i32
        %jit3A_609 = arith.constant 1 : i32
        %select_n3A_610 = arith.select %eq3A_608, %jit3A_609, %jit3A_606 : i32
        %rem3A_611 = arith.remsi %add3A_581, %select_n3A_610 : i32
        %ne3A_612 = arith.constant 0 : i32
        %ne3A_613 = arith.cmpi ne, %rem3A_611, %ne3A_612 : i32
        %lt3A_614 = arith.constant 0 : i32
        %lt3A_615 = arith.cmpi slt, %rem3A_611, %lt3A_614 : i32
        %lt3A_616 = arith.constant 0 : i32
        %lt3A_617 = arith.cmpi slt, %select_n3A_610, %lt3A_616 : i32
        %ne3A_618 = arith.xori %lt3A_615, %lt3A_617 : i1
        %and3A_619 = arith.andi %ne3A_618, %ne3A_613 : i1
        %add3A_620 = arith.addi %rem3A_611, %select_n3A_610 : i32
        %select_n3A_621 = arith.select %and3A_619, %add3A_620, %rem3A_611 : i32
        %jit3A_622 = arith.constant 2 : i32
        %div3A_623 = arith.divsi %select_n3A_621, %jit3A_622 : i32
        %sign3A_624 = arith.constant 0 : i32
        %sign3A_625 = arith.cmpi sgt, %select_n3A_621, %sign3A_624 : i32
        %sign3A_626 = arith.extui %sign3A_625 : i1 to i32
        %sign3A_627 = arith.constant 0 : i32
        %sign3A_628 = arith.cmpi slt, %select_n3A_621, %sign3A_627 : i32
        %sign3A_629 = arith.extui %sign3A_628 : i1 to i32
        %sign3A_630 = arith.subi %sign3A_626, %sign3A_629 : i32
        %sign3A_631 = arith.constant 0 : i32
        %sign3A_632 = arith.cmpi sgt, %jit3A_622, %sign3A_631 : i32
        %sign3A_633 = arith.extui %sign3A_632 : i1 to i32
        %sign3A_634 = arith.constant 0 : i32
        %sign3A_635 = arith.cmpi slt, %jit3A_622, %sign3A_634 : i32
        %sign3A_636 = arith.extui %sign3A_635 : i1 to i32
        %sign3A_637 = arith.subi %sign3A_633, %sign3A_636 : i32
        %ne3A_638 = arith.cmpi ne, %sign3A_630, %sign3A_637 : i32
        %rem3A_639 = arith.remsi %select_n3A_621, %jit3A_622 : i32
        %ne3A_640 = arith.constant 0 : i32
        %ne3A_641 = arith.cmpi ne, %rem3A_639, %ne3A_640 : i32
        %and3A_642 = arith.andi %ne3A_638, %ne3A_641 : i1
        %sub3A_643 = arith.constant 1 : i32
        %sub3A_644 = arith.subi %div3A_623, %sub3A_643 : i32
        %select_n3A_645 = arith.select %and3A_642, %sub3A_644, %div3A_623 : i32
        %jit3A_646 = arith.constant 2 : i32
        %eq3A_647 = arith.constant 0 : i32
        %eq3A_648 = arith.cmpi eq, %jit3A_646, %eq3A_647 : i32
        %jit3A_649 = arith.constant 1 : i32
        %select_n3A_650 = arith.select %eq3A_648, %jit3A_649, %jit3A_646 : i32
        %rem3A_651 = arith.remsi %select_n3A_621, %select_n3A_650 : i32
        %ne3A_652 = arith.constant 0 : i32
        %ne3A_653 = arith.cmpi ne, %rem3A_651, %ne3A_652 : i32
        %lt3A_654 = arith.constant 0 : i32
        %lt3A_655 = arith.cmpi slt, %rem3A_651, %lt3A_654 : i32
        %lt3A_656 = arith.constant 0 : i32
        %lt3A_657 = arith.cmpi slt, %select_n3A_650, %lt3A_656 : i32
        %ne3A_658 = arith.xori %lt3A_655, %lt3A_657 : i1
        %and3A_659 = arith.andi %ne3A_658, %ne3A_653 : i1
        %add3A_660 = arith.addi %rem3A_651, %select_n3A_650 : i32
        %select_n3A_661 = arith.select %and3A_659, %add3A_660, %rem3A_651 : i32
        %mul3A_662 = arith.constant 64 : i32
        %mul3A_663 = arith.muli %select_n3A_661, %mul3A_662 : i32
        %dma_wait3A_664 = arith.constant 0 : i32
        %dma_wait3A_665 = arith.constant 0 : i32
        %dma_wait3A_666 = tpu.memref_slice %arg4[%select_n3A_605, %dma_wait3A_664, %select_n3A_645, %dma_wait3A_665, %mul3A_663] : memref<50x38x32x8x128xf32, #tpu.memory_space<hbm>> -> memref<1x38x1x8x64xf32, #tpu.memory_space<hbm>>
        %dma_wait3A_667 = tpu.memref_squeeze %dma_wait3A_666 : memref<1x38x1x8x64xf32, #tpu.memory_space<hbm>> -> memref<38x8x64xf32, #tpu.memory_space<hbm>>
        %dma_wait3A_668 = arith.constant 0 : i32
        %dma_wait3A_669 = arith.constant 0 : i32
        %dma_wait3A_670 = tpu.memref_slice %arg4[%select_n3A_605, %dma_wait3A_668, %select_n3A_645, %dma_wait3A_669, %mul3A_663] : memref<50x38x32x8x128xf32, #tpu.memory_space<hbm>> -> memref<1x38x1x8x64xf32, #tpu.memory_space<hbm>>
        %dma_wait3A_671 = tpu.memref_squeeze %dma_wait3A_670 : memref<1x38x1x8x64xf32, #tpu.memory_space<hbm>> -> memref<38x8x64xf32, #tpu.memory_space<hbm>>
        tpu.wait_dma2 semaphore(%arg17 : memref<!tpu.dma_semaphore, #tpu.memory_space<semaphore_mem>>) src(%arg13 : memref<38x8x64xf32, #tpu.memory_space<vmem>>) dst(%dma_wait3A_671 : memref<38x8x64xf32, #tpu.memory_space<hbm>>)
      } else {
      }
      %scan3A_479 = arith.constant 0 : i32
      %scan3A_480 = arith.constant 64 : i32
      %scan3A_481 = arith.addi %scan3A_479, %scan3A_480 : i32
      %scan3A_482 = arith.constant 2 : i32
      scf.for %scan3A_577 = %scan3A_479 to %scan3A_481 step %scan3A_482  : i32 {
        %mul3A_578 = arith.constant 1 : i32
        %mul3A_579 = arith.muli %scan3A_577, %mul3A_578 : i32
        %add3A_580 = arith.constant 0 : i32
        %add3A_581 = arith.addi %add3A_580, %mul3A_579 : i32
        %broadcast_in_dim3A = vector.broadcast %add3A_581 : i32 to vector<16xi32>
        %get3A = arith.index_cast %add3A_581 : i32 to index
        %get3A_582 = arith.constant 0 : index
        %get3A_583 = tpu.vector_load %arg9[%get3A, %get3A_582] {strides = array<i32>} : memref<64x128xf32, #tpu.memory_space<vmem>>, vector<16xf32>,
        tpu.vector_store_idx %arg13[%add3A_13, %and3A_10, %broadcast_in_dim3A], %get3A_583 : memref<38x8x64xf32, #tpu.memory_space<vmem>>[vector<16xi32>, vector<16xi32>, vector<16xi32>], vector<16xf32>,
        %get3A_584 = arith.index_cast %add3A_581 : i32 to index
        %get3A_585 = arith.constant 16 : index
        %get3A_586 = tpu.vector_load %arg9[%get3A_584, %get3A_585] {strides = array<i32>} : memref<64x128xf32, #tpu.memory_space<vmem>>, vector<16xf32>,
        tpu.vector_store_idx %arg13[%add3A_16, %and3A_10, %broadcast_in_dim3A], %get3A_586 : memref<38x8x64xf32, #tpu.memory_space<vmem>>[vector<16xi32>, vector<16xi32>, vector<16xi32>], vector<16xf32>,
        %get3A_587 = arith.index_cast %add3A_581 : i32 to index
        %get3A_588 = arith.constant 32 : index
        %get3A_589 = tpu.vector_load %arg9[%get3A_587, %get3A_588] {strides = array<i32>} : memref<64x128xf32, #tpu.memory_space<vmem>>, vector<16xf32>,
        tpu.vector_store_idx %arg13[%add3A_19, %and3A_10, %broadcast_in_dim3A], %get3A_589 : memref<38x8x64xf32, #tpu.memory_space<vmem>>[vector<16xi32>, vector<16xi32>, vector<16xi32>], vector<16xf32>,
        %get3A_590 = arith.index_cast %add3A_581 : i32 to index
        %get3A_591 = arith.constant 48 : index
        %get3A_592 = tpu.vector_load %arg9[%get3A_590, %get3A_591] {strides = array<i32>} : memref<64x128xf32, #tpu.memory_space<vmem>>, vector<16xf32>,
        tpu.vector_store_idx %arg13[%add3A_22, %and3A_10, %broadcast_in_dim3A], %get3A_592 : memref<38x8x64xf32, #tpu.memory_space<vmem>>[vector<16xi32>, vector<16xi32>, vector<16xi32>], vector<16xf32>,
        %get3A_593 = arith.index_cast %add3A_581 : i32 to index
        %get3A_594 = arith.constant 64 : index
        %get3A_595 = tpu.vector_load %arg9[%get3A_593, %get3A_594] {strides = array<i32>} : memref<64x128xf32, #tpu.memory_space<vmem>>, vector<16xf32>,
        tpu.vector_store_idx %arg13[%add3A_25, %and3A_10, %broadcast_in_dim3A], %get3A_595 : memref<38x8x64xf32, #tpu.memory_space<vmem>>[vector<16xi32>, vector<16xi32>, vector<16xi32>], vector<16xf32>,
        %get3A_596 = arith.index_cast %add3A_581 : i32 to index
        %get3A_597 = arith.constant 80 : index
        %get3A_598 = tpu.vector_load %arg9[%get3A_596, %get3A_597] {strides = array<i32>} : memref<64x128xf32, #tpu.memory_space<vmem>>, vector<16xf32>,
        tpu.vector_store_idx %arg13[%add3A_28, %and3A_10, %broadcast_in_dim3A], %get3A_598 : memref<38x8x64xf32, #tpu.memory_space<vmem>>[vector<16xi32>, vector<16xi32>, vector<16xi32>], vector<16xf32>,
        %get3A_599 = arith.index_cast %add3A_581 : i32 to index
        %get3A_600 = arith.constant 96 : index
        %get3A_601 = tpu.vector_load %arg9[%get3A_599, %get3A_600] {strides = array<i32>} : memref<64x128xf32, #tpu.memory_space<vmem>>, vector<16xf32>,
        tpu.vector_store_idx %arg13[%add3A_31, %and3A_10, %broadcast_in_dim3A], %get3A_601 : memref<38x8x64xf32, #tpu.memory_space<vmem>>[vector<16xi32>, vector<16xi32>, vector<16xi32>], vector<16xf32>,
        %get3A_602 = arith.index_cast %add3A_581 : i32 to index
        %get3A_603 = arith.constant 112 : index
        %get3A_604 = tpu.vector_load %arg9[%get3A_602, %get3A_603] {strides = array<i32>} : memref<64x128xf32, #tpu.memory_space<vmem>>, vector<16xf32>,
        tpu.vector_store_idx %arg13[%add3A_34, %and3A_10, %broadcast_in_dim3A], %get3A_604 : memref<38x8x64xf32, #tpu.memory_space<vmem>>[vector<16xi32>, vector<16xi32>, vector<16xi32>], vector<16xf32>,
        %get3A_605 = arith.index_cast %add3A_581 : i32 to index
        %get3A_606 = arith.constant 0 : index
        %get3A_607 = tpu.vector_load %arg10[%get3A_605, %get3A_606] {strides = array<i32>} : memref<64x128xf32, #tpu.memory_space<vmem>>, vector<16xf32>,
        tpu.vector_store_idx %arg13[%add3A_37, %and3A_10, %broadcast_in_dim3A], %get3A_607 : memref<38x8x64xf32, #tpu.memory_space<vmem>>[vector<16xi32>, vector<16xi32>, vector<16xi32>], vector<16xf32>,
        %get3A_608 = arith.index_cast %add3A_581 : i32 to index
        %get3A_609 = arith.constant 16 : index
        %get3A_610 = tpu.vector_load %arg10[%get3A_608, %get3A_609] {strides = array<i32>} : memref<64x128xf32, #tpu.memory_space<vmem>>, vector<16xf32>,
        tpu.vector_store_idx %arg13[%add3A_40, %and3A_10, %broadcast_in_dim3A], %get3A_610 : memref<38x8x64xf32, #tpu.memory_space<vmem>>[vector<16xi32>, vector<16xi32>, vector<16xi32>], vector<16xf32>,
        %get3A_611 = arith.index_cast %add3A_581 : i32 to index
        %get3A_612 = arith.constant 32 : index
        %get3A_613 = tpu.vector_load %arg10[%get3A_611, %get3A_612] {strides = array<i32>} : memref<64x128xf32, #tpu.memory_space<vmem>>, vector<16xf32>,
        tpu.vector_store_idx %arg13[%add3A_43, %and3A_10, %broadcast_in_dim3A], %get3A_613 : memref<38x8x64xf32, #tpu.memory_space<vmem>>[vector<16xi32>, vector<16xi32>, vector<16xi32>], vector<16xf32>,
        %get3A_614 = arith.index_cast %add3A_581 : i32 to index
        %get3A_615 = arith.constant 48 : index
        %get3A_616 = tpu.vector_load %arg10[%get3A_614, %get3A_615] {strides = array<i32>} : memref<64x128xf32, #tpu.memory_space<vmem>>, vector<16xf32>,
        tpu.vector_store_idx %arg13[%add3A_46, %and3A_10, %broadcast_in_dim3A], %get3A_616 : memref<38x8x64xf32, #tpu.memory_space<vmem>>[vector<16xi32>, vector<16xi32>, vector<16xi32>], vector<16xf32>,
        %get3A_617 = arith.index_cast %add3A_581 : i32 to index
        %get3A_618 = arith.constant 64 : index
        %get3A_619 = tpu.vector_load %arg10[%get3A_617, %get3A_618] {strides = array<i32>} : memref<64x128xf32, #tpu.memory_space<vmem>>, vector<16xf32>,
        tpu.vector_store_idx %arg13[%add3A_49, %and3A_10, %broadcast_in_dim3A], %get3A_619 : memref<38x8x64xf32, #tpu.memory_space<vmem>>[vector<16xi32>, vector<16xi32>, vector<16xi32>], vector<16xf32>,
        %get3A_620 = arith.index_cast %add3A_581 : i32 to index
        %get3A_621 = arith.constant 80 : index
        %get3A_622 = tpu.vector_load %arg10[%get3A_620, %get3A_621] {strides = array<i32>} : memref<64x128xf32, #tpu.memory_space<vmem>>, vector<16xf32>,
        tpu.vector_store_idx %arg13[%add3A_52, %and3A_10, %broadcast_in_dim3A], %get3A_622 : memref<38x8x64xf32, #tpu.memory_space<vmem>>[vector<16xi32>, vector<16xi32>, vector<16xi32>], vector<16xf32>,
        %get3A_623 = arith.index_cast %add3A_581 : i32 to index
        %get3A_624 = arith.constant 96 : index
        %get3A_625 = tpu.vector_load %arg10[%get3A_623, %get3A_624] {strides = array<i32>} : memref<64x128xf32, #tpu.memory_space<vmem>>, vector<16xf32>,
        tpu.vector_store_idx %arg13[%add3A_55, %and3A_10, %broadcast_in_dim3A], %get3A_625 : memref<38x8x64xf32, #tpu.memory_space<vmem>>[vector<16xi32>, vector<16xi32>, vector<16xi32>], vector<16xf32>,
        %get3A_626 = arith.index_cast %add3A_581 : i32 to index
        %get3A_627 = arith.constant 112 : index
        %get3A_628 = tpu.vector_load %arg10[%get3A_626, %get3A_627] {strides = array<i32>} : memref<64x128xf32, #tpu.memory_space<vmem>>, vector<16xf32>,
        tpu.vector_store_idx %arg13[%add3A_58, %and3A_10, %broadcast_in_dim3A], %get3A_628 : memref<38x8x64xf32, #tpu.memory_space<vmem>>[vector<16xi32>, vector<16xi32>, vector<16xi32>], vector<16xf32>,
        %get3A_629 = arith.index_cast %add3A_581 : i32 to index
        %get3A_630 = arith.constant 0 : index
        %get3A_631 = tpu.vector_load %arg11[%get3A_629, %get3A_630] {strides = array<i32>} : memref<64x128xf32, #tpu.memory_space<vmem>>, vector<16xf32>,
        tpu.vector_store_idx %arg13[%add3A_61, %and3A_10, %broadcast_in_dim3A], %get3A_631 : memref<38x8x64xf32, #tpu.memory_space<vmem>>[vector<16xi32>, vector<16xi32>, vector<16xi32>], vector<16xf32>,
        %get3A_632 = arith.index_cast %add3A_581 : i32 to index
        %get3A_633 = arith.constant 16 : index
        %get3A_634 = tpu.vector_load %arg11[%get3A_632, %get3A_633] {strides = array<i32>} : memref<64x128xf32, #tpu.memory_space<vmem>>, vector<16xf32>,
        tpu.vector_store_idx %arg13[%add3A_64, %and3A_10, %broadcast_in_dim3A], %get3A_634 : memref<38x8x64xf32, #tpu.memory_space<vmem>>[vector<16xi32>, vector<16xi32>, vector<16xi32>], vector<16xf32>,
        %get3A_635 = arith.index_cast %add3A_581 : i32 to index
        %get3A_636 = arith.constant 32 : index
        %get3A_637 = tpu.vector_load %arg11[%get3A_635, %get3A_636] {strides = array<i32>} : memref<64x128xf32, #tpu.memory_space<vmem>>, vector<16xf32>,
        tpu.vector_store_idx %arg13[%add3A_67, %and3A_10, %broadcast_in_dim3A], %get3A_637 : memref<38x8x64xf32, #tpu.memory_space<vmem>>[vector<16xi32>, vector<16xi32>, vector<16xi32>], vector<16xf32>,
        %scan3A_638 = arith.constant 1 : i32
        %scan3A_639 = arith.addi %scan3A_577, %scan3A_638 : i32
        %mul3A_640 = arith.constant 1 : i32
        %mul3A_641 = arith.muli %scan3A_639, %mul3A_640 : i32
        %add3A_642 = arith.constant 0 : i32
        %add3A_643 = arith.addi %add3A_642, %mul3A_641 : i32
        %broadcast_in_dim3A_644 = vector.broadcast %add3A_643 : i32 to vector<16xi32>
        %get3A_645 = arith.index_cast %add3A_643 : i32 to index
        %get3A_646 = arith.constant 0 : index
        %get3A_647 = tpu.vector_load %arg9[%get3A_645, %get3A_646] {strides = array<i32>} : memref<64x128xf32, #tpu.memory_space<vmem>>, vector<16xf32>,
        tpu.vector_store_idx %arg13[%add3A_13, %and3A_10, %broadcast_in_dim3A_644], %get3A_647 : memref<38x8x64xf32, #tpu.memory_space<vmem>>[vector<16xi32>, vector<16xi32>, vector<16xi32>], vector<16xf32>,
        %get3A_648 = arith.index_cast %add3A_643 : i32 to index
        %get3A_649 = arith.constant 16 : index
        %get3A_650 = tpu.vector_load %arg9[%get3A_648, %get3A_649] {strides = array<i32>} : memref<64x128xf32, #tpu.memory_space<vmem>>, vector<16xf32>,
        tpu.vector_store_idx %arg13[%add3A_16, %and3A_10, %broadcast_in_dim3A_644], %get3A_650 : memref<38x8x64xf32, #tpu.memory_space<vmem>>[vector<16xi32>, vector<16xi32>, vector<16xi32>], vector<16xf32>,
        %get3A_651 = arith.index_cast %add3A_643 : i32 to index
        %get3A_652 = arith.constant 32 : index
        %get3A_653 = tpu.vector_load %arg9[%get3A_651, %get3A_652] {strides = array<i32>} : memref<64x128xf32, #tpu.memory_space<vmem>>, vector<16xf32>,
        tpu.vector_store_idx %arg13[%add3A_19, %and3A_10, %broadcast_in_dim3A_644], %get3A_653 : memref<38x8x64xf32, #tpu.memory_space<vmem>>[vector<16xi32>, vector<16xi32>, vector<16xi32>], vector<16xf32>,
        %get3A_654 = arith.index_cast %add3A_643 : i32 to index
        %get3A_655 = arith.constant 48 : index
        %get3A_656 = tpu.vector_load %arg9[%get3A_654, %get3A_655] {strides = array<i32>} : memref<64x128xf32, #tpu.memory_space<vmem>>, vector<16xf32>,
        tpu.vector_store_idx %arg13[%add3A_22, %and3A_10, %broadcast_in_dim3A_644], %get3A_656 : memref<38x8x64xf32, #tpu.memory_space<vmem>>[vector<16xi32>, vector<16xi32>, vector<16xi32>], vector<16xf32>,
        %get3A_657 = arith.index_cast %add3A_643 : i32 to index
        %get3A_658 = arith.constant 64 : index
        %get3A_659 = tpu.vector_load %arg9[%get3A_657, %get3A_658] {strides = array<i32>} : memref<64x128xf32, #tpu.memory_space<vmem>>, vector<16xf32>,
        tpu.vector_store_idx %arg13[%add3A_25, %and3A_10, %broadcast_in_dim3A_644], %get3A_659 : memref<38x8x64xf32, #tpu.memory_space<vmem>>[vector<16xi32>, vector<16xi32>, vector<16xi32>], vector<16xf32>,
        %get3A_660 = arith.index_cast %add3A_643 : i32 to index
        %get3A_661 = arith.constant 80 : index
        %get3A_662 = tpu.vector_load %arg9[%get3A_660, %get3A_661] {strides = array<i32>} : memref<64x128xf32, #tpu.memory_space<vmem>>, vector<16xf32>,
        tpu.vector_store_idx %arg13[%add3A_28, %and3A_10, %broadcast_in_dim3A_644], %get3A_662 : memref<38x8x64xf32, #tpu.memory_space<vmem>>[vector<16xi32>, vector<16xi32>, vector<16xi32>], vector<16xf32>,
        %get3A_663 = arith.index_cast %add3A_643 : i32 to index
        %get3A_664 = arith.constant 96 : index
        %get3A_665 = tpu.vector_load %arg9[%get3A_663, %get3A_664] {strides = array<i32>} : memref<64x128xf32, #tpu.memory_space<vmem>>, vector<16xf32>,
        tpu.vector_store_idx %arg13[%add3A_31, %and3A_10, %broadcast_in_dim3A_644], %get3A_665 : memref<38x8x64xf32, #tpu.memory_space<vmem>>[vector<16xi32>, vector<16xi32>, vector<16xi32>], vector<16xf32>,
        %get3A_666 = arith.index_cast %add3A_643 : i32 to index
        %get3A_667 = arith.constant 112 : index
        %get3A_668 = tpu.vector_load %arg9[%get3A_666, %get3A_667] {strides = array<i32>} : memref<64x128xf32, #tpu.memory_space<vmem>>, vector<16xf32>,
        tpu.vector_store_idx %arg13[%add3A_34, %and3A_10, %broadcast_in_dim3A_644], %get3A_668 : memref<38x8x64xf32, #tpu.memory_space<vmem>>[vector<16xi32>, vector<16xi32>, vector<16xi32>], vector<16xf32>,
        %get3A_669 = arith.index_cast %add3A_643 : i32 to index
        %get3A_670 = arith.constant 0 : index
        %get3A_671 = tpu.vector_load %arg10[%get3A_669, %get3A_670] {strides = array<i32>} : memref<64x128xf32, #tpu.memory_space<vmem>>, vector<16xf32>,
        tpu.vector_store_idx %arg13[%add3A_37, %and3A_10, %broadcast_in_dim3A_644], %get3A_671 : memref<38x8x64xf32, #tpu.memory_space<vmem>>[vector<16xi32>, vector<16xi32>, vector<16xi32>], vector<16xf32>,
        %get3A_672 = arith.index_cast %add3A_643 : i32 to index
        %get3A_673 = arith.constant 16 : index
        %get3A_674 = tpu.vector_load %arg10[%get3A_672, %get3A_673] {strides = array<i32>} : memref<64x128xf32, #tpu.memory_space<vmem>>, vector<16xf32>,
        tpu.vector_store_idx %arg13[%add3A_40, %and3A_10, %broadcast_in_dim3A_644], %get3A_674 : memref<38x8x64xf32, #tpu.memory_space<vmem>>[vector<16xi32>, vector<16xi32>, vector<16xi32>], vector<16xf32>,
        %get3A_675 = arith.index_cast %add3A_643 : i32 to index
        %get3A_676 = arith.constant 32 : index
        %get3A_677 = tpu.vector_load %arg10[%get3A_675, %get3A_676] {strides = array<i32>} : memref<64x128xf32, #tpu.memory_space<vmem>>, vector<16xf32>,
        tpu.vector_store_idx %arg13[%add3A_43, %and3A_10, %broadcast_in_dim3A_644], %get3A_677 : memref<38x8x64xf32, #tpu.memory_space<vmem>>[vector<16xi32>, vector<16xi32>, vector<16xi32>], vector<16xf32>,
        %get3A_678 = arith.index_cast %add3A_643 : i32 to index
        %get3A_679 = arith.constant 48 : index
        %get3A_680 = tpu.vector_load %arg10[%get3A_678, %get3A_679] {strides = array<i32>} : memref<64x128xf32, #tpu.memory_space<vmem>>, vector<16xf32>,
        tpu.vector_store_idx %arg13[%add3A_46, %and3A_10, %broadcast_in_dim3A_644], %get3A_680 : memref<38x8x64xf32, #tpu.memory_space<vmem>>[vector<16xi32>, vector<16xi32>, vector<16xi32>], vector<16xf32>,
        %get3A_681 = arith.index_cast %add3A_643 : i32 to index
        %get3A_682 = arith.constant 64 : index
        %get3A_683 = tpu.vector_load %arg10[%get3A_681, %get3A_682] {strides = array<i32>} : memref<64x128xf32, #tpu.memory_space<vmem>>, vector<16xf32>,
        tpu.vector_store_idx %arg13[%add3A_49, %and3A_10, %broadcast_in_dim3A_644], %get3A_683 : memref<38x8x64xf32, #tpu.memory_space<vmem>>[vector<16xi32>, vector<16xi32>, vector<16xi32>], vector<16xf32>,
        %get3A_684 = arith.index_cast %add3A_643 : i32 to index
        %get3A_685 = arith.constant 80 : index
        %get3A_686 = tpu.vector_load %arg10[%get3A_684, %get3A_685] {strides = array<i32>} : memref<64x128xf32, #tpu.memory_space<vmem>>, vector<16xf32>,
        tpu.vector_store_idx %arg13[%add3A_52, %and3A_10, %broadcast_in_dim3A_644], %get3A_686 : memref<38x8x64xf32, #tpu.memory_space<vmem>>[vector<16xi32>, vector<16xi32>, vector<16xi32>], vector<16xf32>,
        %get3A_687 = arith.index_cast %add3A_643 : i32 to index
        %get3A_688 = arith.constant 96 : index
        %get3A_689 = tpu.vector_load %arg10[%get3A_687, %get3A_688] {strides = array<i32>} : memref<64x128xf32, #tpu.memory_space<vmem>>, vector<16xf32>,
        tpu.vector_store_idx %arg13[%add3A_55, %and3A_10, %broadcast_in_dim3A_644], %get3A_689 : memref<38x8x64xf32, #tpu.memory_space<vmem>>[vector<16xi32>, vector<16xi32>, vector<16xi32>], vector<16xf32>,
        %get3A_690 = arith.index_cast %add3A_643 : i32 to index
        %get3A_691 = arith.constant 112 : index
        %get3A_692 = tpu.vector_load %arg10[%get3A_690, %get3A_691] {strides = array<i32>} : memref<64x128xf32, #tpu.memory_space<vmem>>, vector<16xf32>,
        tpu.vector_store_idx %arg13[%add3A_58, %and3A_10, %broadcast_in_dim3A_644], %get3A_692 : memref<38x8x64xf32, #tpu.memory_space<vmem>>[vector<16xi32>, vector<16xi32>, vector<16xi32>], vector<16xf32>,
        %get3A_693 = arith.index_cast %add3A_643 : i32 to index
        %get3A_694 = arith.constant 0 : index
        %get3A_695 = tpu.vector_load %arg11[%get3A_693, %get3A_694] {strides = array<i32>} : memref<64x128xf32, #tpu.memory_space<vmem>>, vector<16xf32>,
        tpu.vector_store_idx %arg13[%add3A_61, %and3A_10, %broadcast_in_dim3A_644], %get3A_695 : memref<38x8x64xf32, #tpu.memory_space<vmem>>[vector<16xi32>, vector<16xi32>, vector<16xi32>], vector<16xf32>,
        %get3A_696 = arith.index_cast %add3A_643 : i32 to index
        %get3A_697 = arith.constant 16 : index
        %get3A_698 = tpu.vector_load %arg11[%get3A_696, %get3A_697] {strides = array<i32>} : memref<64x128xf32, #tpu.memory_space<vmem>>, vector<16xf32>,
        tpu.vector_store_idx %arg13[%add3A_64, %and3A_10, %broadcast_in_dim3A_644], %get3A_698 : memref<38x8x64xf32, #tpu.memory_space<vmem>>[vector<16xi32>, vector<16xi32>, vector<16xi32>], vector<16xf32>,
        %get3A_699 = arith.index_cast %add3A_643 : i32 to index
        %get3A_700 = arith.constant 32 : index
        %get3A_701 = tpu.vector_load %arg11[%get3A_699, %get3A_700] {strides = array<i32>} : memref<64x128xf32, #tpu.memory_space<vmem>>, vector<16xf32>,
        tpu.vector_store_idx %arg13[%add3A_67, %and3A_10, %broadcast_in_dim3A_644], %get3A_701 : memref<38x8x64xf32, #tpu.memory_space<vmem>>[vector<16xi32>, vector<16xi32>, vector<16xi32>], vector<16xf32>,
      }
      %scan3A_483 = arith.constant 64 : i32
      %mul3A_484 = arith.constant 100 : i32
      %mul3A_485 = arith.muli %add3A, %mul3A_484 : i32
      %add3A_486 = arith.addi %mul3A_485, %add3A_442 : i32
      %jit3A_487 = arith.constant 64 : i32
      %div3A_488 = arith.divsi %add3A_486, %jit3A_487 : i32
      %sign3A_489 = arith.constant 0 : i32
      %sign3A_490 = arith.cmpi sgt, %add3A_486, %sign3A_489 : i32
      %sign3A_491 = arith.extui %sign3A_490 : i1 to i32
      %sign3A_492 = arith.constant 0 : i32
      %sign3A_493 = arith.cmpi slt, %add3A_486, %sign3A_492 : i32
      %sign3A_494 = arith.extui %sign3A_493 : i1 to i32
      %sign3A_495 = arith.subi %sign3A_491, %sign3A_494 : i32
      %sign3A_496 = arith.constant 0 : i32
      %sign3A_497 = arith.cmpi sgt, %jit3A_487, %sign3A_496 : i32
      %sign3A_498 = arith.extui %sign3A_497 : i1 to i32
      %sign3A_499 = arith.constant 0 : i32
      %sign3A_500 = arith.cmpi slt, %jit3A_487, %sign3A_499 : i32
      %sign3A_501 = arith.extui %sign3A_500 : i1 to i32
      %sign3A_502 = arith.subi %sign3A_498, %sign3A_501 : i32
      %ne3A_503 = arith.cmpi ne, %sign3A_495, %sign3A_502 : i32
      %rem3A_504 = arith.remsi %add3A_486, %jit3A_487 : i32
      %ne3A_505 = arith.constant 0 : i32
      %ne3A_506 = arith.cmpi ne, %rem3A_504, %ne3A_505 : i32
      %and3A_507 = arith.andi %ne3A_503, %ne3A_506 : i1
      %sub3A_508 = arith.constant 1 : i32
      %sub3A_509 = arith.subi %div3A_488, %sub3A_508 : i32
      %select_n3A_510 = arith.select %and3A_507, %sub3A_509, %div3A_488 : i32
      %jit3A_511 = arith.constant 64 : i32
      %eq3A_512 = arith.constant 0 : i32
      %eq3A_513 = arith.cmpi eq, %jit3A_511, %eq3A_512 : i32
      %jit3A_514 = arith.constant 1 : i32
      %select_n3A_515 = arith.select %eq3A_513, %jit3A_514, %jit3A_511 : i32
      %rem3A_516 = arith.remsi %add3A_486, %select_n3A_515 : i32
      %ne3A_517 = arith.constant 0 : i32
      %ne3A_518 = arith.cmpi ne, %rem3A_516, %ne3A_517 : i32
      %lt3A_519 = arith.constant 0 : i32
      %lt3A_520 = arith.cmpi slt, %rem3A_516, %lt3A_519 : i32
      %lt3A_521 = arith.constant 0 : i32
      %lt3A_522 = arith.cmpi slt, %select_n3A_515, %lt3A_521 : i32
      %ne3A_523 = arith.xori %lt3A_520, %lt3A_522 : i1
      %and3A_524 = arith.andi %ne3A_523, %ne3A_518 : i1
      %add3A_525 = arith.addi %rem3A_516, %select_n3A_515 : i32
      %select_n3A_526 = arith.select %and3A_524, %add3A_525, %rem3A_516 : i32
      %jit3A_527 = arith.constant 2 : i32
      %div3A_528 = arith.divsi %select_n3A_526, %jit3A_527 : i32
      %sign3A_529 = arith.constant 0 : i32
      %sign3A_530 = arith.cmpi sgt, %select_n3A_526, %sign3A_529 : i32
      %sign3A_531 = arith.extui %sign3A_530 : i1 to i32
      %sign3A_532 = arith.constant 0 : i32
      %sign3A_533 = arith.cmpi slt, %select_n3A_526, %sign3A_532 : i32
      %sign3A_534 = arith.extui %sign3A_533 : i1 to i32
      %sign3A_535 = arith.subi %sign3A_531, %sign3A_534 : i32
      %sign3A_536 = arith.constant 0 : i32
      %sign3A_537 = arith.cmpi sgt, %jit3A_527, %sign3A_536 : i32
      %sign3A_538 = arith.extui %sign3A_537 : i1 to i32
      %sign3A_539 = arith.constant 0 : i32
      %sign3A_540 = arith.cmpi slt, %jit3A_527, %sign3A_539 : i32
      %sign3A_541 = arith.extui %sign3A_540 : i1 to i32
      %sign3A_542 = arith.subi %sign3A_538, %sign3A_541 : i32
      %ne3A_543 = arith.cmpi ne, %sign3A_535, %sign3A_542 : i32
      %rem3A_544 = arith.remsi %select_n3A_526, %jit3A_527 : i32
      %ne3A_545 = arith.constant 0 : i32
      %ne3A_546 = arith.cmpi ne, %rem3A_544, %ne3A_545 : i32
      %and3A_547 = arith.andi %ne3A_543, %ne3A_546 : i1
      %sub3A_548 = arith.constant 1 : i32
      %sub3A_549 = arith.subi %div3A_528, %sub3A_548 : i32
      %select_n3A_550 = arith.select %and3A_547, %sub3A_549, %div3A_528 : i32
      %jit3A_551 = arith.constant 2 : i32
      %eq3A_552 = arith.constant 0 : i32
      %eq3A_553 = arith.cmpi eq, %jit3A_551, %eq3A_552 : i32
      %jit3A_554 = arith.constant 1 : i32
      %select_n3A_555 = arith.select %eq3A_553, %jit3A_554, %jit3A_551 : i32
      %rem3A_556 = arith.remsi %select_n3A_526, %select_n3A_555 : i32
      %ne3A_557 = arith.constant 0 : i32
      %ne3A_558 = arith.cmpi ne, %rem3A_556, %ne3A_557 : i32
      %lt3A_559 = arith.constant 0 : i32
      %lt3A_560 = arith.cmpi slt, %rem3A_556, %lt3A_559 : i32
      %lt3A_561 = arith.constant 0 : i32
      %lt3A_562 = arith.cmpi slt, %select_n3A_555, %lt3A_561 : i32
      %ne3A_563 = arith.xori %lt3A_560, %lt3A_562 : i1
      %and3A_564 = arith.andi %ne3A_563, %ne3A_558 : i1
      %add3A_565 = arith.addi %rem3A_556, %select_n3A_555 : i32
      %select_n3A_566 = arith.select %and3A_564, %add3A_565, %rem3A_556 : i32
      %mul3A_567 = arith.constant 64 : i32
      %mul3A_568 = arith.muli %select_n3A_566, %mul3A_567 : i32
      %dma_start3A_569 = arith.constant 0 : i32
      %dma_start3A_570 = arith.constant 0 : i32
      %dma_start3A_571 = tpu.memref_slice %arg4[%select_n3A_510, %dma_start3A_569, %select_n3A_550, %dma_start3A_570, %mul3A_568] : memref<50x38x32x8x128xf32, #tpu.memory_space<hbm>> -> memref<1x38x1x8x64xf32, #tpu.memory_space<hbm>>
      %dma_start3A_572 = tpu.memref_squeeze %dma_start3A_571 : memref<1x38x1x8x64xf32, #tpu.memory_space<hbm>> -> memref<38x8x64xf32, #tpu.memory_space<hbm>>
      %dma_start3A_573 = arith.constant 0 : i32
      %dma_start3A_574 = arith.constant 0 : i32
      %dma_start3A_575 = tpu.memref_slice %arg4[%select_n3A_510, %dma_start3A_573, %select_n3A_550, %dma_start3A_574, %mul3A_568] : memref<50x38x32x8x128xf32, #tpu.memory_space<hbm>> -> memref<1x38x1x8x64xf32, #tpu.memory_space<hbm>>
      %dma_start3A_576 = tpu.memref_squeeze %dma_start3A_575 : memref<1x38x1x8x64xf32, #tpu.memory_space<hbm>> -> memref<38x8x64xf32, #tpu.memory_space<hbm>>
      tpu.enqueue_dma source(%arg13 : memref<38x8x64xf32, #tpu.memory_space<vmem>>) target(%dma_start3A_576 : memref<38x8x64xf32, #tpu.memory_space<hbm>>) target_semaphore(%arg17 : memref<!tpu.dma_semaphore, #tpu.memory_space<semaphore_mem>>)
    }
    %scan3A_124 = arith.constant 50 : i32
    %mul3A_125 = arith.constant 100 : i32
    %mul3A_126 = arith.muli %add3A, %mul3A_125 : i32
    %add3A_127 = arith.constant 98 : i32
    %add3A_128 = arith.addi %mul3A_126, %add3A_127 : i32
    %jit3A = arith.constant 64 : i32
    %div3A = arith.divsi %add3A_128, %jit3A : i32
    %sign3A = arith.constant 0 : i32
    %sign3A_129 = arith.cmpi sgt, %add3A_128, %sign3A : i32
    %sign3A_130 = arith.extui %sign3A_129 : i1 to i32
    %sign3A_131 = arith.constant 0 : i32
    %sign3A_132 = arith.cmpi slt, %add3A_128, %sign3A_131 : i32
    %sign3A_133 = arith.extui %sign3A_132 : i1 to i32
    %sign3A_134 = arith.subi %sign3A_130, %sign3A_133 : i32
    %sign3A_135 = arith.constant 0 : i32
    %sign3A_136 = arith.cmpi sgt, %jit3A, %sign3A_135 : i32
    %sign3A_137 = arith.extui %sign3A_136 : i1 to i32
    %sign3A_138 = arith.constant 0 : i32
    %sign3A_139 = arith.cmpi slt, %jit3A, %sign3A_138 : i32
    %sign3A_140 = arith.extui %sign3A_139 : i1 to i32
    %sign3A_141 = arith.subi %sign3A_137, %sign3A_140 : i32
    %ne3A = arith.cmpi ne, %sign3A_134, %sign3A_141 : i32
    %rem3A = arith.remsi %add3A_128, %jit3A : i32
    %ne3A_142 = arith.constant 0 : i32
    %ne3A_143 = arith.cmpi ne, %rem3A, %ne3A_142 : i32
    %and3A_144 = arith.andi %ne3A, %ne3A_143 : i1
    %sub3A = arith.constant 1 : i32
    %sub3A_145 = arith.subi %div3A, %sub3A : i32
    %select_n3A = arith.select %and3A_144, %sub3A_145, %div3A : i32
    %jit3A_146 = arith.constant 64 : i32
    %eq3A = arith.constant 0 : i32
    %eq3A_147 = arith.cmpi eq, %jit3A_146, %eq3A : i32
    %jit3A_148 = arith.constant 1 : i32
    %select_n3A_149 = arith.select %eq3A_147, %jit3A_148, %jit3A_146 : i32
    %rem3A_150 = arith.remsi %add3A_128, %select_n3A_149 : i32
    %ne3A_151 = arith.constant 0 : i32
    %ne3A_152 = arith.cmpi ne, %rem3A_150, %ne3A_151 : i32
    %lt3A = arith.constant 0 : i32
    %lt3A_153 = arith.cmpi slt, %rem3A_150, %lt3A : i32
    %lt3A_154 = arith.constant 0 : i32
    %lt3A_155 = arith.cmpi slt, %select_n3A_149, %lt3A_154 : i32
    %ne3A_156 = arith.xori %lt3A_153, %lt3A_155 : i1
    %and3A_157 = arith.andi %ne3A_156, %ne3A_152 : i1
    %add3A_158 = arith.addi %rem3A_150, %select_n3A_149 : i32
    %select_n3A_159 = arith.select %and3A_157, %add3A_158, %rem3A_150 : i32
    %jit3A_160 = arith.constant 2 : i32
    %div3A_161 = arith.divsi %select_n3A_159, %jit3A_160 : i32
    %sign3A_162 = arith.constant 0 : i32
    %sign3A_163 = arith.cmpi sgt, %select_n3A_159, %sign3A_162 : i32
    %sign3A_164 = arith.extui %sign3A_163 : i1 to i32
    %sign3A_165 = arith.constant 0 : i32
    %sign3A_166 = arith.cmpi slt, %select_n3A_159, %sign3A_165 : i32
    %sign3A_167 = arith.extui %sign3A_166 : i1 to i32
    %sign3A_168 = arith.subi %sign3A_164, %sign3A_167 : i32
    %sign3A_169 = arith.constant 0 : i32
    %sign3A_170 = arith.cmpi sgt, %jit3A_160, %sign3A_169 : i32
    %sign3A_171 = arith.extui %sign3A_170 : i1 to i32
    %sign3A_172 = arith.constant 0 : i32
    %sign3A_173 = arith.cmpi slt, %jit3A_160, %sign3A_172 : i32
    %sign3A_174 = arith.extui %sign3A_173 : i1 to i32
    %sign3A_175 = arith.subi %sign3A_171, %sign3A_174 : i32
    %ne3A_176 = arith.cmpi ne, %sign3A_168, %sign3A_175 : i32
    %rem3A_177 = arith.remsi %select_n3A_159, %jit3A_160 : i32
    %ne3A_178 = arith.constant 0 : i32
    %ne3A_179 = arith.cmpi ne, %rem3A_177, %ne3A_178 : i32
    %and3A_180 = arith.andi %ne3A_176, %ne3A_179 : i1
    %sub3A_181 = arith.constant 1 : i32
    %sub3A_182 = arith.subi %div3A_161, %sub3A_181 : i32
    %select_n3A_183 = arith.select %and3A_180, %sub3A_182, %div3A_161 : i32
    %jit3A_184 = arith.constant 2 : i32
    %eq3A_185 = arith.constant 0 : i32
    %eq3A_186 = arith.cmpi eq, %jit3A_184, %eq3A_185 : i32
    %jit3A_187 = arith.constant 1 : i32
    %select_n3A_188 = arith.select %eq3A_186, %jit3A_187, %jit3A_184 : i32
    %rem3A_189 = arith.remsi %select_n3A_159, %select_n3A_188 : i32
    %ne3A_190 = arith.constant 0 : i32
    %ne3A_191 = arith.cmpi ne, %rem3A_189, %ne3A_190 : i32
    %lt3A_192 = arith.constant 0 : i32
    %lt3A_193 = arith.cmpi slt, %rem3A_189, %lt3A_192 : i32
    %lt3A_194 = arith.constant 0 : i32
    %lt3A_195 = arith.cmpi slt, %select_n3A_188, %lt3A_194 : i32
    %ne3A_196 = arith.xori %lt3A_193, %lt3A_195 : i1
    %and3A_197 = arith.andi %ne3A_196, %ne3A_191 : i1
    %add3A_198 = arith.addi %rem3A_189, %select_n3A_188 : i32
    %select_n3A_199 = arith.select %and3A_197, %add3A_198, %rem3A_189 : i32
    %mul3A_200 = arith.constant 64 : i32
    %mul3A_201 = arith.muli %select_n3A_199, %mul3A_200 : i32
    %dma_wait3A = arith.constant 0 : i32
    %dma_wait3A_202 = arith.constant 0 : i32
    %dma_wait3A_203 = tpu.memref_slice %arg4[%select_n3A, %dma_wait3A, %select_n3A_183, %dma_wait3A_202, %mul3A_201] : memref<50x38x32x8x128xf32, #tpu.memory_space<hbm>> -> memref<1x38x1x8x64xf32, #tpu.memory_space<hbm>>
    %dma_wait3A_204 = tpu.memref_squeeze %dma_wait3A_203 : memref<1x38x1x8x64xf32, #tpu.memory_space<hbm>> -> memref<38x8x64xf32, #tpu.memory_space<hbm>>
    %dma_wait3A_205 = arith.constant 0 : i32
    %dma_wait3A_206 = arith.constant 0 : i32
    %dma_wait3A_207 = tpu.memref_slice %arg4[%select_n3A, %dma_wait3A_205, %select_n3A_183, %dma_wait3A_206, %mul3A_201] : memref<50x38x32x8x128xf32, #tpu.memory_space<hbm>> -> memref<1x38x1x8x64xf32, #tpu.memory_space<hbm>>
    %dma_wait3A_208 = tpu.memref_squeeze %dma_wait3A_207 : memref<1x38x1x8x64xf32, #tpu.memory_space<hbm>> -> memref<38x8x64xf32, #tpu.memory_space<hbm>>
    tpu.wait_dma2 semaphore(%arg16 : memref<!tpu.dma_semaphore, #tpu.memory_space<semaphore_mem>>) src(%arg12 : memref<38x8x64xf32, #tpu.memory_space<vmem>>) dst(%dma_wait3A_208 : memref<38x8x64xf32, #tpu.memory_space<hbm>>)
    %mul3A_209 = arith.constant 100 : i32
    %mul3A_210 = arith.muli %add3A, %mul3A_209 : i32
    %add3A_211 = arith.constant 99 : i32
    %add3A_212 = arith.addi %mul3A_210, %add3A_211 : i32
    %jit3A_213 = arith.constant 64 : i32
    %div3A_214 = arith.divsi %add3A_212, %jit3A_213 : i32
    %sign3A_215 = arith.constant 0 : i32
    %sign3A_216 = arith.cmpi sgt, %add3A_212, %sign3A_215 : i32
    %sign3A_217 = arith.extui %sign3A_216 : i1 to i32
    %sign3A_218 = arith.constant 0 : i32
    %sign3A_219 = arith.cmpi slt, %add3A_212, %sign3A_218 : i32
    %sign3A_220 = arith.extui %sign3A_219 : i1 to i32
    %sign3A_221 = arith.subi %sign3A_217, %sign3A_220 : i32
    %sign3A_222 = arith.constant 0 : i32
    %sign3A_223 = arith.cmpi sgt, %jit3A_213, %sign3A_222 : i32
    %sign3A_224 = arith.extui %sign3A_223 : i1 to i32
    %sign3A_225 = arith.constant 0 : i32
    %sign3A_226 = arith.cmpi slt, %jit3A_213, %sign3A_225 : i32
    %sign3A_227 = arith.extui %sign3A_226 : i1 to i32
    %sign3A_228 = arith.subi %sign3A_224, %sign3A_227 : i32
    %ne3A_229 = arith.cmpi ne, %sign3A_221, %sign3A_228 : i32
    %rem3A_230 = arith.remsi %add3A_212, %jit3A_213 : i32
    %ne3A_231 = arith.constant 0 : i32
    %ne3A_232 = arith.cmpi ne, %rem3A_230, %ne3A_231 : i32
    %and3A_233 = arith.andi %ne3A_229, %ne3A_232 : i1
    %sub3A_234 = arith.constant 1 : i32
    %sub3A_235 = arith.subi %div3A_214, %sub3A_234 : i32
    %select_n3A_236 = arith.select %and3A_233, %sub3A_235, %div3A_214 : i32
    %jit3A_237 = arith.constant 64 : i32
    %eq3A_238 = arith.constant 0 : i32
    %eq3A_239 = arith.cmpi eq, %jit3A_237, %eq3A_238 : i32
    %jit3A_240 = arith.constant 1 : i32
    %select_n3A_241 = arith.select %eq3A_239, %jit3A_240, %jit3A_237 : i32
    %rem3A_242 = arith.remsi %add3A_212, %select_n3A_241 : i32
    %ne3A_243 = arith.constant 0 : i32
    %ne3A_244 = arith.cmpi ne, %rem3A_242, %ne3A_243 : i32
    %lt3A_245 = arith.constant 0 : i32
    %lt3A_246 = arith.cmpi slt, %rem3A_242, %lt3A_245 : i32
    %lt3A_247 = arith.constant 0 : i32
    %lt3A_248 = arith.cmpi slt, %select_n3A_241, %lt3A_247 : i32
    %ne3A_249 = arith.xori %lt3A_246, %lt3A_248 : i1
    %and3A_250 = arith.andi %ne3A_249, %ne3A_244 : i1
    %add3A_251 = arith.addi %rem3A_242, %select_n3A_241 : i32
    %select_n3A_252 = arith.select %and3A_250, %add3A_251, %rem3A_242 : i32
    %jit3A_253 = arith.constant 2 : i32
    %div3A_254 = arith.divsi %select_n3A_252, %jit3A_253 : i32
    %sign3A_255 = arith.constant 0 : i32
    %sign3A_256 = arith.cmpi sgt, %select_n3A_252, %sign3A_255 : i32
    %sign3A_257 = arith.extui %sign3A_256 : i1 to i32
    %sign3A_258 = arith.constant 0 : i32
    %sign3A_259 = arith.cmpi slt, %select_n3A_252, %sign3A_258 : i32
    %sign3A_260 = arith.extui %sign3A_259 : i1 to i32
    %sign3A_261 = arith.subi %sign3A_257, %sign3A_260 : i32
    %sign3A_262 = arith.constant 0 : i32
    %sign3A_263 = arith.cmpi sgt, %jit3A_253, %sign3A_262 : i32
    %sign3A_264 = arith.extui %sign3A_263 : i1 to i32
    %sign3A_265 = arith.constant 0 : i32
    %sign3A_266 = arith.cmpi slt, %jit3A_253, %sign3A_265 : i32
    %sign3A_267 = arith.extui %sign3A_266 : i1 to i32
    %sign3A_268 = arith.subi %sign3A_264, %sign3A_267 : i32
    %ne3A_269 = arith.cmpi ne, %sign3A_261, %sign3A_268 : i32
    %rem3A_270 = arith.remsi %select_n3A_252, %jit3A_253 : i32
    %ne3A_271 = arith.constant 0 : i32
    %ne3A_272 = arith.cmpi ne, %rem3A_270, %ne3A_271 : i32
    %and3A_273 = arith.andi %ne3A_269, %ne3A_272 : i1
    %sub3A_274 = arith.constant 1 : i32
    %sub3A_275 = arith.subi %div3A_254, %sub3A_274 : i32
    %select_n3A_276 = arith.select %and3A_273, %sub3A_275, %div3A_254 : i32
    %jit3A_277 = arith.constant 2 : i32
    %eq3A_278 = arith.constant 0 : i32
    %eq3A_279 = arith.cmpi eq, %jit3A_277, %eq3A_278 : i32
    %jit3A_280 = arith.constant 1 : i32
    %select_n3A_281 = arith.select %eq3A_279, %jit3A_280, %jit3A_277 : i32
    %rem3A_282 = arith.remsi %select_n3A_252, %select_n3A_281 : i32
    %ne3A_283 = arith.constant 0 : i32
    %ne3A_284 = arith.cmpi ne, %rem3A_282, %ne3A_283 : i32
    %lt3A_285 = arith.constant 0 : i32
    %lt3A_286 = arith.cmpi slt, %rem3A_282, %lt3A_285 : i32
    %lt3A_287 = arith.constant 0 : i32
    %lt3A_288 = arith.cmpi slt, %select_n3A_281, %lt3A_287 : i32
    %ne3A_289 = arith.xori %lt3A_286, %lt3A_288 : i1
    %and3A_290 = arith.andi %ne3A_289, %ne3A_284 : i1
    %add3A_291 = arith.addi %rem3A_282, %select_n3A_281 : i32
    %select_n3A_292 = arith.select %and3A_290, %add3A_291, %rem3A_282 : i32
    %mul3A_293 = arith.constant 64 : i32
    %mul3A_294 = arith.muli %select_n3A_292, %mul3A_293 : i32
    %dma_wait3A_295 = arith.constant 0 : i32
    %dma_wait3A_296 = arith.constant 0 : i32
    %dma_wait3A_297 = tpu.memref_slice %arg4[%select_n3A_236, %dma_wait3A_295, %select_n3A_276, %dma_wait3A_296, %mul3A_294] : memref<50x38x32x8x128xf32, #tpu.memory_space<hbm>> -> memref<1x38x1x8x64xf32, #tpu.memory_space<hbm>>
    %dma_wait3A_298 = tpu.memref_squeeze %dma_wait3A_297 : memref<1x38x1x8x64xf32, #tpu.memory_space<hbm>> -> memref<38x8x64xf32, #tpu.memory_space<hbm>>
    %dma_wait3A_299 = arith.constant 0 : i32
    %dma_wait3A_300 = arith.constant 0 : i32
    %dma_wait3A_301 = tpu.memref_slice %arg4[%select_n3A_236, %dma_wait3A_299, %select_n3A_276, %dma_wait3A_300, %mul3A_294] : memref<50x38x32x8x128xf32, #tpu.memory_space<hbm>> -> memref<1x38x1x8x64xf32, #tpu.memory_space<hbm>>
    %dma_wait3A_302 = tpu.memref_squeeze %dma_wait3A_301 : memref<1x38x1x8x64xf32, #tpu.memory_space<hbm>> -> memref<38x8x64xf32, #tpu.memory_space<hbm>>
    tpu.wait_dma2 semaphore(%arg17 : memref<!tpu.dma_semaphore, #tpu.memory_space<semaphore_mem>>) src(%arg13 : memref<38x8x64xf32, #tpu.memory_space<vmem>>) dst(%dma_wait3A_302 : memref<38x8x64xf32, #tpu.memory_space<hbm>>)
    return
  }
}

#map = affine_map<(d0, d1) -> (0)>
#map1 = affine_map<(d0, d1) -> (0, 0)>
#map2 = affine_map<(d0, d1) -> (0, 0, 0, 0, 0)>
module attributes {stable_mosaic.version = 14 : i64} {
  func.func @_sc_body(%arg0: i32, %arg1: i32, %arg2: memref<1843200xi32, #tpu.memory_space<hbm>>, %arg3: memref<300000x128xf32, #tpu.memory_space<hbm>>, %arg4: memref<50x38x32x8x128xf32, #tpu.memory_space<hbm>>, %arg5: memref<19200xi32, #tpu.memory_space<vmem>>, %arg6: memref<64x128xf32, #tpu.memory_space<vmem>>, %arg7: memref<64x128xf32, #tpu.memory_space<vmem>>, %arg8: memref<64x128xf32, #tpu.memory_space<vmem>>, %arg9: memref<64x128xf32, #tpu.memory_space<vmem>>, %arg10: memref<64x128xf32, #tpu.memory_space<vmem>>, %arg11: memref<64x128xf32, #tpu.memory_space<vmem>>, %arg12: memref<38x8x64xf32, #tpu.memory_space<vmem>>, %arg13: memref<38x8x64xf32, #tpu.memory_space<vmem>>, %arg14: memref<!tpu.dma_semaphore, #tpu.memory_space<semaphore_mem>>, %arg15: memref<!tpu.dma_semaphore, #tpu.memory_space<semaphore_mem>>, %arg16: memref<!tpu.dma_semaphore, #tpu.memory_space<semaphore_mem>>, %arg17: memref<!tpu.dma_semaphore, #tpu.memory_space<semaphore_mem>>) attributes {dimension_semantics = [#tpu.dimension_semantics<core_parallel>, #tpu.dimension_semantics<subcore_parallel>], iteration_bounds = array<i64: 2, 16>, scalar_prefetch = 0 : i64, scratch_operands = 13 : i64, tpu.core_type = #tpu.core_type<sc_vector_subcore>, window_params = [{transform_indices = #map}, {transform_indices = #map1}, {transform_indices = #map2}]} {
    %mul3A = arith.constant 2 : i32
    %mul3A_0 = arith.muli %arg1, %mul3A : i32
    %add3A = arith.addi %mul3A_0, %arg0 : i32
    %mul3A_1 = arith.constant 100 : i32
    %mul3A_2 = arith.muli %add3A, %mul3A_1 : i32
    %add3A_3 = arith.constant 3200 : i32
    %add3A_4 = arith.addi %add3A_3, %mul3A_2 : i32
    %mul3A_5 = arith.constant 192 : i32
    %mul3A_6 = arith.muli %add3A_4, %mul3A_5 : i32
    "tpu.region"() ({
      %run_scoped3A = tpu.sem_alloc : memref<!tpu.dma_semaphore, #tpu.memory_space<semaphore_mem>>
      %dma_start3A_303 = tpu.memref_slice %arg2[%mul3A_6] : memref<1843200xi32, #tpu.memory_space<hbm>> -> memref<19200xi32, #tpu.memory_space<hbm>>
      %dma_start3A_304 = tpu.memref_slice %arg2[%mul3A_6] : memref<1843200xi32, #tpu.memory_space<hbm>> -> memref<19200xi32, #tpu.memory_space<hbm>>
      tpu.enqueue_dma source(%dma_start3A_304 : memref<19200xi32, #tpu.memory_space<hbm>>) target(%arg5 : memref<19200xi32, #tpu.memory_space<vmem>>) target_semaphore(%run_scoped3A : memref<!tpu.dma_semaphore, #tpu.memory_space<semaphore_mem>>)
      %dma_wait3A_305 = tpu.memref_slice %arg2[%mul3A_6] : memref<1843200xi32, #tpu.memory_space<hbm>> -> memref<19200xi32, #tpu.memory_space<hbm>>
      %dma_wait3A_306 = tpu.memref_slice %arg2[%mul3A_6] : memref<1843200xi32, #tpu.memory_space<hbm>> -> memref<19200xi32, #tpu.memory_space<hbm>>
      tpu.wait_dma2 semaphore(%run_scoped3A : memref<!tpu.dma_semaphore, #tpu.memory_space<semaphore_mem>>) src(%dma_wait3A_306 : memref<19200xi32, #tpu.memory_space<hbm>>) dst(%arg5 : memref<19200xi32, #tpu.memory_space<vmem>>)
      tpu.yield
    }) : () -> ()
    %iota3A = tpu.iota {dimensions = array<i32: 0>} : vector<16xi32>
    %shift_right_logical3A = arith.constant 3 : i32
    %shift_right_logical3A_7 = vector.broadcast %shift_right_logical3A : i32 to vector<16xi32>
    %shift_right_logical3A_8 = arith.shrui %iota3A, %shift_right_logical3A_7 : vector<16xi32>
    %and3A = arith.constant 7 : i32
    %and3A_9 = vector.broadcast %and3A : i32 to vector<16xi32>
    %and3A_10 = arith.andi %iota3A, %and3A_9 : vector<16xi32>
    %add3A_11 = arith.constant 0 : i32
    %add3A_12 = vector.broadcast %add3A_11 : i32 to vector<16xi32>
    %add3A_13 = arith.addi %shift_right_logical3A_8, %add3A_12 : vector<16xi32>
    %add3A_14 = arith.constant 2 : i32
    %add3A_15 = vector.broadcast %add3A_14 : i32 to vector<16xi32>
    %add3A_16 = arith.addi %shift_right_logical3A_8, %add3A_15 : vector<16xi32>
    %add3A_17 = arith.constant 4 : i32
    %add3A_18 = vector.broadcast %add3A_17 : i32 to vector<16xi32>
    %add3A_19 = arith.addi %shift_right_logical3A_8, %add3A_18 : vector<16xi32>
    %add3A_20 = arith.constant 6 : i32
    %add3A_21 = vector.broadcast %add3A_20 : i32 to vector<16xi32>
    %add3A_22 = arith.addi %shift_right_logical3A_8, %add3A_21 : vector<16xi32>
    %add3A_23 = arith.constant 8 : i32
    %add3A_24 = vector.broadcast %add3A_23 : i32 to vector<16xi32>
    %add3A_25 = arith.addi %shift_right_logical3A_8, %add3A_24 : vector<16xi32>
    %add3A_26 = arith.constant 10 : i32
    %add3A_27 = vector.broadcast %add3A_26 : i32 to vector<16xi32>
    %add3A_28 = arith.addi %shift_right_logical3A_8, %add3A_27 : vector<16xi32>
    %add3A_29 = arith.constant 12 : i32
    %add3A_30 = vector.broadcast %add3A_29 : i32 to vector<16xi32>
    %add3A_31 = arith.addi %shift_right_logical3A_8, %add3A_30 : vector<16xi32>
    %add3A_32 = arith.constant 14 : i32
    %add3A_33 = vector.broadcast %add3A_32 : i32 to vector<16xi32>
    %add3A_34 = arith.addi %shift_right_logical3A_8, %add3A_33 : vector<16xi32>
    %add3A_35 = arith.constant 16 : i32
    %add3A_36 = vector.broadcast %add3A_35 : i32 to vector<16xi32>
    %add3A_37 = arith.addi %shift_right_logical3A_8, %add3A_36 : vector<16xi32>
    %add3A_38 = arith.constant 18 : i32
    %add3A_39 = vector.broadcast %add3A_38 : i32 to vector<16xi32>
    %add3A_40 = arith.addi %shift_right_logical3A_8, %add3A_39 : vector<16xi32>
    %add3A_41 = arith.constant 20 : i32
    %add3A_42 = vector.broadcast %add3A_41 : i32 to vector<16xi32>
    %add3A_43 = arith.addi %shift_right_logical3A_8, %add3A_42 : vector<16xi32>
    %add3A_44 = arith.constant 22 : i32
    %add3A_45 = vector.broadcast %add3A_44 : i32 to vector<16xi32>
    %add3A_46 = arith.addi %shift_right_logical3A_8, %add3A_45 : vector<16xi32>
    %add3A_47 = arith.constant 24 : i32
    %add3A_48 = vector.broadcast %add3A_47 : i32 to vector<16xi32>
    %add3A_49 = arith.addi %shift_right_logical3A_8, %add3A_48 : vector<16xi32>
    %add3A_50 = arith.constant 26 : i32
    %add3A_51 = vector.broadcast %add3A_50 : i32 to vector<16xi32>
    %add3A_52 = arith.addi %shift_right_logical3A_8, %add3A_51 : vector<16xi32>
    %add3A_53 = arith.constant 28 : i32
    %add3A_54 = vector.broadcast %add3A_53 : i32 to vector<16xi32>
    %add3A_55 = arith.addi %shift_right_logical3A_8, %add3A_54 : vector<16xi32>
    %add3A_56 = arith.constant 30 : i32
    %add3A_57 = vector.broadcast %add3A_56 : i32 to vector<16xi32>
    %add3A_58 = arith.addi %shift_right_logical3A_8, %add3A_57 : vector<16xi32>
    %add3A_59 = arith.constant 32 : i32
    %add3A_60 = vector.broadcast %add3A_59 : i32 to vector<16xi32>
    %add3A_61 = arith.addi %shift_right_logical3A_8, %add3A_60 : vector<16xi32>
    %add3A_62 = arith.constant 34 : i32
    %add3A_63 = vector.broadcast %add3A_62 : i32 to vector<16xi32>
    %add3A_64 = arith.addi %shift_right_logical3A_8, %add3A_63 : vector<16xi32>
    %add3A_65 = arith.constant 36 : i32
    %add3A_66 = vector.broadcast %add3A_65 : i32 to vector<16xi32>
    %add3A_67 = arith.addi %shift_right_logical3A_8, %add3A_66 : vector<16xi32>
    %add3A_68 = arith.constant 38 : i32
    %add3A_69 = vector.broadcast %add3A_68 : i32 to vector<16xi32>
    %add3A_70 = arith.addi %shift_right_logical3A_8, %add3A_69 : vector<16xi32>
    %add3A_71 = arith.constant 40 : i32
    %add3A_72 = vector.broadcast %add3A_71 : i32 to vector<16xi32>
    %add3A_73 = arith.addi %shift_right_logical3A_8, %add3A_72 : vector<16xi32>
    %add3A_74 = arith.constant 42 : i32
    %add3A_75 = vector.broadcast %add3A_74 : i32 to vector<16xi32>
    %add3A_76 = arith.addi %shift_right_logical3A_8, %add3A_75 : vector<16xi32>
    %add3A_77 = arith.constant 44 : i32
    %add3A_78 = vector.broadcast %add3A_77 : i32 to vector<16xi32>
    %add3A_79 = arith.addi %shift_right_logical3A_8, %add3A_78 : vector<16xi32>
    %add3A_80 = arith.constant 46 : i32
    %add3A_81 = vector.broadcast %add3A_80 : i32 to vector<16xi32>
    %add3A_82 = arith.addi %shift_right_logical3A_8, %add3A_81 : vector<16xi32>
    %add3A_83 = arith.constant 0 : i32
    %add3A_84 = vector.broadcast %add3A_83 : i32 to vector<16xi32>
    %add3A_85 = arith.addi %iota3A, %add3A_84 : vector<16xi32>
    %add3A_86 = arith.constant 16 : i32
    %add3A_87 = vector.broadcast %add3A_86 : i32 to vector<16xi32>
    %add3A_88 = arith.addi %iota3A, %add3A_87 : vector<16xi32>
    %add3A_89 = arith.constant 32 : i32
    %add3A_90 = vector.broadcast %add3A_89 : i32 to vector<16xi32>
    %add3A_91 = arith.addi %iota3A, %add3A_90 : vector<16xi32>
    %add3A_92 = arith.constant 48 : i32
    %add3A_93 = vector.broadcast %add3A_92 : i32 to vector<16xi32>
    %add3A_94 = arith.addi %iota3A, %add3A_93 : vector<16xi32>
    %add3A_95 = arith.constant 64 : i32
    %add3A_96 = vector.broadcast %add3A_95 : i32 to vector<16xi32>
    %add3A_97 = arith.addi %iota3A, %add3A_96 : vector<16xi32>
    %add3A_98 = arith.constant 80 : i32
    %add3A_99 = vector.broadcast %add3A_98 : i32 to vector<16xi32>
    %add3A_100 = arith.addi %iota3A, %add3A_99 : vector<16xi32>
    %add3A_101 = arith.constant 96 : i32
    %add3A_102 = vector.broadcast %add3A_101 : i32 to vector<16xi32>
    %add3A_103 = arith.addi %iota3A, %add3A_102 : vector<16xi32>
    %add3A_104 = arith.constant 112 : i32
    %add3A_105 = vector.broadcast %add3A_104 : i32 to vector<16xi32>
    %add3A_106 = arith.addi %iota3A, %add3A_105 : vector<16xi32>
    %dma_start3A = arith.constant 0 : i32
    %dma_start3A_107 = tpu.memref_slice %arg5[%dma_start3A] : memref<19200xi32, #tpu.memory_space<vmem>> -> memref<64xi32, #tpu.memory_space<vmem>>
    %dma_start3A_108 = arith.constant 0 : i32
    %dma_start3A_109 = arith.constant 0 : i32
    %dma_start3A_110 = tpu.memref_slice %arg3[%dma_start3A_108, %dma_start3A_109] : memref<300000x128xf32, #tpu.memory_space<hbm>> -> memref<300000x128xf32, #tpu.memory_space<hbm>>
    tpu.enqueue_indirect_dma source(%dma_start3A_110 : memref<300000x128xf32, #tpu.memory_space<hbm>>) target(%arg6 : memref<64x128xf32, #tpu.memory_space<vmem>>) offsets(%dma_start3A_107 : memref<64xi32, #tpu.memory_space<vmem>>) semaphore(%arg14 : memref<!tpu.dma_semaphore, #tpu.memory_space<semaphore_mem>>)
    %dma_start3A_111 = arith.constant 64 : i32
    %dma_start3A_112 = tpu.memref_slice %arg5[%dma_start3A_111] : memref<19200xi32, #tpu.memory_space<vmem>> -> memref<64xi32, #tpu.memory_space<vmem>>
    %dma_start3A_113 = arith.constant 0 : i32
    %dma_start3A_114 = arith.constant 0 : i32
    %dma_start3A_115 = tpu.memref_slice %arg3[%dma_start3A_113, %dma_start3A_114] : memref<300000x128xf32, #tpu.memory_space<hbm>> -> memref<300000x128xf32, #tpu.memory_space<hbm>>
    tpu.enqueue_indirect_dma source(%dma_start3A_115 : memref<300000x128xf32, #tpu.memory_space<hbm>>) target(%arg7 : memref<64x128xf32, #tpu.memory_space<vmem>>) offsets(%dma_start3A_112 : memref<64xi32, #tpu.memory_space<vmem>>) semaphore(%arg14 : memref<!tpu.dma_semaphore, #tpu.memory_space<semaphore_mem>>)
    %dma_start3A_116 = arith.constant 128 : i32
    %dma_start3A_117 = tpu.memref_slice %arg5[%dma_start3A_116] : memref<19200xi32, #tpu.memory_space<vmem>> -> memref<64xi32, #tpu.memory_space<vmem>>
    %dma_start3A_118 = arith.constant 0 : i32
    %dma_start3A_119 = arith.constant 0 : i32
    %dma_start3A_120 = tpu.memref_slice %arg3[%dma_start3A_118, %dma_start3A_119] : memref<300000x128xf32, #tpu.memory_space<hbm>> -> memref<300000x128xf32, #tpu.memory_space<hbm>>
    tpu.enqueue_indirect_dma source(%dma_start3A_120 : memref<300000x128xf32, #tpu.memory_space<hbm>>) target(%arg8 : memref<64x128xf32, #tpu.memory_space<vmem>>) offsets(%dma_start3A_117 : memref<64xi32, #tpu.memory_space<vmem>>) semaphore(%arg14 : memref<!tpu.dma_semaphore, #tpu.memory_space<semaphore_mem>>)
    %scan3A = arith.constant 0 : i32
    %scan3A_121 = arith.constant 50 : i32
    %scan3A_122 = arith.addi %scan3A, %scan3A_121 : i32
    %scan3A_123 = arith.constant 1 : i32
    scf.for %scan3A_303 = %scan3A to %scan3A_122 step %scan3A_123  : i32 {
      %mul3A_304 = arith.constant 2 : i32
      %mul3A_305 = arith.muli %scan3A_303, %mul3A_304 : i32
      %add3A_306 = arith.constant 0 : i32
      %add3A_307 = arith.addi %add3A_306, %mul3A_305 : i32
      %add3A_308 = arith.constant 0 : i32
      %add3A_309 = arith.addi %add3A_307, %add3A_308 : i32
      %add3A_310 = arith.constant 1 : i32
      %add3A_311 = arith.addi %add3A_309, %add3A_310 : i32
      %lt3A_312 = arith.constant 100 : i32
      %lt3A_313 = arith.cmpi slt, %add3A_311, %lt3A_312 : i32
      %convert_element_type3A = arith.extui %lt3A_313 : i1 to i32
      %cond3A = arith.constant 0 : i32
      %cond3A_314 = arith.cmpi ne, %convert_element_type3A, %cond3A : i32
      scf.if %cond3A_314 {
        %add3A_577 = arith.constant 1 : i32
        %add3A_578 = arith.addi %add3A_309, %add3A_577 : i32
        %mul3A_579 = arith.constant 192 : i32
        %mul3A_580 = arith.muli %add3A_578, %mul3A_579 : i32
        %add3A_581 = arith.constant 0 : i32
        %add3A_582 = arith.addi %mul3A_580, %add3A_581 : i32
        %dma_start3A_583 = tpu.memref_slice %arg5[%add3A_582] : memref<19200xi32, #tpu.memory_space<vmem>> -> memref<64xi32, #tpu.memory_space<vmem>>
        %dma_start3A_584 = arith.constant 0 : i32
        %dma_start3A_585 = arith.constant 0 : i32
        %dma_start3A_586 = tpu.memref_slice %arg3[%dma_start3A_584, %dma_start3A_585] : memref<300000x128xf32, #tpu.memory_space<hbm>> -> memref<300000x128xf32, #tpu.memory_space<hbm>>
        tpu.enqueue_indirect_dma source(%dma_start3A_586 : memref<300000x128xf32, #tpu.memory_space<hbm>>) target(%arg9 : memref<64x128xf32, #tpu.memory_space<vmem>>) offsets(%dma_start3A_583 : memref<64xi32, #tpu.memory_space<vmem>>) semaphore(%arg15 : memref<!tpu.dma_semaphore, #tpu.memory_space<semaphore_mem>>)
        %mul3A_587 = arith.constant 192 : i32
        %mul3A_588 = arith.muli %add3A_578, %mul3A_587 : i32
        %add3A_589 = arith.constant 64 : i32
        %add3A_590 = arith.addi %mul3A_588, %add3A_589 : i32
        %dma_start3A_591 = tpu.memref_slice %arg5[%add3A_590] : memref<19200xi32, #tpu.memory_space<vmem>> -> memref<64xi32, #tpu.memory_space<vmem>>
        %dma_start3A_592 = arith.constant 0 : i32
        %dma_start3A_593 = arith.constant 0 : i32
        %dma_start3A_594 = tpu.memref_slice %arg3[%dma_start3A_592, %dma_start3A_593] : memref<300000x128xf32, #tpu.memory_space<hbm>> -> memref<300000x128xf32, #tpu.memory_space<hbm>>
        tpu.enqueue_indirect_dma source(%dma_start3A_594 : memref<300000x128xf32, #tpu.memory_space<hbm>>) target(%arg10 : memref<64x128xf32, #tpu.memory_space<vmem>>) offsets(%dma_start3A_591 : memref<64xi32, #tpu.memory_space<vmem>>) semaphore(%arg15 : memref<!tpu.dma_semaphore, #tpu.memory_space<semaphore_mem>>)
        %mul3A_595 = arith.constant 192 : i32
        %mul3A_596 = arith.muli %add3A_578, %mul3A_595 : i32
        %add3A_597 = arith.constant 128 : i32
        %add3A_598 = arith.addi %mul3A_596, %add3A_597 : i32
        %dma_start3A_599 = tpu.memref_slice %arg5[%add3A_598] : memref<19200xi32, #tpu.memory_space<vmem>> -> memref<64xi32, #tpu.memory_space<vmem>>
        %dma_start3A_600 = arith.constant 0 : i32
        %dma_start3A_601 = arith.constant 0 : i32
        %dma_start3A_602 = tpu.memref_slice %arg3[%dma_start3A_600, %dma_start3A_601] : memref<300000x128xf32, #tpu.memory_space<hbm>> -> memref<300000x128xf32, #tpu.memory_space<hbm>>
        tpu.enqueue_indirect_dma source(%dma_start3A_602 : memref<300000x128xf32, #tpu.memory_space<hbm>>) target(%arg11 : memref<64x128xf32, #tpu.memory_space<vmem>>) offsets(%dma_start3A_599 : memref<64xi32, #tpu.memory_space<vmem>>) semaphore(%arg15 : memref<!tpu.dma_semaphore, #tpu.memory_space<semaphore_mem>>)
      } else {
      }
      %mul3A_315 = arith.constant 192 : i32
      %mul3A_316 = arith.muli %add3A_309, %mul3A_315 : i32
      %add3A_317 = arith.constant 0 : i32
      %add3A_318 = arith.addi %mul3A_316, %add3A_317 : i32
      %dma_wait3A_319 = tpu.memref_slice %arg5[%add3A_318] : memref<19200xi32, #tpu.memory_space<vmem>> -> memref<64xi32, #tpu.memory_space<vmem>>
      %dma_wait3A_320 = arith.constant 0 : i32
      %dma_wait3A_321 = arith.constant 0 : i32
      %dma_wait3A_322 = tpu.memref_slice %arg3[%dma_wait3A_320, %dma_wait3A_321] : memref<300000x128xf32, #tpu.memory_space<hbm>> -> memref<300000x128xf32, #tpu.memory_space<hbm>>
      tpu.wait_indirect_dma semaphore(%arg14 : memref<!tpu.dma_semaphore, #tpu.memory_space<semaphore_mem>>) src(%dma_wait3A_322 : memref<300000x128xf32, #tpu.memory_space<hbm>>) dst(%arg6 : memref<64x128xf32, #tpu.memory_space<vmem>>)
      %mul3A_323 = arith.constant 192 : i32
      %mul3A_324 = arith.muli %add3A_309, %mul3A_323 : i32
      %add3A_325 = arith.constant 64 : i32
      %add3A_326 = arith.addi %mul3A_324, %add3A_325 : i32
      %dma_wait3A_327 = tpu.memref_slice %arg5[%add3A_326] : memref<19200xi32, #tpu.memory_space<vmem>> -> memref<64xi32, #tpu.memory_space<vmem>>
      %dma_wait3A_328 = arith.constant 0 : i32
      %dma_wait3A_329 = arith.constant 0 : i32
      %dma_wait3A_330 = tpu.memref_slice %arg3[%dma_wait3A_328, %dma_wait3A_329] : memref<300000x128xf32, #tpu.memory_space<hbm>> -> memref<300000x128xf32, #tpu.memory_space<hbm>>
      tpu.wait_indirect_dma semaphore(%arg14 : memref<!tpu.dma_semaphore, #tpu.memory_space<semaphore_mem>>) src(%dma_wait3A_330 : memref<300000x128xf32, #tpu.memory_space<hbm>>) dst(%arg7 : memref<64x128xf32, #tpu.memory_space<vmem>>)
      %mul3A_331 = arith.constant 192 : i32
      %mul3A_332 = arith.muli %add3A_309, %mul3A_331 : i32
      %add3A_333 = arith.constant 128 : i32
      %add3A_334 = arith.addi %mul3A_332, %add3A_333 : i32
      %dma_wait3A_335 = tpu.memref_slice %arg5[%add3A_334] : memref<19200xi32, #tpu.memory_space<vmem>> -> memref<64xi32, #tpu.memory_space<vmem>>
      %dma_wait3A_336 = arith.constant 0 : i32
      %dma_wait3A_337 = arith.constant 0 : i32
      %dma_wait3A_338 = tpu.memref_slice %arg3[%dma_wait3A_336, %dma_wait3A_337] : memref<300000x128xf32, #tpu.memory_space<hbm>> -> memref<300000x128xf32, #tpu.memory_space<hbm>>
      tpu.wait_indirect_dma semaphore(%arg14 : memref<!tpu.dma_semaphore, #tpu.memory_space<semaphore_mem>>) src(%dma_wait3A_338 : memref<300000x128xf32, #tpu.memory_space<hbm>>) dst(%arg8 : memref<64x128xf32, #tpu.memory_space<vmem>>)
      %ge3A = arith.constant 2 : i32
      %ge3A_339 = arith.cmpi sge, %add3A_309, %ge3A : i32
      %convert_element_type3A_340 = arith.extui %ge3A_339 : i1 to i32
      %cond3A_341 = arith.constant 0 : i32
      %cond3A_342 = arith.cmpi ne, %convert_element_type3A_340, %cond3A_341 : i32
      scf.if %cond3A_342 {
        %sub3A_577 = arith.constant 2 : i32
        %sub3A_578 = arith.subi %add3A_309, %sub3A_577 : i32
        %mul3A_579 = arith.constant 100 : i32
        %mul3A_580 = arith.muli %add3A, %mul3A_579 : i32
        %add3A_581 = arith.addi %mul3A_580, %sub3A_578 : i32
        %jit3A_582 = arith.constant 64 : i32
        %div3A_583 = arith.divsi %add3A_581, %jit3A_582 : i32
        %sign3A_584 = arith.constant 0 : i32
        %sign3A_585 = arith.cmpi sgt, %add3A_581, %sign3A_584 : i32
        %sign3A_586 = arith.extui %sign3A_585 : i1 to i32
        %sign3A_587 = arith.constant 0 : i32
        %sign3A_588 = arith.cmpi slt, %add3A_581, %sign3A_587 : i32
        %sign3A_589 = arith.extui %sign3A_588 : i1 to i32
        %sign3A_590 = arith.subi %sign3A_586, %sign3A_589 : i32
        %sign3A_591 = arith.constant 0 : i32
        %sign3A_592 = arith.cmpi sgt, %jit3A_582, %sign3A_591 : i32
        %sign3A_593 = arith.extui %sign3A_592 : i1 to i32
        %sign3A_594 = arith.constant 0 : i32
        %sign3A_595 = arith.cmpi slt, %jit3A_582, %sign3A_594 : i32
        %sign3A_596 = arith.extui %sign3A_595 : i1 to i32
        %sign3A_597 = arith.subi %sign3A_593, %sign3A_596 : i32
        %ne3A_598 = arith.cmpi ne, %sign3A_590, %sign3A_597 : i32
        %rem3A_599 = arith.remsi %add3A_581, %jit3A_582 : i32
        %ne3A_600 = arith.constant 0 : i32
        %ne3A_601 = arith.cmpi ne, %rem3A_599, %ne3A_600 : i32
        %and3A_602 = arith.andi %ne3A_598, %ne3A_601 : i1
        %sub3A_603 = arith.constant 1 : i32
        %sub3A_604 = arith.subi %div3A_583, %sub3A_603 : i32
        %select_n3A_605 = arith.select %and3A_602, %sub3A_604, %div3A_583 : i32
        %jit3A_606 = arith.constant 64 : i32
        %eq3A_607 = arith.constant 0 : i32
        %eq3A_608 = arith.cmpi eq, %jit3A_606, %eq3A_607 : i32
        %jit3A_609 = arith.constant 1 : i32
        %select_n3A_610 = arith.select %eq3A_608, %jit3A_609, %jit3A_606 : i32
        %rem3A_611 = arith.remsi %add3A_581, %select_n3A_610 : i32
        %ne3A_612 = arith.constant 0 : i32
        %ne3A_613 = arith.cmpi ne, %rem3A_611, %ne3A_612 : i32
        %lt3A_614 = arith.constant 0 : i32
        %lt3A_615 = arith.cmpi slt, %rem3A_611, %lt3A_614 : i32
        %lt3A_616 = arith.constant 0 : i32
        %lt3A_617 = arith.cmpi slt, %select_n3A_610, %lt3A_616 : i32
        %ne3A_618 = arith.xori %lt3A_615, %lt3A_617 : i1
        %and3A_619 = arith.andi %ne3A_618, %ne3A_613 : i1
        %add3A_620 = arith.addi %rem3A_611, %select_n3A_610 : i32
        %select_n3A_621 = arith.select %and3A_619, %add3A_620, %rem3A_611 : i32
        %jit3A_622 = arith.constant 2 : i32
        %div3A_623 = arith.divsi %select_n3A_621, %jit3A_622 : i32
        %sign3A_624 = arith.constant 0 : i32
        %sign3A_625 = arith.cmpi sgt, %select_n3A_621, %sign3A_624 : i32
        %sign3A_626 = arith.extui %sign3A_625 : i1 to i32
        %sign3A_627 = arith.constant 0 : i32
        %sign3A_628 = arith.cmpi slt, %select_n3A_621, %sign3A_627 : i32
        %sign3A_629 = arith.extui %sign3A_628 : i1 to i32
        %sign3A_630 = arith.subi %sign3A_626, %sign3A_629 : i32
        %sign3A_631 = arith.constant 0 : i32
        %sign3A_632 = arith.cmpi sgt, %jit3A_622, %sign3A_631 : i32
        %sign3A_633 = arith.extui %sign3A_632 : i1 to i32
        %sign3A_634 = arith.constant 0 : i32
        %sign3A_635 = arith.cmpi slt, %jit3A_622, %sign3A_634 : i32
        %sign3A_636 = arith.extui %sign3A_635 : i1 to i32
        %sign3A_637 = arith.subi %sign3A_633, %sign3A_636 : i32
        %ne3A_638 = arith.cmpi ne, %sign3A_630, %sign3A_637 : i32
        %rem3A_639 = arith.remsi %select_n3A_621, %jit3A_622 : i32
        %ne3A_640 = arith.constant 0 : i32
        %ne3A_641 = arith.cmpi ne, %rem3A_639, %ne3A_640 : i32
        %and3A_642 = arith.andi %ne3A_638, %ne3A_641 : i1
        %sub3A_643 = arith.constant 1 : i32
        %sub3A_644 = arith.subi %div3A_623, %sub3A_643 : i32
        %select_n3A_645 = arith.select %and3A_642, %sub3A_644, %div3A_623 : i32
        %jit3A_646 = arith.constant 2 : i32
        %eq3A_647 = arith.constant 0 : i32
        %eq3A_648 = arith.cmpi eq, %jit3A_646, %eq3A_647 : i32
        %jit3A_649 = arith.constant 1 : i32
        %select_n3A_650 = arith.select %eq3A_648, %jit3A_649, %jit3A_646 : i32
        %rem3A_651 = arith.remsi %select_n3A_621, %select_n3A_650 : i32
        %ne3A_652 = arith.constant 0 : i32
        %ne3A_653 = arith.cmpi ne, %rem3A_651, %ne3A_652 : i32
        %lt3A_654 = arith.constant 0 : i32
        %lt3A_655 = arith.cmpi slt, %rem3A_651, %lt3A_654 : i32
        %lt3A_656 = arith.constant 0 : i32
        %lt3A_657 = arith.cmpi slt, %select_n3A_650, %lt3A_656 : i32
        %ne3A_658 = arith.xori %lt3A_655, %lt3A_657 : i1
        %and3A_659 = arith.andi %ne3A_658, %ne3A_653 : i1
        %add3A_660 = arith.addi %rem3A_651, %select_n3A_650 : i32
        %select_n3A_661 = arith.select %and3A_659, %add3A_660, %rem3A_651 : i32
        %mul3A_662 = arith.constant 64 : i32
        %mul3A_663 = arith.muli %select_n3A_661, %mul3A_662 : i32
        %dma_wait3A_664 = arith.constant 0 : i32
        %dma_wait3A_665 = arith.constant 0 : i32
        %dma_wait3A_666 = tpu.memref_slice %arg4[%select_n3A_605, %dma_wait3A_664, %select_n3A_645, %dma_wait3A_665, %mul3A_663] : memref<50x38x32x8x128xf32, #tpu.memory_space<hbm>> -> memref<1x38x1x8x64xf32, #tpu.memory_space<hbm>>
        %dma_wait3A_667 = tpu.memref_squeeze %dma_wait3A_666 : memref<1x38x1x8x64xf32, #tpu.memory_space<hbm>> -> memref<38x8x64xf32, #tpu.memory_space<hbm>>
        %dma_wait3A_668 = arith.constant 0 : i32
        %dma_wait3A_669 = arith.constant 0 : i32
        %dma_wait3A_670 = tpu.memref_slice %arg4[%select_n3A_605, %dma_wait3A_668, %select_n3A_645, %dma_wait3A_669, %mul3A_663] : memref<50x38x32x8x128xf32, #tpu.memory_space<hbm>> -> memref<1x38x1x8x64xf32, #tpu.memory_space<hbm>>
        %dma_wait3A_671 = tpu.memref_squeeze %dma_wait3A_670 : memref<1x38x1x8x64xf32, #tpu.memory_space<hbm>> -> memref<38x8x64xf32, #tpu.memory_space<hbm>>
        tpu.wait_dma2 semaphore(%arg16 : memref<!tpu.dma_semaphore, #tpu.memory_space<semaphore_mem>>) src(%arg12 : memref<38x8x64xf32, #tpu.memory_space<vmem>>) dst(%dma_wait3A_671 : memref<38x8x64xf32, #tpu.memory_space<hbm>>)
      } else {
      }
      %scan3A_343 = arith.constant 0 : i32
      %scan3A_344 = arith.constant 64 : i32
      %scan3A_345 = arith.addi %scan3A_343, %scan3A_344 : i32
      %scan3A_346 = arith.constant 2 : i32
      scf.for %scan3A_577 = %scan3A_343 to %scan3A_345 step %scan3A_346  : i32 {
        %mul3A_578 = arith.constant 1 : i32
        %mul3A_579 = arith.muli %scan3A_577, %mul3A_578 : i32
        %add3A_580 = arith.constant 0 : i32
        %add3A_581 = arith.addi %add3A_580, %mul3A_579 : i32
        %broadcast_in_dim3A = vector.broadcast %add3A_581 : i32 to vector<16xi32>
        %get3A = arith.index_cast %add3A_581 : i32 to index
        %get3A_582 = arith.constant 0 : index
        %get3A_583 = tpu.vector_load %arg6[%get3A, %get3A_582] {strides = array<i32>} : memref<64x128xf32, #tpu.memory_space<vmem>>, vector<16xf32>,
        tpu.vector_store_idx %arg12[%add3A_13, %and3A_10, %broadcast_in_dim3A], %get3A_583 : memref<38x8x64xf32, #tpu.memory_space<vmem>>[vector<16xi32>, vector<16xi32>, vector<16xi32>], vector<16xf32>,
        %get3A_584 = arith.index_cast %add3A_581 : i32 to index
        %get3A_585 = arith.constant 16 : index
        %get3A_586 = tpu.vector_load %arg6[%get3A_584, %get3A_585] {strides = array<i32>} : memref<64x128xf32, #tpu.memory_space<vmem>>, vector<16xf32>,
        tpu.vector_store_idx %arg12[%add3A_16, %and3A_10, %broadcast_in_dim3A], %get3A_586 : memref<38x8x64xf32, #tpu.memory_space<vmem>>[vector<16xi32>, vector<16xi32>, vector<16xi32>], vector<16xf32>,
        %get3A_587 = arith.index_cast %add3A_581 : i32 to index
        %get3A_588 = arith.constant 32 : index
        %get3A_589 = tpu.vector_load %arg6[%get3A_587, %get3A_588] {strides = array<i32>} : memref<64x128xf32, #tpu.memory_space<vmem>>, vector<16xf32>,
        tpu.vector_store_idx %arg12[%add3A_19, %and3A_10, %broadcast_in_dim3A], %get3A_589 : memref<38x8x64xf32, #tpu.memory_space<vmem>>[vector<16xi32>, vector<16xi32>, vector<16xi32>], vector<16xf32>,
        %get3A_590 = arith.index_cast %add3A_581 : i32 to index
        %get3A_591 = arith.constant 48 : index
        %get3A_592 = tpu.vector_load %arg6[%get3A_590, %get3A_591] {strides = array<i32>} : memref<64x128xf32, #tpu.memory_space<vmem>>, vector<16xf32>,
        tpu.vector_store_idx %arg12[%add3A_22, %and3A_10, %broadcast_in_dim3A], %get3A_592 : memref<38x8x64xf32, #tpu.memory_space<vmem>>[vector<16xi32>, vector<16xi32>, vector<16xi32>], vector<16xf32>,
        %get3A_593 = arith.index_cast %add3A_581 : i32 to index
        %get3A_594 = arith.constant 64 : index
        %get3A_595 = tpu.vector_load %arg6[%get3A_593, %get3A_594] {strides = array<i32>} : memref<64x128xf32, #tpu.memory_space<vmem>>, vector<16xf32>,
        tpu.vector_store_idx %arg12[%add3A_25, %and3A_10, %broadcast_in_dim3A], %get3A_595 : memref<38x8x64xf32, #tpu.memory_space<vmem>>[vector<16xi32>, vector<16xi32>, vector<16xi32>], vector<16xf32>,
        %get3A_596 = arith.index_cast %add3A_581 : i32 to index
        %get3A_597 = arith.constant 80 : index
        %get3A_598 = tpu.vector_load %arg6[%get3A_596, %get3A_597] {strides = array<i32>} : memref<64x128xf32, #tpu.memory_space<vmem>>, vector<16xf32>,
        tpu.vector_store_idx %arg12[%add3A_28, %and3A_10, %broadcast_in_dim3A], %get3A_598 : memref<38x8x64xf32, #tpu.memory_space<vmem>>[vector<16xi32>, vector<16xi32>, vector<16xi32>], vector<16xf32>,
        %get3A_599 = arith.index_cast %add3A_581 : i32 to index
        %get3A_600 = arith.constant 96 : index
        %get3A_601 = tpu.vector_load %arg6[%get3A_599, %get3A_600] {strides = array<i32>} : memref<64x128xf32, #tpu.memory_space<vmem>>, vector<16xf32>,
        tpu.vector_store_idx %arg12[%add3A_31, %and3A_10, %broadcast_in_dim3A], %get3A_601 : memref<38x8x64xf32, #tpu.memory_space<vmem>>[vector<16xi32>, vector<16xi32>, vector<16xi32>], vector<16xf32>,
        %get3A_602 = arith.index_cast %add3A_581 : i32 to index
        %get3A_603 = arith.constant 112 : index
        %get3A_604 = tpu.vector_load %arg6[%get3A_602, %get3A_603] {strides = array<i32>} : memref<64x128xf32, #tpu.memory_space<vmem>>, vector<16xf32>,
        tpu.vector_store_idx %arg12[%add3A_34, %and3A_10, %broadcast_in_dim3A], %get3A_604 : memref<38x8x64xf32, #tpu.memory_space<vmem>>[vector<16xi32>, vector<16xi32>, vector<16xi32>], vector<16xf32>,
        %get3A_605 = arith.index_cast %add3A_581 : i32 to index
        %get3A_606 = arith.constant 0 : index
        %get3A_607 = tpu.vector_load %arg7[%get3A_605, %get3A_606] {strides = array<i32>} : memref<64x128xf32, #tpu.memory_space<vmem>>, vector<16xf32>,
        tpu.vector_store_idx %arg12[%add3A_37, %and3A_10, %broadcast_in_dim3A], %get3A_607 : memref<38x8x64xf32, #tpu.memory_space<vmem>>[vector<16xi32>, vector<16xi32>, vector<16xi32>], vector<16xf32>,
        %get3A_608 = arith.index_cast %add3A_581 : i32 to index
        %get3A_609 = arith.constant 16 : index
        %get3A_610 = tpu.vector_load %arg7[%get3A_608, %get3A_609] {strides = array<i32>} : memref<64x128xf32, #tpu.memory_space<vmem>>, vector<16xf32>,
        tpu.vector_store_idx %arg12[%add3A_40, %and3A_10, %broadcast_in_dim3A], %get3A_610 : memref<38x8x64xf32, #tpu.memory_space<vmem>>[vector<16xi32>, vector<16xi32>, vector<16xi32>], vector<16xf32>,
        %get3A_611 = arith.index_cast %add3A_581 : i32 to index
        %get3A_612 = arith.constant 32 : index
        %get3A_613 = tpu.vector_load %arg7[%get3A_611, %get3A_612] {strides = array<i32>} : memref<64x128xf32, #tpu.memory_space<vmem>>, vector<16xf32>,
        tpu.vector_store_idx %arg12[%add3A_43, %and3A_10, %broadcast_in_dim3A], %get3A_613 : memref<38x8x64xf32, #tpu.memory_space<vmem>>[vector<16xi32>, vector<16xi32>, vector<16xi32>], vector<16xf32>,
        %get3A_614 = arith.index_cast %add3A_581 : i32 to index
        %get3A_615 = arith.constant 48 : index
        %get3A_616 = tpu.vector_load %arg7[%get3A_614, %get3A_615] {strides = array<i32>} : memref<64x128xf32, #tpu.memory_space<vmem>>, vector<16xf32>,
        tpu.vector_store_idx %arg12[%add3A_46, %and3A_10, %broadcast_in_dim3A], %get3A_616 : memref<38x8x64xf32, #tpu.memory_space<vmem>>[vector<16xi32>, vector<16xi32>, vector<16xi32>], vector<16xf32>,
        %get3A_617 = arith.index_cast %add3A_581 : i32 to index
        %get3A_618 = arith.constant 64 : index
        %get3A_619 = tpu.vector_load %arg7[%get3A_617, %get3A_618] {strides = array<i32>} : memref<64x128xf32, #tpu.memory_space<vmem>>, vector<16xf32>,
        tpu.vector_store_idx %arg12[%add3A_49, %and3A_10, %broadcast_in_dim3A], %get3A_619 : memref<38x8x64xf32, #tpu.memory_space<vmem>>[vector<16xi32>, vector<16xi32>, vector<16xi32>], vector<16xf32>,
        %get3A_620 = arith.index_cast %add3A_581 : i32 to index
        %get3A_621 = arith.constant 80 : index
        %get3A_622 = tpu.vector_load %arg7[%get3A_620, %get3A_621] {strides = array<i32>} : memref<64x128xf32, #tpu.memory_space<vmem>>, vector<16xf32>,
        tpu.vector_store_idx %arg12[%add3A_52, %and3A_10, %broadcast_in_dim3A], %get3A_622 : memref<38x8x64xf32, #tpu.memory_space<vmem>>[vector<16xi32>, vector<16xi32>, vector<16xi32>], vector<16xf32>,
        %get3A_623 = arith.index_cast %add3A_581 : i32 to index
        %get3A_624 = arith.constant 96 : index
        %get3A_625 = tpu.vector_load %arg7[%get3A_623, %get3A_624] {strides = array<i32>} : memref<64x128xf32, #tpu.memory_space<vmem>>, vector<16xf32>,
        tpu.vector_store_idx %arg12[%add3A_55, %and3A_10, %broadcast_in_dim3A], %get3A_625 : memref<38x8x64xf32, #tpu.memory_space<vmem>>[vector<16xi32>, vector<16xi32>, vector<16xi32>], vector<16xf32>,
        %get3A_626 = arith.index_cast %add3A_581 : i32 to index
        %get3A_627 = arith.constant 112 : index
        %get3A_628 = tpu.vector_load %arg7[%get3A_626, %get3A_627] {strides = array<i32>} : memref<64x128xf32, #tpu.memory_space<vmem>>, vector<16xf32>,
        tpu.vector_store_idx %arg12[%add3A_58, %and3A_10, %broadcast_in_dim3A], %get3A_628 : memref<38x8x64xf32, #tpu.memory_space<vmem>>[vector<16xi32>, vector<16xi32>, vector<16xi32>], vector<16xf32>,
        %get3A_629 = arith.index_cast %add3A_581 : i32 to index
        %get3A_630 = arith.constant 0 : index
        %get3A_631 = tpu.vector_load %arg8[%get3A_629, %get3A_630] {strides = array<i32>} : memref<64x128xf32, #tpu.memory_space<vmem>>, vector<16xf32>,
        tpu.vector_store_idx %arg12[%add3A_61, %and3A_10, %broadcast_in_dim3A], %get3A_631 : memref<38x8x64xf32, #tpu.memory_space<vmem>>[vector<16xi32>, vector<16xi32>, vector<16xi32>], vector<16xf32>,
        %get3A_632 = arith.index_cast %add3A_581 : i32 to index
        %get3A_633 = arith.constant 16 : index
        %get3A_634 = tpu.vector_load %arg8[%get3A_632, %get3A_633] {strides = array<i32>} : memref<64x128xf32, #tpu.memory_space<vmem>>, vector<16xf32>,
        tpu.vector_store_idx %arg12[%add3A_64, %and3A_10, %broadcast_in_dim3A], %get3A_634 : memref<38x8x64xf32, #tpu.memory_space<vmem>>[vector<16xi32>, vector<16xi32>, vector<16xi32>], vector<16xf32>,
        %get3A_635 = arith.index_cast %add3A_581 : i32 to index
        %get3A_636 = arith.constant 32 : index
        %get3A_637 = tpu.vector_load %arg8[%get3A_635, %get3A_636] {strides = array<i32>} : memref<64x128xf32, #tpu.memory_space<vmem>>, vector<16xf32>,
        tpu.vector_store_idx %arg12[%add3A_67, %and3A_10, %broadcast_in_dim3A], %get3A_637 : memref<38x8x64xf32, #tpu.memory_space<vmem>>[vector<16xi32>, vector<16xi32>, vector<16xi32>], vector<16xf32>,
        %scan3A_638 = arith.constant 1 : i32
        %scan3A_639 = arith.addi %scan3A_577, %scan3A_638 : i32
        %mul3A_640 = arith.constant 1 : i32
        %mul3A_641 = arith.muli %scan3A_639, %mul3A_640 : i32
        %add3A_642 = arith.constant 0 : i32
        %add3A_643 = arith.addi %add3A_642, %mul3A_641 : i32
        %broadcast_in_dim3A_644 = vector.broadcast %add3A_643 : i32 to vector<16xi32>
        %get3A_645 = arith.index_cast %add3A_643 : i32 to index
        %get3A_646 = arith.constant 0 : index
        %get3A_647 = tpu.vector_load %arg6[%get3A_645, %get3A_646] {strides = array<i32>} : memref<64x128xf32, #tpu.memory_space<vmem>>, vector<16xf32>,
        tpu.vector_store_idx %arg12[%add3A_13, %and3A_10, %broadcast_in_dim3A_644], %get3A_647 : memref<38x8x64xf32, #tpu.memory_space<vmem>>[vector<16xi32>, vector<16xi32>, vector<16xi32>], vector<16xf32>,
        %get3A_648 = arith.index_cast %add3A_643 : i32 to index
        %get3A_649 = arith.constant 16 : index
        %get3A_650 = tpu.vector_load %arg6[%get3A_648, %get3A_649] {strides = array<i32>} : memref<64x128xf32, #tpu.memory_space<vmem>>, vector<16xf32>,
        tpu.vector_store_idx %arg12[%add3A_16, %and3A_10, %broadcast_in_dim3A_644], %get3A_650 : memref<38x8x64xf32, #tpu.memory_space<vmem>>[vector<16xi32>, vector<16xi32>, vector<16xi32>], vector<16xf32>,
        %get3A_651 = arith.index_cast %add3A_643 : i32 to index
        %get3A_652 = arith.constant 32 : index
        %get3A_653 = tpu.vector_load %arg6[%get3A_651, %get3A_652] {strides = array<i32>} : memref<64x128xf32, #tpu.memory_space<vmem>>, vector<16xf32>,
        tpu.vector_store_idx %arg12[%add3A_19, %and3A_10, %broadcast_in_dim3A_644], %get3A_653 : memref<38x8x64xf32, #tpu.memory_space<vmem>>[vector<16xi32>, vector<16xi32>, vector<16xi32>], vector<16xf32>,
        %get3A_654 = arith.index_cast %add3A_643 : i32 to index
        %get3A_655 = arith.constant 48 : index
        %get3A_656 = tpu.vector_load %arg6[%get3A_654, %get3A_655] {strides = array<i32>} : memref<64x128xf32, #tpu.memory_space<vmem>>, vector<16xf32>,
        tpu.vector_store_idx %arg12[%add3A_22, %and3A_10, %broadcast_in_dim3A_644], %get3A_656 : memref<38x8x64xf32, #tpu.memory_space<vmem>>[vector<16xi32>, vector<16xi32>, vector<16xi32>], vector<16xf32>,
        %get3A_657 = arith.index_cast %add3A_643 : i32 to index
        %get3A_658 = arith.constant 64 : index
        %get3A_659 = tpu.vector_load %arg6[%get3A_657, %get3A_658] {strides = array<i32>} : memref<64x128xf32, #tpu.memory_space<vmem>>, vector<16xf32>,
        tpu.vector_store_idx %arg12[%add3A_25, %and3A_10, %broadcast_in_dim3A_644], %get3A_659 : memref<38x8x64xf32, #tpu.memory_space<vmem>>[vector<16xi32>, vector<16xi32>, vector<16xi32>], vector<16xf32>,
        %get3A_660 = arith.index_cast %add3A_643 : i32 to index
        %get3A_661 = arith.constant 80 : index
        %get3A_662 = tpu.vector_load %arg6[%get3A_660, %get3A_661] {strides = array<i32>} : memref<64x128xf32, #tpu.memory_space<vmem>>, vector<16xf32>,
        tpu.vector_store_idx %arg12[%add3A_28, %and3A_10, %broadcast_in_dim3A_644], %get3A_662 : memref<38x8x64xf32, #tpu.memory_space<vmem>>[vector<16xi32>, vector<16xi32>, vector<16xi32>], vector<16xf32>,
        %get3A_663 = arith.index_cast %add3A_643 : i32 to index
        %get3A_664 = arith.constant 96 : index
        %get3A_665 = tpu.vector_load %arg6[%get3A_663, %get3A_664] {strides = array<i32>} : memref<64x128xf32, #tpu.memory_space<vmem>>, vector<16xf32>,
        tpu.vector_store_idx %arg12[%add3A_31, %and3A_10, %broadcast_in_dim3A_644], %get3A_665 : memref<38x8x64xf32, #tpu.memory_space<vmem>>[vector<16xi32>, vector<16xi32>, vector<16xi32>], vector<16xf32>,
        %get3A_666 = arith.index_cast %add3A_643 : i32 to index
        %get3A_667 = arith.constant 112 : index
        %get3A_668 = tpu.vector_load %arg6[%get3A_666, %get3A_667] {strides = array<i32>} : memref<64x128xf32, #tpu.memory_space<vmem>>, vector<16xf32>,
        tpu.vector_store_idx %arg12[%add3A_34, %and3A_10, %broadcast_in_dim3A_644], %get3A_668 : memref<38x8x64xf32, #tpu.memory_space<vmem>>[vector<16xi32>, vector<16xi32>, vector<16xi32>], vector<16xf32>,
        %get3A_669 = arith.index_cast %add3A_643 : i32 to index
        %get3A_670 = arith.constant 0 : index
        %get3A_671 = tpu.vector_load %arg7[%get3A_669, %get3A_670] {strides = array<i32>} : memref<64x128xf32, #tpu.memory_space<vmem>>, vector<16xf32>,
        tpu.vector_store_idx %arg12[%add3A_37, %and3A_10, %broadcast_in_dim3A_644], %get3A_671 : memref<38x8x64xf32, #tpu.memory_space<vmem>>[vector<16xi32>, vector<16xi32>, vector<16xi32>], vector<16xf32>,
        %get3A_672 = arith.index_cast %add3A_643 : i32 to index
        %get3A_673 = arith.constant 16 : index
        %get3A_674 = tpu.vector_load %arg7[%get3A_672, %get3A_673] {strides = array<i32>} : memref<64x128xf32, #tpu.memory_space<vmem>>, vector<16xf32>,
        tpu.vector_store_idx %arg12[%add3A_40, %and3A_10, %broadcast_in_dim3A_644], %get3A_674 : memref<38x8x64xf32, #tpu.memory_space<vmem>>[vector<16xi32>, vector<16xi32>, vector<16xi32>], vector<16xf32>,
        %get3A_675 = arith.index_cast %add3A_643 : i32 to index
        %get3A_676 = arith.constant 32 : index
        %get3A_677 = tpu.vector_load %arg7[%get3A_675, %get3A_676] {strides = array<i32>} : memref<64x128xf32, #tpu.memory_space<vmem>>, vector<16xf32>,
        tpu.vector_store_idx %arg12[%add3A_43, %and3A_10, %broadcast_in_dim3A_644], %get3A_677 : memref<38x8x64xf32, #tpu.memory_space<vmem>>[vector<16xi32>, vector<16xi32>, vector<16xi32>], vector<16xf32>,
        %get3A_678 = arith.index_cast %add3A_643 : i32 to index
        %get3A_679 = arith.constant 48 : index
        %get3A_680 = tpu.vector_load %arg7[%get3A_678, %get3A_679] {strides = array<i32>} : memref<64x128xf32, #tpu.memory_space<vmem>>, vector<16xf32>,
        tpu.vector_store_idx %arg12[%add3A_46, %and3A_10, %broadcast_in_dim3A_644], %get3A_680 : memref<38x8x64xf32, #tpu.memory_space<vmem>>[vector<16xi32>, vector<16xi32>, vector<16xi32>], vector<16xf32>,
        %get3A_681 = arith.index_cast %add3A_643 : i32 to index
        %get3A_682 = arith.constant 64 : index
        %get3A_683 = tpu.vector_load %arg7[%get3A_681, %get3A_682] {strides = array<i32>} : memref<64x128xf32, #tpu.memory_space<vmem>>, vector<16xf32>,
        tpu.vector_store_idx %arg12[%add3A_49, %and3A_10, %broadcast_in_dim3A_644], %get3A_683 : memref<38x8x64xf32, #tpu.memory_space<vmem>>[vector<16xi32>, vector<16xi32>, vector<16xi32>], vector<16xf32>,
        %get3A_684 = arith.index_cast %add3A_643 : i32 to index
        %get3A_685 = arith.constant 80 : index
        %get3A_686 = tpu.vector_load %arg7[%get3A_684, %get3A_685] {strides = array<i32>} : memref<64x128xf32, #tpu.memory_space<vmem>>, vector<16xf32>,
        tpu.vector_store_idx %arg12[%add3A_52, %and3A_10, %broadcast_in_dim3A_644], %get3A_686 : memref<38x8x64xf32, #tpu.memory_space<vmem>>[vector<16xi32>, vector<16xi32>, vector<16xi32>], vector<16xf32>,
        %get3A_687 = arith.index_cast %add3A_643 : i32 to index
        %get3A_688 = arith.constant 96 : index
        %get3A_689 = tpu.vector_load %arg7[%get3A_687, %get3A_688] {strides = array<i32>} : memref<64x128xf32, #tpu.memory_space<vmem>>, vector<16xf32>,
        tpu.vector_store_idx %arg12[%add3A_55, %and3A_10, %broadcast_in_dim3A_644], %get3A_689 : memref<38x8x64xf32, #tpu.memory_space<vmem>>[vector<16xi32>, vector<16xi32>, vector<16xi32>], vector<16xf32>,
        %get3A_690 = arith.index_cast %add3A_643 : i32 to index
        %get3A_691 = arith.constant 112 : index
        %get3A_692 = tpu.vector_load %arg7[%get3A_690, %get3A_691] {strides = array<i32>} : memref<64x128xf32, #tpu.memory_space<vmem>>, vector<16xf32>,
        tpu.vector_store_idx %arg12[%add3A_58, %and3A_10, %broadcast_in_dim3A_644], %get3A_692 : memref<38x8x64xf32, #tpu.memory_space<vmem>>[vector<16xi32>, vector<16xi32>, vector<16xi32>], vector<16xf32>,
        %get3A_693 = arith.index_cast %add3A_643 : i32 to index
        %get3A_694 = arith.constant 0 : index
        %get3A_695 = tpu.vector_load %arg8[%get3A_693, %get3A_694] {strides = array<i32>} : memref<64x128xf32, #tpu.memory_space<vmem>>, vector<16xf32>,
        tpu.vector_store_idx %arg12[%add3A_61, %and3A_10, %broadcast_in_dim3A_644], %get3A_695 : memref<38x8x64xf32, #tpu.memory_space<vmem>>[vector<16xi32>, vector<16xi32>, vector<16xi32>], vector<16xf32>,
        %get3A_696 = arith.index_cast %add3A_643 : i32 to index
        %get3A_697 = arith.constant 16 : index
        %get3A_698 = tpu.vector_load %arg8[%get3A_696, %get3A_697] {strides = array<i32>} : memref<64x128xf32, #tpu.memory_space<vmem>>, vector<16xf32>,
        tpu.vector_store_idx %arg12[%add3A_64, %and3A_10, %broadcast_in_dim3A_644], %get3A_698 : memref<38x8x64xf32, #tpu.memory_space<vmem>>[vector<16xi32>, vector<16xi32>, vector<16xi32>], vector<16xf32>,
        %get3A_699 = arith.index_cast %add3A_643 : i32 to index
        %get3A_700 = arith.constant 32 : index
        %get3A_701 = tpu.vector_load %arg8[%get3A_699, %get3A_700] {strides = array<i32>} : memref<64x128xf32, #tpu.memory_space<vmem>>, vector<16xf32>,
        tpu.vector_store_idx %arg12[%add3A_67, %and3A_10, %broadcast_in_dim3A_644], %get3A_701 : memref<38x8x64xf32, #tpu.memory_space<vmem>>[vector<16xi32>, vector<16xi32>, vector<16xi32>], vector<16xf32>,
      }
      %scan3A_347 = arith.constant 64 : i32
      %mul3A_348 = arith.constant 100 : i32
      %mul3A_349 = arith.muli %add3A, %mul3A_348 : i32
      %add3A_350 = arith.addi %mul3A_349, %add3A_309 : i32
      %jit3A_351 = arith.constant 64 : i32
      %div3A_352 = arith.divsi %add3A_350, %jit3A_351 : i32
      %sign3A_353 = arith.constant 0 : i32
      %sign3A_354 = arith.cmpi sgt, %add3A_350, %sign3A_353 : i32
      %sign3A_355 = arith.extui %sign3A_354 : i1 to i32
      %sign3A_356 = arith.constant 0 : i32
      %sign3A_357 = arith.cmpi slt, %add3A_350, %sign3A_356 : i32
      %sign3A_358 = arith.extui %sign3A_357 : i1 to i32
      %sign3A_359 = arith.subi %sign3A_355, %sign3A_358 : i32
      %sign3A_360 = arith.constant 0 : i32
      %sign3A_361 = arith.cmpi sgt, %jit3A_351, %sign3A_360 : i32
      %sign3A_362 = arith.extui %sign3A_361 : i1 to i32
      %sign3A_363 = arith.constant 0 : i32
      %sign3A_364 = arith.cmpi slt, %jit3A_351, %sign3A_363 : i32
      %sign3A_365 = arith.extui %sign3A_364 : i1 to i32
      %sign3A_366 = arith.subi %sign3A_362, %sign3A_365 : i32
      %ne3A_367 = arith.cmpi ne, %sign3A_359, %sign3A_366 : i32
      %rem3A_368 = arith.remsi %add3A_350, %jit3A_351 : i32
      %ne3A_369 = arith.constant 0 : i32
      %ne3A_370 = arith.cmpi ne, %rem3A_368, %ne3A_369 : i32
      %and3A_371 = arith.andi %ne3A_367, %ne3A_370 : i1
      %sub3A_372 = arith.constant 1 : i32
      %sub3A_373 = arith.subi %div3A_352, %sub3A_372 : i32
      %select_n3A_374 = arith.select %and3A_371, %sub3A_373, %div3A_352 : i32
      %jit3A_375 = arith.constant 64 : i32
      %eq3A_376 = arith.constant 0 : i32
      %eq3A_377 = arith.cmpi eq, %jit3A_375, %eq3A_376 : i32
      %jit3A_378 = arith.constant 1 : i32
      %select_n3A_379 = arith.select %eq3A_377, %jit3A_378, %jit3A_375 : i32
      %rem3A_380 = arith.remsi %add3A_350, %select_n3A_379 : i32
      %ne3A_381 = arith.constant 0 : i32
      %ne3A_382 = arith.cmpi ne, %rem3A_380, %ne3A_381 : i32
      %lt3A_383 = arith.constant 0 : i32
      %lt3A_384 = arith.cmpi slt, %rem3A_380, %lt3A_383 : i32
      %lt3A_385 = arith.constant 0 : i32
      %lt3A_386 = arith.cmpi slt, %select_n3A_379, %lt3A_385 : i32
      %ne3A_387 = arith.xori %lt3A_384, %lt3A_386 : i1
      %and3A_388 = arith.andi %ne3A_387, %ne3A_382 : i1
      %add3A_389 = arith.addi %rem3A_380, %select_n3A_379 : i32
      %select_n3A_390 = arith.select %and3A_388, %add3A_389, %rem3A_380 : i32
      %jit3A_391 = arith.constant 2 : i32
      %div3A_392 = arith.divsi %select_n3A_390, %jit3A_391 : i32
      %sign3A_393 = arith.constant 0 : i32
      %sign3A_394 = arith.cmpi sgt, %select_n3A_390, %sign3A_393 : i32
      %sign3A_395 = arith.extui %sign3A_394 : i1 to i32
      %sign3A_396 = arith.constant 0 : i32
      %sign3A_397 = arith.cmpi slt, %select_n3A_390, %sign3A_396 : i32
      %sign3A_398 = arith.extui %sign3A_397 : i1 to i32
      %sign3A_399 = arith.subi %sign3A_395, %sign3A_398 : i32
      %sign3A_400 = arith.constant 0 : i32
      %sign3A_401 = arith.cmpi sgt, %jit3A_391, %sign3A_400 : i32
      %sign3A_402 = arith.extui %sign3A_401 : i1 to i32
      %sign3A_403 = arith.constant 0 : i32
      %sign3A_404 = arith.cmpi slt, %jit3A_391, %sign3A_403 : i32
      %sign3A_405 = arith.extui %sign3A_404 : i1 to i32
      %sign3A_406 = arith.subi %sign3A_402, %sign3A_405 : i32
      %ne3A_407 = arith.cmpi ne, %sign3A_399, %sign3A_406 : i32
      %rem3A_408 = arith.remsi %select_n3A_390, %jit3A_391 : i32
      %ne3A_409 = arith.constant 0 : i32
      %ne3A_410 = arith.cmpi ne, %rem3A_408, %ne3A_409 : i32
      %and3A_411 = arith.andi %ne3A_407, %ne3A_410 : i1
      %sub3A_412 = arith.constant 1 : i32
      %sub3A_413 = arith.subi %div3A_392, %sub3A_412 : i32
      %select_n3A_414 = arith.select %and3A_411, %sub3A_413, %div3A_392 : i32
      %jit3A_415 = arith.constant 2 : i32
      %eq3A_416 = arith.constant 0 : i32
      %eq3A_417 = arith.cmpi eq, %jit3A_415, %eq3A_416 : i32
      %jit3A_418 = arith.constant 1 : i32
      %select_n3A_419 = arith.select %eq3A_417, %jit3A_418, %jit3A_415 : i32
      %rem3A_420 = arith.remsi %select_n3A_390, %select_n3A_419 : i32
      %ne3A_421 = arith.constant 0 : i32
      %ne3A_422 = arith.cmpi ne, %rem3A_420, %ne3A_421 : i32
      %lt3A_423 = arith.constant 0 : i32
      %lt3A_424 = arith.cmpi slt, %rem3A_420, %lt3A_423 : i32
      %lt3A_425 = arith.constant 0 : i32
      %lt3A_426 = arith.cmpi slt, %select_n3A_419, %lt3A_425 : i32
      %ne3A_427 = arith.xori %lt3A_424, %lt3A_426 : i1
      %and3A_428 = arith.andi %ne3A_427, %ne3A_422 : i1
      %add3A_429 = arith.addi %rem3A_420, %select_n3A_419 : i32
      %select_n3A_430 = arith.select %and3A_428, %add3A_429, %rem3A_420 : i32
      %mul3A_431 = arith.constant 64 : i32
      %mul3A_432 = arith.muli %select_n3A_430, %mul3A_431 : i32
      %dma_start3A_433 = arith.constant 0 : i32
      %dma_start3A_434 = arith.constant 0 : i32
      %dma_start3A_435 = tpu.memref_slice %arg4[%select_n3A_374, %dma_start3A_433, %select_n3A_414, %dma_start3A_434, %mul3A_432] : memref<50x38x32x8x128xf32, #tpu.memory_space<hbm>> -> memref<1x38x1x8x64xf32, #tpu.memory_space<hbm>>
      %dma_start3A_436 = tpu.memref_squeeze %dma_start3A_435 : memref<1x38x1x8x64xf32, #tpu.memory_space<hbm>> -> memref<38x8x64xf32, #tpu.memory_space<hbm>>
      %dma_start3A_437 = arith.constant 0 : i32
      %dma_start3A_438 = arith.constant 0 : i32
      %dma_start3A_439 = tpu.memref_slice %arg4[%select_n3A_374, %dma_start3A_437, %select_n3A_414, %dma_start3A_438, %mul3A_432] : memref<50x38x32x8x128xf32, #tpu.memory_space<hbm>> -> memref<1x38x1x8x64xf32, #tpu.memory_space<hbm>>
      %dma_start3A_440 = tpu.memref_squeeze %dma_start3A_439 : memref<1x38x1x8x64xf32, #tpu.memory_space<hbm>> -> memref<38x8x64xf32, #tpu.memory_space<hbm>>
      tpu.enqueue_dma source(%arg12 : memref<38x8x64xf32, #tpu.memory_space<vmem>>) target(%dma_start3A_440 : memref<38x8x64xf32, #tpu.memory_space<hbm>>) target_semaphore(%arg16 : memref<!tpu.dma_semaphore, #tpu.memory_space<semaphore_mem>>)
      %add3A_441 = arith.constant 1 : i32
      %add3A_442 = arith.addi %add3A_307, %add3A_441 : i32
      %add3A_443 = arith.constant 1 : i32
      %add3A_444 = arith.addi %add3A_442, %add3A_443 : i32
      %lt3A_445 = arith.constant 100 : i32
      %lt3A_446 = arith.cmpi slt, %add3A_444, %lt3A_445 : i32
      %convert_element_type3A_447 = arith.extui %lt3A_446 : i1 to i32
      %cond3A_448 = arith.constant 0 : i32
      %cond3A_449 = arith.cmpi ne, %convert_element_type3A_447, %cond3A_448 : i32
      scf.if %cond3A_449 {
        %add3A_577 = arith.constant 1 : i32
        %add3A_578 = arith.addi %add3A_442, %add3A_577 : i32
        %mul3A_579 = arith.constant 192 : i32
        %mul3A_580 = arith.muli %add3A_578, %mul3A_579 : i32
        %add3A_581 = arith.constant 0 : i32
        %add3A_582 = arith.addi %mul3A_580, %add3A_581 : i32
        %dma_start3A_583 = tpu.memref_slice %arg5[%add3A_582] : memref<19200xi32, #tpu.memory_space<vmem>> -> memref<64xi32, #tpu.memory_space<vmem>>
        %dma_start3A_584 = arith.constant 0 : i32
        %dma_start3A_585 = arith.constant 0 : i32
        %dma_start3A_586 = tpu.memref_slice %arg3[%dma_start3A_584, %dma_start3A_585] : memref<300000x128xf32, #tpu.memory_space<hbm>> -> memref<300000x128xf32, #tpu.memory_space<hbm>>
        tpu.enqueue_indirect_dma source(%dma_start3A_586 : memref<300000x128xf32, #tpu.memory_space<hbm>>) target(%arg6 : memref<64x128xf32, #tpu.memory_space<vmem>>) offsets(%dma_start3A_583 : memref<64xi32, #tpu.memory_space<vmem>>) semaphore(%arg14 : memref<!tpu.dma_semaphore, #tpu.memory_space<semaphore_mem>>)
        %mul3A_587 = arith.constant 192 : i32
        %mul3A_588 = arith.muli %add3A_578, %mul3A_587 : i32
        %add3A_589 = arith.constant 64 : i32
        %add3A_590 = arith.addi %mul3A_588, %add3A_589 : i32
        %dma_start3A_591 = tpu.memref_slice %arg5[%add3A_590] : memref<19200xi32, #tpu.memory_space<vmem>> -> memref<64xi32, #tpu.memory_space<vmem>>
        %dma_start3A_592 = arith.constant 0 : i32
        %dma_start3A_593 = arith.constant 0 : i32
        %dma_start3A_594 = tpu.memref_slice %arg3[%dma_start3A_592, %dma_start3A_593] : memref<300000x128xf32, #tpu.memory_space<hbm>> -> memref<300000x128xf32, #tpu.memory_space<hbm>>
        tpu.enqueue_indirect_dma source(%dma_start3A_594 : memref<300000x128xf32, #tpu.memory_space<hbm>>) target(%arg7 : memref<64x128xf32, #tpu.memory_space<vmem>>) offsets(%dma_start3A_591 : memref<64xi32, #tpu.memory_space<vmem>>) semaphore(%arg14 : memref<!tpu.dma_semaphore, #tpu.memory_space<semaphore_mem>>)
        %mul3A_595 = arith.constant 192 : i32
        %mul3A_596 = arith.muli %add3A_578, %mul3A_595 : i32
        %add3A_597 = arith.constant 128 : i32
        %add3A_598 = arith.addi %mul3A_596, %add3A_597 : i32
        %dma_start3A_599 = tpu.memref_slice %arg5[%add3A_598] : memref<19200xi32, #tpu.memory_space<vmem>> -> memref<64xi32, #tpu.memory_space<vmem>>
        %dma_start3A_600 = arith.constant 0 : i32
        %dma_start3A_601 = arith.constant 0 : i32
        %dma_start3A_602 = tpu.memref_slice %arg3[%dma_start3A_600, %dma_start3A_601] : memref<300000x128xf32, #tpu.memory_space<hbm>> -> memref<300000x128xf32, #tpu.memory_space<hbm>>
        tpu.enqueue_indirect_dma source(%dma_start3A_602 : memref<300000x128xf32, #tpu.memory_space<hbm>>) target(%arg8 : memref<64x128xf32, #tpu.memory_space<vmem>>) offsets(%dma_start3A_599 : memref<64xi32, #tpu.memory_space<vmem>>) semaphore(%arg14 : memref<!tpu.dma_semaphore, #tpu.memory_space<semaphore_mem>>)
      } else {
      }
      %mul3A_450 = arith.constant 192 : i32
      %mul3A_451 = arith.muli %add3A_442, %mul3A_450 : i32
      %add3A_452 = arith.constant 0 : i32
      %add3A_453 = arith.addi %mul3A_451, %add3A_452 : i32
      %dma_wait3A_454 = tpu.memref_slice %arg5[%add3A_453] : memref<19200xi32, #tpu.memory_space<vmem>> -> memref<64xi32, #tpu.memory_space<vmem>>
      %dma_wait3A_455 = arith.constant 0 : i32
      %dma_wait3A_456 = arith.constant 0 : i32
      %dma_wait3A_457 = tpu.memref_slice %arg3[%dma_wait3A_455, %dma_wait3A_456] : memref<300000x128xf32, #tpu.memory_space<hbm>> -> memref<300000x128xf32, #tpu.memory_space<hbm>>
      tpu.wait_indirect_dma semaphore(%arg15 : memref<!tpu.dma_semaphore, #tpu.memory_space<semaphore_mem>>) src(%dma_wait3A_457 : memref<300000x128xf32, #tpu.memory_space<hbm>>) dst(%arg9 : memref<64x128xf32, #tpu.memory_space<vmem>>)
      %mul3A_458 = arith.constant 192 : i32
      %mul3A_459 = arith.muli %add3A_442, %mul3A_458 : i32
      %add3A_460 = arith.constant 64 : i32
      %add3A_461 = arith.addi %mul3A_459, %add3A_460 : i32
      %dma_wait3A_462 = tpu.memref_slice %arg5[%add3A_461] : memref<19200xi32, #tpu.memory_space<vmem>> -> memref<64xi32, #tpu.memory_space<vmem>>
      %dma_wait3A_463 = arith.constant 0 : i32
      %dma_wait3A_464 = arith.constant 0 : i32
      %dma_wait3A_465 = tpu.memref_slice %arg3[%dma_wait3A_463, %dma_wait3A_464] : memref<300000x128xf32, #tpu.memory_space<hbm>> -> memref<300000x128xf32, #tpu.memory_space<hbm>>
      tpu.wait_indirect_dma semaphore(%arg15 : memref<!tpu.dma_semaphore, #tpu.memory_space<semaphore_mem>>) src(%dma_wait3A_465 : memref<300000x128xf32, #tpu.memory_space<hbm>>) dst(%arg10 : memref<64x128xf32, #tpu.memory_space<vmem>>)
      %mul3A_466 = arith.constant 192 : i32
      %mul3A_467 = arith.muli %add3A_442, %mul3A_466 : i32
      %add3A_468 = arith.constant 128 : i32
      %add3A_469 = arith.addi %mul3A_467, %add3A_468 : i32
      %dma_wait3A_470 = tpu.memref_slice %arg5[%add3A_469] : memref<19200xi32, #tpu.memory_space<vmem>> -> memref<64xi32, #tpu.memory_space<vmem>>
      %dma_wait3A_471 = arith.constant 0 : i32
      %dma_wait3A_472 = arith.constant 0 : i32
      %dma_wait3A_473 = tpu.memref_slice %arg3[%dma_wait3A_471, %dma_wait3A_472] : memref<300000x128xf32, #tpu.memory_space<hbm>> -> memref<300000x128xf32, #tpu.memory_space<hbm>>
      tpu.wait_indirect_dma semaphore(%arg15 : memref<!tpu.dma_semaphore, #tpu.memory_space<semaphore_mem>>) src(%dma_wait3A_473 : memref<300000x128xf32, #tpu.memory_space<hbm>>) dst(%arg11 : memref<64x128xf32, #tpu.memory_space<vmem>>)
      %ge3A_474 = arith.constant 2 : i32
      %ge3A_475 = arith.cmpi sge, %add3A_442, %ge3A_474 : i32
      %convert_element_type3A_476 = arith.extui %ge3A_475 : i1 to i32
      %cond3A_477 = arith.constant 0 : i32
      %cond3A_478 = arith.cmpi ne, %convert_element_type3A_476, %cond3A_477 : i32
      scf.if %cond3A_478 {
        %sub3A_577 = arith.constant 2 : i32
        %sub3A_578 = arith.subi %add3A_442, %sub3A_577 : i32
        %mul3A_579 = arith.constant 100 : i32
        %mul3A_580 = arith.muli %add3A, %mul3A_579 : i32
        %add3A_581 = arith.addi %mul3A_580, %sub3A_578 : i32
        %jit3A_582 = arith.constant 64 : i32
        %div3A_583 = arith.divsi %add3A_581, %jit3A_582 : i32
        %sign3A_584 = arith.constant 0 : i32
        %sign3A_585 = arith.cmpi sgt, %add3A_581, %sign3A_584 : i32
        %sign3A_586 = arith.extui %sign3A_585 : i1 to i32
        %sign3A_587 = arith.constant 0 : i32
        %sign3A_588 = arith.cmpi slt, %add3A_581, %sign3A_587 : i32
        %sign3A_589 = arith.extui %sign3A_588 : i1 to i32
        %sign3A_590 = arith.subi %sign3A_586, %sign3A_589 : i32
        %sign3A_591 = arith.constant 0 : i32
        %sign3A_592 = arith.cmpi sgt, %jit3A_582, %sign3A_591 : i32
        %sign3A_593 = arith.extui %sign3A_592 : i1 to i32
        %sign3A_594 = arith.constant 0 : i32
        %sign3A_595 = arith.cmpi slt, %jit3A_582, %sign3A_594 : i32
        %sign3A_596 = arith.extui %sign3A_595 : i1 to i32
        %sign3A_597 = arith.subi %sign3A_593, %sign3A_596 : i32
        %ne3A_598 = arith.cmpi ne, %sign3A_590, %sign3A_597 : i32
        %rem3A_599 = arith.remsi %add3A_581, %jit3A_582 : i32
        %ne3A_600 = arith.constant 0 : i32
        %ne3A_601 = arith.cmpi ne, %rem3A_599, %ne3A_600 : i32
        %and3A_602 = arith.andi %ne3A_598, %ne3A_601 : i1
        %sub3A_603 = arith.constant 1 : i32
        %sub3A_604 = arith.subi %div3A_583, %sub3A_603 : i32
        %select_n3A_605 = arith.select %and3A_602, %sub3A_604, %div3A_583 : i32
        %jit3A_606 = arith.constant 64 : i32
        %eq3A_607 = arith.constant 0 : i32
        %eq3A_608 = arith.cmpi eq, %jit3A_606, %eq3A_607 : i32
        %jit3A_609 = arith.constant 1 : i32
        %select_n3A_610 = arith.select %eq3A_608, %jit3A_609, %jit3A_606 : i32
        %rem3A_611 = arith.remsi %add3A_581, %select_n3A_610 : i32
        %ne3A_612 = arith.constant 0 : i32
        %ne3A_613 = arith.cmpi ne, %rem3A_611, %ne3A_612 : i32
        %lt3A_614 = arith.constant 0 : i32
        %lt3A_615 = arith.cmpi slt, %rem3A_611, %lt3A_614 : i32
        %lt3A_616 = arith.constant 0 : i32
        %lt3A_617 = arith.cmpi slt, %select_n3A_610, %lt3A_616 : i32
        %ne3A_618 = arith.xori %lt3A_615, %lt3A_617 : i1
        %and3A_619 = arith.andi %ne3A_618, %ne3A_613 : i1
        %add3A_620 = arith.addi %rem3A_611, %select_n3A_610 : i32
        %select_n3A_621 = arith.select %and3A_619, %add3A_620, %rem3A_611 : i32
        %jit3A_622 = arith.constant 2 : i32
        %div3A_623 = arith.divsi %select_n3A_621, %jit3A_622 : i32
        %sign3A_624 = arith.constant 0 : i32
        %sign3A_625 = arith.cmpi sgt, %select_n3A_621, %sign3A_624 : i32
        %sign3A_626 = arith.extui %sign3A_625 : i1 to i32
        %sign3A_627 = arith.constant 0 : i32
        %sign3A_628 = arith.cmpi slt, %select_n3A_621, %sign3A_627 : i32
        %sign3A_629 = arith.extui %sign3A_628 : i1 to i32
        %sign3A_630 = arith.subi %sign3A_626, %sign3A_629 : i32
        %sign3A_631 = arith.constant 0 : i32
        %sign3A_632 = arith.cmpi sgt, %jit3A_622, %sign3A_631 : i32
        %sign3A_633 = arith.extui %sign3A_632 : i1 to i32
        %sign3A_634 = arith.constant 0 : i32
        %sign3A_635 = arith.cmpi slt, %jit3A_622, %sign3A_634 : i32
        %sign3A_636 = arith.extui %sign3A_635 : i1 to i32
        %sign3A_637 = arith.subi %sign3A_633, %sign3A_636 : i32
        %ne3A_638 = arith.cmpi ne, %sign3A_630, %sign3A_637 : i32
        %rem3A_639 = arith.remsi %select_n3A_621, %jit3A_622 : i32
        %ne3A_640 = arith.constant 0 : i32
        %ne3A_641 = arith.cmpi ne, %rem3A_639, %ne3A_640 : i32
        %and3A_642 = arith.andi %ne3A_638, %ne3A_641 : i1
        %sub3A_643 = arith.constant 1 : i32
        %sub3A_644 = arith.subi %div3A_623, %sub3A_643 : i32
        %select_n3A_645 = arith.select %and3A_642, %sub3A_644, %div3A_623 : i32
        %jit3A_646 = arith.constant 2 : i32
        %eq3A_647 = arith.constant 0 : i32
        %eq3A_648 = arith.cmpi eq, %jit3A_646, %eq3A_647 : i32
        %jit3A_649 = arith.constant 1 : i32
        %select_n3A_650 = arith.select %eq3A_648, %jit3A_649, %jit3A_646 : i32
        %rem3A_651 = arith.remsi %select_n3A_621, %select_n3A_650 : i32
        %ne3A_652 = arith.constant 0 : i32
        %ne3A_653 = arith.cmpi ne, %rem3A_651, %ne3A_652 : i32
        %lt3A_654 = arith.constant 0 : i32
        %lt3A_655 = arith.cmpi slt, %rem3A_651, %lt3A_654 : i32
        %lt3A_656 = arith.constant 0 : i32
        %lt3A_657 = arith.cmpi slt, %select_n3A_650, %lt3A_656 : i32
        %ne3A_658 = arith.xori %lt3A_655, %lt3A_657 : i1
        %and3A_659 = arith.andi %ne3A_658, %ne3A_653 : i1
        %add3A_660 = arith.addi %rem3A_651, %select_n3A_650 : i32
        %select_n3A_661 = arith.select %and3A_659, %add3A_660, %rem3A_651 : i32
        %mul3A_662 = arith.constant 64 : i32
        %mul3A_663 = arith.muli %select_n3A_661, %mul3A_662 : i32
        %dma_wait3A_664 = arith.constant 0 : i32
        %dma_wait3A_665 = arith.constant 0 : i32
        %dma_wait3A_666 = tpu.memref_slice %arg4[%select_n3A_605, %dma_wait3A_664, %select_n3A_645, %dma_wait3A_665, %mul3A_663] : memref<50x38x32x8x128xf32, #tpu.memory_space<hbm>> -> memref<1x38x1x8x64xf32, #tpu.memory_space<hbm>>
        %dma_wait3A_667 = tpu.memref_squeeze %dma_wait3A_666 : memref<1x38x1x8x64xf32, #tpu.memory_space<hbm>> -> memref<38x8x64xf32, #tpu.memory_space<hbm>>
        %dma_wait3A_668 = arith.constant 0 : i32
        %dma_wait3A_669 = arith.constant 0 : i32
        %dma_wait3A_670 = tpu.memref_slice %arg4[%select_n3A_605, %dma_wait3A_668, %select_n3A_645, %dma_wait3A_669, %mul3A_663] : memref<50x38x32x8x128xf32, #tpu.memory_space<hbm>> -> memref<1x38x1x8x64xf32, #tpu.memory_space<hbm>>
        %dma_wait3A_671 = tpu.memref_squeeze %dma_wait3A_670 : memref<1x38x1x8x64xf32, #tpu.memory_space<hbm>> -> memref<38x8x64xf32, #tpu.memory_space<hbm>>
        tpu.wait_dma2 semaphore(%arg17 : memref<!tpu.dma_semaphore, #tpu.memory_space<semaphore_mem>>) src(%arg13 : memref<38x8x64xf32, #tpu.memory_space<vmem>>) dst(%dma_wait3A_671 : memref<38x8x64xf32, #tpu.memory_space<hbm>>)
      } else {
      }
      %scan3A_479 = arith.constant 0 : i32
      %scan3A_480 = arith.constant 64 : i32
      %scan3A_481 = arith.addi %scan3A_479, %scan3A_480 : i32
      %scan3A_482 = arith.constant 2 : i32
      scf.for %scan3A_577 = %scan3A_479 to %scan3A_481 step %scan3A_482  : i32 {
        %mul3A_578 = arith.constant 1 : i32
        %mul3A_579 = arith.muli %scan3A_577, %mul3A_578 : i32
        %add3A_580 = arith.constant 0 : i32
        %add3A_581 = arith.addi %add3A_580, %mul3A_579 : i32
        %broadcast_in_dim3A = vector.broadcast %add3A_581 : i32 to vector<16xi32>
        %get3A = arith.index_cast %add3A_581 : i32 to index
        %get3A_582 = arith.constant 0 : index
        %get3A_583 = tpu.vector_load %arg9[%get3A, %get3A_582] {strides = array<i32>} : memref<64x128xf32, #tpu.memory_space<vmem>>, vector<16xf32>,
        tpu.vector_store_idx %arg13[%add3A_13, %and3A_10, %broadcast_in_dim3A], %get3A_583 : memref<38x8x64xf32, #tpu.memory_space<vmem>>[vector<16xi32>, vector<16xi32>, vector<16xi32>], vector<16xf32>,
        %get3A_584 = arith.index_cast %add3A_581 : i32 to index
        %get3A_585 = arith.constant 16 : index
        %get3A_586 = tpu.vector_load %arg9[%get3A_584, %get3A_585] {strides = array<i32>} : memref<64x128xf32, #tpu.memory_space<vmem>>, vector<16xf32>,
        tpu.vector_store_idx %arg13[%add3A_16, %and3A_10, %broadcast_in_dim3A], %get3A_586 : memref<38x8x64xf32, #tpu.memory_space<vmem>>[vector<16xi32>, vector<16xi32>, vector<16xi32>], vector<16xf32>,
        %get3A_587 = arith.index_cast %add3A_581 : i32 to index
        %get3A_588 = arith.constant 32 : index
        %get3A_589 = tpu.vector_load %arg9[%get3A_587, %get3A_588] {strides = array<i32>} : memref<64x128xf32, #tpu.memory_space<vmem>>, vector<16xf32>,
        tpu.vector_store_idx %arg13[%add3A_19, %and3A_10, %broadcast_in_dim3A], %get3A_589 : memref<38x8x64xf32, #tpu.memory_space<vmem>>[vector<16xi32>, vector<16xi32>, vector<16xi32>], vector<16xf32>,
        %get3A_590 = arith.index_cast %add3A_581 : i32 to index
        %get3A_591 = arith.constant 48 : index
        %get3A_592 = tpu.vector_load %arg9[%get3A_590, %get3A_591] {strides = array<i32>} : memref<64x128xf32, #tpu.memory_space<vmem>>, vector<16xf32>,
        tpu.vector_store_idx %arg13[%add3A_22, %and3A_10, %broadcast_in_dim3A], %get3A_592 : memref<38x8x64xf32, #tpu.memory_space<vmem>>[vector<16xi32>, vector<16xi32>, vector<16xi32>], vector<16xf32>,
        %get3A_593 = arith.index_cast %add3A_581 : i32 to index
        %get3A_594 = arith.constant 64 : index
        %get3A_595 = tpu.vector_load %arg9[%get3A_593, %get3A_594] {strides = array<i32>} : memref<64x128xf32, #tpu.memory_space<vmem>>, vector<16xf32>,
        tpu.vector_store_idx %arg13[%add3A_25, %and3A_10, %broadcast_in_dim3A], %get3A_595 : memref<38x8x64xf32, #tpu.memory_space<vmem>>[vector<16xi32>, vector<16xi32>, vector<16xi32>], vector<16xf32>,
        %get3A_596 = arith.index_cast %add3A_581 : i32 to index
        %get3A_597 = arith.constant 80 : index
        %get3A_598 = tpu.vector_load %arg9[%get3A_596, %get3A_597] {strides = array<i32>} : memref<64x128xf32, #tpu.memory_space<vmem>>, vector<16xf32>,
        tpu.vector_store_idx %arg13[%add3A_28, %and3A_10, %broadcast_in_dim3A], %get3A_598 : memref<38x8x64xf32, #tpu.memory_space<vmem>>[vector<16xi32>, vector<16xi32>, vector<16xi32>], vector<16xf32>,
        %get3A_599 = arith.index_cast %add3A_581 : i32 to index
        %get3A_600 = arith.constant 96 : index
        %get3A_601 = tpu.vector_load %arg9[%get3A_599, %get3A_600] {strides = array<i32>} : memref<64x128xf32, #tpu.memory_space<vmem>>, vector<16xf32>,
        tpu.vector_store_idx %arg13[%add3A_31, %and3A_10, %broadcast_in_dim3A], %get3A_601 : memref<38x8x64xf32, #tpu.memory_space<vmem>>[vector<16xi32>, vector<16xi32>, vector<16xi32>], vector<16xf32>,
        %get3A_602 = arith.index_cast %add3A_581 : i32 to index
        %get3A_603 = arith.constant 112 : index
        %get3A_604 = tpu.vector_load %arg9[%get3A_602, %get3A_603] {strides = array<i32>} : memref<64x128xf32, #tpu.memory_space<vmem>>, vector<16xf32>,
        tpu.vector_store_idx %arg13[%add3A_34, %and3A_10, %broadcast_in_dim3A], %get3A_604 : memref<38x8x64xf32, #tpu.memory_space<vmem>>[vector<16xi32>, vector<16xi32>, vector<16xi32>], vector<16xf32>,
        %get3A_605 = arith.index_cast %add3A_581 : i32 to index
        %get3A_606 = arith.constant 0 : index
        %get3A_607 = tpu.vector_load %arg10[%get3A_605, %get3A_606] {strides = array<i32>} : memref<64x128xf32, #tpu.memory_space<vmem>>, vector<16xf32>,
        tpu.vector_store_idx %arg13[%add3A_37, %and3A_10, %broadcast_in_dim3A], %get3A_607 : memref<38x8x64xf32, #tpu.memory_space<vmem>>[vector<16xi32>, vector<16xi32>, vector<16xi32>], vector<16xf32>,
        %get3A_608 = arith.index_cast %add3A_581 : i32 to index
        %get3A_609 = arith.constant 16 : index
        %get3A_610 = tpu.vector_load %arg10[%get3A_608, %get3A_609] {strides = array<i32>} : memref<64x128xf32, #tpu.memory_space<vmem>>, vector<16xf32>,
        tpu.vector_store_idx %arg13[%add3A_40, %and3A_10, %broadcast_in_dim3A], %get3A_610 : memref<38x8x64xf32, #tpu.memory_space<vmem>>[vector<16xi32>, vector<16xi32>, vector<16xi32>], vector<16xf32>,
        %get3A_611 = arith.index_cast %add3A_581 : i32 to index
        %get3A_612 = arith.constant 32 : index
        %get3A_613 = tpu.vector_load %arg10[%get3A_611, %get3A_612] {strides = array<i32>} : memref<64x128xf32, #tpu.memory_space<vmem>>, vector<16xf32>,
        tpu.vector_store_idx %arg13[%add3A_43, %and3A_10, %broadcast_in_dim3A], %get3A_613 : memref<38x8x64xf32, #tpu.memory_space<vmem>>[vector<16xi32>, vector<16xi32>, vector<16xi32>], vector<16xf32>,
        %get3A_614 = arith.index_cast %add3A_581 : i32 to index
        %get3A_615 = arith.constant 48 : index
        %get3A_616 = tpu.vector_load %arg10[%get3A_614, %get3A_615] {strides = array<i32>} : memref<64x128xf32, #tpu.memory_space<vmem>>, vector<16xf32>,
        tpu.vector_store_idx %arg13[%add3A_46, %and3A_10, %broadcast_in_dim3A], %get3A_616 : memref<38x8x64xf32, #tpu.memory_space<vmem>>[vector<16xi32>, vector<16xi32>, vector<16xi32>], vector<16xf32>,
        %get3A_617 = arith.index_cast %add3A_581 : i32 to index
        %get3A_618 = arith.constant 64 : index
        %get3A_619 = tpu.vector_load %arg10[%get3A_617, %get3A_618] {strides = array<i32>} : memref<64x128xf32, #tpu.memory_space<vmem>>, vector<16xf32>,
        tpu.vector_store_idx %arg13[%add3A_49, %and3A_10, %broadcast_in_dim3A], %get3A_619 : memref<38x8x64xf32, #tpu.memory_space<vmem>>[vector<16xi32>, vector<16xi32>, vector<16xi32>], vector<16xf32>,
        %get3A_620 = arith.index_cast %add3A_581 : i32 to index
        %get3A_621 = arith.constant 80 : index
        %get3A_622 = tpu.vector_load %arg10[%get3A_620, %get3A_621] {strides = array<i32>} : memref<64x128xf32, #tpu.memory_space<vmem>>, vector<16xf32>,
        tpu.vector_store_idx %arg13[%add3A_52, %and3A_10, %broadcast_in_dim3A], %get3A_622 : memref<38x8x64xf32, #tpu.memory_space<vmem>>[vector<16xi32>, vector<16xi32>, vector<16xi32>], vector<16xf32>,
        %get3A_623 = arith.index_cast %add3A_581 : i32 to index
        %get3A_624 = arith.constant 96 : index
        %get3A_625 = tpu.vector_load %arg10[%get3A_623, %get3A_624] {strides = array<i32>} : memref<64x128xf32, #tpu.memory_space<vmem>>, vector<16xf32>,
        tpu.vector_store_idx %arg13[%add3A_55, %and3A_10, %broadcast_in_dim3A], %get3A_625 : memref<38x8x64xf32, #tpu.memory_space<vmem>>[vector<16xi32>, vector<16xi32>, vector<16xi32>], vector<16xf32>,
        %get3A_626 = arith.index_cast %add3A_581 : i32 to index
        %get3A_627 = arith.constant 112 : index
        %get3A_628 = tpu.vector_load %arg10[%get3A_626, %get3A_627] {strides = array<i32>} : memref<64x128xf32, #tpu.memory_space<vmem>>, vector<16xf32>,
        tpu.vector_store_idx %arg13[%add3A_58, %and3A_10, %broadcast_in_dim3A], %get3A_628 : memref<38x8x64xf32, #tpu.memory_space<vmem>>[vector<16xi32>, vector<16xi32>, vector<16xi32>], vector<16xf32>,
        %get3A_629 = arith.index_cast %add3A_581 : i32 to index
        %get3A_630 = arith.constant 0 : index
        %get3A_631 = tpu.vector_load %arg11[%get3A_629, %get3A_630] {strides = array<i32>} : memref<64x128xf32, #tpu.memory_space<vmem>>, vector<16xf32>,
        tpu.vector_store_idx %arg13[%add3A_61, %and3A_10, %broadcast_in_dim3A], %get3A_631 : memref<38x8x64xf32, #tpu.memory_space<vmem>>[vector<16xi32>, vector<16xi32>, vector<16xi32>], vector<16xf32>,
        %get3A_632 = arith.index_cast %add3A_581 : i32 to index
        %get3A_633 = arith.constant 16 : index
        %get3A_634 = tpu.vector_load %arg11[%get3A_632, %get3A_633] {strides = array<i32>} : memref<64x128xf32, #tpu.memory_space<vmem>>, vector<16xf32>,
        tpu.vector_store_idx %arg13[%add3A_64, %and3A_10, %broadcast_in_dim3A], %get3A_634 : memref<38x8x64xf32, #tpu.memory_space<vmem>>[vector<16xi32>, vector<16xi32>, vector<16xi32>], vector<16xf32>,
        %get3A_635 = arith.index_cast %add3A_581 : i32 to index
        %get3A_636 = arith.constant 32 : index
        %get3A_637 = tpu.vector_load %arg11[%get3A_635, %get3A_636] {strides = array<i32>} : memref<64x128xf32, #tpu.memory_space<vmem>>, vector<16xf32>,
        tpu.vector_store_idx %arg13[%add3A_67, %and3A_10, %broadcast_in_dim3A], %get3A_637 : memref<38x8x64xf32, #tpu.memory_space<vmem>>[vector<16xi32>, vector<16xi32>, vector<16xi32>], vector<16xf32>,
        %scan3A_638 = arith.constant 1 : i32
        %scan3A_639 = arith.addi %scan3A_577, %scan3A_638 : i32
        %mul3A_640 = arith.constant 1 : i32
        %mul3A_641 = arith.muli %scan3A_639, %mul3A_640 : i32
        %add3A_642 = arith.constant 0 : i32
        %add3A_643 = arith.addi %add3A_642, %mul3A_641 : i32
        %broadcast_in_dim3A_644 = vector.broadcast %add3A_643 : i32 to vector<16xi32>
        %get3A_645 = arith.index_cast %add3A_643 : i32 to index
        %get3A_646 = arith.constant 0 : index
        %get3A_647 = tpu.vector_load %arg9[%get3A_645, %get3A_646] {strides = array<i32>} : memref<64x128xf32, #tpu.memory_space<vmem>>, vector<16xf32>,
        tpu.vector_store_idx %arg13[%add3A_13, %and3A_10, %broadcast_in_dim3A_644], %get3A_647 : memref<38x8x64xf32, #tpu.memory_space<vmem>>[vector<16xi32>, vector<16xi32>, vector<16xi32>], vector<16xf32>,
        %get3A_648 = arith.index_cast %add3A_643 : i32 to index
        %get3A_649 = arith.constant 16 : index
        %get3A_650 = tpu.vector_load %arg9[%get3A_648, %get3A_649] {strides = array<i32>} : memref<64x128xf32, #tpu.memory_space<vmem>>, vector<16xf32>,
        tpu.vector_store_idx %arg13[%add3A_16, %and3A_10, %broadcast_in_dim3A_644], %get3A_650 : memref<38x8x64xf32, #tpu.memory_space<vmem>>[vector<16xi32>, vector<16xi32>, vector<16xi32>], vector<16xf32>,
        %get3A_651 = arith.index_cast %add3A_643 : i32 to index
        %get3A_652 = arith.constant 32 : index
        %get3A_653 = tpu.vector_load %arg9[%get3A_651, %get3A_652] {strides = array<i32>} : memref<64x128xf32, #tpu.memory_space<vmem>>, vector<16xf32>,
        tpu.vector_store_idx %arg13[%add3A_19, %and3A_10, %broadcast_in_dim3A_644], %get3A_653 : memref<38x8x64xf32, #tpu.memory_space<vmem>>[vector<16xi32>, vector<16xi32>, vector<16xi32>], vector<16xf32>,
        %get3A_654 = arith.index_cast %add3A_643 : i32 to index
        %get3A_655 = arith.constant 48 : index
        %get3A_656 = tpu.vector_load %arg9[%get3A_654, %get3A_655] {strides = array<i32>} : memref<64x128xf32, #tpu.memory_space<vmem>>, vector<16xf32>,
        tpu.vector_store_idx %arg13[%add3A_22, %and3A_10, %broadcast_in_dim3A_644], %get3A_656 : memref<38x8x64xf32, #tpu.memory_space<vmem>>[vector<16xi32>, vector<16xi32>, vector<16xi32>], vector<16xf32>,
        %get3A_657 = arith.index_cast %add3A_643 : i32 to index
        %get3A_658 = arith.constant 64 : index
        %get3A_659 = tpu.vector_load %arg9[%get3A_657, %get3A_658] {strides = array<i32>} : memref<64x128xf32, #tpu.memory_space<vmem>>, vector<16xf32>,
        tpu.vector_store_idx %arg13[%add3A_25, %and3A_10, %broadcast_in_dim3A_644], %get3A_659 : memref<38x8x64xf32, #tpu.memory_space<vmem>>[vector<16xi32>, vector<16xi32>, vector<16xi32>], vector<16xf32>,
        %get3A_660 = arith.index_cast %add3A_643 : i32 to index
        %get3A_661 = arith.constant 80 : index
        %get3A_662 = tpu.vector_load %arg9[%get3A_660, %get3A_661] {strides = array<i32>} : memref<64x128xf32, #tpu.memory_space<vmem>>, vector<16xf32>,
        tpu.vector_store_idx %arg13[%add3A_28, %and3A_10, %broadcast_in_dim3A_644], %get3A_662 : memref<38x8x64xf32, #tpu.memory_space<vmem>>[vector<16xi32>, vector<16xi32>, vector<16xi32>], vector<16xf32>,
        %get3A_663 = arith.index_cast %add3A_643 : i32 to index
        %get3A_664 = arith.constant 96 : index
        %get3A_665 = tpu.vector_load %arg9[%get3A_663, %get3A_664] {strides = array<i32>} : memref<64x128xf32, #tpu.memory_space<vmem>>, vector<16xf32>,
        tpu.vector_store_idx %arg13[%add3A_31, %and3A_10, %broadcast_in_dim3A_644], %get3A_665 : memref<38x8x64xf32, #tpu.memory_space<vmem>>[vector<16xi32>, vector<16xi32>, vector<16xi32>], vector<16xf32>,
        %get3A_666 = arith.index_cast %add3A_643 : i32 to index
        %get3A_667 = arith.constant 112 : index
        %get3A_668 = tpu.vector_load %arg9[%get3A_666, %get3A_667] {strides = array<i32>} : memref<64x128xf32, #tpu.memory_space<vmem>>, vector<16xf32>,
        tpu.vector_store_idx %arg13[%add3A_34, %and3A_10, %broadcast_in_dim3A_644], %get3A_668 : memref<38x8x64xf32, #tpu.memory_space<vmem>>[vector<16xi32>, vector<16xi32>, vector<16xi32>], vector<16xf32>,
        %get3A_669 = arith.index_cast %add3A_643 : i32 to index
        %get3A_670 = arith.constant 0 : index
        %get3A_671 = tpu.vector_load %arg10[%get3A_669, %get3A_670] {strides = array<i32>} : memref<64x128xf32, #tpu.memory_space<vmem>>, vector<16xf32>,
        tpu.vector_store_idx %arg13[%add3A_37, %and3A_10, %broadcast_in_dim3A_644], %get3A_671 : memref<38x8x64xf32, #tpu.memory_space<vmem>>[vector<16xi32>, vector<16xi32>, vector<16xi32>], vector<16xf32>,
        %get3A_672 = arith.index_cast %add3A_643 : i32 to index
        %get3A_673 = arith.constant 16 : index
        %get3A_674 = tpu.vector_load %arg10[%get3A_672, %get3A_673] {strides = array<i32>} : memref<64x128xf32, #tpu.memory_space<vmem>>, vector<16xf32>,
        tpu.vector_store_idx %arg13[%add3A_40, %and3A_10, %broadcast_in_dim3A_644], %get3A_674 : memref<38x8x64xf32, #tpu.memory_space<vmem>>[vector<16xi32>, vector<16xi32>, vector<16xi32>], vector<16xf32>,
        %get3A_675 = arith.index_cast %add3A_643 : i32 to index
        %get3A_676 = arith.constant 32 : index
        %get3A_677 = tpu.vector_load %arg10[%get3A_675, %get3A_676] {strides = array<i32>} : memref<64x128xf32, #tpu.memory_space<vmem>>, vector<16xf32>,
        tpu.vector_store_idx %arg13[%add3A_43, %and3A_10, %broadcast_in_dim3A_644], %get3A_677 : memref<38x8x64xf32, #tpu.memory_space<vmem>>[vector<16xi32>, vector<16xi32>, vector<16xi32>], vector<16xf32>,
        %get3A_678 = arith.index_cast %add3A_643 : i32 to index
        %get3A_679 = arith.constant 48 : index
        %get3A_680 = tpu.vector_load %arg10[%get3A_678, %get3A_679] {strides = array<i32>} : memref<64x128xf32, #tpu.memory_space<vmem>>, vector<16xf32>,
        tpu.vector_store_idx %arg13[%add3A_46, %and3A_10, %broadcast_in_dim3A_644], %get3A_680 : memref<38x8x64xf32, #tpu.memory_space<vmem>>[vector<16xi32>, vector<16xi32>, vector<16xi32>], vector<16xf32>,
        %get3A_681 = arith.index_cast %add3A_643 : i32 to index
        %get3A_682 = arith.constant 64 : index
        %get3A_683 = tpu.vector_load %arg10[%get3A_681, %get3A_682] {strides = array<i32>} : memref<64x128xf32, #tpu.memory_space<vmem>>, vector<16xf32>,
        tpu.vector_store_idx %arg13[%add3A_49, %and3A_10, %broadcast_in_dim3A_644], %get3A_683 : memref<38x8x64xf32, #tpu.memory_space<vmem>>[vector<16xi32>, vector<16xi32>, vector<16xi32>], vector<16xf32>,
        %get3A_684 = arith.index_cast %add3A_643 : i32 to index
        %get3A_685 = arith.constant 80 : index
        %get3A_686 = tpu.vector_load %arg10[%get3A_684, %get3A_685] {strides = array<i32>} : memref<64x128xf32, #tpu.memory_space<vmem>>, vector<16xf32>,
        tpu.vector_store_idx %arg13[%add3A_52, %and3A_10, %broadcast_in_dim3A_644], %get3A_686 : memref<38x8x64xf32, #tpu.memory_space<vmem>>[vector<16xi32>, vector<16xi32>, vector<16xi32>], vector<16xf32>,
        %get3A_687 = arith.index_cast %add3A_643 : i32 to index
        %get3A_688 = arith.constant 96 : index
        %get3A_689 = tpu.vector_load %arg10[%get3A_687, %get3A_688] {strides = array<i32>} : memref<64x128xf32, #tpu.memory_space<vmem>>, vector<16xf32>,
        tpu.vector_store_idx %arg13[%add3A_55, %and3A_10, %broadcast_in_dim3A_644], %get3A_689 : memref<38x8x64xf32, #tpu.memory_space<vmem>>[vector<16xi32>, vector<16xi32>, vector<16xi32>], vector<16xf32>,
        %get3A_690 = arith.index_cast %add3A_643 : i32 to index
        %get3A_691 = arith.constant 112 : index
        %get3A_692 = tpu.vector_load %arg10[%get3A_690, %get3A_691] {strides = array<i32>} : memref<64x128xf32, #tpu.memory_space<vmem>>, vector<16xf32>,
        tpu.vector_store_idx %arg13[%add3A_58, %and3A_10, %broadcast_in_dim3A_644], %get3A_692 : memref<38x8x64xf32, #tpu.memory_space<vmem>>[vector<16xi32>, vector<16xi32>, vector<16xi32>], vector<16xf32>,
        %get3A_693 = arith.index_cast %add3A_643 : i32 to index
        %get3A_694 = arith.constant 0 : index
        %get3A_695 = tpu.vector_load %arg11[%get3A_693, %get3A_694] {strides = array<i32>} : memref<64x128xf32, #tpu.memory_space<vmem>>, vector<16xf32>,
        tpu.vector_store_idx %arg13[%add3A_61, %and3A_10, %broadcast_in_dim3A_644], %get3A_695 : memref<38x8x64xf32, #tpu.memory_space<vmem>>[vector<16xi32>, vector<16xi32>, vector<16xi32>], vector<16xf32>,
        %get3A_696 = arith.index_cast %add3A_643 : i32 to index
        %get3A_697 = arith.constant 16 : index
        %get3A_698 = tpu.vector_load %arg11[%get3A_696, %get3A_697] {strides = array<i32>} : memref<64x128xf32, #tpu.memory_space<vmem>>, vector<16xf32>,
        tpu.vector_store_idx %arg13[%add3A_64, %and3A_10, %broadcast_in_dim3A_644], %get3A_698 : memref<38x8x64xf32, #tpu.memory_space<vmem>>[vector<16xi32>, vector<16xi32>, vector<16xi32>], vector<16xf32>,
        %get3A_699 = arith.index_cast %add3A_643 : i32 to index
        %get3A_700 = arith.constant 32 : index
        %get3A_701 = tpu.vector_load %arg11[%get3A_699, %get3A_700] {strides = array<i32>} : memref<64x128xf32, #tpu.memory_space<vmem>>, vector<16xf32>,
        tpu.vector_store_idx %arg13[%add3A_67, %and3A_10, %broadcast_in_dim3A_644], %get3A_701 : memref<38x8x64xf32, #tpu.memory_space<vmem>>[vector<16xi32>, vector<16xi32>, vector<16xi32>], vector<16xf32>,
      }
      %scan3A_483 = arith.constant 64 : i32
      %mul3A_484 = arith.constant 100 : i32
      %mul3A_485 = arith.muli %add3A, %mul3A_484 : i32
      %add3A_486 = arith.addi %mul3A_485, %add3A_442 : i32
      %jit3A_487 = arith.constant 64 : i32
      %div3A_488 = arith.divsi %add3A_486, %jit3A_487 : i32
      %sign3A_489 = arith.constant 0 : i32
      %sign3A_490 = arith.cmpi sgt, %add3A_486, %sign3A_489 : i32
      %sign3A_491 = arith.extui %sign3A_490 : i1 to i32
      %sign3A_492 = arith.constant 0 : i32
      %sign3A_493 = arith.cmpi slt, %add3A_486, %sign3A_492 : i32
      %sign3A_494 = arith.extui %sign3A_493 : i1 to i32
      %sign3A_495 = arith.subi %sign3A_491, %sign3A_494 : i32
      %sign3A_496 = arith.constant 0 : i32
      %sign3A_497 = arith.cmpi sgt, %jit3A_487, %sign3A_496 : i32
      %sign3A_498 = arith.extui %sign3A_497 : i1 to i32
      %sign3A_499 = arith.constant 0 : i32
      %sign3A_500 = arith.cmpi slt, %jit3A_487, %sign3A_499 : i32
      %sign3A_501 = arith.extui %sign3A_500 : i1 to i32
      %sign3A_502 = arith.subi %sign3A_498, %sign3A_501 : i32
      %ne3A_503 = arith.cmpi ne, %sign3A_495, %sign3A_502 : i32
      %rem3A_504 = arith.remsi %add3A_486, %jit3A_487 : i32
      %ne3A_505 = arith.constant 0 : i32
      %ne3A_506 = arith.cmpi ne, %rem3A_504, %ne3A_505 : i32
      %and3A_507 = arith.andi %ne3A_503, %ne3A_506 : i1
      %sub3A_508 = arith.constant 1 : i32
      %sub3A_509 = arith.subi %div3A_488, %sub3A_508 : i32
      %select_n3A_510 = arith.select %and3A_507, %sub3A_509, %div3A_488 : i32
      %jit3A_511 = arith.constant 64 : i32
      %eq3A_512 = arith.constant 0 : i32
      %eq3A_513 = arith.cmpi eq, %jit3A_511, %eq3A_512 : i32
      %jit3A_514 = arith.constant 1 : i32
      %select_n3A_515 = arith.select %eq3A_513, %jit3A_514, %jit3A_511 : i32
      %rem3A_516 = arith.remsi %add3A_486, %select_n3A_515 : i32
      %ne3A_517 = arith.constant 0 : i32
      %ne3A_518 = arith.cmpi ne, %rem3A_516, %ne3A_517 : i32
      %lt3A_519 = arith.constant 0 : i32
      %lt3A_520 = arith.cmpi slt, %rem3A_516, %lt3A_519 : i32
      %lt3A_521 = arith.constant 0 : i32
      %lt3A_522 = arith.cmpi slt, %select_n3A_515, %lt3A_521 : i32
      %ne3A_523 = arith.xori %lt3A_520, %lt3A_522 : i1
      %and3A_524 = arith.andi %ne3A_523, %ne3A_518 : i1
      %add3A_525 = arith.addi %rem3A_516, %select_n3A_515 : i32
      %select_n3A_526 = arith.select %and3A_524, %add3A_525, %rem3A_516 : i32
      %jit3A_527 = arith.constant 2 : i32
      %div3A_528 = arith.divsi %select_n3A_526, %jit3A_527 : i32
      %sign3A_529 = arith.constant 0 : i32
      %sign3A_530 = arith.cmpi sgt, %select_n3A_526, %sign3A_529 : i32
      %sign3A_531 = arith.extui %sign3A_530 : i1 to i32
      %sign3A_532 = arith.constant 0 : i32
      %sign3A_533 = arith.cmpi slt, %select_n3A_526, %sign3A_532 : i32
      %sign3A_534 = arith.extui %sign3A_533 : i1 to i32
      %sign3A_535 = arith.subi %sign3A_531, %sign3A_534 : i32
      %sign3A_536 = arith.constant 0 : i32
      %sign3A_537 = arith.cmpi sgt, %jit3A_527, %sign3A_536 : i32
      %sign3A_538 = arith.extui %sign3A_537 : i1 to i32
      %sign3A_539 = arith.constant 0 : i32
      %sign3A_540 = arith.cmpi slt, %jit3A_527, %sign3A_539 : i32
      %sign3A_541 = arith.extui %sign3A_540 : i1 to i32
      %sign3A_542 = arith.subi %sign3A_538, %sign3A_541 : i32
      %ne3A_543 = arith.cmpi ne, %sign3A_535, %sign3A_542 : i32
      %rem3A_544 = arith.remsi %select_n3A_526, %jit3A_527 : i32
      %ne3A_545 = arith.constant 0 : i32
      %ne3A_546 = arith.cmpi ne, %rem3A_544, %ne3A_545 : i32
      %and3A_547 = arith.andi %ne3A_543, %ne3A_546 : i1
      %sub3A_548 = arith.constant 1 : i32
      %sub3A_549 = arith.subi %div3A_528, %sub3A_548 : i32
      %select_n3A_550 = arith.select %and3A_547, %sub3A_549, %div3A_528 : i32
      %jit3A_551 = arith.constant 2 : i32
      %eq3A_552 = arith.constant 0 : i32
      %eq3A_553 = arith.cmpi eq, %jit3A_551, %eq3A_552 : i32
      %jit3A_554 = arith.constant 1 : i32
      %select_n3A_555 = arith.select %eq3A_553, %jit3A_554, %jit3A_551 : i32
      %rem3A_556 = arith.remsi %select_n3A_526, %select_n3A_555 : i32
      %ne3A_557 = arith.constant 0 : i32
      %ne3A_558 = arith.cmpi ne, %rem3A_556, %ne3A_557 : i32
      %lt3A_559 = arith.constant 0 : i32
      %lt3A_560 = arith.cmpi slt, %rem3A_556, %lt3A_559 : i32
      %lt3A_561 = arith.constant 0 : i32
      %lt3A_562 = arith.cmpi slt, %select_n3A_555, %lt3A_561 : i32
      %ne3A_563 = arith.xori %lt3A_560, %lt3A_562 : i1
      %and3A_564 = arith.andi %ne3A_563, %ne3A_558 : i1
      %add3A_565 = arith.addi %rem3A_556, %select_n3A_555 : i32
      %select_n3A_566 = arith.select %and3A_564, %add3A_565, %rem3A_556 : i32
      %mul3A_567 = arith.constant 64 : i32
      %mul3A_568 = arith.muli %select_n3A_566, %mul3A_567 : i32
      %dma_start3A_569 = arith.constant 0 : i32
      %dma_start3A_570 = arith.constant 0 : i32
      %dma_start3A_571 = tpu.memref_slice %arg4[%select_n3A_510, %dma_start3A_569, %select_n3A_550, %dma_start3A_570, %mul3A_568] : memref<50x38x32x8x128xf32, #tpu.memory_space<hbm>> -> memref<1x38x1x8x64xf32, #tpu.memory_space<hbm>>
      %dma_start3A_572 = tpu.memref_squeeze %dma_start3A_571 : memref<1x38x1x8x64xf32, #tpu.memory_space<hbm>> -> memref<38x8x64xf32, #tpu.memory_space<hbm>>
      %dma_start3A_573 = arith.constant 0 : i32
      %dma_start3A_574 = arith.constant 0 : i32
      %dma_start3A_575 = tpu.memref_slice %arg4[%select_n3A_510, %dma_start3A_573, %select_n3A_550, %dma_start3A_574, %mul3A_568] : memref<50x38x32x8x128xf32, #tpu.memory_space<hbm>> -> memref<1x38x1x8x64xf32, #tpu.memory_space<hbm>>
      %dma_start3A_576 = tpu.memref_squeeze %dma_start3A_575 : memref<1x38x1x8x64xf32, #tpu.memory_space<hbm>> -> memref<38x8x64xf32, #tpu.memory_space<hbm>>
      tpu.enqueue_dma source(%arg13 : memref<38x8x64xf32, #tpu.memory_space<vmem>>) target(%dma_start3A_576 : memref<38x8x64xf32, #tpu.memory_space<hbm>>) target_semaphore(%arg17 : memref<!tpu.dma_semaphore, #tpu.memory_space<semaphore_mem>>)
    }
    %scan3A_124 = arith.constant 50 : i32
    %mul3A_125 = arith.constant 100 : i32
    %mul3A_126 = arith.muli %add3A, %mul3A_125 : i32
    %add3A_127 = arith.constant 98 : i32
    %add3A_128 = arith.addi %mul3A_126, %add3A_127 : i32
    %jit3A = arith.constant 64 : i32
    %div3A = arith.divsi %add3A_128, %jit3A : i32
    %sign3A = arith.constant 0 : i32
    %sign3A_129 = arith.cmpi sgt, %add3A_128, %sign3A : i32
    %sign3A_130 = arith.extui %sign3A_129 : i1 to i32
    %sign3A_131 = arith.constant 0 : i32
    %sign3A_132 = arith.cmpi slt, %add3A_128, %sign3A_131 : i32
    %sign3A_133 = arith.extui %sign3A_132 : i1 to i32
    %sign3A_134 = arith.subi %sign3A_130, %sign3A_133 : i32
    %sign3A_135 = arith.constant 0 : i32
    %sign3A_136 = arith.cmpi sgt, %jit3A, %sign3A_135 : i32
    %sign3A_137 = arith.extui %sign3A_136 : i1 to i32
    %sign3A_138 = arith.constant 0 : i32
    %sign3A_139 = arith.cmpi slt, %jit3A, %sign3A_138 : i32
    %sign3A_140 = arith.extui %sign3A_139 : i1 to i32
    %sign3A_141 = arith.subi %sign3A_137, %sign3A_140 : i32
    %ne3A = arith.cmpi ne, %sign3A_134, %sign3A_141 : i32
    %rem3A = arith.remsi %add3A_128, %jit3A : i32
    %ne3A_142 = arith.constant 0 : i32
    %ne3A_143 = arith.cmpi ne, %rem3A, %ne3A_142 : i32
    %and3A_144 = arith.andi %ne3A, %ne3A_143 : i1
    %sub3A = arith.constant 1 : i32
    %sub3A_145 = arith.subi %div3A, %sub3A : i32
    %select_n3A = arith.select %and3A_144, %sub3A_145, %div3A : i32
    %jit3A_146 = arith.constant 64 : i32
    %eq3A = arith.constant 0 : i32
    %eq3A_147 = arith.cmpi eq, %jit3A_146, %eq3A : i32
    %jit3A_148 = arith.constant 1 : i32
    %select_n3A_149 = arith.select %eq3A_147, %jit3A_148, %jit3A_146 : i32
    %rem3A_150 = arith.remsi %add3A_128, %select_n3A_149 : i32
    %ne3A_151 = arith.constant 0 : i32
    %ne3A_152 = arith.cmpi ne, %rem3A_150, %ne3A_151 : i32
    %lt3A = arith.constant 0 : i32
    %lt3A_153 = arith.cmpi slt, %rem3A_150, %lt3A : i32
    %lt3A_154 = arith.constant 0 : i32
    %lt3A_155 = arith.cmpi slt, %select_n3A_149, %lt3A_154 : i32
    %ne3A_156 = arith.xori %lt3A_153, %lt3A_155 : i1
    %and3A_157 = arith.andi %ne3A_156, %ne3A_152 : i1
    %add3A_158 = arith.addi %rem3A_150, %select_n3A_149 : i32
    %select_n3A_159 = arith.select %and3A_157, %add3A_158, %rem3A_150 : i32
    %jit3A_160 = arith.constant 2 : i32
    %div3A_161 = arith.divsi %select_n3A_159, %jit3A_160 : i32
    %sign3A_162 = arith.constant 0 : i32
    %sign3A_163 = arith.cmpi sgt, %select_n3A_159, %sign3A_162 : i32
    %sign3A_164 = arith.extui %sign3A_163 : i1 to i32
    %sign3A_165 = arith.constant 0 : i32
    %sign3A_166 = arith.cmpi slt, %select_n3A_159, %sign3A_165 : i32
    %sign3A_167 = arith.extui %sign3A_166 : i1 to i32
    %sign3A_168 = arith.subi %sign3A_164, %sign3A_167 : i32
    %sign3A_169 = arith.constant 0 : i32
    %sign3A_170 = arith.cmpi sgt, %jit3A_160, %sign3A_169 : i32
    %sign3A_171 = arith.extui %sign3A_170 : i1 to i32
    %sign3A_172 = arith.constant 0 : i32
    %sign3A_173 = arith.cmpi slt, %jit3A_160, %sign3A_172 : i32
    %sign3A_174 = arith.extui %sign3A_173 : i1 to i32
    %sign3A_175 = arith.subi %sign3A_171, %sign3A_174 : i32
    %ne3A_176 = arith.cmpi ne, %sign3A_168, %sign3A_175 : i32
    %rem3A_177 = arith.remsi %select_n3A_159, %jit3A_160 : i32
    %ne3A_178 = arith.constant 0 : i32
    %ne3A_179 = arith.cmpi ne, %rem3A_177, %ne3A_178 : i32
    %and3A_180 = arith.andi %ne3A_176, %ne3A_179 : i1
    %sub3A_181 = arith.constant 1 : i32
    %sub3A_182 = arith.subi %div3A_161, %sub3A_181 : i32
    %select_n3A_183 = arith.select %and3A_180, %sub3A_182, %div3A_161 : i32
    %jit3A_184 = arith.constant 2 : i32
    %eq3A_185 = arith.constant 0 : i32
    %eq3A_186 = arith.cmpi eq, %jit3A_184, %eq3A_185 : i32
    %jit3A_187 = arith.constant 1 : i32
    %select_n3A_188 = arith.select %eq3A_186, %jit3A_187, %jit3A_184 : i32
    %rem3A_189 = arith.remsi %select_n3A_159, %select_n3A_188 : i32
    %ne3A_190 = arith.constant 0 : i32
    %ne3A_191 = arith.cmpi ne, %rem3A_189, %ne3A_190 : i32
    %lt3A_192 = arith.constant 0 : i32
    %lt3A_193 = arith.cmpi slt, %rem3A_189, %lt3A_192 : i32
    %lt3A_194 = arith.constant 0 : i32
    %lt3A_195 = arith.cmpi slt, %select_n3A_188, %lt3A_194 : i32
    %ne3A_196 = arith.xori %lt3A_193, %lt3A_195 : i1
    %and3A_197 = arith.andi %ne3A_196, %ne3A_191 : i1
    %add3A_198 = arith.addi %rem3A_189, %select_n3A_188 : i32
    %select_n3A_199 = arith.select %and3A_197, %add3A_198, %rem3A_189 : i32
    %mul3A_200 = arith.constant 64 : i32
    %mul3A_201 = arith.muli %select_n3A_199, %mul3A_200 : i32
    %dma_wait3A = arith.constant 0 : i32
    %dma_wait3A_202 = arith.constant 0 : i32
    %dma_wait3A_203 = tpu.memref_slice %arg4[%select_n3A, %dma_wait3A, %select_n3A_183, %dma_wait3A_202, %mul3A_201] : memref<50x38x32x8x128xf32, #tpu.memory_space<hbm>> -> memref<1x38x1x8x64xf32, #tpu.memory_space<hbm>>
    %dma_wait3A_204 = tpu.memref_squeeze %dma_wait3A_203 : memref<1x38x1x8x64xf32, #tpu.memory_space<hbm>> -> memref<38x8x64xf32, #tpu.memory_space<hbm>>
    %dma_wait3A_205 = arith.constant 0 : i32
    %dma_wait3A_206 = arith.constant 0 : i32
    %dma_wait3A_207 = tpu.memref_slice %arg4[%select_n3A, %dma_wait3A_205, %select_n3A_183, %dma_wait3A_206, %mul3A_201] : memref<50x38x32x8x128xf32, #tpu.memory_space<hbm>> -> memref<1x38x1x8x64xf32, #tpu.memory_space<hbm>>
    %dma_wait3A_208 = tpu.memref_squeeze %dma_wait3A_207 : memref<1x38x1x8x64xf32, #tpu.memory_space<hbm>> -> memref<38x8x64xf32, #tpu.memory_space<hbm>>
    tpu.wait_dma2 semaphore(%arg16 : memref<!tpu.dma_semaphore, #tpu.memory_space<semaphore_mem>>) src(%arg12 : memref<38x8x64xf32, #tpu.memory_space<vmem>>) dst(%dma_wait3A_208 : memref<38x8x64xf32, #tpu.memory_space<hbm>>)
    %mul3A_209 = arith.constant 100 : i32
    %mul3A_210 = arith.muli %add3A, %mul3A_209 : i32
    %add3A_211 = arith.constant 99 : i32
    %add3A_212 = arith.addi %mul3A_210, %add3A_211 : i32
    %jit3A_213 = arith.constant 64 : i32
    %div3A_214 = arith.divsi %add3A_212, %jit3A_213 : i32
    %sign3A_215 = arith.constant 0 : i32
    %sign3A_216 = arith.cmpi sgt, %add3A_212, %sign3A_215 : i32
    %sign3A_217 = arith.extui %sign3A_216 : i1 to i32
    %sign3A_218 = arith.constant 0 : i32
    %sign3A_219 = arith.cmpi slt, %add3A_212, %sign3A_218 : i32
    %sign3A_220 = arith.extui %sign3A_219 : i1 to i32
    %sign3A_221 = arith.subi %sign3A_217, %sign3A_220 : i32
    %sign3A_222 = arith.constant 0 : i32
    %sign3A_223 = arith.cmpi sgt, %jit3A_213, %sign3A_222 : i32
    %sign3A_224 = arith.extui %sign3A_223 : i1 to i32
    %sign3A_225 = arith.constant 0 : i32
    %sign3A_226 = arith.cmpi slt, %jit3A_213, %sign3A_225 : i32
    %sign3A_227 = arith.extui %sign3A_226 : i1 to i32
    %sign3A_228 = arith.subi %sign3A_224, %sign3A_227 : i32
    %ne3A_229 = arith.cmpi ne, %sign3A_221, %sign3A_228 : i32
    %rem3A_230 = arith.remsi %add3A_212, %jit3A_213 : i32
    %ne3A_231 = arith.constant 0 : i32
    %ne3A_232 = arith.cmpi ne, %rem3A_230, %ne3A_231 : i32
    %and3A_233 = arith.andi %ne3A_229, %ne3A_232 : i1
    %sub3A_234 = arith.constant 1 : i32
    %sub3A_235 = arith.subi %div3A_214, %sub3A_234 : i32
    %select_n3A_236 = arith.select %and3A_233, %sub3A_235, %div3A_214 : i32
    %jit3A_237 = arith.constant 64 : i32
    %eq3A_238 = arith.constant 0 : i32
    %eq3A_239 = arith.cmpi eq, %jit3A_237, %eq3A_238 : i32
    %jit3A_240 = arith.constant 1 : i32
    %select_n3A_241 = arith.select %eq3A_239, %jit3A_240, %jit3A_237 : i32
    %rem3A_242 = arith.remsi %add3A_212, %select_n3A_241 : i32
    %ne3A_243 = arith.constant 0 : i32
    %ne3A_244 = arith.cmpi ne, %rem3A_242, %ne3A_243 : i32
    %lt3A_245 = arith.constant 0 : i32
    %lt3A_246 = arith.cmpi slt, %rem3A_242, %lt3A_245 : i32
    %lt3A_247 = arith.constant 0 : i32
    %lt3A_248 = arith.cmpi slt, %select_n3A_241, %lt3A_247 : i32
    %ne3A_249 = arith.xori %lt3A_246, %lt3A_248 : i1
    %and3A_250 = arith.andi %ne3A_249, %ne3A_244 : i1
    %add3A_251 = arith.addi %rem3A_242, %select_n3A_241 : i32
    %select_n3A_252 = arith.select %and3A_250, %add3A_251, %rem3A_242 : i32
    %jit3A_253 = arith.constant 2 : i32
    %div3A_254 = arith.divsi %select_n3A_252, %jit3A_253 : i32
    %sign3A_255 = arith.constant 0 : i32
    %sign3A_256 = arith.cmpi sgt, %select_n3A_252, %sign3A_255 : i32
    %sign3A_257 = arith.extui %sign3A_256 : i1 to i32
    %sign3A_258 = arith.constant 0 : i32
    %sign3A_259 = arith.cmpi slt, %select_n3A_252, %sign3A_258 : i32
    %sign3A_260 = arith.extui %sign3A_259 : i1 to i32
    %sign3A_261 = arith.subi %sign3A_257, %sign3A_260 : i32
    %sign3A_262 = arith.constant 0 : i32
    %sign3A_263 = arith.cmpi sgt, %jit3A_253, %sign3A_262 : i32
    %sign3A_264 = arith.extui %sign3A_263 : i1 to i32
    %sign3A_265 = arith.constant 0 : i32
    %sign3A_266 = arith.cmpi slt, %jit3A_253, %sign3A_265 : i32
    %sign3A_267 = arith.extui %sign3A_266 : i1 to i32
    %sign3A_268 = arith.subi %sign3A_264, %sign3A_267 : i32
    %ne3A_269 = arith.cmpi ne, %sign3A_261, %sign3A_268 : i32
    %rem3A_270 = arith.remsi %select_n3A_252, %jit3A_253 : i32
    %ne3A_271 = arith.constant 0 : i32
    %ne3A_272 = arith.cmpi ne, %rem3A_270, %ne3A_271 : i32
    %and3A_273 = arith.andi %ne3A_269, %ne3A_272 : i1
    %sub3A_274 = arith.constant 1 : i32
    %sub3A_275 = arith.subi %div3A_254, %sub3A_274 : i32
    %select_n3A_276 = arith.select %and3A_273, %sub3A_275, %div3A_254 : i32
    %jit3A_277 = arith.constant 2 : i32
    %eq3A_278 = arith.constant 0 : i32
    %eq3A_279 = arith.cmpi eq, %jit3A_277, %eq3A_278 : i32
    %jit3A_280 = arith.constant 1 : i32
    %select_n3A_281 = arith.select %eq3A_279, %jit3A_280, %jit3A_277 : i32
    %rem3A_282 = arith.remsi %select_n3A_252, %select_n3A_281 : i32
    %ne3A_283 = arith.constant 0 : i32
    %ne3A_284 = arith.cmpi ne, %rem3A_282, %ne3A_283 : i32
    %lt3A_285 = arith.constant 0 : i32
    %lt3A_286 = arith.cmpi slt, %rem3A_282, %lt3A_285 : i32
    %lt3A_287 = arith.constant 0 : i32
    %lt3A_288 = arith.cmpi slt, %select_n3A_281, %lt3A_287 : i32
    %ne3A_289 = arith.xori %lt3A_286, %lt3A_288 : i1
    %and3A_290 = arith.andi %ne3A_289, %ne3A_284 : i1
    %add3A_291 = arith.addi %rem3A_282, %select_n3A_281 : i32
    %select_n3A_292 = arith.select %and3A_290, %add3A_291, %rem3A_282 : i32
    %mul3A_293 = arith.constant 64 : i32
    %mul3A_294 = arith.muli %select_n3A_292, %mul3A_293 : i32
    %dma_wait3A_295 = arith.constant 0 : i32
    %dma_wait3A_296 = arith.constant 0 : i32
    %dma_wait3A_297 = tpu.memref_slice %arg4[%select_n3A_236, %dma_wait3A_295, %select_n3A_276, %dma_wait3A_296, %mul3A_294] : memref<50x38x32x8x128xf32, #tpu.memory_space<hbm>> -> memref<1x38x1x8x64xf32, #tpu.memory_space<hbm>>
    %dma_wait3A_298 = tpu.memref_squeeze %dma_wait3A_297 : memref<1x38x1x8x64xf32, #tpu.memory_space<hbm>> -> memref<38x8x64xf32, #tpu.memory_space<hbm>>
    %dma_wait3A_299 = arith.constant 0 : i32
    %dma_wait3A_300 = arith.constant 0 : i32
    %dma_wait3A_301 = tpu.memref_slice %arg4[%select_n3A_236, %dma_wait3A_299, %select_n3A_276, %dma_wait3A_300, %mul3A_294] : memref<50x38x32x8x128xf32, #tpu.memory_space<hbm>> -> memref<1x38x1x8x64xf32, #tpu.memory_space<hbm>>
    %dma_wait3A_302 = tpu.memref_squeeze %dma_wait3A_301 : memref<1x38x1x8x64xf32, #tpu.memory_space<hbm>> -> memref<38x8x64xf32, #tpu.memory_space<hbm>>
    tpu.wait_dma2 semaphore(%arg17 : memref<!tpu.dma_semaphore, #tpu.memory_space<semaphore_mem>>) src(%arg13 : memref<38x8x64xf32, #tpu.memory_space<vmem>>) dst(%dma_wait3A_302 : memref<38x8x64xf32, #tpu.memory_space<hbm>>)
    return
  }
}

</mosaic_0001>

<sc_bundles>
// kernel: kernel.11.cloned.1.call-start
scs
__scs_entry_jumppad:
0x0: {  	(pc) =	sbr.rel $0x88, $3  }
0x1: {  	(tag) =	ssettag $0x0;
	lr =	simm.s32 $0x1  }
0x2: {  	[smem:$0x3F9F] =	sst lr;
	_ =	strace $0xD0000000  }
0x3: {  	_ = 	snop  }
0x4: {  	_ = 	snop  }
0x5: {  	_ = 	snop  }
0x6: {  	_ = 	snop  }
0x7: {  	_ = 	snop  }
__scs_overlays_trampoline_lowered:
0x8: {  	[smem:$0x3FAE] =	sst s0  }
0x9: {  	[smem:$0x3FAF] =	sst s1  }
0xa: {  	[smem:$0x3FB0] =	sst s2  }
0xb: {  	[smem:$0x3FB1] =	sst s3  }
0xc: {  	[smem:$0x3FB2] =	sst s4  }
0xd: {  	[smem:$0x3FB3] =	sst s5  }
0xe: {  	[smem:$0x3FB4] =	sst s6  }
0xf: {  	[smem:$0x3FB5] =	sst s7  }
0x10: {  	[smem:$0x3FB6] =	sst s8  }
0x11: {  	[smem:$0x3FB7] =	sst s9;
	s0 =	simm.s32 @!p0 $0x0  }
0x12: {  	s1 =	sld [smem:$0x3F9D];
	s0 =	simm.s32 @p0 $0x1  }
0x13: {  	[smem:$0x3FB8] =	sst s0;
	s0 =	simm.s32 @!p1 $0x0  }
0x14: {  	s2 =	sld [smem:$0x3F9C];
	s0 =	simm.s32 @p1 $0x1  }
0x15: {  	[smem:$0x3FB9] =	sst s0;
	s0 =	simm.s32 @!p2 $0x0  }
0x16: {  	s3 =	sld [smem:$0x3FDB];
	s0 =	simm.s32 @p2 $0x1  }
0x17: {  	s4 =	simm.s32 $0x1BF5;
	[smem:$0x3FBB] =	sst s0  }
0x18: {  	s0 =	sld [smem:$0x3F9E];
	_ =	swait.ge [sflag:s4], $0x0  }
0x19: {  	s7 =	sld [smem:$0x3F9F]  }
0x1a: {  	s8 =	sadd.s32 $0xFFFFE003, lr  }
0x1b: {  	s9 =	sadd.s32 $0xFFFFFEF7, lr;
	s5 =	simm.s32 $0xFFFFFFFF;
	p2 =	slt.u32 s8, $0xFFFFF086  }
0x1c: {  	p1 =	slt.u32 s9, $0xF7A;
	s5 =	simm.s32 @!p2 $0x0  }
0x1d: {  	s5 =	simm.s32 @p1 $0x1;
	p0 =	seq.s32 s7, s2  }
0x1e: {  	s7 =	smul.u32 @!p0 $0xF7A, s2;
	p2 =	seq.s32 @!p0 s5, $0x0  }
0x1f: {  	s9 =	smul.u32 $0xF7A, s1;
	s8 =	simm.s32 @!p0 $0x1BF5;
	p2 =	por !p2, p0  }
0x20: {  	[sflag:s8] =	ssyncset.s32 @!p0 $0xFFFFF086;
	s6 =	sadd.s32 @!p0 s3, s7;
	s7 =	simm.s32 @!p0 $0x108  }
0x21: {  	s3 =	sadd.s32 s3, s9;
	s6 =	sadd.s32 @!p0 $0x88, s6;
	s7 =	simm.s32 @p2 $0x1082  }
0x22: {  	[simem:s7], [sflag:s8] =	dma.local @!p0 [hbm:s6], $0xF7A  }
0x23: {  	s9 =	sor.u32 $0xD0000000, s2;
	s6 =	simm.s32 $0x108;
	_ =	swait.ge @!p0 [sflag:s8], $0x0  }
0x24: {  	s3 =	sadd.s32 $0x88, s3;
	s6 =	simm.s32 @!p1 $0x1082;
	[sflag:s4] =	ssyncset.s32 $0xFFFFF086  }
0x25: {  	[simem:s6], [sflag:s4] =	dma.local [hbm:s3], $0xF7A  }
0x26: {  	[smem:$0x3F9F] =	sst s1;
	(tag) =	ssettag s2;
	_ =	strace s9  }
0x27: {  	s1 =	sld [smem:$0x3FAF]  }
0x28: {  	s2 =	sld [smem:$0x3FB0]  }
0x29: {  	s4 =	sld [smem:$0x3FB2]  }
0x2a: {  	p0 =	seq.s32 s5, $0x0;
	s5 =	sld [smem:$0x3FB3]  }
0x2b: {  	s6 =	sld [smem:$0x3FB4]  }
0x2c: {  	s7 =	sld [smem:$0x3FB5]  }
0x2d: {  	s3 =	simm.s32 $0x108;
	s8 =	sld [smem:$0x3FB6]  }
0x2e: {  	s3 =	simm.s32 @!p0 $0x1082;
	s9 =	sld [smem:$0x3FB7]  }
0x2f: {  	lr =	sadd.s32 s0, s3;
	s0 =	sld [smem:$0x3FAE]  }
0x30: {  	s3 =	sld [smem:$0x3FB1]  }
0x31: {  	[smem:$0x3FBA] =	sst s10  }
0x32: {  	s10 =	sld [smem:$0x3FB8];
	_ =	sdelay $0x3  }
0x33: {  	p0 =	seq.s32 s10, $0x1;
	s10 =	sld [smem:$0x3FBA];
	_ =	sdelay $0x3  }
0x34: {  	[smem:$0x3FBA] =	sst s10  }
0x35: {  	s10 =	sld [smem:$0x3FB9];
	_ =	sdelay $0x3  }
0x36: {  	p1 =	seq.s32 s10, $0x1;
	s10 =	sld [smem:$0x3FBA];
	_ =	sdelay $0x3  }
0x37: {  	[smem:$0x3FBA] =	sst s10  }
0x38: {  	s10 =	sld [smem:$0x3FBB]  }
0x39: {  	_ = 	snop;
	(pc) =	sbr.ind lr, $3  }
0x3a: {  	_ = 	snop  }
0x3b: {  	_ = 	snop  }
0x3c: {  	p2 =	seq.s32 s10, $0x1;
	s10 =	sld [smem:$0x3FBA]  }
0x3d: {  	_ =	shalt  }
0x3e: {  	_ =	shalt  }
0x3f: {  	_ =	shalt  }
0x40: {  	_ =	shalt  }
0x41: {  	_ =	shalt  }
0x42: {  	_ =	shalt  }
0x43: {  	_ =	shalt  }
0x44: {  	_ =	shalt  }
0x45: {  	_ =	shalt  }
0x46: {  	_ =	shalt  }
0x47: {  	_ =	shalt  }
0x48: {  	_ =	shalt  }
0x49: {  	_ =	shalt  }
0x4a: {  	_ =	shalt  }
0x4b: {  	_ =	shalt  }
0x4c: {  	_ =	shalt  }
0x4d: {  	_ =	shalt  }
0x4e: {  	_ =	shalt  }
0x4f: {  	_ =	shalt  }
0x50: {  	_ =	shalt  }
0x51: {  	_ =	shalt  }
0x52: {  	_ =	shalt  }
0x53: {  	_ =	shalt  }
0x54: {  	_ =	shalt  }
0x55: {  	_ =	shalt  }
0x56: {  	_ =	shalt  }
0x57: {  	_ =	shalt  }
0x58: {  	_ =	shalt  }
0x59: {  	_ =	shalt  }
0x5a: {  	_ =	shalt  }
0x5b: {  	_ =	shalt  }
0x5c: {  	_ =	shalt  }
0x5d: {  	_ =	shalt  }
0x5e: {  	_ =	shalt  }
0x5f: {  	_ =	shalt  }
0x60: {  	_ =	shalt  }
0x61: {  	_ =	shalt  }
0x62: {  	_ =	shalt  }
0x63: {  	_ =	shalt  }
0x64: {  	_ =	shalt  }
0x65: {  	_ =	shalt  }
0x66: {  	_ =	shalt  }
0x67: {  	_ =	shalt  }
0x68: {  	_ =	shalt  }
0x69: {  	_ =	shalt  }
0x6a: {  	_ =	shalt  }
0x6b: {  	_ =	shalt  }
0x6c: {  	_ =	shalt  }
0x6d: {  	_ =	shalt  }
0x6e: {  	_ =	shalt  }
0x6f: {  	_ =	shalt  }
0x70: {  	_ =	shalt  }
0x71: {  	_ =	shalt  }
0x72: {  	_ =	shalt  }
0x73: {  	_ =	shalt  }
0x74: {  	_ =	shalt  }
0x75: {  	_ =	shalt  }
0x76: {  	_ =	shalt  }
0x77: {  	_ =	shalt  }
0x78: {  	_ =	shalt  }
0x79: {  	_ =	shalt  }
0x7a: {  	_ =	shalt  }
0x7b: {  	_ =	shalt  }
0x7c: {  	_ =	shalt  }
0x7d: {  	_ =	shalt  }
0x7e: {  	_ =	shalt  }
0x7f: {  	_ =	shalt  }
0x80: {  	_ =	shalt  }
0x81: {  	_ =	shalt  }
0x82: {  	_ =	shalt  }
0x83: {  	_ =	shalt  }
0x84: {  	_ =	shalt  }
0x85: {  	_ =	shalt  }
0x86: {  	_ =	shalt  }
0x87: {  	_ =	shalt  }
.Lfunc_end0:
.L_simem_size_0:
called_computation.3_lowered:
.L_overlay_start_0:
0x88: {  	s2 =	sld [smem:$0x3FD9]  }
0x89: {  	s3 =	sld [smem:$0x3FFE];
	_ =	sdelay $0x1  }
0x8a: {  	s1 =	srdreg.scid  }
0x8b: {  	s0 =	sand.u32 $0x1, s1  }
0x8c: {  	s14 =	sshll.u32 s0, $0xA;
	s2 =	sadd.s32 s3, s2  }
0x8d: {  	s2 =	sadd.s32 s2, s14  }
0x8e: {  	[smem:$0x3FC6] =	sst s2  }
0x8f: {  	_ = 	snop  }
0x90: {  	s2 =	sld [smem:$0x3FD0];
	_ =	sdelay $0x2  }
0x91: {  	s15 =	simm.s32 $0xC;
	s4 =	simm.s32 $0x10  }
0x92: {  	[smem:s4], [sflag:s15] =	dma.local [hbm:s2], $0x1  }
0x93: {  	_ =	swait.eq [sflag:s15], $0x1  }
0x94: {  	[sflag:s15] =	ssyncset.done $0x0  }
0x95: {  	[sflag:s15] =	ssyncadd.s32 $0xFFFFFFFF  }
0x96: {  	s16 =	sld [smem:$0x12];
	(tm) =	ssettm $0x1  }
0x97: {  	s17 =	sld [smem:$0x3FFB];
	_ =	sdelay $0x3  }
0x98: {  	_ =	strace s17  }
0x99: {  	s3 =	sld [smem:$0x3FFC];
	_ =	sdelay $0x3  }
0x9a: {  	_ =	strace s3  }
0x9b: {  	s3 =	sld [smem:$0x3FFD];
	_ =	sdelay $0x3  }
0x9c: {  	_ =	strace s3  }
0x9d: {  	_ =	strace $0x8FFFFFFF  }
0x9e: {  	s18 =	sld [smem:$0x3FDB];
	_ =	sdelay $0x1  }
0x9f: {  	s19 =	simm.s32 $_scs_section_size  }
0xa0: {  	s5 =	simm.s32 $_size__tile_overlayer_lowered;
	s6 =	simm.s32 $_tile_overlayer_lowered  }
0xa1: {  	s22 =	simm.s32 $0x1BFF;
	s21 =	sshll.u32 s6, $0x1;
	s3 =	sadd.s32 s19, s18  }
0xa2: {  	s7 =	simm.s32 $0x0;
	s20 =	sshll.u32 s5, $0x1;
	s5 =	sadd.s32 s21, s3  }
0xa3: {  	[timem:s7], [sflag:s22] =	dma.local [hbm:s5], s20  }
0xa4: {  	_ =	swait.ge [sflag:s22], s20  }
0xa5: {  	s4 =	ssub.s32 $0x0, s20;
	[sflag:s22] =	ssyncset.done $0x0  }
0xa6: {  	[sflag:s22] =	ssyncadd.s32 s4;
	_ =	sdelay $0x1  }
0xa7: {  	s23 =	simm.s32 $0x1B8B  }
0xa8: {  	_ =	swait.ge [sflag:s23], $0x1  }
0xa9: {  	[sflag:s23] =	ssyncset.done $0x0  }
0xaa: {  	s25 =	simm.s32 $0x1B8E;
	s24 =	sld [smem:$0x3FFE];
	[sflag:s23] =	ssyncadd.s32 $0xFFFFFFFF  }
0xab: {  	s26 =	simm.s32 $execute0_lowered;
	[smem:$0x3FD2] =	sst s25  }
0xac: {  	s5 =	sshll.u32 s26, $0x1;
	_ =	strace $0x80000049;
	[dreg:$0x1] =	wrdreg $0xFFFFFFFF  }
0xad: {  	s28 =	simm.s32 $_size_execute0_lowered;
	s3 =	sadd.s32 s3, s5;
	[dreg:$0x0] =	wrdreg $0x0  }
0xae: {  	s5 =	sshll.u32 s28, $0x1;
	[dreg:$0x2] =	wrdreg s3  }
0xaf: {  	[dreg:$0x3] =	wrdreg s5  }
0xb0: {  	[dreg:$0x4] =	wrdreg $0xC0  }
0xb1: {  	_ =	task [dreg:s7], $0x5FFFF  }
0xb2: {  	[dreg:$0x1] =	wrdreg $0xFFFFFFFF  }
0xb3: {  	[dreg:$0x0] =	wrdreg $0x60  }
0xb4: {  	[dreg:$0x2] =	wrdreg s24  }
0xb5: {  	[dreg:$0x3] =	wrdreg s16  }
0xb6: {  	[dreg:$0x4] =	wrdreg $0xB  }
0xb7: {  	_ =	task.clear_ibuf [dreg:s7], $0x5FFFF;
	_ =	strace $0x90000049  }
0xb8: {  	s29 =	simm.s32 $0xB;
	_ =	strace $0x8000004B  }
0xb9: {  	_ =	swait.ge [sflag:s29], $0x1  }
0xba: {  	[sflag:s29] =	ssyncadd.s32 $0xFFFFFFFF  }
0xbb: {  	_ =	strace $0x9000004B  }
0xbc: {  	_ =	sfence  }
0xbd: {  	s30 =	sld [smem:$0x0];
	_ =	sdelay $0x2  }
0xbe: {  	s31 =	sshll.u32 s1, $0xD;
	s1 =	sshrl.u32 s1, $0x2  }
0xbf: {  	s3 =	sand.u32 $0x4000, s31;
	s1 =	sadd.s32 s1, s30  }
0xc0: {  	s0 =	sor.u32 s3, s0;
	s1 =	sshll.u32 s1, $0x11  }
0xc1: {  	s0 =	sor.u32 s1, s0  }
0xc2: {  	s0 =	sadd.s32 $0x8F2B, s0  }
0xc3: {  	[sflag:s0] =	ssyncadd.remote.s32 $0x1  }
0xc4: {  	_ =	sfence.sel $0xFFFF  }
0xc5: {  	[dreg:$0x0] =	wrdreg $0xFFFFFFFF;
	(pc) =	sbr.abs _section_cstart, $3  }
0xc6: {  	[dreg:$0x1] =	wrdreg $0xFFFFFFFF  }
0xc7: {  	_ =	task.clear_ibuf [dreg:s7], $0x2FFFF;
	_ =	strace $0x9FFFFFFF  }
0xc8: {  	(tm) =	ssettm $0x7FFFFFFF  }
0xc9: {  	_ =	shalt  }
tec
execute0_lowered:
.L_overlay_start_1:
0x0: {  	(tag) =	ssettag $0x1  }
0x1: {  	s0 =	srdreg.scid  }
0x2: {  	s2 =	stileid.u32;
	s1 =	rddreg [dreg:$0x0]  }
0x3: {  	s9 =	simm.s32 $0x5;
	s10 =	simm.s32 $0x40;
	s12 =	simm.s32 $0x6B00  }
0x4: {  	s13 =	simm.s32 $0x80;
	s14 =	simm.s32 $0x8B00;
	s15 =	simm.s32 $0xAB00  }
0x5: {  	v0 =	vlaneseq.u32;
	s16 =	simm.s32 $0xCB00;
	s17 =	simm.s32 $0xEB00;
	s18 =	simm.s32 $0x1  }
0x6: {  	s19 =	simm.s32 $0x10B00;
	s20 =	simm.s32 $0x2;
	s21 =	simm.s32 $0x15700;
	v0 =	vmul.u32 $0x40, v0  }
0x7: {  	s22 =	simm.s32 $0x3;
	s0 =	sand.u32 $0x1, s0;
	s3 =	sshll.u32 s2, $0x1  }
0x8: {  	s23 =	simm.s32 $0x4;
	s2 =	rddreg [dreg:$0x1];
	s5 =	sor.u32 s0, s3;
	v1 =	vor.u32 $0x400, v0;
	v2 =	vor.u32 $0x800, v0;
	v3 =	vor.u32 $0xC00, v0  }
0x9: {  	s3 =	simm.s32 $0x0;
	s0 =	ssub.s32 $0x2, s0;
	s4 =	smul.u32 $0x4B00, s5;
	v4 =	vor.u32 $0x1000, v0;
	v5 =	vor.u32 $0x1400, v0;
	v6 =	vor.u32 $0x1800, v0  }
0xa: {  	s24 =	simm.s32 $0x0;
	[smem:$0x7FF] =	sst s3;
	s7 =	sshrl.u32 s0, $0x1;
	v7 =	vor.u32 $0x1C00, v0;
	v8 =	vor.u32 $0x2000, v0;
	v9 =	vor.u32 $0x2400, v0  }
0xb: {  	s5 =	smul.u32 $0x64, s5;
	v10 =	vor.u32 $0x2800, v0;
	v11 =	vor.u32 $0x2C00, v0;
	v12 =	vor.u32 $0x3000, v0;
	_ =	strace $0x8000004A;
	s6 =	sshrl.u32 s4, $0x3  }
0xc: {  	v13 =	vor.u32 $0x3400, v0;
	v14 =	vor.u32 $0x3800, v0;
	v15 =	vor.u32 $0x3C00, v0;
	s0 =	ssub.s32 s0, s7;
	s4 =	sadd.s32 $0x39600, s1;
	s1 =	sadd.s32 s1, s6  }
0xd: {  	v16 =	vor.u32 $0x4000, v0;
	v17 =	vor.u32 $0x4400, v0;
	v18 =	vor.u32 $0x4800, v0;
	s7 =	sadd.s32 $0x8, s2;
	s8 =	smax.u32 s0, $0x1;
	s6 =	sadd.s32 $0x26A00, s1  }
.LBB2_1:
0xe: {  	[tilespmem:s3], [sflag:$0x5] =	stream.linear.gather [hbm4b:s6+s3], $0x4B00, $0x38;
	[tilespmem:$0x1A300] =	vst v63  }
0xf: {  	_ =	swait.ge [sflag:s9], $0x4B00  }
0x10: {  	[sflag:s9] =	ssyncset.done $0x0  }
0x11: {  	s0 =	simm.s32 $0x4B00;
	[sflag:s9] =	ssyncadd.s32 $0xFFFFB500  }
0x12: {  	[tilespmem:s0], [sflag:$0x1] =	stream.indirect.gather [hbm4b:s4+s10], $0x80, s3, s10, $0xb8;
	[tilespmem:$0x1A300] =	vst v63  }
0x13: {  	_ = 	snop  }
0x14: {  	[tilespmem:s12], [sflag:$0x1] =	stream.indirect.gather [hbm4b:s4+s10], $0x80, s10, s10, $0xb8;
	[tilespmem:$0x1A300] =	vst v63  }
0x15: {  	s25 =	simm.s32 $0x0  }
0x16: {  	[tilespmem:s14], [sflag:$0x1] =	stream.indirect.gather [hbm4b:s4+s10], $0x80, s13, s10, $0xb8;
	[tilespmem:$0x1A300] =	vst v63  }
.LBB2_2:
0x17: {  	s26 =	sshllo.u32 s25, $0x1  }
0x18: {  	s0 =	smul.u32 $0x300, s26;
	_ =	sdelay $0x1  }
0x19: {  	s0 =	sshra.s32 s0, $0x2  }
0x1a: {  	[tilespmem:s15], [sflag:$0x2] =	stream.indirect.gather [hbm4b:s4+s10], $0x80, s0, s10, $0xb8;
	[tilespmem:$0x1A300] =	vst v63  }
0x1b: {  	s1 =	sadd.s32 $0x40, s0  }
0x1c: {  	[tilespmem:s16], [sflag:$0x2] =	stream.indirect.gather [hbm4b:s4+s10], $0x80, s1, s10, $0xb8;
	[tilespmem:$0x1A300] =	vst v63  }
0x1d: {  	s0 =	sadd.s32 $0x80, s0  }
0x1e: {  	[tilespmem:s17], [sflag:$0x2] =	stream.indirect.gather [hbm4b:s4+s10], $0x80, s0, s10, $0xb8;
	[tilespmem:$0x1A300] =	vst v63  }
0x1f: {  	_ =	swait.ge [sflag:s18], $0x2000  }
0x20: {  	[sflag:s18] =	ssyncset.done $0x0  }
0x21: {  	[sflag:s18] =	ssyncadd.s32 $0xFFFFE000  }
0x22: {  	_ =	swait.ge [sflag:s18], $0x2000  }
0x23: {  	[sflag:s18] =	ssyncset.done $0x0  }
0x24: {  	[sflag:s18] =	ssyncadd.s32 $0xFFFFE000  }
0x25: {  	_ =	swait.ge [sflag:s18], $0x2000  }
0x26: {  	p0 =	seq.s32 s25, $0x0;
	s11 =	simm.s32 $0x0;
	[sflag:s18] =	ssyncset.done $0x0  }
0x27: {  	v19 =	vmov s11;
	s1 =	simm.s32 @!p0 $0x3;
	[sflag:s18] =	ssyncadd.s32 $0xFFFFE000  }
0x28: {  	v19 =	vand.u32 $0x3E, v19;
	_ =	swait.ge @!p0 [sflag:s1], $0x4C00  }
0x29: {  	v19 =	vbroadcast v19, $0x0;
	[sflag:s1] =	ssyncset.done @!p0 $0x0  }
0x2a: {  	s30 =	simm.s32 $0x4B80;
	[sflag:s1] =	ssyncadd.s32 @!p0 $0xFFFFB400  }
0x2b: {  	v21 =	vor.u32 v0, v19;
	v20 =	vld [tilespmem:s30+$0xFFFFFF80];
	_ =	sdelay $0x4  }
0x2c: {  	[tilespmem:v21+s19+$0x0] =	vst.idx.msk $0xffff, v20  }
0x2d: {  	v21 =	vor.u32 v1, v19;
	v20 =	vld [tilespmem:s30+$0xFFFFFF90];
	_ =	sdelay $0x4  }
0x2e: {  	[tilespmem:v21+s19+$0x0] =	vst.idx.msk $0xffff, v20  }
0x2f: {  	v21 =	vor.u32 v2, v19;
	v20 =	vld [tilespmem:s30+$0xFFFFFFA0];
	_ =	sdelay $0x4  }
0x30: {  	[tilespmem:v21+s19+$0x0] =	vst.idx.msk $0xffff, v20  }
0x31: {  	v21 =	vor.u32 v3, v19;
	v20 =	vld [tilespmem:s30+$0xFFFFFFB0];
	_ =	sdelay $0x4  }
0x32: {  	[tilespmem:v21+s19+$0x0] =	vst.idx.msk $0xffff, v20  }
0x33: {  	v21 =	vor.u32 v4, v19;
	v20 =	vld [tilespmem:s30+$0xFFFFFFC0];
	_ =	sdelay $0x4  }
0x34: {  	[tilespmem:v21+s19+$0x0] =	vst.idx.msk $0xffff, v20  }
0x35: {  	v21 =	vor.u32 v5, v19;
	v20 =	vld [tilespmem:s30+$0xFFFFFFD0];
	_ =	sdelay $0x4  }
0x36: {  	[tilespmem:v21+s19+$0x0] =	vst.idx.msk $0xffff, v20  }
0x37: {  	v21 =	vor.u32 v6, v19;
	v20 =	vld [tilespmem:s30+$0xFFFFFFE0];
	_ =	sdelay $0x4  }
0x38: {  	[tilespmem:v21+s19+$0x0] =	vst.idx.msk $0xffff, v20  }
0x39: {  	v21 =	vor.u32 v7, v19;
	v20 =	vld [tilespmem:s30+$0xFFFFFFF0];
	_ =	sdelay $0x4  }
0x3a: {  	s28 =	simm.s32 $0x6B80;
	[tilespmem:v21+s19+$0x0] =	vst.idx.msk $0xffff, v20  }
0x3b: {  	v21 =	vor.u32 v8, v19;
	v20 =	vld [tilespmem:s28+$0xFFFFFF80];
	_ =	sdelay $0x4  }
0x3c: {  	[tilespmem:v21+s19+$0x0] =	vst.idx.msk $0xffff, v20  }
0x3d: {  	v21 =	vor.u32 v9, v19;
	v20 =	vld [tilespmem:s28+$0xFFFFFF90];
	_ =	sdelay $0x4  }
0x3e: {  	[tilespmem:v21+s19+$0x0] =	vst.idx.msk $0xffff, v20  }
0x3f: {  	v21 =	vor.u32 v10, v19;
	v20 =	vld [tilespmem:s28+$0xFFFFFFA0];
	_ =	sdelay $0x4  }
0x40: {  	[tilespmem:v21+s19+$0x0] =	vst.idx.msk $0xffff, v20  }
0x41: {  	v21 =	vor.u32 v11, v19;
	v20 =	vld [tilespmem:s28+$0xFFFFFFB0];
	_ =	sdelay $0x4  }
0x42: {  	[tilespmem:v21+s19+$0x0] =	vst.idx.msk $0xffff, v20  }
0x43: {  	v21 =	vor.u32 v12, v19;
	v20 =	vld [tilespmem:s28+$0xFFFFFFC0];
	_ =	sdelay $0x4  }
0x44: {  	[tilespmem:v21+s19+$0x0] =	vst.idx.msk $0xffff, v20  }
0x45: {  	v21 =	vor.u32 v13, v19;
	v20 =	vld [tilespmem:s28+$0xFFFFFFD0];
	_ =	sdelay $0x4  }
0x46: {  	[tilespmem:v21+s19+$0x0] =	vst.idx.msk $0xffff, v20  }
0x47: {  	v21 =	vor.u32 v14, v19;
	v20 =	vld [tilespmem:s28+$0xFFFFFFE0];
	_ =	sdelay $0x4  }
0x48: {  	[tilespmem:v21+s19+$0x0] =	vst.idx.msk $0xffff, v20  }
0x49: {  	v21 =	vor.u32 v15, v19;
	v20 =	vld [tilespmem:s28+$0xFFFFFFF0];
	_ =	sdelay $0x4  }
0x4a: {  	s29 =	simm.s32 $0x8BA0;
	[tilespmem:v21+s19+$0x0] =	vst.idx.msk $0xffff, v20  }
0x4b: {  	v21 =	vor.u32 v16, v19;
	v20 =	vld [tilespmem:s29+$0xFFFFFF60];
	_ =	sdelay $0x4  }
0x4c: {  	[tilespmem:v21+s19+$0x0] =	vst.idx.msk $0xffff, v20  }
0x4d: {  	v21 =	vor.u32 v17, v19;
	v20 =	vld [tilespmem:s29+$0xFFFFFF70];
	_ =	sdelay $0x4  }
0x4e: {  	[tilespmem:v21+s19+$0x0] =	vst.idx.msk $0xffff, v20  }
0x4f: {  	v19 =	vor.u32 v18, v19;
	v20 =	vld [tilespmem:s29+$0xFFFFFF80]  }
0x50: {  	s11 =	simm.s32 $0x1  }
0x51: {  	v21 =	vmov s11  }
0x52: {  	v21 =	vand.u32 $0x3F, v21  }
0x53: {  	v21 =	vbroadcast v21, $0x0  }
0x54: {  	[tilespmem:v19+s19+$0x0] =	vst.idx.msk $0xffff, v20  }
0x55: {  	v20 =	vor.u32 v0, v21;
	v19 =	vld [tilespmem:s30+$0x0];
	_ =	sdelay $0x4  }
0x56: {  	[tilespmem:v20+s19+$0x0] =	vst.idx.msk $0xffff, v19  }
0x57: {  	v20 =	vor.u32 v1, v21;
	v19 =	vld [tilespmem:s30+$0x10];
	_ =	sdelay $0x4  }
0x58: {  	[tilespmem:v20+s19+$0x0] =	vst.idx.msk $0xffff, v19  }
0x59: {  	v20 =	vor.u32 v2, v21;
	v19 =	vld [tilespmem:s30+$0x20];
	_ =	sdelay $0x4  }
0x5a: {  	[tilespmem:v20+s19+$0x0] =	vst.idx.msk $0xffff, v19  }
0x5b: {  	v20 =	vor.u32 v3, v21;
	v19 =	vld [tilespmem:s30+$0x30];
	_ =	sdelay $0x4  }
0x5c: {  	[tilespmem:v20+s19+$0x0] =	vst.idx.msk $0xffff, v19  }
0x5d: {  	v20 =	vor.u32 v4, v21;
	v19 =	vld [tilespmem:s30+$0x40];
	_ =	sdelay $0x4  }
0x5e: {  	[tilespmem:v20+s19+$0x0] =	vst.idx.msk $0xffff, v19  }
0x5f: {  	v20 =	vor.u32 v5, v21;
	v19 =	vld [tilespmem:s30+$0x50];
	_ =	sdelay $0x4  }
0x60: {  	[tilespmem:v20+s19+$0x0] =	vst.idx.msk $0xffff, v19  }
0x61: {  	v20 =	vor.u32 v6, v21;
	v19 =	vld [tilespmem:s30+$0x60];
	_ =	sdelay $0x4  }
0x62: {  	[tilespmem:v20+s19+$0x0] =	vst.idx.msk $0xffff, v19  }
0x63: {  	v20 =	vor.u32 v7, v21;
	v19 =	vld [tilespmem:s30+$0x70];
	_ =	sdelay $0x4  }
0x64: {  	[tilespmem:v20+s19+$0x0] =	vst.idx.msk $0xffff, v19  }
0x65: {  	v20 =	vor.u32 v8, v21;
	v19 =	vld [tilespmem:s28+$0x0];
	_ =	sdelay $0x4  }
0x66: {  	[tilespmem:v20+s19+$0x0] =	vst.idx.msk $0xffff, v19  }
0x67: {  	v20 =	vor.u32 v9, v21;
	v19 =	vld [tilespmem:s28+$0x10];
	_ =	sdelay $0x4  }
0x68: {  	[tilespmem:v20+s19+$0x0] =	vst.idx.msk $0xffff, v19  }
0x69: {  	v20 =	vor.u32 v10, v21;
	v19 =	vld [tilespmem:s28+$0x20];
	_ =	sdelay $0x4  }
0x6a: {  	[tilespmem:v20+s19+$0x0] =	vst.idx.msk $0xffff, v19  }
0x6b: {  	v20 =	vor.u32 v11, v21;
	v19 =	vld [tilespmem:s28+$0x30];
	_ =	sdelay $0x4  }
0x6c: {  	[tilespmem:v20+s19+$0x0] =	vst.idx.msk $0xffff, v19  }
0x6d: {  	v20 =	vor.u32 v12, v21;
	v19 =	vld [tilespmem:s28+$0x40];
	_ =	sdelay $0x4  }
0x6e: {  	[tilespmem:v20+s19+$0x0] =	vst.idx.msk $0xffff, v19  }
0x6f: {  	v20 =	vor.u32 v13, v21;
	v19 =	vld [tilespmem:s28+$0x50];
	_ =	sdelay $0x4  }
0x70: {  	[tilespmem:v20+s19+$0x0] =	vst.idx.msk $0xffff, v19  }
0x71: {  	v20 =	vor.u32 v14, v21;
	v19 =	vld [tilespmem:s28+$0x60];
	_ =	sdelay $0x4  }
0x72: {  	[tilespmem:v20+s19+$0x0] =	vst.idx.msk $0xffff, v19  }
0x73: {  	v20 =	vor.u32 v15, v21;
	v19 =	vld [tilespmem:s28+$0x70];
	_ =	sdelay $0x4  }
0x74: {  	[tilespmem:v20+s19+$0x0] =	vst.idx.msk $0xffff, v19  }
0x75: {  	v20 =	vor.u32 v16, v21;
	v19 =	vld [tilespmem:s29+$0xFFFFFFE0];
	_ =	sdelay $0x4  }
0x76: {  	[tilespmem:v20+s19+$0x0] =	vst.idx.msk $0xffff, v19  }
0x77: {  	v20 =	vor.u32 v17, v21;
	v19 =	vld [tilespmem:s29+$0xFFFFFFF0];
	_ =	sdelay $0x4  }
0x78: {  	[tilespmem:v20+s19+$0x0] =	vst.idx.msk $0xffff, v19  }
0x79: {  	v21 =	vor.u32 v18, v21;
	v20 =	vld [tilespmem:s29+$0x0]  }
0x7a: {  	s1 =	simm.s32 $0x2  }
0x7b: {  	s31 =	sshll.u32 s25, $0x1;
	s0 =	simm.s32 $0x4;
	v19 =	vmov s1  }
.LBB2_3:
0x7c: {  	p1 =	slt.u32 s0, $0x3E;
	v19 =	vand.u32 $0x3E, v19  }
0x7d: {  	v19 =	vbroadcast v19, $0x0  }
0x7e: {  	s30 =	sadd.s32 $0x100, s30;
	[tilespmem:v21+s19+$0x0] =	vst.idx.msk $0xffff, v20  }
0x7f: {  	v20 =	vld [tilespmem:s30+$0xFFFFFF80];
	v21 =	vor.u32 v0, v19;
	_ =	sdelay $0x4  }
0x80: {  	[tilespmem:v21+s19+$0x0] =	vst.idx.msk $0xffff, v20  }
0x81: {  	v21 =	vor.u32 v1, v19;
	v20 =	vld [tilespmem:s30+$0xFFFFFF90];
	_ =	sdelay $0x4  }
0x82: {  	[tilespmem:v21+s19+$0x0] =	vst.idx.msk $0xffff, v20  }
0x83: {  	v21 =	vor.u32 v2, v19;
	v20 =	vld [tilespmem:s30+$0xFFFFFFA0];
	_ =	sdelay $0x4  }
0x84: {  	[tilespmem:v21+s19+$0x0] =	vst.idx.msk $0xffff, v20  }
0x85: {  	v21 =	vor.u32 v3, v19;
	v20 =	vld [tilespmem:s30+$0xFFFFFFB0];
	_ =	sdelay $0x4  }
0x86: {  	[tilespmem:v21+s19+$0x0] =	vst.idx.msk $0xffff, v20  }
0x87: {  	v21 =	vor.u32 v4, v19;
	v20 =	vld [tilespmem:s30+$0xFFFFFFC0];
	_ =	sdelay $0x4  }
0x88: {  	[tilespmem:v21+s19+$0x0] =	vst.idx.msk $0xffff, v20  }
0x89: {  	v21 =	vor.u32 v5, v19;
	v20 =	vld [tilespmem:s30+$0xFFFFFFD0];
	_ =	sdelay $0x4  }
0x8a: {  	[tilespmem:v21+s19+$0x0] =	vst.idx.msk $0xffff, v20  }
0x8b: {  	v21 =	vor.u32 v6, v19;
	v20 =	vld [tilespmem:s30+$0xFFFFFFE0];
	_ =	sdelay $0x4  }
0x8c: {  	[tilespmem:v21+s19+$0x0] =	vst.idx.msk $0xffff, v20  }
0x8d: {  	v21 =	vor.u32 v7, v19;
	v20 =	vld [tilespmem:s30+$0xFFFFFFF0];
	_ =	sdelay $0x4  }
0x8e: {  	s28 =	sadd.s32 $0x100, s28;
	[tilespmem:v21+s19+$0x0] =	vst.idx.msk $0xffff, v20  }
0x8f: {  	v21 =	vor.u32 v8, v19;
	v20 =	vld [tilespmem:s28+$0xFFFFFF80];
	_ =	sdelay $0x4  }
0x90: {  	[tilespmem:v21+s19+$0x0] =	vst.idx.msk $0xffff, v20  }
0x91: {  	v21 =	vor.u32 v9, v19;
	v20 =	vld [tilespmem:s28+$0xFFFFFF90];
	_ =	sdelay $0x4  }
0x92: {  	[tilespmem:v21+s19+$0x0] =	vst.idx.msk $0xffff, v20  }
0x93: {  	v21 =	vor.u32 v10, v19;
	v20 =	vld [tilespmem:s28+$0xFFFFFFA0];
	_ =	sdelay $0x4  }
0x94: {  	[tilespmem:v21+s19+$0x0] =	vst.idx.msk $0xffff, v20  }
0x95: {  	v21 =	vor.u32 v11, v19;
	v20 =	vld [tilespmem:s28+$0xFFFFFFB0];
	_ =	sdelay $0x4  }
0x96: {  	[tilespmem:v21+s19+$0x0] =	vst.idx.msk $0xffff, v20  }
0x97: {  	v21 =	vor.u32 v12, v19;
	v20 =	vld [tilespmem:s28+$0xFFFFFFC0];
	_ =	sdelay $0x4  }
0x98: {  	[tilespmem:v21+s19+$0x0] =	vst.idx.msk $0xffff, v20  }
0x99: {  	v21 =	vor.u32 v13, v19;
	v20 =	vld [tilespmem:s28+$0xFFFFFFD0];
	_ =	sdelay $0x4  }
0x9a: {  	[tilespmem:v21+s19+$0x0] =	vst.idx.msk $0xffff, v20  }
0x9b: {  	v21 =	vor.u32 v14, v19;
	v20 =	vld [tilespmem:s28+$0xFFFFFFE0];
	_ =	sdelay $0x4  }
0x9c: {  	[tilespmem:v21+s19+$0x0] =	vst.idx.msk $0xffff, v20  }
0x9d: {  	v21 =	vor.u32 v15, v19;
	v20 =	vld [tilespmem:s28+$0xFFFFFFF0];
	_ =	sdelay $0x4  }
0x9e: {  	s29 =	sadd.s32 $0x100, s29;
	[tilespmem:v21+s19+$0x0] =	vst.idx.msk $0xffff, v20  }
0x9f: {  	v21 =	vor.u32 v16, v19;
	v20 =	vld [tilespmem:s29+$0xFFFFFF60];
	_ =	sdelay $0x4  }
0xa0: {  	[tilespmem:v21+s19+$0x0] =	vst.idx.msk $0xffff, v20  }
0xa1: {  	v21 =	vor.u32 v17, v19;
	v20 =	vld [tilespmem:s29+$0xFFFFFF70];
	_ =	sdelay $0x4  }
0xa2: {  	[tilespmem:v21+s19+$0x0] =	vst.idx.msk $0xffff, v20  }
0xa3: {  	v21 =	vor.u32 v18, v19;
	v20 =	vld [tilespmem:s29+$0xFFFFFF80]  }
0xa4: {  	s11 =	sadd.s32 $0x1, s1;
	s1 =	smov.u32 s0  }
0xa5: {  	v19 =	vmov s11  }
0xa6: {  	v19 =	vand.u32 $0x3F, v19  }
0xa7: {  	v19 =	vbroadcast v19, $0x0  }
0xa8: {  	[tilespmem:v21+s19+$0x0] =	vst.idx.msk $0xffff, v20  }
0xa9: {  	v21 =	vor.u32 v0, v19;
	v20 =	vld [tilespmem:s30+$0x0];
	_ =	sdelay $0x4  }
0xaa: {  	[tilespmem:v21+s19+$0x0] =	vst.idx.msk $0xffff, v20  }
0xab: {  	v21 =	vor.u32 v1, v19;
	v20 =	vld [tilespmem:s30+$0x10];
	_ =	sdelay $0x4  }
0xac: {  	[tilespmem:v21+s19+$0x0] =	vst.idx.msk $0xffff, v20  }
0xad: {  	v21 =	vor.u32 v2, v19;
	v20 =	vld [tilespmem:s30+$0x20];
	_ =	sdelay $0x4  }
0xae: {  	[tilespmem:v21+s19+$0x0] =	vst.idx.msk $0xffff, v20  }
0xaf: {  	v21 =	vor.u32 v3, v19;
	v20 =	vld [tilespmem:s30+$0x30];
	_ =	sdelay $0x4  }
0xb0: {  	[tilespmem:v21+s19+$0x0] =	vst.idx.msk $0xffff, v20  }
0xb1: {  	v21 =	vor.u32 v4, v19;
	v20 =	vld [tilespmem:s30+$0x40];
	_ =	sdelay $0x4  }
0xb2: {  	[tilespmem:v21+s19+$0x0] =	vst.idx.msk $0xffff, v20  }
0xb3: {  	v21 =	vor.u32 v5, v19;
	v20 =	vld [tilespmem:s30+$0x50];
	_ =	sdelay $0x4  }
0xb4: {  	[tilespmem:v21+s19+$0x0] =	vst.idx.msk $0xffff, v20  }
0xb5: {  	v21 =	vor.u32 v6, v19;
	v20 =	vld [tilespmem:s30+$0x60];
	_ =	sdelay $0x4  }
0xb6: {  	[tilespmem:v21+s19+$0x0] =	vst.idx.msk $0xffff, v20  }
0xb7: {  	v21 =	vor.u32 v7, v19;
	v20 =	vld [tilespmem:s30+$0x70];
	_ =	sdelay $0x4  }
0xb8: {  	[tilespmem:v21+s19+$0x0] =	vst.idx.msk $0xffff, v20  }
0xb9: {  	v21 =	vor.u32 v8, v19;
	v20 =	vld [tilespmem:s28+$0x0];
	_ =	sdelay $0x4  }
0xba: {  	[tilespmem:v21+s19+$0x0] =	vst.idx.msk $0xffff, v20  }
0xbb: {  	v21 =	vor.u32 v9, v19;
	v20 =	vld [tilespmem:s28+$0x10];
	_ =	sdelay $0x4  }
0xbc: {  	[tilespmem:v21+s19+$0x0] =	vst.idx.msk $0xffff, v20  }
0xbd: {  	v21 =	vor.u32 v10, v19;
	v20 =	vld [tilespmem:s28+$0x20];
	_ =	sdelay $0x4  }
0xbe: {  	[tilespmem:v21+s19+$0x0] =	vst.idx.msk $0xffff, v20  }
0xbf: {  	v21 =	vor.u32 v11, v19;
	v20 =	vld [tilespmem:s28+$0x30];
	_ =	sdelay $0x4  }
0xc0: {  	[tilespmem:v21+s19+$0x0] =	vst.idx.msk $0xffff, v20  }
0xc1: {  	v21 =	vor.u32 v12, v19;
	v20 =	vld [tilespmem:s28+$0x40];
	_ =	sdelay $0x4  }
0xc2: {  	[tilespmem:v21+s19+$0x0] =	vst.idx.msk $0xffff, v20  }
0xc3: {  	v21 =	vor.u32 v13, v19;
	v20 =	vld [tilespmem:s28+$0x50];
	_ =	sdelay $0x4  }
0xc4: {  	[tilespmem:v21+s19+$0x0] =	vst.idx.msk $0xffff, v20  }
0xc5: {  	v21 =	vor.u32 v14, v19;
	v20 =	vld [tilespmem:s28+$0x60];
	_ =	sdelay $0x4  }
0xc6: {  	[tilespmem:v21+s19+$0x0] =	vst.idx.msk $0xffff, v20  }
0xc7: {  	v21 =	vor.u32 v15, v19;
	v20 =	vld [tilespmem:s28+$0x70];
	_ =	sdelay $0x4  }
0xc8: {  	[tilespmem:v21+s19+$0x0] =	vst.idx.msk $0xffff, v20  }
0xc9: {  	v21 =	vor.u32 v16, v19;
	v20 =	vld [tilespmem:s29+$0xFFFFFFE0];
	_ =	sdelay $0x4  }
0xca: {  	[tilespmem:v21+s19+$0x0] =	vst.idx.msk $0xffff, v20  }
0xcb: {  	v21 =	vor.u32 v17, v19;
	v20 =	vld [tilespmem:s29+$0xFFFFFFF0];
	_ =	sdelay $0x3  }
.Ltmp0:
0xcc: {  	(pc) =	sbr.rel @p1 .LBB2_3-.Ltmp0, $3  }
0xcd: {  	[tilespmem:v21+s19+$0x0] =	vst.idx.msk $0xffff, v20  }
0xce: {  	v21 =	vor.u32 v18, v19;
	v20 =	vld [tilespmem:s29+$0x0];
	_ =	sdelay $0x1  }
0xcf: {  	s0 =	sadd.s32 $0x2, s0;
	v19 =	vmov s1  }
0xd0: {  	_ =	sdelay $0x1  }
0xd1: {  	v19 =	vand.u32 $0x3E, v19  }
0xd2: {  	v19 =	vbroadcast v19, $0x0  }
0xd3: {  	s0 =	sadd.s32 $0x100, s30;
	[tilespmem:v21+s19+$0x0] =	vst.idx.msk $0xffff, v20  }
0xd4: {  	v20 =	vld [tilespmem:s0+$0xFFFFFF80];
	v45 =	vor.u32 v0, v19;
	_ =	sdelay $0x4  }
0xd5: {  	[tilespmem:v45+s19+$0x0] =	vst.idx.msk $0xffff, v20  }
0xd6: {  	v46 =	vor.u32 v1, v19;
	v20 =	vld [tilespmem:s0+$0xFFFFFF90];
	_ =	sdelay $0x4  }
0xd7: {  	[tilespmem:v46+s19+$0x0] =	vst.idx.msk $0xffff, v20  }
0xd8: {  	v47 =	vor.u32 v2, v19;
	v20 =	vld [tilespmem:s0+$0xFFFFFFA0];
	_ =	sdelay $0x4  }
0xd9: {  	[tilespmem:v47+s19+$0x0] =	vst.idx.msk $0xffff, v20  }
0xda: {  	v48 =	vor.u32 v3, v19;
	v20 =	vld [tilespmem:s0+$0xFFFFFFB0];
	_ =	sdelay $0x4  }
0xdb: {  	[tilespmem:v48+s19+$0x0] =	vst.idx.msk $0xffff, v20  }
0xdc: {  	v49 =	vor.u32 v4, v19;
	v20 =	vld [tilespmem:s0+$0xFFFFFFC0];
	_ =	sdelay $0x4  }
0xdd: {  	[tilespmem:v49+s19+$0x0] =	vst.idx.msk $0xffff, v20  }
0xde: {  	v50 =	vor.u32 v5, v19;
	v20 =	vld [tilespmem:s0+$0xFFFFFFD0];
	_ =	sdelay $0x4  }
0xdf: {  	[tilespmem:v50+s19+$0x0] =	vst.idx.msk $0xffff, v20  }
0xe0: {  	v51 =	vor.u32 v6, v19;
	v20 =	vld [tilespmem:s0+$0xFFFFFFE0];
	_ =	sdelay $0x4  }
0xe1: {  	[tilespmem:v51+s19+$0x0] =	vst.idx.msk $0xffff, v20  }
0xe2: {  	v52 =	vor.u32 v7, v19;
	v20 =	vld [tilespmem:s0+$0xFFFFFFF0];
	_ =	sdelay $0x4  }
0xe3: {  	s28 =	sadd.s32 $0x100, s28;
	[tilespmem:v52+s19+$0x0] =	vst.idx.msk $0xffff, v20  }
0xe4: {  	v53 =	vor.u32 v8, v19;
	v20 =	vld [tilespmem:s28+$0xFFFFFF80];
	_ =	sdelay $0x4  }
0xe5: {  	[tilespmem:v53+s19+$0x0] =	vst.idx.msk $0xffff, v20  }
0xe6: {  	v54 =	vor.u32 v9, v19;
	v20 =	vld [tilespmem:s28+$0xFFFFFF90];
	_ =	sdelay $0x4  }
0xe7: {  	[tilespmem:v54+s19+$0x0] =	vst.idx.msk $0xffff, v20  }
0xe8: {  	v55 =	vor.u32 v10, v19;
	v20 =	vld [tilespmem:s28+$0xFFFFFFA0];
	_ =	sdelay $0x4  }
0xe9: {  	[tilespmem:v55+s19+$0x0] =	vst.idx.msk $0xffff, v20  }
0xea: {  	v56 =	vor.u32 v11, v19;
	v20 =	vld [tilespmem:s28+$0xFFFFFFB0];
	_ =	sdelay $0x4  }
0xeb: {  	[tilespmem:v56+s19+$0x0] =	vst.idx.msk $0xffff, v20  }
0xec: {  	v57 =	vor.u32 v12, v19;
	v20 =	vld [tilespmem:s28+$0xFFFFFFC0];
	_ =	sdelay $0x4  }
0xed: {  	[tilespmem:v57+s19+$0x0] =	vst.idx.msk $0xffff, v20  }
0xee: {  	v58 =	vor.u32 v13, v19;
	v20 =	vld [tilespmem:s28+$0xFFFFFFD0];
	_ =	sdelay $0x4  }
0xef: {  	[tilespmem:v58+s19+$0x0] =	vst.idx.msk $0xffff, v20  }
0xf0: {  	v59 =	vor.u32 v14, v19;
	v20 =	vld [tilespmem:s28+$0xFFFFFFE0];
	_ =	sdelay $0x4  }
0xf1: {  	[tilespmem:v59+s19+$0x0] =	vst.idx.msk $0xffff, v20  }
0xf2: {  	v60 =	vor.u32 v15, v19;
	v20 =	vld [tilespmem:s28+$0xFFFFFFF0];
	_ =	sdelay $0x4  }
0xf3: {  	s29 =	sadd.s32 $0x100, s29;
	[tilespmem:v60+s19+$0x0] =	vst.idx.msk $0xffff, v20  }
0xf4: {  	v61 =	vor.u32 v16, v19;
	v20 =	vld [tilespmem:s29+$0xFFFFFF60];
	_ =	sdelay $0x4  }
0xf5: {  	[tilespmem:v61+s19+$0x0] =	vst.idx.msk $0xffff, v20  }
0xf6: {  	v62 =	vor.u32 v17, v19;
	v20 =	vld [tilespmem:s29+$0xFFFFFF70];
	_ =	sdelay $0x4  }
0xf7: {  	[tilespmem:v62+s19+$0x0] =	vst.idx.msk $0xffff, v20  }
0xf8: {  	v19 =	vor.u32 v18, v19;
	v20 =	vld [tilespmem:s29+$0xFFFFFF80]  }
0xf9: {  	s1 =	sadd.s32 $0x1, s1  }
0xfa: {  	v63 =	vmov s1  }
0xfb: {  	v21 =	vand.u32 $0x3F, v63  }
0xfc: {  	v21 =	vbroadcast v21, $0x0  }
0xfd: {  	[tilespmem:v19+s19+$0x0] =	vst.idx.msk $0xffff, v20  }
0xfe: {  	v20 =	vor.u32 v0, v21;
	v19 =	vld [tilespmem:s0+$0x0];
	_ =	sdelay $0x4  }
0xff: {  	[tilespmem:v20+s19+$0x0] =	vst.idx.msk $0xffff, v19  }
0x100: {  	v20 =	vor.u32 v1, v21;
	v19 =	vld [tilespmem:s0+$0x10];
	_ =	sdelay $0x4  }
0x101: {  	[tilespmem:v20+s19+$0x0] =	vst.idx.msk $0xffff, v19  }
0x102: {  	v20 =	vor.u32 v2, v21;
	v19 =	vld [tilespmem:s0+$0x20];
	_ =	sdelay $0x4  }
0x103: {  	[tilespmem:v20+s19+$0x0] =	vst.idx.msk $0xffff, v19  }
0x104: {  	v20 =	vor.u32 v3, v21;
	v19 =	vld [tilespmem:s0+$0x30];
	_ =	sdelay $0x4  }
0x105: {  	[tilespmem:v20+s19+$0x0] =	vst.idx.msk $0xffff, v19  }
0x106: {  	v20 =	vor.u32 v4, v21;
	v19 =	vld [tilespmem:s0+$0x40];
	_ =	sdelay $0x4  }
0x107: {  	[tilespmem:v20+s19+$0x0] =	vst.idx.msk $0xffff, v19  }
0x108: {  	v20 =	vor.u32 v5, v21;
	v19 =	vld [tilespmem:s0+$0x50];
	_ =	sdelay $0x4  }
0x109: {  	[tilespmem:v20+s19+$0x0] =	vst.idx.msk $0xffff, v19  }
0x10a: {  	v20 =	vor.u32 v6, v21;
	v19 =	vld [tilespmem:s0+$0x60];
	_ =	sdelay $0x4  }
0x10b: {  	[tilespmem:v20+s19+$0x0] =	vst.idx.msk $0xffff, v19  }
0x10c: {  	v20 =	vor.u32 v7, v21;
	v19 =	vld [tilespmem:s0+$0x70];
	_ =	sdelay $0x4  }
0x10d: {  	[tilespmem:v20+s19+$0x0] =	vst.idx.msk $0xffff, v19  }
0x10e: {  	v20 =	vor.u32 v8, v21;
	v19 =	vld [tilespmem:s28+$0x0];
	_ =	sdelay $0x4  }
0x10f: {  	[tilespmem:v20+s19+$0x0] =	vst.idx.msk $0xffff, v19  }
0x110: {  	v20 =	vor.u32 v9, v21;
	v19 =	vld [tilespmem:s28+$0x10];
	_ =	sdelay $0x4  }
0x111: {  	[tilespmem:v20+s19+$0x0] =	vst.idx.msk $0xffff, v19  }
0x112: {  	v20 =	vor.u32 v10, v21;
	v19 =	vld [tilespmem:s28+$0x20];
	_ =	sdelay $0x4  }
0x113: {  	[tilespmem:v20+s19+$0x0] =	vst.idx.msk $0xffff, v19  }
0x114: {  	v20 =	vor.u32 v11, v21;
	v19 =	vld [tilespmem:s28+$0x30];
	_ =	sdelay $0x4  }
0x115: {  	[tilespmem:v20+s19+$0x0] =	vst.idx.msk $0xffff, v19  }
0x116: {  	v20 =	vor.u32 v12, v21;
	v19 =	vld [tilespmem:s28+$0x40];
	_ =	sdelay $0x4  }
0x117: {  	[tilespmem:v20+s19+$0x0] =	vst.idx.msk $0xffff, v19  }
0x118: {  	v20 =	vor.u32 v13, v21;
	v19 =	vld [tilespmem:s28+$0x50];
	_ =	sdelay $0x4  }
0x119: {  	[tilespmem:v20+s19+$0x0] =	vst.idx.msk $0xffff, v19  }
0x11a: {  	v20 =	vor.u32 v14, v21;
	v19 =	vld [tilespmem:s28+$0x60];
	_ =	sdelay $0x4  }
0x11b: {  	[tilespmem:v20+s19+$0x0] =	vst.idx.msk $0xffff, v19  }
0x11c: {  	v20 =	vor.u32 v15, v21;
	v19 =	vld [tilespmem:s28+$0x70];
	_ =	sdelay $0x4  }
0x11d: {  	[tilespmem:v20+s19+$0x0] =	vst.idx.msk $0xffff, v19  }
0x11e: {  	v20 =	vor.u32 v16, v21;
	v19 =	vld [tilespmem:s29+$0xFFFFFFE0];
	_ =	sdelay $0x4  }
0x11f: {  	[tilespmem:v20+s19+$0x0] =	vst.idx.msk $0xffff, v19  }
0x120: {  	v20 =	vor.u32 v17, v21;
	v19 =	vld [tilespmem:s29+$0xFFFFFFF0];
	_ =	sdelay $0x4  }
0x121: {  	s28 =	sadd.s32 s5, s31;
	[tilespmem:v20+s19+$0x0] =	vst.idx.msk $0xffff, v19  }
0x122: {  	s30 =	sshrl.u32 s28, $0x6;
	v20 =	vor.u32 v18, v21;
	v19 =	vld [tilespmem:s29+$0x0]  }
0x123: {  	s0 =	sshll.u32 s28, $0x9;
	s1 =	smul.u32 $0x130000, s30  }
0x124: {  	s0 =	sand.u32 $0x7C00, s0  }
0x125: {  	s0 =	sor.u32 s0, s1  }
0x126: {  	s0 =	sshrl.u32 s0, $0x3  }
0x127: {  	s31 =	simm.s32 $0x10B00;
	s1 =	simm.s32 $0x800;
	s0 =	sadd.s32 s2, s0;
	[tilespmem:v20+s19+$0x0] =	vst.idx.msk $0xffff, v19  }
0x128: {  	[hbm4b:s0+s10] =	stream.strided.scatter [tilespmem:s31], [sflag:$0x3], $0x200, s13, s10, $0x38;
	[tilespmem:$0x1A300] =	vst v63  }
.LBB2_5:
0x129: {  	p1 =	sne.s32 s1, $0x12800  }
.Ltmp1:
0x12a: {  	_ = 	snop;
	(pc) =	sbr.rel @p1 .LBB2_5-.Ltmp1, $4  }
0x12b: {  	_ = 	snop  }
0x12c: {  	s11 =	sshra.s32 s1, $0x2;
	s1 =	sadd.s32 $0x800, s1  }
0x12d: {  	s0 =	sadd.s32 $0x1000, s0;
	s11 =	sadd.s32 $0x10B00, s11  }
0x12e: {  	[hbm4b:s0+s10] =	stream.strided.scatter [tilespmem:s11], [sflag:$0x3], $0x200, s13, s10, $0x38;
	[tilespmem:$0x1A300] =	vst v63  }
0x12f: {  	p1 =	seq.s32 s25, $0x31  }
0x130: {  	s0 =	smul.u32 @!p1 $0x600, s25;
	_ =	sdelay $0x1  }
0x131: {  	s0 =	sshra.s32 @!p1 s0, $0x2  }
0x132: {  	s11 =	simm.s32 @!p1 $0x40;
	s28 =	simm.s32 @!p1 $0x4B00;
	s1 =	sadd.s32 @!p1 $0x180, s0  }
0x133: {  	[tilespmem:s28], [sflag:$0x1] =	stream.indirect.gather @!p1 [hbm4b:s4+s11], $0x80, s1, s11, $0xb8;
	[tilespmem:$0x1A300] =	vst v63  }
0x134: {  	s1 =	sadd.s32 @!p1 $0x1C0, s0;
	s28 =	simm.s32 @!p1 $0x6B00  }
0x135: {  	[tilespmem:s28], [sflag:$0x1] =	stream.indirect.gather @!p1 [hbm4b:s4+s11], $0x80, s1, s11, $0xb8;
	[tilespmem:$0x1A300] =	vst v63  }
0x136: {  	s0 =	sadd.s32 @!p1 $0x200, s0;
	s1 =	simm.s32 @!p1 $0x8B00  }
0x137: {  	[tilespmem:s1], [sflag:$0x1] =	stream.indirect.gather @!p1 [hbm4b:s4+s11], $0x80, s0, s11, $0xb8;
	[tilespmem:$0x1A300] =	vst v63  }
0x138: {  	_ =	swait.ge [sflag:s20], $0x2000  }
0x139: {  	[sflag:s20] =	ssyncset.done $0x0  }
0x13a: {  	[sflag:s20] =	ssyncadd.s32 $0xFFFFE000  }
0x13b: {  	_ =	swait.ge [sflag:s20], $0x2000  }
0x13c: {  	[sflag:s20] =	ssyncset.done $0x0  }
0x13d: {  	[sflag:s20] =	ssyncadd.s32 $0xFFFFE000  }
0x13e: {  	_ =	swait.ge [sflag:s20], $0x2000  }
0x13f: {  	s11 =	simm.s32 $0x0;
	[sflag:s20] =	ssyncset.done $0x0  }
0x140: {  	s1 =	simm.s32 @!p0 $0x4;
	v19 =	vmov s11;
	[sflag:s20] =	ssyncadd.s32 $0xFFFFE000  }
0x141: {  	v19 =	vand.u32 $0x3E, v19;
	_ =	swait.ge @!p0 [sflag:s1], $0x4C00  }
0x142: {  	v19 =	vbroadcast v19, $0x0;
	[sflag:s1] =	ssyncset.done @!p0 $0x0  }
0x143: {  	s30 =	simm.s32 $0xAB80;
	[sflag:s1] =	ssyncadd.s32 @!p0 $0xFFFFB400  }
0x144: {  	v21 =	vor.u32 v0, v19;
	v20 =	vld [tilespmem:s30+$0xFFFFFF80];
	_ =	sdelay $0x4  }
0x145: {  	[tilespmem:v21+s21+$0x0] =	vst.idx.msk $0xffff, v20  }
0x146: {  	v21 =	vor.u32 v1, v19;
	v20 =	vld [tilespmem:s30+$0xFFFFFF90];
	_ =	sdelay $0x4  }
0x147: {  	[tilespmem:v21+s21+$0x0] =	vst.idx.msk $0xffff, v20  }
0x148: {  	v21 =	vor.u32 v2, v19;
	v20 =	vld [tilespmem:s30+$0xFFFFFFA0];
	_ =	sdelay $0x4  }
0x149: {  	[tilespmem:v21+s21+$0x0] =	vst.idx.msk $0xffff, v20  }
0x14a: {  	v21 =	vor.u32 v3, v19;
	v20 =	vld [tilespmem:s30+$0xFFFFFFB0];
	_ =	sdelay $0x4  }
0x14b: {  	[tilespmem:v21+s21+$0x0] =	vst.idx.msk $0xffff, v20  }
0x14c: {  	v21 =	vor.u32 v4, v19;
	v20 =	vld [tilespmem:s30+$0xFFFFFFC0];
	_ =	sdelay $0x4  }
0x14d: {  	[tilespmem:v21+s21+$0x0] =	vst.idx.msk $0xffff, v20  }
0x14e: {  	v21 =	vor.u32 v5, v19;
	v20 =	vld [tilespmem:s30+$0xFFFFFFD0];
	_ =	sdelay $0x4  }
0x14f: {  	[tilespmem:v21+s21+$0x0] =	vst.idx.msk $0xffff, v20  }
0x150: {  	v21 =	vor.u32 v6, v19;
	v20 =	vld [tilespmem:s30+$0xFFFFFFE0];
	_ =	sdelay $0x4  }
0x151: {  	[tilespmem:v21+s21+$0x0] =	vst.idx.msk $0xffff, v20  }
0x152: {  	v21 =	vor.u32 v7, v19;
	v20 =	vld [tilespmem:s30+$0xFFFFFFF0];
	_ =	sdelay $0x4  }
0x153: {  	s28 =	simm.s32 $0xCB80;
	[tilespmem:v21+s21+$0x0] =	vst.idx.msk $0xffff, v20  }
0x154: {  	v21 =	vor.u32 v8, v19;
	v20 =	vld [tilespmem:s28+$0xFFFFFF80];
	_ =	sdelay $0x4  }
0x155: {  	[tilespmem:v21+s21+$0x0] =	vst.idx.msk $0xffff, v20  }
0x156: {  	v21 =	vor.u32 v9, v19;
	v20 =	vld [tilespmem:s28+$0xFFFFFF90];
	_ =	sdelay $0x4  }
0x157: {  	[tilespmem:v21+s21+$0x0] =	vst.idx.msk $0xffff, v20  }
0x158: {  	v21 =	vor.u32 v10, v19;
	v20 =	vld [tilespmem:s28+$0xFFFFFFA0];
	_ =	sdelay $0x4  }
0x159: {  	[tilespmem:v21+s21+$0x0] =	vst.idx.msk $0xffff, v20  }
0x15a: {  	v21 =	vor.u32 v11, v19;
	v20 =	vld [tilespmem:s28+$0xFFFFFFB0];
	_ =	sdelay $0x4  }
0x15b: {  	[tilespmem:v21+s21+$0x0] =	vst.idx.msk $0xffff, v20  }
0x15c: {  	v21 =	vor.u32 v12, v19;
	v20 =	vld [tilespmem:s28+$0xFFFFFFC0];
	_ =	sdelay $0x4  }
0x15d: {  	[tilespmem:v21+s21+$0x0] =	vst.idx.msk $0xffff, v20  }
0x15e: {  	v21 =	vor.u32 v13, v19;
	v20 =	vld [tilespmem:s28+$0xFFFFFFD0];
	_ =	sdelay $0x4  }
0x15f: {  	[tilespmem:v21+s21+$0x0] =	vst.idx.msk $0xffff, v20  }
0x160: {  	v21 =	vor.u32 v14, v19;
	v20 =	vld [tilespmem:s28+$0xFFFFFFE0];
	_ =	sdelay $0x4  }
0x161: {  	[tilespmem:v21+s21+$0x0] =	vst.idx.msk $0xffff, v20  }
0x162: {  	v21 =	vor.u32 v15, v19;
	v20 =	vld [tilespmem:s28+$0xFFFFFFF0];
	_ =	sdelay $0x4  }
0x163: {  	s29 =	simm.s32 $0xEBA0;
	[tilespmem:v21+s21+$0x0] =	vst.idx.msk $0xffff, v20  }
0x164: {  	v21 =	vor.u32 v16, v19;
	v20 =	vld [tilespmem:s29+$0xFFFFFF60];
	_ =	sdelay $0x4  }
0x165: {  	[tilespmem:v21+s21+$0x0] =	vst.idx.msk $0xffff, v20  }
0x166: {  	v21 =	vor.u32 v17, v19;
	v20 =	vld [tilespmem:s29+$0xFFFFFF70];
	_ =	sdelay $0x4  }
0x167: {  	[tilespmem:v21+s21+$0x0] =	vst.idx.msk $0xffff, v20  }
0x168: {  	v19 =	vor.u32 v18, v19;
	v20 =	vld [tilespmem:s29+$0xFFFFFF80]  }
0x169: {  	s31 =	simm.s32 $0x1  }
0x16a: {  	v21 =	vmov s31  }
0x16b: {  	v21 =	vand.u32 $0x3F, v21  }
0x16c: {  	v21 =	vbroadcast v21, $0x0  }
0x16d: {  	[tilespmem:v19+s21+$0x0] =	vst.idx.msk $0xffff, v20  }
0x16e: {  	v20 =	vor.u32 v0, v21;
	v19 =	vld [tilespmem:s30+$0x0];
	_ =	sdelay $0x4  }
0x16f: {  	[tilespmem:v20+s21+$0x0] =	vst.idx.msk $0xffff, v19  }
0x170: {  	v20 =	vor.u32 v1, v21;
	v19 =	vld [tilespmem:s30+$0x10];
	_ =	sdelay $0x4  }
0x171: {  	[tilespmem:v20+s21+$0x0] =	vst.idx.msk $0xffff, v19  }
0x172: {  	v20 =	vor.u32 v2, v21;
	v19 =	vld [tilespmem:s30+$0x20];
	_ =	sdelay $0x4  }
0x173: {  	[tilespmem:v20+s21+$0x0] =	vst.idx.msk $0xffff, v19  }
0x174: {  	v20 =	vor.u32 v3, v21;
	v19 =	vld [tilespmem:s30+$0x30];
	_ =	sdelay $0x4  }
0x175: {  	[tilespmem:v20+s21+$0x0] =	vst.idx.msk $0xffff, v19  }
0x176: {  	v20 =	vor.u32 v4, v21;
	v19 =	vld [tilespmem:s30+$0x40];
	_ =	sdelay $0x4  }
0x177: {  	[tilespmem:v20+s21+$0x0] =	vst.idx.msk $0xffff, v19  }
0x178: {  	v20 =	vor.u32 v5, v21;
	v19 =	vld [tilespmem:s30+$0x50];
	_ =	sdelay $0x4  }
0x179: {  	[tilespmem:v20+s21+$0x0] =	vst.idx.msk $0xffff, v19  }
0x17a: {  	v20 =	vor.u32 v6, v21;
	v19 =	vld [tilespmem:s30+$0x60];
	_ =	sdelay $0x4  }
0x17b: {  	[tilespmem:v20+s21+$0x0] =	vst.idx.msk $0xffff, v19  }
0x17c: {  	v20 =	vor.u32 v7, v21;
	v19 =	vld [tilespmem:s30+$0x70];
	_ =	sdelay $0x4  }
0x17d: {  	[tilespmem:v20+s21+$0x0] =	vst.idx.msk $0xffff, v19  }
0x17e: {  	v20 =	vor.u32 v8, v21;
	v19 =	vld [tilespmem:s28+$0x0];
	_ =	sdelay $0x4  }
0x17f: {  	[tilespmem:v20+s21+$0x0] =	vst.idx.msk $0xffff, v19  }
0x180: {  	v20 =	vor.u32 v9, v21;
	v19 =	vld [tilespmem:s28+$0x10];
	_ =	sdelay $0x4  }
0x181: {  	[tilespmem:v20+s21+$0x0] =	vst.idx.msk $0xffff, v19  }
0x182: {  	v20 =	vor.u32 v10, v21;
	v19 =	vld [tilespmem:s28+$0x20];
	_ =	sdelay $0x4  }
0x183: {  	[tilespmem:v20+s21+$0x0] =	vst.idx.msk $0xffff, v19  }
0x184: {  	v20 =	vor.u32 v11, v21;
	v19 =	vld [tilespmem:s28+$0x30];
	_ =	sdelay $0x4  }
0x185: {  	[tilespmem:v20+s21+$0x0] =	vst.idx.msk $0xffff, v19  }
0x186: {  	v20 =	vor.u32 v12, v21;
	v19 =	vld [tilespmem:s28+$0x40];
	_ =	sdelay $0x4  }
0x187: {  	[tilespmem:v20+s21+$0x0] =	vst.idx.msk $0xffff, v19  }
0x188: {  	v20 =	vor.u32 v13, v21;
	v19 =	vld [tilespmem:s28+$0x50];
	_ =	sdelay $0x4  }
0x189: {  	[tilespmem:v20+s21+$0x0] =	vst.idx.msk $0xffff, v19  }
0x18a: {  	v20 =	vor.u32 v14, v21;
	v19 =	vld [tilespmem:s28+$0x60];
	_ =	sdelay $0x4  }
0x18b: {  	[tilespmem:v20+s21+$0x0] =	vst.idx.msk $0xffff, v19  }
0x18c: {  	v20 =	vor.u32 v15, v21;
	v19 =	vld [tilespmem:s28+$0x70];
	_ =	sdelay $0x4  }
0x18d: {  	[tilespmem:v20+s21+$0x0] =	vst.idx.msk $0xffff, v19  }
0x18e: {  	v20 =	vor.u32 v16, v21;
	v19 =	vld [tilespmem:s29+$0xFFFFFFE0];
	_ =	sdelay $0x4  }
0x18f: {  	[tilespmem:v20+s21+$0x0] =	vst.idx.msk $0xffff, v19  }
0x190: {  	v20 =	vor.u32 v17, v21;
	v19 =	vld [tilespmem:s29+$0xFFFFFFF0];
	_ =	sdelay $0x4  }
0x191: {  	[tilespmem:v20+s21+$0x0] =	vst.idx.msk $0xffff, v19  }
0x192: {  	v21 =	vor.u32 v18, v21;
	v20 =	vld [tilespmem:s29+$0x0]  }
0x193: {  	s1 =	simm.s32 $0x2  }
0x194: {  	s0 =	simm.s32 $0x4;
	v19 =	vmov s1  }
.LBB2_7:
0x195: {  	p0 =	slt.u32 s0, $0x3E;
	v19 =	vand.u32 $0x3E, v19  }
0x196: {  	v19 =	vbroadcast v19, $0x0  }
0x197: {  	s30 =	sadd.s32 $0x100, s30;
	[tilespmem:v21+s21+$0x0] =	vst.idx.msk $0xffff, v20  }
0x198: {  	v20 =	vld [tilespmem:s30+$0xFFFFFF80];
	v21 =	vor.u32 v0, v19;
	_ =	sdelay $0x4  }
0x199: {  	[tilespmem:v21+s21+$0x0] =	vst.idx.msk $0xffff, v20  }
0x19a: {  	v21 =	vor.u32 v1, v19;
	v20 =	vld [tilespmem:s30+$0xFFFFFF90];
	_ =	sdelay $0x4  }
0x19b: {  	[tilespmem:v21+s21+$0x0] =	vst.idx.msk $0xffff, v20  }
0x19c: {  	v21 =	vor.u32 v2, v19;
	v20 =	vld [tilespmem:s30+$0xFFFFFFA0];
	_ =	sdelay $0x4  }
0x19d: {  	[tilespmem:v21+s21+$0x0] =	vst.idx.msk $0xffff, v20  }
0x19e: {  	v21 =	vor.u32 v3, v19;
	v20 =	vld [tilespmem:s30+$0xFFFFFFB0];
	_ =	sdelay $0x4  }
0x19f: {  	[tilespmem:v21+s21+$0x0] =	vst.idx.msk $0xffff, v20  }
0x1a0: {  	v21 =	vor.u32 v4, v19;
	v20 =	vld [tilespmem:s30+$0xFFFFFFC0];
	_ =	sdelay $0x4  }
0x1a1: {  	[tilespmem:v21+s21+$0x0] =	vst.idx.msk $0xffff, v20  }
0x1a2: {  	v21 =	vor.u32 v5, v19;
	v20 =	vld [tilespmem:s30+$0xFFFFFFD0];
	_ =	sdelay $0x4  }
0x1a3: {  	[tilespmem:v21+s21+$0x0] =	vst.idx.msk $0xffff, v20  }
0x1a4: {  	v21 =	vor.u32 v6, v19;
	v20 =	vld [tilespmem:s30+$0xFFFFFFE0];
	_ =	sdelay $0x4  }
0x1a5: {  	[tilespmem:v21+s21+$0x0] =	vst.idx.msk $0xffff, v20  }
0x1a6: {  	v21 =	vor.u32 v7, v19;
	v20 =	vld [tilespmem:s30+$0xFFFFFFF0];
	_ =	sdelay $0x4  }
0x1a7: {  	s28 =	sadd.s32 $0x100, s28;
	[tilespmem:v21+s21+$0x0] =	vst.idx.msk $0xffff, v20  }
0x1a8: {  	v21 =	vor.u32 v8, v19;
	v20 =	vld [tilespmem:s28+$0xFFFFFF80];
	_ =	sdelay $0x4  }
0x1a9: {  	[tilespmem:v21+s21+$0x0] =	vst.idx.msk $0xffff, v20  }
0x1aa: {  	v21 =	vor.u32 v9, v19;
	v20 =	vld [tilespmem:s28+$0xFFFFFF90];
	_ =	sdelay $0x4  }
0x1ab: {  	[tilespmem:v21+s21+$0x0] =	vst.idx.msk $0xffff, v20  }
0x1ac: {  	v21 =	vor.u32 v10, v19;
	v20 =	vld [tilespmem:s28+$0xFFFFFFA0];
	_ =	sdelay $0x4  }
0x1ad: {  	[tilespmem:v21+s21+$0x0] =	vst.idx.msk $0xffff, v20  }
0x1ae: {  	v21 =	vor.u32 v11, v19;
	v20 =	vld [tilespmem:s28+$0xFFFFFFB0];
	_ =	sdelay $0x4  }
0x1af: {  	[tilespmem:v21+s21+$0x0] =	vst.idx.msk $0xffff, v20  }
0x1b0: {  	v21 =	vor.u32 v12, v19;
	v20 =	vld [tilespmem:s28+$0xFFFFFFC0];
	_ =	sdelay $0x4  }
0x1b1: {  	[tilespmem:v21+s21+$0x0] =	vst.idx.msk $0xffff, v20  }
0x1b2: {  	v21 =	vor.u32 v13, v19;
	v20 =	vld [tilespmem:s28+$0xFFFFFFD0];
	_ =	sdelay $0x4  }
0x1b3: {  	[tilespmem:v21+s21+$0x0] =	vst.idx.msk $0xffff, v20  }
0x1b4: {  	v21 =	vor.u32 v14, v19;
	v20 =	vld [tilespmem:s28+$0xFFFFFFE0];
	_ =	sdelay $0x4  }
0x1b5: {  	[tilespmem:v21+s21+$0x0] =	vst.idx.msk $0xffff, v20  }
0x1b6: {  	v21 =	vor.u32 v15, v19;
	v20 =	vld [tilespmem:s28+$0xFFFFFFF0];
	_ =	sdelay $0x4  }
0x1b7: {  	s29 =	sadd.s32 $0x100, s29;
	[tilespmem:v21+s21+$0x0] =	vst.idx.msk $0xffff, v20  }
0x1b8: {  	v21 =	vor.u32 v16, v19;
	v20 =	vld [tilespmem:s29+$0xFFFFFF60];
	_ =	sdelay $0x4  }
0x1b9: {  	[tilespmem:v21+s21+$0x0] =	vst.idx.msk $0xffff, v20  }
0x1ba: {  	v21 =	vor.u32 v17, v19;
	v20 =	vld [tilespmem:s29+$0xFFFFFF70];
	_ =	sdelay $0x4  }
0x1bb: {  	[tilespmem:v21+s21+$0x0] =	vst.idx.msk $0xffff, v20  }
0x1bc: {  	v21 =	vor.u32 v18, v19;
	v20 =	vld [tilespmem:s29+$0xFFFFFF80]  }
0x1bd: {  	s11 =	sadd.s32 $0x1, s1;
	s1 =	smov.u32 s0  }
0x1be: {  	v19 =	vmov s11  }
0x1bf: {  	v19 =	vand.u32 $0x3F, v19  }
0x1c0: {  	v19 =	vbroadcast v19, $0x0  }
0x1c1: {  	[tilespmem:v21+s21+$0x0] =	vst.idx.msk $0xffff, v20  }
0x1c2: {  	v21 =	vor.u32 v0, v19;
	v20 =	vld [tilespmem:s30+$0x0];
	_ =	sdelay $0x4  }
0x1c3: {  	[tilespmem:v21+s21+$0x0] =	vst.idx.msk $0xffff, v20  }
0x1c4: {  	v21 =	vor.u32 v1, v19;
	v20 =	vld [tilespmem:s30+$0x10];
	_ =	sdelay $0x4  }
0x1c5: {  	[tilespmem:v21+s21+$0x0] =	vst.idx.msk $0xffff, v20  }
0x1c6: {  	v21 =	vor.u32 v2, v19;
	v20 =	vld [tilespmem:s30+$0x20];
	_ =	sdelay $0x4  }
0x1c7: {  	[tilespmem:v21+s21+$0x0] =	vst.idx.msk $0xffff, v20  }
0x1c8: {  	v21 =	vor.u32 v3, v19;
	v20 =	vld [tilespmem:s30+$0x30];
	_ =	sdelay $0x4  }
0x1c9: {  	[tilespmem:v21+s21+$0x0] =	vst.idx.msk $0xffff, v20  }
0x1ca: {  	v21 =	vor.u32 v4, v19;
	v20 =	vld [tilespmem:s30+$0x40];
	_ =	sdelay $0x4  }
0x1cb: {  	[tilespmem:v21+s21+$0x0] =	vst.idx.msk $0xffff, v20  }
0x1cc: {  	v21 =	vor.u32 v5, v19;
	v20 =	vld [tilespmem:s30+$0x50];
	_ =	sdelay $0x4  }
0x1cd: {  	[tilespmem:v21+s21+$0x0] =	vst.idx.msk $0xffff, v20  }
0x1ce: {  	v21 =	vor.u32 v6, v19;
	v20 =	vld [tilespmem:s30+$0x60];
	_ =	sdelay $0x4  }
0x1cf: {  	[tilespmem:v21+s21+$0x0] =	vst.idx.msk $0xffff, v20  }
0x1d0: {  	v21 =	vor.u32 v7, v19;
	v20 =	vld [tilespmem:s30+$0x70];
	_ =	sdelay $0x4  }
0x1d1: {  	[tilespmem:v21+s21+$0x0] =	vst.idx.msk $0xffff, v20  }
0x1d2: {  	v21 =	vor.u32 v8, v19;
	v20 =	vld [tilespmem:s28+$0x0];
	_ =	sdelay $0x4  }
0x1d3: {  	[tilespmem:v21+s21+$0x0] =	vst.idx.msk $0xffff, v20  }
0x1d4: {  	v21 =	vor.u32 v9, v19;
	v20 =	vld [tilespmem:s28+$0x10];
	_ =	sdelay $0x4  }
0x1d5: {  	[tilespmem:v21+s21+$0x0] =	vst.idx.msk $0xffff, v20  }
0x1d6: {  	v21 =	vor.u32 v10, v19;
	v20 =	vld [tilespmem:s28+$0x20];
	_ =	sdelay $0x4  }
0x1d7: {  	[tilespmem:v21+s21+$0x0] =	vst.idx.msk $0xffff, v20  }
0x1d8: {  	v21 =	vor.u32 v11, v19;
	v20 =	vld [tilespmem:s28+$0x30];
	_ =	sdelay $0x4  }
0x1d9: {  	[tilespmem:v21+s21+$0x0] =	vst.idx.msk $0xffff, v20  }
0x1da: {  	v21 =	vor.u32 v12, v19;
	v20 =	vld [tilespmem:s28+$0x40];
	_ =	sdelay $0x4  }
0x1db: {  	[tilespmem:v21+s21+$0x0] =	vst.idx.msk $0xffff, v20  }
0x1dc: {  	v21 =	vor.u32 v13, v19;
	v20 =	vld [tilespmem:s28+$0x50];
	_ =	sdelay $0x4  }
0x1dd: {  	[tilespmem:v21+s21+$0x0] =	vst.idx.msk $0xffff, v20  }
0x1de: {  	v21 =	vor.u32 v14, v19;
	v20 =	vld [tilespmem:s28+$0x60];
	_ =	sdelay $0x4  }
0x1df: {  	[tilespmem:v21+s21+$0x0] =	vst.idx.msk $0xffff, v20  }
0x1e0: {  	v21 =	vor.u32 v15, v19;
	v20 =	vld [tilespmem:s28+$0x70];
	_ =	sdelay $0x4  }
0x1e1: {  	[tilespmem:v21+s21+$0x0] =	vst.idx.msk $0xffff, v20  }
0x1e2: {  	v21 =	vor.u32 v16, v19;
	v20 =	vld [tilespmem:s29+$0xFFFFFFE0];
	_ =	sdelay $0x4  }
0x1e3: {  	[tilespmem:v21+s21+$0x0] =	vst.idx.msk $0xffff, v20  }
0x1e4: {  	v21 =	vor.u32 v17, v19;
	v20 =	vld [tilespmem:s29+$0xFFFFFFF0];
	_ =	sdelay $0x3  }
.Ltmp2:
0x1e5: {  	(pc) =	sbr.rel @p0 .LBB2_7-.Ltmp2, $3  }
0x1e6: {  	[tilespmem:v21+s21+$0x0] =	vst.idx.msk $0xffff, v20  }
0x1e7: {  	v21 =	vor.u32 v18, v19;
	v20 =	vld [tilespmem:s29+$0x0];
	_ =	sdelay $0x1  }
0x1e8: {  	s0 =	sadd.s32 $0x2, s0;
	v19 =	vmov s1  }
0x1e9: {  	_ =	sdelay $0x1  }
0x1ea: {  	v19 =	vand.u32 $0x3E, v19  }
0x1eb: {  	v19 =	vbroadcast v19, $0x0  }
0x1ec: {  	s0 =	sadd.s32 $0x100, s30;
	[tilespmem:v21+s21+$0x0] =	vst.idx.msk $0xffff, v20  }
0x1ed: {  	v20 =	vld [tilespmem:s0+$0xFFFFFF80];
	v45 =	vor.u32 v0, v19;
	_ =	sdelay $0x4  }
0x1ee: {  	[tilespmem:v45+s21+$0x0] =	vst.idx.msk $0xffff, v20  }
0x1ef: {  	v46 =	vor.u32 v1, v19;
	v20 =	vld [tilespmem:s0+$0xFFFFFF90];
	_ =	sdelay $0x4  }
0x1f0: {  	[tilespmem:v46+s21+$0x0] =	vst.idx.msk $0xffff, v20  }
0x1f1: {  	v47 =	vor.u32 v2, v19;
	v20 =	vld [tilespmem:s0+$0xFFFFFFA0];
	_ =	sdelay $0x4  }
0x1f2: {  	[tilespmem:v47+s21+$0x0] =	vst.idx.msk $0xffff, v20  }
0x1f3: {  	v48 =	vor.u32 v3, v19;
	v20 =	vld [tilespmem:s0+$0xFFFFFFB0];
	_ =	sdelay $0x4  }
0x1f4: {  	[tilespmem:v48+s21+$0x0] =	vst.idx.msk $0xffff, v20  }
0x1f5: {  	v49 =	vor.u32 v4, v19;
	v20 =	vld [tilespmem:s0+$0xFFFFFFC0];
	_ =	sdelay $0x4  }
0x1f6: {  	[tilespmem:v49+s21+$0x0] =	vst.idx.msk $0xffff, v20  }
0x1f7: {  	v50 =	vor.u32 v5, v19;
	v20 =	vld [tilespmem:s0+$0xFFFFFFD0];
	_ =	sdelay $0x4  }
0x1f8: {  	[tilespmem:v50+s21+$0x0] =	vst.idx.msk $0xffff, v20  }
0x1f9: {  	v51 =	vor.u32 v6, v19;
	v20 =	vld [tilespmem:s0+$0xFFFFFFE0];
	_ =	sdelay $0x4  }
0x1fa: {  	[tilespmem:v51+s21+$0x0] =	vst.idx.msk $0xffff, v20  }
0x1fb: {  	v52 =	vor.u32 v7, v19;
	v20 =	vld [tilespmem:s0+$0xFFFFFFF0];
	_ =	sdelay $0x4  }
0x1fc: {  	s28 =	sadd.s32 $0x100, s28;
	[tilespmem:v52+s21+$0x0] =	vst.idx.msk $0xffff, v20  }
0x1fd: {  	v53 =	vor.u32 v8, v19;
	v20 =	vld [tilespmem:s28+$0xFFFFFF80];
	_ =	sdelay $0x4  }
0x1fe: {  	[tilespmem:v53+s21+$0x0] =	vst.idx.msk $0xffff, v20  }
0x1ff: {  	v54 =	vor.u32 v9, v19;
	v20 =	vld [tilespmem:s28+$0xFFFFFF90];
	_ =	sdelay $0x4  }
0x200: {  	[tilespmem:v54+s21+$0x0] =	vst.idx.msk $0xffff, v20  }
0x201: {  	v55 =	vor.u32 v10, v19;
	v20 =	vld [tilespmem:s28+$0xFFFFFFA0];
	_ =	sdelay $0x4  }
0x202: {  	[tilespmem:v55+s21+$0x0] =	vst.idx.msk $0xffff, v20  }
0x203: {  	v56 =	vor.u32 v11, v19;
	v20 =	vld [tilespmem:s28+$0xFFFFFFB0];
	_ =	sdelay $0x4  }
0x204: {  	[tilespmem:v56+s21+$0x0] =	vst.idx.msk $0xffff, v20  }
0x205: {  	v57 =	vor.u32 v12, v19;
	v20 =	vld [tilespmem:s28+$0xFFFFFFC0];
	_ =	sdelay $0x4  }
0x206: {  	[tilespmem:v57+s21+$0x0] =	vst.idx.msk $0xffff, v20  }
0x207: {  	v58 =	vor.u32 v13, v19;
	v20 =	vld [tilespmem:s28+$0xFFFFFFD0];
	_ =	sdelay $0x4  }
0x208: {  	[tilespmem:v58+s21+$0x0] =	vst.idx.msk $0xffff, v20  }
0x209: {  	v59 =	vor.u32 v14, v19;
	v20 =	vld [tilespmem:s28+$0xFFFFFFE0];
	_ =	sdelay $0x4  }
0x20a: {  	[tilespmem:v59+s21+$0x0] =	vst.idx.msk $0xffff, v20  }
0x20b: {  	v60 =	vor.u32 v15, v19;
	v20 =	vld [tilespmem:s28+$0xFFFFFFF0];
	_ =	sdelay $0x4  }
0x20c: {  	s29 =	sadd.s32 $0x100, s29;
	[tilespmem:v60+s21+$0x0] =	vst.idx.msk $0xffff, v20  }
0x20d: {  	v61 =	vor.u32 v16, v19;
	v20 =	vld [tilespmem:s29+$0xFFFFFF60];
	_ =	sdelay $0x4  }
0x20e: {  	[tilespmem:v61+s21+$0x0] =	vst.idx.msk $0xffff, v20  }
0x20f: {  	v62 =	vor.u32 v17, v19;
	v20 =	vld [tilespmem:s29+$0xFFFFFF70];
	_ =	sdelay $0x4  }
0x210: {  	[tilespmem:v62+s21+$0x0] =	vst.idx.msk $0xffff, v20  }
0x211: {  	v19 =	vor.u32 v18, v19;
	v20 =	vld [tilespmem:s29+$0xFFFFFF80]  }
0x212: {  	s1 =	sadd.s32 $0x1, s1  }
0x213: {  	v63 =	vmov s1  }
0x214: {  	v21 =	vand.u32 $0x3F, v63  }
0x215: {  	v21 =	vbroadcast v21, $0x0  }
0x216: {  	[tilespmem:v19+s21+$0x0] =	vst.idx.msk $0xffff, v20  }
0x217: {  	v20 =	vor.u32 v0, v21;
	v19 =	vld [tilespmem:s0+$0x0];
	_ =	sdelay $0x4  }
0x218: {  	[tilespmem:v20+s21+$0x0] =	vst.idx.msk $0xffff, v19  }
0x219: {  	v20 =	vor.u32 v1, v21;
	v19 =	vld [tilespmem:s0+$0x10];
	_ =	sdelay $0x4  }
0x21a: {  	[tilespmem:v20+s21+$0x0] =	vst.idx.msk $0xffff, v19  }
0x21b: {  	v20 =	vor.u32 v2, v21;
	v19 =	vld [tilespmem:s0+$0x20];
	_ =	sdelay $0x4  }
0x21c: {  	[tilespmem:v20+s21+$0x0] =	vst.idx.msk $0xffff, v19  }
0x21d: {  	v20 =	vor.u32 v3, v21;
	v19 =	vld [tilespmem:s0+$0x30];
	_ =	sdelay $0x4  }
0x21e: {  	[tilespmem:v20+s21+$0x0] =	vst.idx.msk $0xffff, v19  }
0x21f: {  	v20 =	vor.u32 v4, v21;
	v19 =	vld [tilespmem:s0+$0x40];
	_ =	sdelay $0x4  }
0x220: {  	[tilespmem:v20+s21+$0x0] =	vst.idx.msk $0xffff, v19  }
0x221: {  	v20 =	vor.u32 v5, v21;
	v19 =	vld [tilespmem:s0+$0x50];
	_ =	sdelay $0x4  }
0x222: {  	[tilespmem:v20+s21+$0x0] =	vst.idx.msk $0xffff, v19  }
0x223: {  	v20 =	vor.u32 v6, v21;
	v19 =	vld [tilespmem:s0+$0x60];
	_ =	sdelay $0x4  }
0x224: {  	[tilespmem:v20+s21+$0x0] =	vst.idx.msk $0xffff, v19  }
0x225: {  	v20 =	vor.u32 v7, v21;
	v19 =	vld [tilespmem:s0+$0x70];
	_ =	sdelay $0x4  }
0x226: {  	[tilespmem:v20+s21+$0x0] =	vst.idx.msk $0xffff, v19  }
0x227: {  	v20 =	vor.u32 v8, v21;
	v19 =	vld [tilespmem:s28+$0x0];
	_ =	sdelay $0x4  }
0x228: {  	[tilespmem:v20+s21+$0x0] =	vst.idx.msk $0xffff, v19  }
0x229: {  	v20 =	vor.u32 v9, v21;
	v19 =	vld [tilespmem:s28+$0x10];
	_ =	sdelay $0x4  }
0x22a: {  	[tilespmem:v20+s21+$0x0] =	vst.idx.msk $0xffff, v19  }
0x22b: {  	v20 =	vor.u32 v10, v21;
	v19 =	vld [tilespmem:s28+$0x20];
	_ =	sdelay $0x4  }
0x22c: {  	[tilespmem:v20+s21+$0x0] =	vst.idx.msk $0xffff, v19  }
0x22d: {  	v20 =	vor.u32 v11, v21;
	v19 =	vld [tilespmem:s28+$0x30];
	_ =	sdelay $0x4  }
0x22e: {  	[tilespmem:v20+s21+$0x0] =	vst.idx.msk $0xffff, v19  }
0x22f: {  	v20 =	vor.u32 v12, v21;
	v19 =	vld [tilespmem:s28+$0x40];
	_ =	sdelay $0x4  }
0x230: {  	[tilespmem:v20+s21+$0x0] =	vst.idx.msk $0xffff, v19  }
0x231: {  	v20 =	vor.u32 v13, v21;
	v19 =	vld [tilespmem:s28+$0x50];
	_ =	sdelay $0x4  }
0x232: {  	[tilespmem:v20+s21+$0x0] =	vst.idx.msk $0xffff, v19  }
0x233: {  	v20 =	vor.u32 v14, v21;
	v19 =	vld [tilespmem:s28+$0x60];
	_ =	sdelay $0x4  }
0x234: {  	[tilespmem:v20+s21+$0x0] =	vst.idx.msk $0xffff, v19  }
0x235: {  	v20 =	vor.u32 v15, v21;
	v19 =	vld [tilespmem:s28+$0x70];
	_ =	sdelay $0x4  }
0x236: {  	[tilespmem:v20+s21+$0x0] =	vst.idx.msk $0xffff, v19  }
0x237: {  	v20 =	vor.u32 v16, v21;
	v19 =	vld [tilespmem:s29+$0xFFFFFFE0];
	_ =	sdelay $0x4  }
0x238: {  	[tilespmem:v20+s21+$0x0] =	vst.idx.msk $0xffff, v19  }
0x239: {  	v20 =	vor.u32 v17, v21;
	v19 =	vld [tilespmem:s29+$0xFFFFFFF0];
	_ =	sdelay $0x4  }
0x23a: {  	s28 =	sadd.s32 s5, s26;
	[tilespmem:v20+s21+$0x0] =	vst.idx.msk $0xffff, v19  }
0x23b: {  	s30 =	sshrl.u32 s28, $0x6;
	v20 =	vor.u32 v18, v21;
	v19 =	vld [tilespmem:s29+$0x0]  }
0x23c: {  	s0 =	sshll.u32 s28, $0x9;
	s1 =	smul.u32 $0x130000, s30  }
0x23d: {  	s0 =	sand.u32 $0x7C00, s0  }
0x23e: {  	s0 =	sor.u32 s0, s1  }
0x23f: {  	s0 =	sshrl.u32 s0, $0x3  }
0x240: {  	s31 =	simm.s32 $0x15700;
	s1 =	simm.s32 $0x800;
	s0 =	sadd.s32 s0, s7;
	[tilespmem:v20+s21+$0x0] =	vst.idx.msk $0xffff, v19  }
0x241: {  	[hbm4b:s0+s10] =	stream.strided.scatter [tilespmem:s31], [sflag:$0x4], $0x200, s13, s10, $0x38;
	[tilespmem:$0x1A300] =	vst v63  }
.LBB2_9:
0x242: {  	p0 =	sne.s32 s1, $0x12800  }
.Ltmp3:
0x243: {  	_ = 	snop;
	(pc) =	sbr.rel @p0 .LBB2_9-.Ltmp3, $4  }
0x244: {  	_ = 	snop  }
0x245: {  	s11 =	sshra.s32 s1, $0x2;
	s1 =	sadd.s32 $0x800, s1  }
0x246: {  	s0 =	sadd.s32 $0x1000, s0;
	s11 =	sadd.s32 $0x15700, s11  }
0x247: {  	[hbm4b:s0+s10] =	stream.strided.scatter [tilespmem:s11], [sflag:$0x4], $0x200, s13, s10, $0x38;
	[tilespmem:$0x1A300] =	vst v63  }
0x248: {  	s25 =	sadd.s32 $0x1, s25  }
0x249: {  	p0 =	sne.s32 s25, $0x32  }
.Ltmp4:
0x24a: {  	_ = 	snop;
	(pc) =	sbr.rel @p0 .LBB2_2-.Ltmp4, $1  }
0x24b: {  	_ =	sdelay $0x3  }
0x24c: {  	s24 =	sadd.s32 $0x1, s24  }
0x24d: {  	_ =	swait.ge [sflag:s22], $0x4C00;
	p0 =	sne.s32 s24, s8  }
.Ltmp5:
0x24e: {  	[sflag:s22] =	ssyncset.done $0x0;
	(pc) =	sbr.rel @p0 .LBB2_1-.Ltmp5, $4  }
0x24f: {  	[sflag:s22] =	ssyncadd.s32 $0xFFFFB400  }
0x250: {  	_ =	swait.ge [sflag:s23], $0x4C00  }
0x251: {  	[sflag:s23] =	ssyncset.done $0x0  }
0x252: {  	[sflag:s23] =	ssyncadd.s32 $0xFFFFB400  }
0x253: {  	_ =	sfence.sel $0x180000  }
0x254: {  	[bflag:$0x0] =	sbarrier.arrive $0xFFFF  }
0x255: {  	_ =	strace $0x9000004A  }
0x256: {  	s0 =	stileid.u32;
	[bflag:$0x2] =	sbarrier.arrive $0xFFFF  }
0x257: {  	p0 =	sne.s32 s0, $0x0;
	s0 =	rddreg [dreg:$0x2]  }
0x258: {  	s0 =	sadd.s32 @!p0 $0x100000, s0  }
0x259: {  	[sflag:s0] =	ssyncadd.tile.s32 @!p0 $0x1;
	_ =	shalt  }
.Lfunc_end2:
_tile_overlayer_lowered:
.L_overlay_start_2:
0x25a: {  	(tag) =	ssettag $0x2  }
0x25b: {  	s0 =	rddreg [dreg:$0x0];
	s2 =	stileid.u32  }
0x25c: {  	s1 =	rddreg [dreg:$0x1];
	p0 =	sne.s32 s2, $0x0  }
0x25d: {  	s3 =	rddreg [dreg:$0x2];
	[bflag:$0x3] =	sbarrier.arrive $0xFFFF;
	s2 =	simm.s32 @!p0 $0x1C05  }
0x25e: {  	[timem:s3], [sflag:s2] =	dma.local @!p0 [hbm:s0], s1  }
0x25f: {  	s0 =	simm.s32 @!p0 $0x5  }
0x260: {  	_ =	swait.ge @!p0 [sflag:s0], s1  }
0x261: {  	s1 =	ssub.s32 @!p0 $0x0, s1;
	[sflag:s0] =	ssyncset.done @!p0 $0x0  }
0x262: {  	[sflag:s0] =	ssyncadd.s32 @!p0 s1  }
0x263: {  	[bflag:$0x3] =	sbarrier.arrive $0xFFFF  }
0x264: {  	_ =	shalt  }

// kernel: kernel.5.cloned.1.call-start
scs
__scs_entry_jumppad:
0x0: {  	(pc) =	sbr.rel $0x88, $3  }
0x1: {  	(tag) =	ssettag $0x0;
	lr =	simm.s32 $0x1  }
0x2: {  	[smem:$0x3F9F] =	sst lr;
	_ =	strace $0xD0000000  }
0x3: {  	_ = 	snop  }
0x4: {  	_ = 	snop  }
0x5: {  	_ = 	snop  }
0x6: {  	_ = 	snop  }
0x7: {  	_ = 	snop  }
__scs_overlays_trampoline_lowered:
0x8: {  	[smem:$0x3FAE] =	sst s0  }
0x9: {  	[smem:$0x3FAF] =	sst s1  }
0xa: {  	[smem:$0x3FB0] =	sst s2  }
0xb: {  	[smem:$0x3FB1] =	sst s3  }
0xc: {  	[smem:$0x3FB2] =	sst s4  }
0xd: {  	[smem:$0x3FB3] =	sst s5  }
0xe: {  	[smem:$0x3FB4] =	sst s6  }
0xf: {  	[smem:$0x3FB5] =	sst s7  }
0x10: {  	[smem:$0x3FB6] =	sst s8  }
0x11: {  	[smem:$0x3FB7] =	sst s9;
	s0 =	simm.s32 @!p0 $0x0  }
0x12: {  	s1 =	sld [smem:$0x3F9D];
	s0 =	simm.s32 @p0 $0x1  }
0x13: {  	[smem:$0x3FB8] =	sst s0;
	s0 =	simm.s32 @!p1 $0x0  }
0x14: {  	s2 =	sld [smem:$0x3F9C];
	s0 =	simm.s32 @p1 $0x1  }
0x15: {  	[smem:$0x3FB9] =	sst s0;
	s0 =	simm.s32 @!p2 $0x0  }
0x16: {  	s3 =	sld [smem:$0x3FDB];
	s0 =	simm.s32 @p2 $0x1  }
0x17: {  	s4 =	simm.s32 $0x1BF5;
	[smem:$0x3FBB] =	sst s0  }
0x18: {  	s0 =	sld [smem:$0x3F9E];
	_ =	swait.ge [sflag:s4], $0x0  }
0x19: {  	s7 =	sld [smem:$0x3F9F]  }
0x1a: {  	s8 =	sadd.s32 $0xFFFFE003, lr  }
0x1b: {  	s9 =	sadd.s32 $0xFFFFFEF7, lr;
	s5 =	simm.s32 $0xFFFFFFFF;
	p2 =	slt.u32 s8, $0xFFFFF086  }
0x1c: {  	p1 =	slt.u32 s9, $0xF7A;
	s5 =	simm.s32 @!p2 $0x0  }
0x1d: {  	s5 =	simm.s32 @p1 $0x1;
	p0 =	seq.s32 s7, s2  }
0x1e: {  	s7 =	smul.u32 @!p0 $0xF7A, s2;
	p2 =	seq.s32 @!p0 s5, $0x0  }
0x1f: {  	s9 =	smul.u32 $0xF7A, s1;
	s8 =	simm.s32 @!p0 $0x1BF5;
	p2 =	por !p2, p0  }
0x20: {  	[sflag:s8] =	ssyncset.s32 @!p0 $0xFFFFF086;
	s6 =	sadd.s32 @!p0 s3, s7;
	s7 =	simm.s32 @!p0 $0x108  }
0x21: {  	s3 =	sadd.s32 s3, s9;
	s6 =	sadd.s32 @!p0 $0x88, s6;
	s7 =	simm.s32 @p2 $0x1082  }
0x22: {  	[simem:s7], [sflag:s8] =	dma.local @!p0 [hbm:s6], $0xF7A  }
0x23: {  	s9 =	sor.u32 $0xD0000000, s2;
	s6 =	simm.s32 $0x108;
	_ =	swait.ge @!p0 [sflag:s8], $0x0  }
0x24: {  	s3 =	sadd.s32 $0x88, s3;
	s6 =	simm.s32 @!p1 $0x1082;
	[sflag:s4] =	ssyncset.s32 $0xFFFFF086  }
0x25: {  	[simem:s6], [sflag:s4] =	dma.local [hbm:s3], $0xF7A  }
0x26: {  	[smem:$0x3F9F] =	sst s1;
	(tag) =	ssettag s2;
	_ =	strace s9  }
0x27: {  	s1 =	sld [smem:$0x3FAF]  }
0x28: {  	s2 =	sld [smem:$0x3FB0]  }
0x29: {  	s4 =	sld [smem:$0x3FB2]  }
0x2a: {  	p0 =	seq.s32 s5, $0x0;
	s5 =	sld [smem:$0x3FB3]  }
0x2b: {  	s6 =	sld [smem:$0x3FB4]  }
0x2c: {  	s7 =	sld [smem:$0x3FB5]  }
0x2d: {  	s3 =	simm.s32 $0x108;
	s8 =	sld [smem:$0x3FB6]  }
0x2e: {  	s3 =	simm.s32 @!p0 $0x1082;
	s9 =	sld [smem:$0x3FB7]  }
0x2f: {  	lr =	sadd.s32 s0, s3;
	s0 =	sld [smem:$0x3FAE]  }
0x30: {  	s3 =	sld [smem:$0x3FB1]  }
0x31: {  	[smem:$0x3FBA] =	sst s10  }
0x32: {  	s10 =	sld [smem:$0x3FB8];
	_ =	sdelay $0x3  }
0x33: {  	p0 =	seq.s32 s10, $0x1;
	s10 =	sld [smem:$0x3FBA];
	_ =	sdelay $0x3  }
0x34: {  	[smem:$0x3FBA] =	sst s10  }
0x35: {  	s10 =	sld [smem:$0x3FB9];
	_ =	sdelay $0x3  }
0x36: {  	p1 =	seq.s32 s10, $0x1;
	s10 =	sld [smem:$0x3FBA];
	_ =	sdelay $0x3  }
0x37: {  	[smem:$0x3FBA] =	sst s10  }
0x38: {  	s10 =	sld [smem:$0x3FBB]  }
0x39: {  	_ = 	snop;
	(pc) =	sbr.ind lr, $3  }
0x3a: {  	_ = 	snop  }
0x3b: {  	_ = 	snop  }
0x3c: {  	p2 =	seq.s32 s10, $0x1;
	s10 =	sld [smem:$0x3FBA]  }
0x3d: {  	_ =	shalt  }
0x3e: {  	_ =	shalt  }
0x3f: {  	_ =	shalt  }
0x40: {  	_ =	shalt  }
0x41: {  	_ =	shalt  }
0x42: {  	_ =	shalt  }
0x43: {  	_ =	shalt  }
0x44: {  	_ =	shalt  }
0x45: {  	_ =	shalt  }
0x46: {  	_ =	shalt  }
0x47: {  	_ =	shalt  }
0x48: {  	_ =	shalt  }
0x49: {  	_ =	shalt  }
0x4a: {  	_ =	shalt  }
0x4b: {  	_ =	shalt  }
0x4c: {  	_ =	shalt  }
0x4d: {  	_ =	shalt  }
0x4e: {  	_ =	shalt  }
0x4f: {  	_ =	shalt  }
0x50: {  	_ =	shalt  }
0x51: {  	_ =	shalt  }
0x52: {  	_ =	shalt  }
0x53: {  	_ =	shalt  }
0x54: {  	_ =	shalt  }
0x55: {  	_ =	shalt  }
0x56: {  	_ =	shalt  }
0x57: {  	_ =	shalt  }
0x58: {  	_ =	shalt  }
0x59: {  	_ =	shalt  }
0x5a: {  	_ =	shalt  }
0x5b: {  	_ =	shalt  }
0x5c: {  	_ =	shalt  }
0x5d: {  	_ =	shalt  }
0x5e: {  	_ =	shalt  }
0x5f: {  	_ =	shalt  }
0x60: {  	_ =	shalt  }
0x61: {  	_ =	shalt  }
0x62: {  	_ =	shalt  }
0x63: {  	_ =	shalt  }
0x64: {  	_ =	shalt  }
0x65: {  	_ =	shalt  }
0x66: {  	_ =	shalt  }
0x67: {  	_ =	shalt  }
0x68: {  	_ =	shalt  }
0x69: {  	_ =	shalt  }
0x6a: {  	_ =	shalt  }
0x6b: {  	_ =	shalt  }
0x6c: {  	_ =	shalt  }
0x6d: {  	_ =	shalt  }
0x6e: {  	_ =	shalt  }
0x6f: {  	_ =	shalt  }
0x70: {  	_ =	shalt  }
0x71: {  	_ =	shalt  }
0x72: {  	_ =	shalt  }
0x73: {  	_ =	shalt  }
0x74: {  	_ =	shalt  }
0x75: {  	_ =	shalt  }
0x76: {  	_ =	shalt  }
0x77: {  	_ =	shalt  }
0x78: {  	_ =	shalt  }
0x79: {  	_ =	shalt  }
0x7a: {  	_ =	shalt  }
0x7b: {  	_ =	shalt  }
0x7c: {  	_ =	shalt  }
0x7d: {  	_ =	shalt  }
0x7e: {  	_ =	shalt  }
0x7f: {  	_ =	shalt  }
0x80: {  	_ =	shalt  }
0x81: {  	_ =	shalt  }
0x82: {  	_ =	shalt  }
0x83: {  	_ =	shalt  }
0x84: {  	_ =	shalt  }
0x85: {  	_ =	shalt  }
0x86: {  	_ =	shalt  }
0x87: {  	_ =	shalt  }
.Lfunc_end0:
.L_simem_size_0:
called_computation.1_lowered:
.L_overlay_start_0:
0x88: {  	s2 =	sld [smem:$0x3FD9]  }
0x89: {  	s3 =	sld [smem:$0x3FFE];
	_ =	sdelay $0x1  }
0x8a: {  	s1 =	srdreg.scid  }
0x8b: {  	s0 =	sand.u32 $0x1, s1  }
0x8c: {  	s15 =	sshll.u32 s0, $0xA;
	s2 =	sadd.s32 s3, s2  }
0x8d: {  	s2 =	sadd.s32 s2, s15  }
0x8e: {  	[smem:$0x3FC6] =	sst s2  }
0x8f: {  	_ = 	snop  }
0x90: {  	s2 =	sld [smem:$0x3FD0];
	_ =	sdelay $0x2  }
0x91: {  	s16 =	simm.s32 $0xC;
	s4 =	simm.s32 $0x10  }
0x92: {  	[smem:s4], [sflag:s16] =	dma.local [hbm:s2], $0x1  }
0x93: {  	_ =	swait.eq [sflag:s16], $0x1  }
0x94: {  	[sflag:s16] =	ssyncset.done $0x0  }
0x95: {  	[sflag:s16] =	ssyncadd.s32 $0xFFFFFFFF  }
0x96: {  	s17 =	sld [smem:$0x10];
	(tm) =	ssettm $0x1  }
0x97: {  	s18 =	sld [smem:$0x3FFB];
	_ =	sdelay $0x3  }
0x98: {  	_ =	strace s18  }
0x99: {  	s2 =	sld [smem:$0x3FFC];
	_ =	sdelay $0x3  }
0x9a: {  	_ =	strace s2  }
0x9b: {  	s2 =	sld [smem:$0x3FFD];
	_ =	sdelay $0x3  }
0x9c: {  	_ =	strace s2  }
0x9d: {  	_ =	strace $0x8FFFFFFF  }
0x9e: {  	s19 =	sld [smem:$0x3FDB];
	_ =	sdelay $0x1  }
0x9f: {  	s20 =	simm.s32 $_scs_section_size  }
0xa0: {  	s5 =	simm.s32 $_size__tile_overlayer_lowered;
	s6 =	simm.s32 $_tile_overlayer_lowered  }
0xa1: {  	s7 =	simm.s32 $0x1BFF;
	s21 =	sshll.u32 s6, $0x1;
	s4 =	sadd.s32 s20, s19  }
0xa2: {  	s22 =	simm.s32 $0x0;
	s5 =	sshll.u32 s5, $0x1;
	s6 =	sadd.s32 s21, s4  }
0xa3: {  	[timem:s22], [sflag:s7] =	dma.local [hbm:s6], s5  }
0xa4: {  	_ =	swait.ge [sflag:s7], s5  }
0xa5: {  	s5 =	ssub.s32 $0x0, s5;
	[sflag:s7] =	ssyncset.done $0x0  }
0xa6: {  	[sflag:s7] =	ssyncadd.s32 s5;
	_ =	sdelay $0x1  }
0xa7: {  	s23 =	simm.s32 $0x1B8B  }
0xa8: {  	_ =	swait.ge [sflag:s23], $0x1  }
0xa9: {  	[sflag:s23] =	ssyncset.done $0x0  }
0xaa: {  	[sflag:s23] =	ssyncadd.s32 $0xFFFFFFFF  }
0xab: {  	s5 =	sld [smem:$0x0]  }
0xac: {  	s6 =	sand.u32 $0xFFFFFFFE, s1  }
0xad: {  	p0 =	sne.s32 s1, s6  }
0xae: {  	s6 =	sshll.u32 @p0 s6, $0xE  }
0xaf: {  	s6 =	sadd.s32 @p0 $0x11B8D, s6;
	s7 =	sshll.u32 @p0 s5, $0x11  }
0xb0: {  	s6 =	sor.u32 @p0 s7, s6  }
0xb1: {  	[sflag:s6] =	ssyncadd.remote.s32 @p0 $0x1;
	_ =	sdelay $0x1  }
0xb2: {  	s6 =	simm.s32 @p0 $0x1B8D  }
0xb3: {  	_ =	swait.eq @p0 [sflag:s6], $0x1  }
0xb4: {  	[sflag:s6] =	ssyncadd.s32 @p0 $0xFFFFFFFF  }
0xb5: {  	s7 =	sshll.u32 @!p0 s1, $0xE  }
0xb6: {  	s7 =	sor.u32 @!p0 $0x4000, s7;
	s6 =	simm.s32 @!p0 $0x1B8D  }
0xb7: {  	s5 =	sshll.u32 @!p0 s5, $0x11;
	s7 =	sadd.s32 @!p0 $0x11B8D, s7;
	_ =	swait.eq @!p0 [sflag:s6], $0x1  }
0xb8: {  	s5 =	sor.u32 @!p0 s5, s7;
	[sflag:s6] =	ssyncadd.s32 @!p0 $0xFFFFFFFF  }
0xb9: {  	s25 =	simm.s32 $0x1B8E;
	s24 =	sld [smem:$0x3FFE];
	[sflag:s5] =	ssyncadd.remote.s32 @!p0 $0x1  }
0xba: {  	s26 =	simm.s32 $execute0_lowered;
	[smem:$0x3FD2] =	sst s25  }
0xbb: {  	s6 =	sshll.u32 s26, $0x1;
	_ =	strace $0x8000004F;
	[dreg:$0x1] =	wrdreg $0xFFFFFFFF  }
0xbc: {  	s28 =	simm.s32 $_size_execute0_lowered;
	s4 =	sadd.s32 s4, s6;
	[dreg:$0x0] =	wrdreg $0x0  }
0xbd: {  	s6 =	sshll.u32 s28, $0x1;
	[dreg:$0x2] =	wrdreg s4  }
0xbe: {  	[dreg:$0x3] =	wrdreg s6  }
0xbf: {  	[dreg:$0x4] =	wrdreg $0xC0  }
0xc0: {  	_ =	task [dreg:s22], $0x5FFFF  }
0xc1: {  	[dreg:$0x1] =	wrdreg $0xFFFFFFFF  }
0xc2: {  	[dreg:$0x0] =	wrdreg $0x60  }
0xc3: {  	[dreg:$0x2] =	wrdreg s24  }
0xc4: {  	[dreg:$0x3] =	wrdreg s17  }
0xc5: {  	[dreg:$0x4] =	wrdreg $0x9  }
0xc6: {  	_ =	task.clear_ibuf [dreg:s22], $0x5FFFF;
	_ =	strace $0x9000004F  }
0xc7: {  	s29 =	simm.s32 $0x9;
	_ =	strace $0x80000051  }
0xc8: {  	_ =	swait.ge [sflag:s29], $0x1  }
0xc9: {  	[sflag:s29] =	ssyncadd.s32 $0xFFFFFFFF  }
0xca: {  	_ =	strace $0x90000051  }
0xcb: {  	_ =	sfence  }
0xcc: {  	s30 =	sld [smem:$0x0];
	_ =	sdelay $0x2  }
0xcd: {  	s31 =	sshll.u32 s1, $0xD;
	s1 =	sshrl.u32 s1, $0x2  }
0xce: {  	s4 =	sand.u32 $0x4000, s31;
	s1 =	sadd.s32 s1, s30  }
0xcf: {  	s0 =	sor.u32 s4, s0;
	s1 =	sshll.u32 s1, $0x11  }
0xd0: {  	s0 =	sor.u32 s1, s0  }
0xd1: {  	s0 =	sadd.s32 $0x8F2B, s0  }
0xd2: {  	[sflag:s0] =	ssyncadd.remote.s32 $0x1  }
0xd3: {  	_ =	sfence.sel $0xFFFF  }
0xd4: {  	[dreg:$0x0] =	wrdreg $0xFFFFFFFF;
	(pc) =	sbr.abs _section_cstart, $3  }
0xd5: {  	[dreg:$0x1] =	wrdreg $0xFFFFFFFF  }
0xd6: {  	_ =	task.clear_ibuf [dreg:s22], $0x2FFFF;
	_ =	strace $0x9FFFFFFF  }
0xd7: {  	(tm) =	ssettm $0x7FFFFFFF  }
tec
execute0_lowered:
.L_overlay_start_1:
0x0: {  	(tag) =	ssettag $0x1  }
0x1: {  	s0 =	rddreg [dreg:$0x0];
	s1 =	srdreg.scid  }
0x2: {  	s3 =	stileid.u32;
	s2 =	rddreg [dreg:$0x1];
	s9 =	simm.s32 $0x5  }
0x3: {  	s10 =	simm.s32 $0x40;
	s12 =	simm.s32 $0x6B00;
	s13 =	simm.s32 $0x80  }
0x4: {  	v0 =	vlaneseq.u32;
	s14 =	simm.s32 $0x8B00;
	s15 =	simm.s32 $0xAB00;
	s16 =	simm.s32 $0xCB00  }
0x5: {  	s17 =	simm.s32 $0xEB00;
	s18 =	simm.s32 $0x1;
	s19 =	simm.s32 $0x10B00;
	v0 =	vmul.u32 $0x40, v0  }
0x6: {  	s20 =	simm.s32 $0x2;
	s21 =	simm.s32 $0x15700;
	s22 =	simm.s32 $0x3  }
0x7: {  	s23 =	simm.s32 $0x4;
	s1 =	sand.u32 $0x1, s1;
	s4 =	sshll.u32 s3, $0x1;
	v1 =	vor.u32 $0x400, v0;
	v2 =	vor.u32 $0x800, v0;
	v3 =	vor.u32 $0xC00, v0  }
0x8: {  	s24 =	simm.s32 $0x0;
	s3 =	simm.s32 $0x0;
	s6 =	sor.u32 s1, s4;
	v4 =	vor.u32 $0x1000, v0;
	v5 =	vor.u32 $0x1400, v0;
	v6 =	vor.u32 $0x1800, v0  }
0x9: {  	[smem:$0x7FF] =	sst s3;
	s1 =	ssub.s32 $0x2, s1;
	s4 =	smul.u32 $0x960, s6;
	v7 =	vor.u32 $0x1C00, v0;
	v8 =	vor.u32 $0x2000, v0;
	v9 =	vor.u32 $0x2400, v0  }
0xa: {  	s7 =	sadd.s32 $0x8, s2;
	_ =	strace $0x80000050;
	s31 =	sshrl.u32 s1, $0x1;
	v10 =	vor.u32 $0x2800, v0;
	v11 =	vor.u32 $0x2C00, v0;
	v12 =	vor.u32 $0x3000, v0  }
0xb: {  	v13 =	vor.u32 $0x3400, v0;
	v14 =	vor.u32 $0x3800, v0;
	v15 =	vor.u32 $0x3C00, v0;
	s5 =	sadd.s32 s4, s0;
	s4 =	sadd.s32 $0x39600, s0;
	s0 =	ssub.s32 s1, s31  }
0xc: {  	s6 =	smul.u32 $0x64, s6;
	v16 =	vor.u32 $0x4000, v0;
	v17 =	vor.u32 $0x4400, v0;
	v18 =	vor.u32 $0x4800, v0;
	s5 =	sadd.s32 $0x1200, s5;
	s8 =	smax.u32 s0, $0x1  }
.LBB2_1:
0xd: {  	[tilespmem:s3], [sflag:$0x5] =	stream.linear.gather [hbm4b:s5+s3], $0x4B00, $0x38;
	[tilespmem:$0x1A300] =	vst v63  }
0xe: {  	_ =	swait.ge [sflag:s9], $0x4B00  }
0xf: {  	[sflag:s9] =	ssyncset.done $0x0  }
0x10: {  	s0 =	simm.s32 $0x4B00;
	[sflag:s9] =	ssyncadd.s32 $0xFFFFB500  }
0x11: {  	[tilespmem:s0], [sflag:$0x1] =	stream.indirect.gather [hbm4b:s4+s10], $0x80, s3, s10, $0xb8;
	[tilespmem:$0x1A300] =	vst v63  }
0x12: {  	_ = 	snop  }
0x13: {  	[tilespmem:s12], [sflag:$0x1] =	stream.indirect.gather [hbm4b:s4+s10], $0x80, s10, s10, $0xb8;
	[tilespmem:$0x1A300] =	vst v63  }
0x14: {  	s25 =	simm.s32 $0x0  }
0x15: {  	[tilespmem:s14], [sflag:$0x1] =	stream.indirect.gather [hbm4b:s4+s10], $0x80, s13, s10, $0xb8;
	[tilespmem:$0x1A300] =	vst v63  }
.LBB2_2:
0x16: {  	s26 =	sshllo.u32 s25, $0x1  }
0x17: {  	s0 =	smul.u32 $0x300, s26;
	_ =	sdelay $0x1  }
0x18: {  	s0 =	sshra.s32 s0, $0x2  }
0x19: {  	[tilespmem:s15], [sflag:$0x2] =	stream.indirect.gather [hbm4b:s4+s10], $0x80, s0, s10, $0xb8;
	[tilespmem:$0x1A300] =	vst v63  }
0x1a: {  	s1 =	sadd.s32 $0x40, s0  }
0x1b: {  	[tilespmem:s16], [sflag:$0x2] =	stream.indirect.gather [hbm4b:s4+s10], $0x80, s1, s10, $0xb8;
	[tilespmem:$0x1A300] =	vst v63  }
0x1c: {  	s0 =	sadd.s32 $0x80, s0  }
0x1d: {  	[tilespmem:s17], [sflag:$0x2] =	stream.indirect.gather [hbm4b:s4+s10], $0x80, s0, s10, $0xb8;
	[tilespmem:$0x1A300] =	vst v63  }
0x1e: {  	_ =	swait.ge [sflag:s18], $0x2000  }
0x1f: {  	[sflag:s18] =	ssyncset.done $0x0  }
0x20: {  	[sflag:s18] =	ssyncadd.s32 $0xFFFFE000  }
0x21: {  	_ =	swait.ge [sflag:s18], $0x2000  }
0x22: {  	[sflag:s18] =	ssyncset.done $0x0  }
0x23: {  	[sflag:s18] =	ssyncadd.s32 $0xFFFFE000  }
0x24: {  	_ =	swait.ge [sflag:s18], $0x2000  }
0x25: {  	p0 =	seq.s32 s25, $0x0;
	s11 =	simm.s32 $0x0;
	[sflag:s18] =	ssyncset.done $0x0  }
0x26: {  	v19 =	vmov s11;
	s1 =	simm.s32 @!p0 $0x3;
	[sflag:s18] =	ssyncadd.s32 $0xFFFFE000  }
0x27: {  	v19 =	vand.u32 $0x3E, v19;
	_ =	swait.ge @!p0 [sflag:s1], $0x4C00  }
0x28: {  	v19 =	vbroadcast v19, $0x0;
	[sflag:s1] =	ssyncset.done @!p0 $0x0  }
0x29: {  	s30 =	simm.s32 $0x4B80;
	[sflag:s1] =	ssyncadd.s32 @!p0 $0xFFFFB400  }
0x2a: {  	v21 =	vor.u32 v0, v19;
	v20 =	vld [tilespmem:s30+$0xFFFFFF80];
	_ =	sdelay $0x4  }
0x2b: {  	[tilespmem:v21+s19+$0x0] =	vst.idx.msk $0xffff, v20  }
0x2c: {  	v21 =	vor.u32 v1, v19;
	v20 =	vld [tilespmem:s30+$0xFFFFFF90];
	_ =	sdelay $0x4  }
0x2d: {  	[tilespmem:v21+s19+$0x0] =	vst.idx.msk $0xffff, v20  }
0x2e: {  	v21 =	vor.u32 v2, v19;
	v20 =	vld [tilespmem:s30+$0xFFFFFFA0];
	_ =	sdelay $0x4  }
0x2f: {  	[tilespmem:v21+s19+$0x0] =	vst.idx.msk $0xffff, v20  }
0x30: {  	v21 =	vor.u32 v3, v19;
	v20 =	vld [tilespmem:s30+$0xFFFFFFB0];
	_ =	sdelay $0x4  }
0x31: {  	[tilespmem:v21+s19+$0x0] =	vst.idx.msk $0xffff, v20  }
0x32: {  	v21 =	vor.u32 v4, v19;
	v20 =	vld [tilespmem:s30+$0xFFFFFFC0];
	_ =	sdelay $0x4  }
0x33: {  	[tilespmem:v21+s19+$0x0] =	vst.idx.msk $0xffff, v20  }
0x34: {  	v21 =	vor.u32 v5, v19;
	v20 =	vld [tilespmem:s30+$0xFFFFFFD0];
	_ =	sdelay $0x4  }
0x35: {  	[tilespmem:v21+s19+$0x0] =	vst.idx.msk $0xffff, v20  }
0x36: {  	v21 =	vor.u32 v6, v19;
	v20 =	vld [tilespmem:s30+$0xFFFFFFE0];
	_ =	sdelay $0x4  }
0x37: {  	[tilespmem:v21+s19+$0x0] =	vst.idx.msk $0xffff, v20  }
0x38: {  	v21 =	vor.u32 v7, v19;
	v20 =	vld [tilespmem:s30+$0xFFFFFFF0];
	_ =	sdelay $0x4  }
0x39: {  	s28 =	simm.s32 $0x6B80;
	[tilespmem:v21+s19+$0x0] =	vst.idx.msk $0xffff, v20  }
0x3a: {  	v21 =	vor.u32 v8, v19;
	v20 =	vld [tilespmem:s28+$0xFFFFFF80];
	_ =	sdelay $0x4  }
0x3b: {  	[tilespmem:v21+s19+$0x0] =	vst.idx.msk $0xffff, v20  }
0x3c: {  	v21 =	vor.u32 v9, v19;
	v20 =	vld [tilespmem:s28+$0xFFFFFF90];
	_ =	sdelay $0x4  }
0x3d: {  	[tilespmem:v21+s19+$0x0] =	vst.idx.msk $0xffff, v20  }
0x3e: {  	v21 =	vor.u32 v10, v19;
	v20 =	vld [tilespmem:s28+$0xFFFFFFA0];
	_ =	sdelay $0x4  }
0x3f: {  	[tilespmem:v21+s19+$0x0] =	vst.idx.msk $0xffff, v20  }
0x40: {  	v21 =	vor.u32 v11, v19;
	v20 =	vld [tilespmem:s28+$0xFFFFFFB0];
	_ =	sdelay $0x4  }
0x41: {  	[tilespmem:v21+s19+$0x0] =	vst.idx.msk $0xffff, v20  }
0x42: {  	v21 =	vor.u32 v12, v19;
	v20 =	vld [tilespmem:s28+$0xFFFFFFC0];
	_ =	sdelay $0x4  }
0x43: {  	[tilespmem:v21+s19+$0x0] =	vst.idx.msk $0xffff, v20  }
0x44: {  	v21 =	vor.u32 v13, v19;
	v20 =	vld [tilespmem:s28+$0xFFFFFFD0];
	_ =	sdelay $0x4  }
0x45: {  	[tilespmem:v21+s19+$0x0] =	vst.idx.msk $0xffff, v20  }
0x46: {  	v21 =	vor.u32 v14, v19;
	v20 =	vld [tilespmem:s28+$0xFFFFFFE0];
	_ =	sdelay $0x4  }
0x47: {  	[tilespmem:v21+s19+$0x0] =	vst.idx.msk $0xffff, v20  }
0x48: {  	v21 =	vor.u32 v15, v19;
	v20 =	vld [tilespmem:s28+$0xFFFFFFF0];
	_ =	sdelay $0x4  }
0x49: {  	s29 =	simm.s32 $0x8BA0;
	[tilespmem:v21+s19+$0x0] =	vst.idx.msk $0xffff, v20  }
0x4a: {  	v21 =	vor.u32 v16, v19;
	v20 =	vld [tilespmem:s29+$0xFFFFFF60];
	_ =	sdelay $0x4  }
0x4b: {  	[tilespmem:v21+s19+$0x0] =	vst.idx.msk $0xffff, v20  }
0x4c: {  	v21 =	vor.u32 v17, v19;
	v20 =	vld [tilespmem:s29+$0xFFFFFF70];
	_ =	sdelay $0x4  }
0x4d: {  	[tilespmem:v21+s19+$0x0] =	vst.idx.msk $0xffff, v20  }
0x4e: {  	v19 =	vor.u32 v18, v19;
	v20 =	vld [tilespmem:s29+$0xFFFFFF80]  }
0x4f: {  	s11 =	simm.s32 $0x1  }
0x50: {  	v21 =	vmov s11  }
0x51: {  	v21 =	vand.u32 $0x3F, v21  }
0x52: {  	v21 =	vbroadcast v21, $0x0  }
0x53: {  	[tilespmem:v19+s19+$0x0] =	vst.idx.msk $0xffff, v20  }
0x54: {  	v20 =	vor.u32 v0, v21;
	v19 =	vld [tilespmem:s30+$0x0];
	_ =	sdelay $0x4  }
0x55: {  	[tilespmem:v20+s19+$0x0] =	vst.idx.msk $0xffff, v19  }
0x56: {  	v20 =	vor.u32 v1, v21;
	v19 =	vld [tilespmem:s30+$0x10];
	_ =	sdelay $0x4  }
0x57: {  	[tilespmem:v20+s19+$0x0] =	vst.idx.msk $0xffff, v19  }
0x58: {  	v20 =	vor.u32 v2, v21;
	v19 =	vld [tilespmem:s30+$0x20];
	_ =	sdelay $0x4  }
0x59: {  	[tilespmem:v20+s19+$0x0] =	vst.idx.msk $0xffff, v19  }
0x5a: {  	v20 =	vor.u32 v3, v21;
	v19 =	vld [tilespmem:s30+$0x30];
	_ =	sdelay $0x4  }
0x5b: {  	[tilespmem:v20+s19+$0x0] =	vst.idx.msk $0xffff, v19  }
0x5c: {  	v20 =	vor.u32 v4, v21;
	v19 =	vld [tilespmem:s30+$0x40];
	_ =	sdelay $0x4  }
0x5d: {  	[tilespmem:v20+s19+$0x0] =	vst.idx.msk $0xffff, v19  }
0x5e: {  	v20 =	vor.u32 v5, v21;
	v19 =	vld [tilespmem:s30+$0x50];
	_ =	sdelay $0x4  }
0x5f: {  	[tilespmem:v20+s19+$0x0] =	vst.idx.msk $0xffff, v19  }
0x60: {  	v20 =	vor.u32 v6, v21;
	v19 =	vld [tilespmem:s30+$0x60];
	_ =	sdelay $0x4  }
0x61: {  	[tilespmem:v20+s19+$0x0] =	vst.idx.msk $0xffff, v19  }
0x62: {  	v20 =	vor.u32 v7, v21;
	v19 =	vld [tilespmem:s30+$0x70];
	_ =	sdelay $0x4  }
0x63: {  	[tilespmem:v20+s19+$0x0] =	vst.idx.msk $0xffff, v19  }
0x64: {  	v20 =	vor.u32 v8, v21;
	v19 =	vld [tilespmem:s28+$0x0];
	_ =	sdelay $0x4  }
0x65: {  	[tilespmem:v20+s19+$0x0] =	vst.idx.msk $0xffff, v19  }
0x66: {  	v20 =	vor.u32 v9, v21;
	v19 =	vld [tilespmem:s28+$0x10];
	_ =	sdelay $0x4  }
0x67: {  	[tilespmem:v20+s19+$0x0] =	vst.idx.msk $0xffff, v19  }
0x68: {  	v20 =	vor.u32 v10, v21;
	v19 =	vld [tilespmem:s28+$0x20];
	_ =	sdelay $0x4  }
0x69: {  	[tilespmem:v20+s19+$0x0] =	vst.idx.msk $0xffff, v19  }
0x6a: {  	v20 =	vor.u32 v11, v21;
	v19 =	vld [tilespmem:s28+$0x30];
	_ =	sdelay $0x4  }
0x6b: {  	[tilespmem:v20+s19+$0x0] =	vst.idx.msk $0xffff, v19  }
0x6c: {  	v20 =	vor.u32 v12, v21;
	v19 =	vld [tilespmem:s28+$0x40];
	_ =	sdelay $0x4  }
0x6d: {  	[tilespmem:v20+s19+$0x0] =	vst.idx.msk $0xffff, v19  }
0x6e: {  	v20 =	vor.u32 v13, v21;
	v19 =	vld [tilespmem:s28+$0x50];
	_ =	sdelay $0x4  }
0x6f: {  	[tilespmem:v20+s19+$0x0] =	vst.idx.msk $0xffff, v19  }
0x70: {  	v20 =	vor.u32 v14, v21;
	v19 =	vld [tilespmem:s28+$0x60];
	_ =	sdelay $0x4  }
0x71: {  	[tilespmem:v20+s19+$0x0] =	vst.idx.msk $0xffff, v19  }
0x72: {  	v20 =	vor.u32 v15, v21;
	v19 =	vld [tilespmem:s28+$0x70];
	_ =	sdelay $0x4  }
0x73: {  	[tilespmem:v20+s19+$0x0] =	vst.idx.msk $0xffff, v19  }
0x74: {  	v20 =	vor.u32 v16, v21;
	v19 =	vld [tilespmem:s29+$0xFFFFFFE0];
	_ =	sdelay $0x4  }
0x75: {  	[tilespmem:v20+s19+$0x0] =	vst.idx.msk $0xffff, v19  }
0x76: {  	v20 =	vor.u32 v17, v21;
	v19 =	vld [tilespmem:s29+$0xFFFFFFF0];
	_ =	sdelay $0x4  }
0x77: {  	[tilespmem:v20+s19+$0x0] =	vst.idx.msk $0xffff, v19  }
0x78: {  	v21 =	vor.u32 v18, v21;
	v20 =	vld [tilespmem:s29+$0x0]  }
0x79: {  	s1 =	simm.s32 $0x2  }
0x7a: {  	s31 =	sshll.u32 s25, $0x1;
	s0 =	simm.s32 $0x4;
	v19 =	vmov s1  }
.LBB2_3:
0x7b: {  	p1 =	slt.u32 s0, $0x3E;
	v19 =	vand.u32 $0x3E, v19  }
0x7c: {  	v19 =	vbroadcast v19, $0x0  }
0x7d: {  	s30 =	sadd.s32 $0x100, s30;
	[tilespmem:v21+s19+$0x0] =	vst.idx.msk $0xffff, v20  }
0x7e: {  	v20 =	vld [tilespmem:s30+$0xFFFFFF80];
	v21 =	vor.u32 v0, v19;
	_ =	sdelay $0x4  }
0x7f: {  	[tilespmem:v21+s19+$0x0] =	vst.idx.msk $0xffff, v20  }
0x80: {  	v21 =	vor.u32 v1, v19;
	v20 =	vld [tilespmem:s30+$0xFFFFFF90];
	_ =	sdelay $0x4  }
0x81: {  	[tilespmem:v21+s19+$0x0] =	vst.idx.msk $0xffff, v20  }
0x82: {  	v21 =	vor.u32 v2, v19;
	v20 =	vld [tilespmem:s30+$0xFFFFFFA0];
	_ =	sdelay $0x4  }
0x83: {  	[tilespmem:v21+s19+$0x0] =	vst.idx.msk $0xffff, v20  }
0x84: {  	v21 =	vor.u32 v3, v19;
	v20 =	vld [tilespmem:s30+$0xFFFFFFB0];
	_ =	sdelay $0x4  }
0x85: {  	[tilespmem:v21+s19+$0x0] =	vst.idx.msk $0xffff, v20  }
0x86: {  	v21 =	vor.u32 v4, v19;
	v20 =	vld [tilespmem:s30+$0xFFFFFFC0];
	_ =	sdelay $0x4  }
0x87: {  	[tilespmem:v21+s19+$0x0] =	vst.idx.msk $0xffff, v20  }
0x88: {  	v21 =	vor.u32 v5, v19;
	v20 =	vld [tilespmem:s30+$0xFFFFFFD0];
	_ =	sdelay $0x4  }
0x89: {  	[tilespmem:v21+s19+$0x0] =	vst.idx.msk $0xffff, v20  }
0x8a: {  	v21 =	vor.u32 v6, v19;
	v20 =	vld [tilespmem:s30+$0xFFFFFFE0];
	_ =	sdelay $0x4  }
0x8b: {  	[tilespmem:v21+s19+$0x0] =	vst.idx.msk $0xffff, v20  }
0x8c: {  	v21 =	vor.u32 v7, v19;
	v20 =	vld [tilespmem:s30+$0xFFFFFFF0];
	_ =	sdelay $0x4  }
0x8d: {  	s28 =	sadd.s32 $0x100, s28;
	[tilespmem:v21+s19+$0x0] =	vst.idx.msk $0xffff, v20  }
0x8e: {  	v21 =	vor.u32 v8, v19;
	v20 =	vld [tilespmem:s28+$0xFFFFFF80];
	_ =	sdelay $0x4  }
0x8f: {  	[tilespmem:v21+s19+$0x0] =	vst.idx.msk $0xffff, v20  }
0x90: {  	v21 =	vor.u32 v9, v19;
	v20 =	vld [tilespmem:s28+$0xFFFFFF90];
	_ =	sdelay $0x4  }
0x91: {  	[tilespmem:v21+s19+$0x0] =	vst.idx.msk $0xffff, v20  }
0x92: {  	v21 =	vor.u32 v10, v19;
	v20 =	vld [tilespmem:s28+$0xFFFFFFA0];
	_ =	sdelay $0x4  }
0x93: {  	[tilespmem:v21+s19+$0x0] =	vst.idx.msk $0xffff, v20  }
0x94: {  	v21 =	vor.u32 v11, v19;
	v20 =	vld [tilespmem:s28+$0xFFFFFFB0];
	_ =	sdelay $0x4  }
0x95: {  	[tilespmem:v21+s19+$0x0] =	vst.idx.msk $0xffff, v20  }
0x96: {  	v21 =	vor.u32 v12, v19;
	v20 =	vld [tilespmem:s28+$0xFFFFFFC0];
	_ =	sdelay $0x4  }
0x97: {  	[tilespmem:v21+s19+$0x0] =	vst.idx.msk $0xffff, v20  }
0x98: {  	v21 =	vor.u32 v13, v19;
	v20 =	vld [tilespmem:s28+$0xFFFFFFD0];
	_ =	sdelay $0x4  }
0x99: {  	[tilespmem:v21+s19+$0x0] =	vst.idx.msk $0xffff, v20  }
0x9a: {  	v21 =	vor.u32 v14, v19;
	v20 =	vld [tilespmem:s28+$0xFFFFFFE0];
	_ =	sdelay $0x4  }
0x9b: {  	[tilespmem:v21+s19+$0x0] =	vst.idx.msk $0xffff, v20  }
0x9c: {  	v21 =	vor.u32 v15, v19;
	v20 =	vld [tilespmem:s28+$0xFFFFFFF0];
	_ =	sdelay $0x4  }
0x9d: {  	s29 =	sadd.s32 $0x100, s29;
	[tilespmem:v21+s19+$0x0] =	vst.idx.msk $0xffff, v20  }
0x9e: {  	v21 =	vor.u32 v16, v19;
	v20 =	vld [tilespmem:s29+$0xFFFFFF60];
	_ =	sdelay $0x4  }
0x9f: {  	[tilespmem:v21+s19+$0x0] =	vst.idx.msk $0xffff, v20  }
0xa0: {  	v21 =	vor.u32 v17, v19;
	v20 =	vld [tilespmem:s29+$0xFFFFFF70];
	_ =	sdelay $0x4  }
0xa1: {  	[tilespmem:v21+s19+$0x0] =	vst.idx.msk $0xffff, v20  }
0xa2: {  	v21 =	vor.u32 v18, v19;
	v20 =	vld [tilespmem:s29+$0xFFFFFF80]  }
0xa3: {  	s11 =	sadd.s32 $0x1, s1;
	s1 =	smov.u32 s0  }
0xa4: {  	v19 =	vmov s11  }
0xa5: {  	v19 =	vand.u32 $0x3F, v19  }
0xa6: {  	v19 =	vbroadcast v19, $0x0  }
0xa7: {  	[tilespmem:v21+s19+$0x0] =	vst.idx.msk $0xffff, v20  }
0xa8: {  	v21 =	vor.u32 v0, v19;
	v20 =	vld [tilespmem:s30+$0x0];
	_ =	sdelay $0x4  }
0xa9: {  	[tilespmem:v21+s19+$0x0] =	vst.idx.msk $0xffff, v20  }
0xaa: {  	v21 =	vor.u32 v1, v19;
	v20 =	vld [tilespmem:s30+$0x10];
	_ =	sdelay $0x4  }
0xab: {  	[tilespmem:v21+s19+$0x0] =	vst.idx.msk $0xffff, v20  }
0xac: {  	v21 =	vor.u32 v2, v19;
	v20 =	vld [tilespmem:s30+$0x20];
	_ =	sdelay $0x4  }
0xad: {  	[tilespmem:v21+s19+$0x0] =	vst.idx.msk $0xffff, v20  }
0xae: {  	v21 =	vor.u32 v3, v19;
	v20 =	vld [tilespmem:s30+$0x30];
	_ =	sdelay $0x4  }
0xaf: {  	[tilespmem:v21+s19+$0x0] =	vst.idx.msk $0xffff, v20  }
0xb0: {  	v21 =	vor.u32 v4, v19;
	v20 =	vld [tilespmem:s30+$0x40];
	_ =	sdelay $0x4  }
0xb1: {  	[tilespmem:v21+s19+$0x0] =	vst.idx.msk $0xffff, v20  }
0xb2: {  	v21 =	vor.u32 v5, v19;
	v20 =	vld [tilespmem:s30+$0x50];
	_ =	sdelay $0x4  }
0xb3: {  	[tilespmem:v21+s19+$0x0] =	vst.idx.msk $0xffff, v20  }
0xb4: {  	v21 =	vor.u32 v6, v19;
	v20 =	vld [tilespmem:s30+$0x60];
	_ =	sdelay $0x4  }
0xb5: {  	[tilespmem:v21+s19+$0x0] =	vst.idx.msk $0xffff, v20  }
0xb6: {  	v21 =	vor.u32 v7, v19;
	v20 =	vld [tilespmem:s30+$0x70];
	_ =	sdelay $0x4  }
0xb7: {  	[tilespmem:v21+s19+$0x0] =	vst.idx.msk $0xffff, v20  }
0xb8: {  	v21 =	vor.u32 v8, v19;
	v20 =	vld [tilespmem:s28+$0x0];
	_ =	sdelay $0x4  }
0xb9: {  	[tilespmem:v21+s19+$0x0] =	vst.idx.msk $0xffff, v20  }
0xba: {  	v21 =	vor.u32 v9, v19;
	v20 =	vld [tilespmem:s28+$0x10];
	_ =	sdelay $0x4  }
0xbb: {  	[tilespmem:v21+s19+$0x0] =	vst.idx.msk $0xffff, v20  }
0xbc: {  	v21 =	vor.u32 v10, v19;
	v20 =	vld [tilespmem:s28+$0x20];
	_ =	sdelay $0x4  }
0xbd: {  	[tilespmem:v21+s19+$0x0] =	vst.idx.msk $0xffff, v20  }
0xbe: {  	v21 =	vor.u32 v11, v19;
	v20 =	vld [tilespmem:s28+$0x30];
	_ =	sdelay $0x4  }
0xbf: {  	[tilespmem:v21+s19+$0x0] =	vst.idx.msk $0xffff, v20  }
0xc0: {  	v21 =	vor.u32 v12, v19;
	v20 =	vld [tilespmem:s28+$0x40];
	_ =	sdelay $0x4  }
0xc1: {  	[tilespmem:v21+s19+$0x0] =	vst.idx.msk $0xffff, v20  }
0xc2: {  	v21 =	vor.u32 v13, v19;
	v20 =	vld [tilespmem:s28+$0x50];
	_ =	sdelay $0x4  }
0xc3: {  	[tilespmem:v21+s19+$0x0] =	vst.idx.msk $0xffff, v20  }
0xc4: {  	v21 =	vor.u32 v14, v19;
	v20 =	vld [tilespmem:s28+$0x60];
	_ =	sdelay $0x4  }
0xc5: {  	[tilespmem:v21+s19+$0x0] =	vst.idx.msk $0xffff, v20  }
0xc6: {  	v21 =	vor.u32 v15, v19;
	v20 =	vld [tilespmem:s28+$0x70];
	_ =	sdelay $0x4  }
0xc7: {  	[tilespmem:v21+s19+$0x0] =	vst.idx.msk $0xffff, v20  }
0xc8: {  	v21 =	vor.u32 v16, v19;
	v20 =	vld [tilespmem:s29+$0xFFFFFFE0];
	_ =	sdelay $0x4  }
0xc9: {  	[tilespmem:v21+s19+$0x0] =	vst.idx.msk $0xffff, v20  }
0xca: {  	v21 =	vor.u32 v17, v19;
	v20 =	vld [tilespmem:s29+$0xFFFFFFF0];
	_ =	sdelay $0x3  }
.Ltmp0:
0xcb: {  	(pc) =	sbr.rel @p1 .LBB2_3-.Ltmp0, $3  }
0xcc: {  	[tilespmem:v21+s19+$0x0] =	vst.idx.msk $0xffff, v20  }
0xcd: {  	v21 =	vor.u32 v18, v19;
	v20 =	vld [tilespmem:s29+$0x0];
	_ =	sdelay $0x1  }
0xce: {  	s0 =	sadd.s32 $0x2, s0;
	v19 =	vmov s1  }
0xcf: {  	_ =	sdelay $0x1  }
0xd0: {  	v19 =	vand.u32 $0x3E, v19  }
0xd1: {  	v19 =	vbroadcast v19, $0x0  }
0xd2: {  	s0 =	sadd.s32 $0x100, s30;
	[tilespmem:v21+s19+$0x0] =	vst.idx.msk $0xffff, v20  }
0xd3: {  	v20 =	vld [tilespmem:s0+$0xFFFFFF80];
	v45 =	vor.u32 v0, v19;
	_ =	sdelay $0x4  }
0xd4: {  	[tilespmem:v45+s19+$0x0] =	vst.idx.msk $0xffff, v20  }
0xd5: {  	v46 =	vor.u32 v1, v19;
	v20 =	vld [tilespmem:s0+$0xFFFFFF90];
	_ =	sdelay $0x4  }
0xd6: {  	[tilespmem:v46+s19+$0x0] =	vst.idx.msk $0xffff, v20  }
0xd7: {  	v47 =	vor.u32 v2, v19;
	v20 =	vld [tilespmem:s0+$0xFFFFFFA0];
	_ =	sdelay $0x4  }
0xd8: {  	[tilespmem:v47+s19+$0x0] =	vst.idx.msk $0xffff, v20  }
0xd9: {  	v48 =	vor.u32 v3, v19;
	v20 =	vld [tilespmem:s0+$0xFFFFFFB0];
	_ =	sdelay $0x4  }
0xda: {  	[tilespmem:v48+s19+$0x0] =	vst.idx.msk $0xffff, v20  }
0xdb: {  	v49 =	vor.u32 v4, v19;
	v20 =	vld [tilespmem:s0+$0xFFFFFFC0];
	_ =	sdelay $0x4  }
0xdc: {  	[tilespmem:v49+s19+$0x0] =	vst.idx.msk $0xffff, v20  }
0xdd: {  	v50 =	vor.u32 v5, v19;
	v20 =	vld [tilespmem:s0+$0xFFFFFFD0];
	_ =	sdelay $0x4  }
0xde: {  	[tilespmem:v50+s19+$0x0] =	vst.idx.msk $0xffff, v20  }
0xdf: {  	v51 =	vor.u32 v6, v19;
	v20 =	vld [tilespmem:s0+$0xFFFFFFE0];
	_ =	sdelay $0x4  }
0xe0: {  	[tilespmem:v51+s19+$0x0] =	vst.idx.msk $0xffff, v20  }
0xe1: {  	v52 =	vor.u32 v7, v19;
	v20 =	vld [tilespmem:s0+$0xFFFFFFF0];
	_ =	sdelay $0x4  }
0xe2: {  	s28 =	sadd.s32 $0x100, s28;
	[tilespmem:v52+s19+$0x0] =	vst.idx.msk $0xffff, v20  }
0xe3: {  	v53 =	vor.u32 v8, v19;
	v20 =	vld [tilespmem:s28+$0xFFFFFF80];
	_ =	sdelay $0x4  }
0xe4: {  	[tilespmem:v53+s19+$0x0] =	vst.idx.msk $0xffff, v20  }
0xe5: {  	v54 =	vor.u32 v9, v19;
	v20 =	vld [tilespmem:s28+$0xFFFFFF90];
	_ =	sdelay $0x4  }
0xe6: {  	[tilespmem:v54+s19+$0x0] =	vst.idx.msk $0xffff, v20  }
0xe7: {  	v55 =	vor.u32 v10, v19;
	v20 =	vld [tilespmem:s28+$0xFFFFFFA0];
	_ =	sdelay $0x4  }
0xe8: {  	[tilespmem:v55+s19+$0x0] =	vst.idx.msk $0xffff, v20  }
0xe9: {  	v56 =	vor.u32 v11, v19;
	v20 =	vld [tilespmem:s28+$0xFFFFFFB0];
	_ =	sdelay $0x4  }
0xea: {  	[tilespmem:v56+s19+$0x0] =	vst.idx.msk $0xffff, v20  }
0xeb: {  	v57 =	vor.u32 v12, v19;
	v20 =	vld [tilespmem:s28+$0xFFFFFFC0];
	_ =	sdelay $0x4  }
0xec: {  	[tilespmem:v57+s19+$0x0] =	vst.idx.msk $0xffff, v20  }
0xed: {  	v58 =	vor.u32 v13, v19;
	v20 =	vld [tilespmem:s28+$0xFFFFFFD0];
	_ =	sdelay $0x4  }
0xee: {  	[tilespmem:v58+s19+$0x0] =	vst.idx.msk $0xffff, v20  }
0xef: {  	v59 =	vor.u32 v14, v19;
	v20 =	vld [tilespmem:s28+$0xFFFFFFE0];
	_ =	sdelay $0x4  }
0xf0: {  	[tilespmem:v59+s19+$0x0] =	vst.idx.msk $0xffff, v20  }
0xf1: {  	v60 =	vor.u32 v15, v19;
	v20 =	vld [tilespmem:s28+$0xFFFFFFF0];
	_ =	sdelay $0x4  }
0xf2: {  	s29 =	sadd.s32 $0x100, s29;
	[tilespmem:v60+s19+$0x0] =	vst.idx.msk $0xffff, v20  }
0xf3: {  	v61 =	vor.u32 v16, v19;
	v20 =	vld [tilespmem:s29+$0xFFFFFF60];
	_ =	sdelay $0x4  }
0xf4: {  	[tilespmem:v61+s19+$0x0] =	vst.idx.msk $0xffff, v20  }
0xf5: {  	v62 =	vor.u32 v17, v19;
	v20 =	vld [tilespmem:s29+$0xFFFFFF70];
	_ =	sdelay $0x4  }
0xf6: {  	[tilespmem:v62+s19+$0x0] =	vst.idx.msk $0xffff, v20  }
0xf7: {  	v19 =	vor.u32 v18, v19;
	v20 =	vld [tilespmem:s29+$0xFFFFFF80]  }
0xf8: {  	s1 =	sadd.s32 $0x1, s1  }
0xf9: {  	v63 =	vmov s1  }
0xfa: {  	v21 =	vand.u32 $0x3F, v63  }
0xfb: {  	v21 =	vbroadcast v21, $0x0  }
0xfc: {  	[tilespmem:v19+s19+$0x0] =	vst.idx.msk $0xffff, v20  }
0xfd: {  	v20 =	vor.u32 v0, v21;
	v19 =	vld [tilespmem:s0+$0x0];
	_ =	sdelay $0x4  }
0xfe: {  	[tilespmem:v20+s19+$0x0] =	vst.idx.msk $0xffff, v19  }
0xff: {  	v20 =	vor.u32 v1, v21;
	v19 =	vld [tilespmem:s0+$0x10];
	_ =	sdelay $0x4  }
0x100: {  	[tilespmem:v20+s19+$0x0] =	vst.idx.msk $0xffff, v19  }
0x101: {  	v20 =	vor.u32 v2, v21;
	v19 =	vld [tilespmem:s0+$0x20];
	_ =	sdelay $0x4  }
0x102: {  	[tilespmem:v20+s19+$0x0] =	vst.idx.msk $0xffff, v19  }
0x103: {  	v20 =	vor.u32 v3, v21;
	v19 =	vld [tilespmem:s0+$0x30];
	_ =	sdelay $0x4  }
0x104: {  	[tilespmem:v20+s19+$0x0] =	vst.idx.msk $0xffff, v19  }
0x105: {  	v20 =	vor.u32 v4, v21;
	v19 =	vld [tilespmem:s0+$0x40];
	_ =	sdelay $0x4  }
0x106: {  	[tilespmem:v20+s19+$0x0] =	vst.idx.msk $0xffff, v19  }
0x107: {  	v20 =	vor.u32 v5, v21;
	v19 =	vld [tilespmem:s0+$0x50];
	_ =	sdelay $0x4  }
0x108: {  	[tilespmem:v20+s19+$0x0] =	vst.idx.msk $0xffff, v19  }
0x109: {  	v20 =	vor.u32 v6, v21;
	v19 =	vld [tilespmem:s0+$0x60];
	_ =	sdelay $0x4  }
0x10a: {  	[tilespmem:v20+s19+$0x0] =	vst.idx.msk $0xffff, v19  }
0x10b: {  	v20 =	vor.u32 v7, v21;
	v19 =	vld [tilespmem:s0+$0x70];
	_ =	sdelay $0x4  }
0x10c: {  	[tilespmem:v20+s19+$0x0] =	vst.idx.msk $0xffff, v19  }
0x10d: {  	v20 =	vor.u32 v8, v21;
	v19 =	vld [tilespmem:s28+$0x0];
	_ =	sdelay $0x4  }
0x10e: {  	[tilespmem:v20+s19+$0x0] =	vst.idx.msk $0xffff, v19  }
0x10f: {  	v20 =	vor.u32 v9, v21;
	v19 =	vld [tilespmem:s28+$0x10];
	_ =	sdelay $0x4  }
0x110: {  	[tilespmem:v20+s19+$0x0] =	vst.idx.msk $0xffff, v19  }
0x111: {  	v20 =	vor.u32 v10, v21;
	v19 =	vld [tilespmem:s28+$0x20];
	_ =	sdelay $0x4  }
0x112: {  	[tilespmem:v20+s19+$0x0] =	vst.idx.msk $0xffff, v19  }
0x113: {  	v20 =	vor.u32 v11, v21;
	v19 =	vld [tilespmem:s28+$0x30];
	_ =	sdelay $0x4  }
0x114: {  	[tilespmem:v20+s19+$0x0] =	vst.idx.msk $0xffff, v19  }
0x115: {  	v20 =	vor.u32 v12, v21;
	v19 =	vld [tilespmem:s28+$0x40];
	_ =	sdelay $0x4  }
0x116: {  	[tilespmem:v20+s19+$0x0] =	vst.idx.msk $0xffff, v19  }
0x117: {  	v20 =	vor.u32 v13, v21;
	v19 =	vld [tilespmem:s28+$0x50];
	_ =	sdelay $0x4  }
0x118: {  	[tilespmem:v20+s19+$0x0] =	vst.idx.msk $0xffff, v19  }
0x119: {  	v20 =	vor.u32 v14, v21;
	v19 =	vld [tilespmem:s28+$0x60];
	_ =	sdelay $0x4  }
0x11a: {  	[tilespmem:v20+s19+$0x0] =	vst.idx.msk $0xffff, v19  }
0x11b: {  	v20 =	vor.u32 v15, v21;
	v19 =	vld [tilespmem:s28+$0x70];
	_ =	sdelay $0x4  }
0x11c: {  	[tilespmem:v20+s19+$0x0] =	vst.idx.msk $0xffff, v19  }
0x11d: {  	v20 =	vor.u32 v16, v21;
	v19 =	vld [tilespmem:s29+$0xFFFFFFE0];
	_ =	sdelay $0x4  }
0x11e: {  	[tilespmem:v20+s19+$0x0] =	vst.idx.msk $0xffff, v19  }
0x11f: {  	v20 =	vor.u32 v17, v21;
	v19 =	vld [tilespmem:s29+$0xFFFFFFF0];
	_ =	sdelay $0x4  }
0x120: {  	s28 =	sadd.s32 s6, s31;
	[tilespmem:v20+s19+$0x0] =	vst.idx.msk $0xffff, v19  }
0x121: {  	s30 =	sshrl.u32 s28, $0x6;
	v20 =	vor.u32 v18, v21;
	v19 =	vld [tilespmem:s29+$0x0]  }
0x122: {  	s0 =	sshll.u32 s28, $0x9;
	s1 =	smul.u32 $0x130000, s30  }
0x123: {  	s0 =	sand.u32 $0x7C00, s0  }
0x124: {  	s0 =	sor.u32 s0, s1  }
0x125: {  	s0 =	sshrl.u32 s0, $0x3  }
0x126: {  	s31 =	simm.s32 $0x10B00;
	s1 =	simm.s32 $0x800;
	s0 =	sadd.s32 s2, s0;
	[tilespmem:v20+s19+$0x0] =	vst.idx.msk $0xffff, v19  }
0x127: {  	[hbm4b:s0+s10] =	stream.strided.scatter [tilespmem:s31], [sflag:$0x3], $0x200, s13, s10, $0x38;
	[tilespmem:$0x1A300] =	vst v63  }
.LBB2_5:
0x128: {  	p1 =	sne.s32 s1, $0x12800  }
.Ltmp1:
0x129: {  	_ = 	snop;
	(pc) =	sbr.rel @p1 .LBB2_5-.Ltmp1, $4  }
0x12a: {  	_ = 	snop  }
0x12b: {  	s11 =	sshra.s32 s1, $0x2;
	s1 =	sadd.s32 $0x800, s1  }
0x12c: {  	s0 =	sadd.s32 $0x1000, s0;
	s11 =	sadd.s32 $0x10B00, s11  }
0x12d: {  	[hbm4b:s0+s10] =	stream.strided.scatter [tilespmem:s11], [sflag:$0x3], $0x200, s13, s10, $0x38;
	[tilespmem:$0x1A300] =	vst v63  }
0x12e: {  	p1 =	seq.s32 s25, $0x31  }
0x12f: {  	s0 =	smul.u32 @!p1 $0x600, s25;
	_ =	sdelay $0x1  }
0x130: {  	s0 =	sshra.s32 @!p1 s0, $0x2  }
0x131: {  	s11 =	simm.s32 @!p1 $0x40;
	s28 =	simm.s32 @!p1 $0x4B00;
	s1 =	sadd.s32 @!p1 $0x180, s0  }
0x132: {  	[tilespmem:s28], [sflag:$0x1] =	stream.indirect.gather @!p1 [hbm4b:s4+s11], $0x80, s1, s11, $0xb8;
	[tilespmem:$0x1A300] =	vst v63  }
0x133: {  	s1 =	sadd.s32 @!p1 $0x1C0, s0;
	s28 =	simm.s32 @!p1 $0x6B00  }
0x134: {  	[tilespmem:s28], [sflag:$0x1] =	stream.indirect.gather @!p1 [hbm4b:s4+s11], $0x80, s1, s11, $0xb8;
	[tilespmem:$0x1A300] =	vst v63  }
0x135: {  	s0 =	sadd.s32 @!p1 $0x200, s0;
	s1 =	simm.s32 @!p1 $0x8B00  }
0x136: {  	[tilespmem:s1], [sflag:$0x1] =	stream.indirect.gather @!p1 [hbm4b:s4+s11], $0x80, s0, s11, $0xb8;
	[tilespmem:$0x1A300] =	vst v63  }
0x137: {  	_ =	swait.ge [sflag:s20], $0x2000  }
0x138: {  	[sflag:s20] =	ssyncset.done $0x0  }
0x139: {  	[sflag:s20] =	ssyncadd.s32 $0xFFFFE000  }
0x13a: {  	_ =	swait.ge [sflag:s20], $0x2000  }
0x13b: {  	[sflag:s20] =	ssyncset.done $0x0  }
0x13c: {  	[sflag:s20] =	ssyncadd.s32 $0xFFFFE000  }
0x13d: {  	_ =	swait.ge [sflag:s20], $0x2000  }
0x13e: {  	s11 =	simm.s32 $0x0;
	[sflag:s20] =	ssyncset.done $0x0  }
0x13f: {  	s1 =	simm.s32 @!p0 $0x4;
	v19 =	vmov s11;
	[sflag:s20] =	ssyncadd.s32 $0xFFFFE000  }
0x140: {  	v19 =	vand.u32 $0x3E, v19;
	_ =	swait.ge @!p0 [sflag:s1], $0x4C00  }
0x141: {  	v19 =	vbroadcast v19, $0x0;
	[sflag:s1] =	ssyncset.done @!p0 $0x0  }
0x142: {  	s30 =	simm.s32 $0xAB80;
	[sflag:s1] =	ssyncadd.s32 @!p0 $0xFFFFB400  }
0x143: {  	v21 =	vor.u32 v0, v19;
	v20 =	vld [tilespmem:s30+$0xFFFFFF80];
	_ =	sdelay $0x4  }
0x144: {  	[tilespmem:v21+s21+$0x0] =	vst.idx.msk $0xffff, v20  }
0x145: {  	v21 =	vor.u32 v1, v19;
	v20 =	vld [tilespmem:s30+$0xFFFFFF90];
	_ =	sdelay $0x4  }
0x146: {  	[tilespmem:v21+s21+$0x0] =	vst.idx.msk $0xffff, v20  }
0x147: {  	v21 =	vor.u32 v2, v19;
	v20 =	vld [tilespmem:s30+$0xFFFFFFA0];
	_ =	sdelay $0x4  }
0x148: {  	[tilespmem:v21+s21+$0x0] =	vst.idx.msk $0xffff, v20  }
0x149: {  	v21 =	vor.u32 v3, v19;
	v20 =	vld [tilespmem:s30+$0xFFFFFFB0];
	_ =	sdelay $0x4  }
0x14a: {  	[tilespmem:v21+s21+$0x0] =	vst.idx.msk $0xffff, v20  }
0x14b: {  	v21 =	vor.u32 v4, v19;
	v20 =	vld [tilespmem:s30+$0xFFFFFFC0];
	_ =	sdelay $0x4  }
0x14c: {  	[tilespmem:v21+s21+$0x0] =	vst.idx.msk $0xffff, v20  }
0x14d: {  	v21 =	vor.u32 v5, v19;
	v20 =	vld [tilespmem:s30+$0xFFFFFFD0];
	_ =	sdelay $0x4  }
0x14e: {  	[tilespmem:v21+s21+$0x0] =	vst.idx.msk $0xffff, v20  }
0x14f: {  	v21 =	vor.u32 v6, v19;
	v20 =	vld [tilespmem:s30+$0xFFFFFFE0];
	_ =	sdelay $0x4  }
0x150: {  	[tilespmem:v21+s21+$0x0] =	vst.idx.msk $0xffff, v20  }
0x151: {  	v21 =	vor.u32 v7, v19;
	v20 =	vld [tilespmem:s30+$0xFFFFFFF0];
	_ =	sdelay $0x4  }
0x152: {  	s28 =	simm.s32 $0xCB80;
	[tilespmem:v21+s21+$0x0] =	vst.idx.msk $0xffff, v20  }
0x153: {  	v21 =	vor.u32 v8, v19;
	v20 =	vld [tilespmem:s28+$0xFFFFFF80];
	_ =	sdelay $0x4  }
0x154: {  	[tilespmem:v21+s21+$0x0] =	vst.idx.msk $0xffff, v20  }
0x155: {  	v21 =	vor.u32 v9, v19;
	v20 =	vld [tilespmem:s28+$0xFFFFFF90];
	_ =	sdelay $0x4  }
0x156: {  	[tilespmem:v21+s21+$0x0] =	vst.idx.msk $0xffff, v20  }
0x157: {  	v21 =	vor.u32 v10, v19;
	v20 =	vld [tilespmem:s28+$0xFFFFFFA0];
	_ =	sdelay $0x4  }
0x158: {  	[tilespmem:v21+s21+$0x0] =	vst.idx.msk $0xffff, v20  }
0x159: {  	v21 =	vor.u32 v11, v19;
	v20 =	vld [tilespmem:s28+$0xFFFFFFB0];
	_ =	sdelay $0x4  }
0x15a: {  	[tilespmem:v21+s21+$0x0] =	vst.idx.msk $0xffff, v20  }
0x15b: {  	v21 =	vor.u32 v12, v19;
	v20 =	vld [tilespmem:s28+$0xFFFFFFC0];
	_ =	sdelay $0x4  }
0x15c: {  	[tilespmem:v21+s21+$0x0] =	vst.idx.msk $0xffff, v20  }
0x15d: {  	v21 =	vor.u32 v13, v19;
	v20 =	vld [tilespmem:s28+$0xFFFFFFD0];
	_ =	sdelay $0x4  }
0x15e: {  	[tilespmem:v21+s21+$0x0] =	vst.idx.msk $0xffff, v20  }
0x15f: {  	v21 =	vor.u32 v14, v19;
	v20 =	vld [tilespmem:s28+$0xFFFFFFE0];
	_ =	sdelay $0x4  }
0x160: {  	[tilespmem:v21+s21+$0x0] =	vst.idx.msk $0xffff, v20  }
0x161: {  	v21 =	vor.u32 v15, v19;
	v20 =	vld [tilespmem:s28+$0xFFFFFFF0];
	_ =	sdelay $0x4  }
0x162: {  	s29 =	simm.s32 $0xEBA0;
	[tilespmem:v21+s21+$0x0] =	vst.idx.msk $0xffff, v20  }
0x163: {  	v21 =	vor.u32 v16, v19;
	v20 =	vld [tilespmem:s29+$0xFFFFFF60];
	_ =	sdelay $0x4  }
0x164: {  	[tilespmem:v21+s21+$0x0] =	vst.idx.msk $0xffff, v20  }
0x165: {  	v21 =	vor.u32 v17, v19;
	v20 =	vld [tilespmem:s29+$0xFFFFFF70];
	_ =	sdelay $0x4  }
0x166: {  	[tilespmem:v21+s21+$0x0] =	vst.idx.msk $0xffff, v20  }
0x167: {  	v19 =	vor.u32 v18, v19;
	v20 =	vld [tilespmem:s29+$0xFFFFFF80]  }
0x168: {  	s31 =	simm.s32 $0x1  }
0x169: {  	v21 =	vmov s31  }
0x16a: {  	v21 =	vand.u32 $0x3F, v21  }
0x16b: {  	v21 =	vbroadcast v21, $0x0  }
0x16c: {  	[tilespmem:v19+s21+$0x0] =	vst.idx.msk $0xffff, v20  }
0x16d: {  	v20 =	vor.u32 v0, v21;
	v19 =	vld [tilespmem:s30+$0x0];
	_ =	sdelay $0x4  }
0x16e: {  	[tilespmem:v20+s21+$0x0] =	vst.idx.msk $0xffff, v19  }
0x16f: {  	v20 =	vor.u32 v1, v21;
	v19 =	vld [tilespmem:s30+$0x10];
	_ =	sdelay $0x4  }
0x170: {  	[tilespmem:v20+s21+$0x0] =	vst.idx.msk $0xffff, v19  }
0x171: {  	v20 =	vor.u32 v2, v21;
	v19 =	vld [tilespmem:s30+$0x20];
	_ =	sdelay $0x4  }
0x172: {  	[tilespmem:v20+s21+$0x0] =	vst.idx.msk $0xffff, v19  }
0x173: {  	v20 =	vor.u32 v3, v21;
	v19 =	vld [tilespmem:s30+$0x30];
	_ =	sdelay $0x4  }
0x174: {  	[tilespmem:v20+s21+$0x0] =	vst.idx.msk $0xffff, v19  }
0x175: {  	v20 =	vor.u32 v4, v21;
	v19 =	vld [tilespmem:s30+$0x40];
	_ =	sdelay $0x4  }
0x176: {  	[tilespmem:v20+s21+$0x0] =	vst.idx.msk $0xffff, v19  }
0x177: {  	v20 =	vor.u32 v5, v21;
	v19 =	vld [tilespmem:s30+$0x50];
	_ =	sdelay $0x4  }
0x178: {  	[tilespmem:v20+s21+$0x0] =	vst.idx.msk $0xffff, v19  }
0x179: {  	v20 =	vor.u32 v6, v21;
	v19 =	vld [tilespmem:s30+$0x60];
	_ =	sdelay $0x4  }
0x17a: {  	[tilespmem:v20+s21+$0x0] =	vst.idx.msk $0xffff, v19  }
0x17b: {  	v20 =	vor.u32 v7, v21;
	v19 =	vld [tilespmem:s30+$0x70];
	_ =	sdelay $0x4  }
0x17c: {  	[tilespmem:v20+s21+$0x0] =	vst.idx.msk $0xffff, v19  }
0x17d: {  	v20 =	vor.u32 v8, v21;
	v19 =	vld [tilespmem:s28+$0x0];
	_ =	sdelay $0x4  }
0x17e: {  	[tilespmem:v20+s21+$0x0] =	vst.idx.msk $0xffff, v19  }
0x17f: {  	v20 =	vor.u32 v9, v21;
	v19 =	vld [tilespmem:s28+$0x10];
	_ =	sdelay $0x4  }
0x180: {  	[tilespmem:v20+s21+$0x0] =	vst.idx.msk $0xffff, v19  }
0x181: {  	v20 =	vor.u32 v10, v21;
	v19 =	vld [tilespmem:s28+$0x20];
	_ =	sdelay $0x4  }
0x182: {  	[tilespmem:v20+s21+$0x0] =	vst.idx.msk $0xffff, v19  }
0x183: {  	v20 =	vor.u32 v11, v21;
	v19 =	vld [tilespmem:s28+$0x30];
	_ =	sdelay $0x4  }
0x184: {  	[tilespmem:v20+s21+$0x0] =	vst.idx.msk $0xffff, v19  }
0x185: {  	v20 =	vor.u32 v12, v21;
	v19 =	vld [tilespmem:s28+$0x40];
	_ =	sdelay $0x4  }
0x186: {  	[tilespmem:v20+s21+$0x0] =	vst.idx.msk $0xffff, v19  }
0x187: {  	v20 =	vor.u32 v13, v21;
	v19 =	vld [tilespmem:s28+$0x50];
	_ =	sdelay $0x4  }
0x188: {  	[tilespmem:v20+s21+$0x0] =	vst.idx.msk $0xffff, v19  }
0x189: {  	v20 =	vor.u32 v14, v21;
	v19 =	vld [tilespmem:s28+$0x60];
	_ =	sdelay $0x4  }
0x18a: {  	[tilespmem:v20+s21+$0x0] =	vst.idx.msk $0xffff, v19  }
0x18b: {  	v20 =	vor.u32 v15, v21;
	v19 =	vld [tilespmem:s28+$0x70];
	_ =	sdelay $0x4  }
0x18c: {  	[tilespmem:v20+s21+$0x0] =	vst.idx.msk $0xffff, v19  }
0x18d: {  	v20 =	vor.u32 v16, v21;
	v19 =	vld [tilespmem:s29+$0xFFFFFFE0];
	_ =	sdelay $0x4  }
0x18e: {  	[tilespmem:v20+s21+$0x0] =	vst.idx.msk $0xffff, v19  }
0x18f: {  	v20 =	vor.u32 v17, v21;
	v19 =	vld [tilespmem:s29+$0xFFFFFFF0];
	_ =	sdelay $0x4  }
0x190: {  	[tilespmem:v20+s21+$0x0] =	vst.idx.msk $0xffff, v19  }
0x191: {  	v21 =	vor.u32 v18, v21;
	v20 =	vld [tilespmem:s29+$0x0]  }
0x192: {  	s1 =	simm.s32 $0x2  }
0x193: {  	s0 =	simm.s32 $0x4;
	v19 =	vmov s1  }
.LBB2_7:
0x194: {  	p0 =	slt.u32 s0, $0x3E;
	v19 =	vand.u32 $0x3E, v19  }
0x195: {  	v19 =	vbroadcast v19, $0x0  }
0x196: {  	s30 =	sadd.s32 $0x100, s30;
	[tilespmem:v21+s21+$0x0] =	vst.idx.msk $0xffff, v20  }
0x197: {  	v20 =	vld [tilespmem:s30+$0xFFFFFF80];
	v21 =	vor.u32 v0, v19;
	_ =	sdelay $0x4  }
0x198: {  	[tilespmem:v21+s21+$0x0] =	vst.idx.msk $0xffff, v20  }
0x199: {  	v21 =	vor.u32 v1, v19;
	v20 =	vld [tilespmem:s30+$0xFFFFFF90];
	_ =	sdelay $0x4  }
0x19a: {  	[tilespmem:v21+s21+$0x0] =	vst.idx.msk $0xffff, v20  }
0x19b: {  	v21 =	vor.u32 v2, v19;
	v20 =	vld [tilespmem:s30+$0xFFFFFFA0];
	_ =	sdelay $0x4  }
0x19c: {  	[tilespmem:v21+s21+$0x0] =	vst.idx.msk $0xffff, v20  }
0x19d: {  	v21 =	vor.u32 v3, v19;
	v20 =	vld [tilespmem:s30+$0xFFFFFFB0];
	_ =	sdelay $0x4  }
0x19e: {  	[tilespmem:v21+s21+$0x0] =	vst.idx.msk $0xffff, v20  }
0x19f: {  	v21 =	vor.u32 v4, v19;
	v20 =	vld [tilespmem:s30+$0xFFFFFFC0];
	_ =	sdelay $0x4  }
0x1a0: {  	[tilespmem:v21+s21+$0x0] =	vst.idx.msk $0xffff, v20  }
0x1a1: {  	v21 =	vor.u32 v5, v19;
	v20 =	vld [tilespmem:s30+$0xFFFFFFD0];
	_ =	sdelay $0x4  }
0x1a2: {  	[tilespmem:v21+s21+$0x0] =	vst.idx.msk $0xffff, v20  }
0x1a3: {  	v21 =	vor.u32 v6, v19;
	v20 =	vld [tilespmem:s30+$0xFFFFFFE0];
	_ =	sdelay $0x4  }
0x1a4: {  	[tilespmem:v21+s21+$0x0] =	vst.idx.msk $0xffff, v20  }
0x1a5: {  	v21 =	vor.u32 v7, v19;
	v20 =	vld [tilespmem:s30+$0xFFFFFFF0];
	_ =	sdelay $0x4  }
0x1a6: {  	s28 =	sadd.s32 $0x100, s28;
	[tilespmem:v21+s21+$0x0] =	vst.idx.msk $0xffff, v20  }
0x1a7: {  	v21 =	vor.u32 v8, v19;
	v20 =	vld [tilespmem:s28+$0xFFFFFF80];
	_ =	sdelay $0x4  }
0x1a8: {  	[tilespmem:v21+s21+$0x0] =	vst.idx.msk $0xffff, v20  }
0x1a9: {  	v21 =	vor.u32 v9, v19;
	v20 =	vld [tilespmem:s28+$0xFFFFFF90];
	_ =	sdelay $0x4  }
0x1aa: {  	[tilespmem:v21+s21+$0x0] =	vst.idx.msk $0xffff, v20  }
0x1ab: {  	v21 =	vor.u32 v10, v19;
	v20 =	vld [tilespmem:s28+$0xFFFFFFA0];
	_ =	sdelay $0x4  }
0x1ac: {  	[tilespmem:v21+s21+$0x0] =	vst.idx.msk $0xffff, v20  }
0x1ad: {  	v21 =	vor.u32 v11, v19;
	v20 =	vld [tilespmem:s28+$0xFFFFFFB0];
	_ =	sdelay $0x4  }
0x1ae: {  	[tilespmem:v21+s21+$0x0] =	vst.idx.msk $0xffff, v20  }
0x1af: {  	v21 =	vor.u32 v12, v19;
	v20 =	vld [tilespmem:s28+$0xFFFFFFC0];
	_ =	sdelay $0x4  }
0x1b0: {  	[tilespmem:v21+s21+$0x0] =	vst.idx.msk $0xffff, v20  }
0x1b1: {  	v21 =	vor.u32 v13, v19;
	v20 =	vld [tilespmem:s28+$0xFFFFFFD0];
	_ =	sdelay $0x4  }
0x1b2: {  	[tilespmem:v21+s21+$0x0] =	vst.idx.msk $0xffff, v20  }
0x1b3: {  	v21 =	vor.u32 v14, v19;
	v20 =	vld [tilespmem:s28+$0xFFFFFFE0];
	_ =	sdelay $0x4  }
0x1b4: {  	[tilespmem:v21+s21+$0x0] =	vst.idx.msk $0xffff, v20  }
0x1b5: {  	v21 =	vor.u32 v15, v19;
	v20 =	vld [tilespmem:s28+$0xFFFFFFF0];
	_ =	sdelay $0x4  }
0x1b6: {  	s29 =	sadd.s32 $0x100, s29;
	[tilespmem:v21+s21+$0x0] =	vst.idx.msk $0xffff, v20  }
0x1b7: {  	v21 =	vor.u32 v16, v19;
	v20 =	vld [tilespmem:s29+$0xFFFFFF60];
	_ =	sdelay $0x4  }
0x1b8: {  	[tilespmem:v21+s21+$0x0] =	vst.idx.msk $0xffff, v20  }
0x1b9: {  	v21 =	vor.u32 v17, v19;
	v20 =	vld [tilespmem:s29+$0xFFFFFF70];
	_ =	sdelay $0x4  }
0x1ba: {  	[tilespmem:v21+s21+$0x0] =	vst.idx.msk $0xffff, v20  }
0x1bb: {  	v21 =	vor.u32 v18, v19;
	v20 =	vld [tilespmem:s29+$0xFFFFFF80]  }
0x1bc: {  	s11 =	sadd.s32 $0x1, s1;
	s1 =	smov.u32 s0  }
0x1bd: {  	v19 =	vmov s11  }
0x1be: {  	v19 =	vand.u32 $0x3F, v19  }
0x1bf: {  	v19 =	vbroadcast v19, $0x0  }
0x1c0: {  	[tilespmem:v21+s21+$0x0] =	vst.idx.msk $0xffff, v20  }
0x1c1: {  	v21 =	vor.u32 v0, v19;
	v20 =	vld [tilespmem:s30+$0x0];
	_ =	sdelay $0x4  }
0x1c2: {  	[tilespmem:v21+s21+$0x0] =	vst.idx.msk $0xffff, v20  }
0x1c3: {  	v21 =	vor.u32 v1, v19;
	v20 =	vld [tilespmem:s30+$0x10];
	_ =	sdelay $0x4  }
0x1c4: {  	[tilespmem:v21+s21+$0x0] =	vst.idx.msk $0xffff, v20  }
0x1c5: {  	v21 =	vor.u32 v2, v19;
	v20 =	vld [tilespmem:s30+$0x20];
	_ =	sdelay $0x4  }
0x1c6: {  	[tilespmem:v21+s21+$0x0] =	vst.idx.msk $0xffff, v20  }
0x1c7: {  	v21 =	vor.u32 v3, v19;
	v20 =	vld [tilespmem:s30+$0x30];
	_ =	sdelay $0x4  }
0x1c8: {  	[tilespmem:v21+s21+$0x0] =	vst.idx.msk $0xffff, v20  }
0x1c9: {  	v21 =	vor.u32 v4, v19;
	v20 =	vld [tilespmem:s30+$0x40];
	_ =	sdelay $0x4  }
0x1ca: {  	[tilespmem:v21+s21+$0x0] =	vst.idx.msk $0xffff, v20  }
0x1cb: {  	v21 =	vor.u32 v5, v19;
	v20 =	vld [tilespmem:s30+$0x50];
	_ =	sdelay $0x4  }
0x1cc: {  	[tilespmem:v21+s21+$0x0] =	vst.idx.msk $0xffff, v20  }
0x1cd: {  	v21 =	vor.u32 v6, v19;
	v20 =	vld [tilespmem:s30+$0x60];
	_ =	sdelay $0x4  }
0x1ce: {  	[tilespmem:v21+s21+$0x0] =	vst.idx.msk $0xffff, v20  }
0x1cf: {  	v21 =	vor.u32 v7, v19;
	v20 =	vld [tilespmem:s30+$0x70];
	_ =	sdelay $0x4  }
0x1d0: {  	[tilespmem:v21+s21+$0x0] =	vst.idx.msk $0xffff, v20  }
0x1d1: {  	v21 =	vor.u32 v8, v19;
	v20 =	vld [tilespmem:s28+$0x0];
	_ =	sdelay $0x4  }
0x1d2: {  	[tilespmem:v21+s21+$0x0] =	vst.idx.msk $0xffff, v20  }
0x1d3: {  	v21 =	vor.u32 v9, v19;
	v20 =	vld [tilespmem:s28+$0x10];
	_ =	sdelay $0x4  }
0x1d4: {  	[tilespmem:v21+s21+$0x0] =	vst.idx.msk $0xffff, v20  }
0x1d5: {  	v21 =	vor.u32 v10, v19;
	v20 =	vld [tilespmem:s28+$0x20];
	_ =	sdelay $0x4  }
0x1d6: {  	[tilespmem:v21+s21+$0x0] =	vst.idx.msk $0xffff, v20  }
0x1d7: {  	v21 =	vor.u32 v11, v19;
	v20 =	vld [tilespmem:s28+$0x30];
	_ =	sdelay $0x4  }
0x1d8: {  	[tilespmem:v21+s21+$0x0] =	vst.idx.msk $0xffff, v20  }
0x1d9: {  	v21 =	vor.u32 v12, v19;
	v20 =	vld [tilespmem:s28+$0x40];
	_ =	sdelay $0x4  }
0x1da: {  	[tilespmem:v21+s21+$0x0] =	vst.idx.msk $0xffff, v20  }
0x1db: {  	v21 =	vor.u32 v13, v19;
	v20 =	vld [tilespmem:s28+$0x50];
	_ =	sdelay $0x4  }
0x1dc: {  	[tilespmem:v21+s21+$0x0] =	vst.idx.msk $0xffff, v20  }
0x1dd: {  	v21 =	vor.u32 v14, v19;
	v20 =	vld [tilespmem:s28+$0x60];
	_ =	sdelay $0x4  }
0x1de: {  	[tilespmem:v21+s21+$0x0] =	vst.idx.msk $0xffff, v20  }
0x1df: {  	v21 =	vor.u32 v15, v19;
	v20 =	vld [tilespmem:s28+$0x70];
	_ =	sdelay $0x4  }
0x1e0: {  	[tilespmem:v21+s21+$0x0] =	vst.idx.msk $0xffff, v20  }
0x1e1: {  	v21 =	vor.u32 v16, v19;
	v20 =	vld [tilespmem:s29+$0xFFFFFFE0];
	_ =	sdelay $0x4  }
0x1e2: {  	[tilespmem:v21+s21+$0x0] =	vst.idx.msk $0xffff, v20  }
0x1e3: {  	v21 =	vor.u32 v17, v19;
	v20 =	vld [tilespmem:s29+$0xFFFFFFF0];
	_ =	sdelay $0x3  }
.Ltmp2:
0x1e4: {  	(pc) =	sbr.rel @p0 .LBB2_7-.Ltmp2, $3  }
0x1e5: {  	[tilespmem:v21+s21+$0x0] =	vst.idx.msk $0xffff, v20  }
0x1e6: {  	v21 =	vor.u32 v18, v19;
	v20 =	vld [tilespmem:s29+$0x0];
	_ =	sdelay $0x1  }
0x1e7: {  	s0 =	sadd.s32 $0x2, s0;
	v19 =	vmov s1  }
0x1e8: {  	_ =	sdelay $0x1  }
0x1e9: {  	v19 =	vand.u32 $0x3E, v19  }
0x1ea: {  	v19 =	vbroadcast v19, $0x0  }
0x1eb: {  	s0 =	sadd.s32 $0x100, s30;
	[tilespmem:v21+s21+$0x0] =	vst.idx.msk $0xffff, v20  }
0x1ec: {  	v20 =	vld [tilespmem:s0+$0xFFFFFF80];
	v45 =	vor.u32 v0, v19;
	_ =	sdelay $0x4  }
0x1ed: {  	[tilespmem:v45+s21+$0x0] =	vst.idx.msk $0xffff, v20  }
0x1ee: {  	v46 =	vor.u32 v1, v19;
	v20 =	vld [tilespmem:s0+$0xFFFFFF90];
	_ =	sdelay $0x4  }
0x1ef: {  	[tilespmem:v46+s21+$0x0] =	vst.idx.msk $0xffff, v20  }
0x1f0: {  	v47 =	vor.u32 v2, v19;
	v20 =	vld [tilespmem:s0+$0xFFFFFFA0];
	_ =	sdelay $0x4  }
0x1f1: {  	[tilespmem:v47+s21+$0x0] =	vst.idx.msk $0xffff, v20  }
0x1f2: {  	v48 =	vor.u32 v3, v19;
	v20 =	vld [tilespmem:s0+$0xFFFFFFB0];
	_ =	sdelay $0x4  }
0x1f3: {  	[tilespmem:v48+s21+$0x0] =	vst.idx.msk $0xffff, v20  }
0x1f4: {  	v49 =	vor.u32 v4, v19;
	v20 =	vld [tilespmem:s0+$0xFFFFFFC0];
	_ =	sdelay $0x4  }
0x1f5: {  	[tilespmem:v49+s21+$0x0] =	vst.idx.msk $0xffff, v20  }
0x1f6: {  	v50 =	vor.u32 v5, v19;
	v20 =	vld [tilespmem:s0+$0xFFFFFFD0];
	_ =	sdelay $0x4  }
0x1f7: {  	[tilespmem:v50+s21+$0x0] =	vst.idx.msk $0xffff, v20  }
0x1f8: {  	v51 =	vor.u32 v6, v19;
	v20 =	vld [tilespmem:s0+$0xFFFFFFE0];
	_ =	sdelay $0x4  }
0x1f9: {  	[tilespmem:v51+s21+$0x0] =	vst.idx.msk $0xffff, v20  }
0x1fa: {  	v52 =	vor.u32 v7, v19;
	v20 =	vld [tilespmem:s0+$0xFFFFFFF0];
	_ =	sdelay $0x4  }
0x1fb: {  	s28 =	sadd.s32 $0x100, s28;
	[tilespmem:v52+s21+$0x0] =	vst.idx.msk $0xffff, v20  }
0x1fc: {  	v53 =	vor.u32 v8, v19;
	v20 =	vld [tilespmem:s28+$0xFFFFFF80];
	_ =	sdelay $0x4  }
0x1fd: {  	[tilespmem:v53+s21+$0x0] =	vst.idx.msk $0xffff, v20  }
0x1fe: {  	v54 =	vor.u32 v9, v19;
	v20 =	vld [tilespmem:s28+$0xFFFFFF90];
	_ =	sdelay $0x4  }
0x1ff: {  	[tilespmem:v54+s21+$0x0] =	vst.idx.msk $0xffff, v20  }
0x200: {  	v55 =	vor.u32 v10, v19;
	v20 =	vld [tilespmem:s28+$0xFFFFFFA0];
	_ =	sdelay $0x4  }
0x201: {  	[tilespmem:v55+s21+$0x0] =	vst.idx.msk $0xffff, v20  }
0x202: {  	v56 =	vor.u32 v11, v19;
	v20 =	vld [tilespmem:s28+$0xFFFFFFB0];
	_ =	sdelay $0x4  }
0x203: {  	[tilespmem:v56+s21+$0x0] =	vst.idx.msk $0xffff, v20  }
0x204: {  	v57 =	vor.u32 v12, v19;
	v20 =	vld [tilespmem:s28+$0xFFFFFFC0];
	_ =	sdelay $0x4  }
0x205: {  	[tilespmem:v57+s21+$0x0] =	vst.idx.msk $0xffff, v20  }
0x206: {  	v58 =	vor.u32 v13, v19;
	v20 =	vld [tilespmem:s28+$0xFFFFFFD0];
	_ =	sdelay $0x4  }
0x207: {  	[tilespmem:v58+s21+$0x0] =	vst.idx.msk $0xffff, v20  }
0x208: {  	v59 =	vor.u32 v14, v19;
	v20 =	vld [tilespmem:s28+$0xFFFFFFE0];
	_ =	sdelay $0x4  }
0x209: {  	[tilespmem:v59+s21+$0x0] =	vst.idx.msk $0xffff, v20  }
0x20a: {  	v60 =	vor.u32 v15, v19;
	v20 =	vld [tilespmem:s28+$0xFFFFFFF0];
	_ =	sdelay $0x4  }
0x20b: {  	s29 =	sadd.s32 $0x100, s29;
	[tilespmem:v60+s21+$0x0] =	vst.idx.msk $0xffff, v20  }
0x20c: {  	v61 =	vor.u32 v16, v19;
	v20 =	vld [tilespmem:s29+$0xFFFFFF60];
	_ =	sdelay $0x4  }
0x20d: {  	[tilespmem:v61+s21+$0x0] =	vst.idx.msk $0xffff, v20  }
0x20e: {  	v62 =	vor.u32 v17, v19;
	v20 =	vld [tilespmem:s29+$0xFFFFFF70];
	_ =	sdelay $0x4  }
0x20f: {  	[tilespmem:v62+s21+$0x0] =	vst.idx.msk $0xffff, v20  }
0x210: {  	v19 =	vor.u32 v18, v19;
	v20 =	vld [tilespmem:s29+$0xFFFFFF80]  }
0x211: {  	s1 =	sadd.s32 $0x1, s1  }
0x212: {  	v63 =	vmov s1  }
0x213: {  	v21 =	vand.u32 $0x3F, v63  }
0x214: {  	v21 =	vbroadcast v21, $0x0  }
0x215: {  	[tilespmem:v19+s21+$0x0] =	vst.idx.msk $0xffff, v20  }
0x216: {  	v20 =	vor.u32 v0, v21;
	v19 =	vld [tilespmem:s0+$0x0];
	_ =	sdelay $0x4  }
0x217: {  	[tilespmem:v20+s21+$0x0] =	vst.idx.msk $0xffff, v19  }
0x218: {  	v20 =	vor.u32 v1, v21;
	v19 =	vld [tilespmem:s0+$0x10];
	_ =	sdelay $0x4  }
0x219: {  	[tilespmem:v20+s21+$0x0] =	vst.idx.msk $0xffff, v19  }
0x21a: {  	v20 =	vor.u32 v2, v21;
	v19 =	vld [tilespmem:s0+$0x20];
	_ =	sdelay $0x4  }
0x21b: {  	[tilespmem:v20+s21+$0x0] =	vst.idx.msk $0xffff, v19  }
0x21c: {  	v20 =	vor.u32 v3, v21;
	v19 =	vld [tilespmem:s0+$0x30];
	_ =	sdelay $0x4  }
0x21d: {  	[tilespmem:v20+s21+$0x0] =	vst.idx.msk $0xffff, v19  }
0x21e: {  	v20 =	vor.u32 v4, v21;
	v19 =	vld [tilespmem:s0+$0x40];
	_ =	sdelay $0x4  }
0x21f: {  	[tilespmem:v20+s21+$0x0] =	vst.idx.msk $0xffff, v19  }
0x220: {  	v20 =	vor.u32 v5, v21;
	v19 =	vld [tilespmem:s0+$0x50];
	_ =	sdelay $0x4  }
0x221: {  	[tilespmem:v20+s21+$0x0] =	vst.idx.msk $0xffff, v19  }
0x222: {  	v20 =	vor.u32 v6, v21;
	v19 =	vld [tilespmem:s0+$0x60];
	_ =	sdelay $0x4  }
0x223: {  	[tilespmem:v20+s21+$0x0] =	vst.idx.msk $0xffff, v19  }
0x224: {  	v20 =	vor.u32 v7, v21;
	v19 =	vld [tilespmem:s0+$0x70];
	_ =	sdelay $0x4  }
0x225: {  	[tilespmem:v20+s21+$0x0] =	vst.idx.msk $0xffff, v19  }
0x226: {  	v20 =	vor.u32 v8, v21;
	v19 =	vld [tilespmem:s28+$0x0];
	_ =	sdelay $0x4  }
0x227: {  	[tilespmem:v20+s21+$0x0] =	vst.idx.msk $0xffff, v19  }
0x228: {  	v20 =	vor.u32 v9, v21;
	v19 =	vld [tilespmem:s28+$0x10];
	_ =	sdelay $0x4  }
0x229: {  	[tilespmem:v20+s21+$0x0] =	vst.idx.msk $0xffff, v19  }
0x22a: {  	v20 =	vor.u32 v10, v21;
	v19 =	vld [tilespmem:s28+$0x20];
	_ =	sdelay $0x4  }
0x22b: {  	[tilespmem:v20+s21+$0x0] =	vst.idx.msk $0xffff, v19  }
0x22c: {  	v20 =	vor.u32 v11, v21;
	v19 =	vld [tilespmem:s28+$0x30];
	_ =	sdelay $0x4  }
0x22d: {  	[tilespmem:v20+s21+$0x0] =	vst.idx.msk $0xffff, v19  }
0x22e: {  	v20 =	vor.u32 v12, v21;
	v19 =	vld [tilespmem:s28+$0x40];
	_ =	sdelay $0x4  }
0x22f: {  	[tilespmem:v20+s21+$0x0] =	vst.idx.msk $0xffff, v19  }
0x230: {  	v20 =	vor.u32 v13, v21;
	v19 =	vld [tilespmem:s28+$0x50];
	_ =	sdelay $0x4  }
0x231: {  	[tilespmem:v20+s21+$0x0] =	vst.idx.msk $0xffff, v19  }
0x232: {  	v20 =	vor.u32 v14, v21;
	v19 =	vld [tilespmem:s28+$0x60];
	_ =	sdelay $0x4  }
0x233: {  	[tilespmem:v20+s21+$0x0] =	vst.idx.msk $0xffff, v19  }
0x234: {  	v20 =	vor.u32 v15, v21;
	v19 =	vld [tilespmem:s28+$0x70];
	_ =	sdelay $0x4  }
0x235: {  	[tilespmem:v20+s21+$0x0] =	vst.idx.msk $0xffff, v19  }
0x236: {  	v20 =	vor.u32 v16, v21;
	v19 =	vld [tilespmem:s29+$0xFFFFFFE0];
	_ =	sdelay $0x4  }
0x237: {  	[tilespmem:v20+s21+$0x0] =	vst.idx.msk $0xffff, v19  }
0x238: {  	v20 =	vor.u32 v17, v21;
	v19 =	vld [tilespmem:s29+$0xFFFFFFF0];
	_ =	sdelay $0x4  }
0x239: {  	s28 =	sadd.s32 s6, s26;
	[tilespmem:v20+s21+$0x0] =	vst.idx.msk $0xffff, v19  }
0x23a: {  	s30 =	sshrl.u32 s28, $0x6;
	v20 =	vor.u32 v18, v21;
	v19 =	vld [tilespmem:s29+$0x0]  }
0x23b: {  	s0 =	sshll.u32 s28, $0x9;
	s1 =	smul.u32 $0x130000, s30  }
0x23c: {  	s0 =	sand.u32 $0x7C00, s0  }
0x23d: {  	s0 =	sor.u32 s0, s1  }
0x23e: {  	s0 =	sshrl.u32 s0, $0x3  }
0x23f: {  	s31 =	simm.s32 $0x15700;
	s1 =	simm.s32 $0x800;
	s0 =	sadd.s32 s0, s7;
	[tilespmem:v20+s21+$0x0] =	vst.idx.msk $0xffff, v19  }
0x240: {  	[hbm4b:s0+s10] =	stream.strided.scatter [tilespmem:s31], [sflag:$0x4], $0x200, s13, s10, $0x38;
	[tilespmem:$0x1A300] =	vst v63  }
.LBB2_9:
0x241: {  	p0 =	sne.s32 s1, $0x12800  }
.Ltmp3:
0x242: {  	_ = 	snop;
	(pc) =	sbr.rel @p0 .LBB2_9-.Ltmp3, $4  }
0x243: {  	_ = 	snop  }
0x244: {  	s11 =	sshra.s32 s1, $0x2;
	s1 =	sadd.s32 $0x800, s1  }
0x245: {  	s0 =	sadd.s32 $0x1000, s0;
	s11 =	sadd.s32 $0x15700, s11  }
0x246: {  	[hbm4b:s0+s10] =	stream.strided.scatter [tilespmem:s11], [sflag:$0x4], $0x200, s13, s10, $0x38;
	[tilespmem:$0x1A300] =	vst v63  }
0x247: {  	s25 =	sadd.s32 $0x1, s25  }
0x248: {  	p0 =	sne.s32 s25, $0x32  }
.Ltmp4:
0x249: {  	_ = 	snop;
	(pc) =	sbr.rel @p0 .LBB2_2-.Ltmp4, $1  }
0x24a: {  	_ =	sdelay $0x3  }
0x24b: {  	s24 =	sadd.s32 $0x1, s24  }
0x24c: {  	_ =	swait.ge [sflag:s22], $0x4C00;
	p0 =	sne.s32 s24, s8  }
.Ltmp5:
0x24d: {  	[sflag:s22] =	ssyncset.done $0x0;
	(pc) =	sbr.rel @p0 .LBB2_1-.Ltmp5, $4  }
0x24e: {  	[sflag:s22] =	ssyncadd.s32 $0xFFFFB400  }
0x24f: {  	_ =	swait.ge [sflag:s23], $0x4C00  }
0x250: {  	[sflag:s23] =	ssyncset.done $0x0  }
0x251: {  	[sflag:s23] =	ssyncadd.s32 $0xFFFFB400  }
0x252: {  	_ =	sfence.sel $0x180000  }
0x253: {  	[bflag:$0x0] =	sbarrier.arrive $0xFFFF  }
0x254: {  	_ =	strace $0x90000050  }
0x255: {  	s0 =	stileid.u32;
	[bflag:$0x2] =	sbarrier.arrive $0xFFFF  }
0x256: {  	p0 =	sne.s32 s0, $0x0;
	s0 =	rddreg [dreg:$0x2]  }
0x257: {  	s0 =	sadd.s32 @!p0 $0x100000, s0  }
0x258: {  	[sflag:s0] =	ssyncadd.tile.s32 @!p0 $0x1;
	_ =	shalt  }
.Lfunc_end2:
_tile_overlayer_lowered:
.L_overlay_start_2:
0x259: {  	(tag) =	ssettag $0x2  }
0x25a: {  	s0 =	rddreg [dreg:$0x0];
	s2 =	stileid.u32  }
0x25b: {  	s1 =	rddreg [dreg:$0x1];
	p0 =	sne.s32 s2, $0x0  }
0x25c: {  	s3 =	rddreg [dreg:$0x2];
	[bflag:$0x3] =	sbarrier.arrive $0xFFFF;
	s2 =	simm.s32 @!p0 $0x1C05  }
0x25d: {  	[timem:s3], [sflag:s2] =	dma.local @!p0 [hbm:s0], s1  }
0x25e: {  	s0 =	simm.s32 @!p0 $0x5  }
0x25f: {  	_ =	swait.ge @!p0 [sflag:s0], s1  }
0x260: {  	s1 =	ssub.s32 @!p0 $0x0, s1;
	[sflag:s0] =	ssyncset.done @!p0 $0x0  }
0x261: {  	[sflag:s0] =	ssyncadd.s32 @!p0 s1  }
0x262: {  	[bflag:$0x3] =	sbarrier.arrive $0xFFFF  }
0x263: {  	_ =	shalt  }

// kernel: kernel.8.cloned.1.call-start
scs
__scs_entry_jumppad:
0x0: {  	(pc) =	sbr.rel $0x88, $3  }
0x1: {  	(tag) =	ssettag $0x0;
	lr =	simm.s32 $0x1  }
0x2: {  	[smem:$0x3F9F] =	sst lr;
	_ =	strace $0xD0000000  }
0x3: {  	_ = 	snop  }
0x4: {  	_ = 	snop  }
0x5: {  	_ = 	snop  }
0x6: {  	_ = 	snop  }
0x7: {  	_ = 	snop  }
__scs_overlays_trampoline_lowered:
0x8: {  	[smem:$0x3FAE] =	sst s0  }
0x9: {  	[smem:$0x3FAF] =	sst s1  }
0xa: {  	[smem:$0x3FB0] =	sst s2  }
0xb: {  	[smem:$0x3FB1] =	sst s3  }
0xc: {  	[smem:$0x3FB2] =	sst s4  }
0xd: {  	[smem:$0x3FB3] =	sst s5  }
0xe: {  	[smem:$0x3FB4] =	sst s6  }
0xf: {  	[smem:$0x3FB5] =	sst s7  }
0x10: {  	[smem:$0x3FB6] =	sst s8  }
0x11: {  	[smem:$0x3FB7] =	sst s9;
	s0 =	simm.s32 @!p0 $0x0  }
0x12: {  	s1 =	sld [smem:$0x3F9D];
	s0 =	simm.s32 @p0 $0x1  }
0x13: {  	[smem:$0x3FB8] =	sst s0;
	s0 =	simm.s32 @!p1 $0x0  }
0x14: {  	s2 =	sld [smem:$0x3F9C];
	s0 =	simm.s32 @p1 $0x1  }
0x15: {  	[smem:$0x3FB9] =	sst s0;
	s0 =	simm.s32 @!p2 $0x0  }
0x16: {  	s3 =	sld [smem:$0x3FDB];
	s0 =	simm.s32 @p2 $0x1  }
0x17: {  	s4 =	simm.s32 $0x1BF5;
	[smem:$0x3FBB] =	sst s0  }
0x18: {  	s0 =	sld [smem:$0x3F9E];
	_ =	swait.ge [sflag:s4], $0x0  }
0x19: {  	s7 =	sld [smem:$0x3F9F]  }
0x1a: {  	s8 =	sadd.s32 $0xFFFFE003, lr  }
0x1b: {  	s9 =	sadd.s32 $0xFFFFFEF7, lr;
	s5 =	simm.s32 $0xFFFFFFFF;
	p2 =	slt.u32 s8, $0xFFFFF086  }
0x1c: {  	p1 =	slt.u32 s9, $0xF7A;
	s5 =	simm.s32 @!p2 $0x0  }
0x1d: {  	s5 =	simm.s32 @p1 $0x1;
	p0 =	seq.s32 s7, s2  }
0x1e: {  	s7 =	smul.u32 @!p0 $0xF7A, s2;
	p2 =	seq.s32 @!p0 s5, $0x0  }
0x1f: {  	s9 =	smul.u32 $0xF7A, s1;
	s8 =	simm.s32 @!p0 $0x1BF5;
	p2 =	por !p2, p0  }
0x20: {  	[sflag:s8] =	ssyncset.s32 @!p0 $0xFFFFF086;
	s6 =	sadd.s32 @!p0 s3, s7;
	s7 =	simm.s32 @!p0 $0x108  }
0x21: {  	s3 =	sadd.s32 s3, s9;
	s6 =	sadd.s32 @!p0 $0x88, s6;
	s7 =	simm.s32 @p2 $0x1082  }
0x22: {  	[simem:s7], [sflag:s8] =	dma.local @!p0 [hbm:s6], $0xF7A  }
0x23: {  	s9 =	sor.u32 $0xD0000000, s2;
	s6 =	simm.s32 $0x108;
	_ =	swait.ge @!p0 [sflag:s8], $0x0  }
0x24: {  	s3 =	sadd.s32 $0x88, s3;
	s6 =	simm.s32 @!p1 $0x1082;
	[sflag:s4] =	ssyncset.s32 $0xFFFFF086  }
0x25: {  	[simem:s6], [sflag:s4] =	dma.local [hbm:s3], $0xF7A  }
0x26: {  	[smem:$0x3F9F] =	sst s1;
	(tag) =	ssettag s2;
	_ =	strace s9  }
0x27: {  	s1 =	sld [smem:$0x3FAF]  }
0x28: {  	s2 =	sld [smem:$0x3FB0]  }
0x29: {  	s4 =	sld [smem:$0x3FB2]  }
0x2a: {  	p0 =	seq.s32 s5, $0x0;
	s5 =	sld [smem:$0x3FB3]  }
0x2b: {  	s6 =	sld [smem:$0x3FB4]  }
0x2c: {  	s7 =	sld [smem:$0x3FB5]  }
0x2d: {  	s3 =	simm.s32 $0x108;
	s8 =	sld [smem:$0x3FB6]  }
0x2e: {  	s3 =	simm.s32 @!p0 $0x1082;
	s9 =	sld [smem:$0x3FB7]  }
0x2f: {  	lr =	sadd.s32 s0, s3;
	s0 =	sld [smem:$0x3FAE]  }
0x30: {  	s3 =	sld [smem:$0x3FB1]  }
0x31: {  	[smem:$0x3FBA] =	sst s10  }
0x32: {  	s10 =	sld [smem:$0x3FB8];
	_ =	sdelay $0x3  }
0x33: {  	p0 =	seq.s32 s10, $0x1;
	s10 =	sld [smem:$0x3FBA];
	_ =	sdelay $0x3  }
0x34: {  	[smem:$0x3FBA] =	sst s10  }
0x35: {  	s10 =	sld [smem:$0x3FB9];
	_ =	sdelay $0x3  }
0x36: {  	p1 =	seq.s32 s10, $0x1;
	s10 =	sld [smem:$0x3FBA];
	_ =	sdelay $0x3  }
0x37: {  	[smem:$0x3FBA] =	sst s10  }
0x38: {  	s10 =	sld [smem:$0x3FBB]  }
0x39: {  	_ = 	snop;
	(pc) =	sbr.ind lr, $3  }
0x3a: {  	_ = 	snop  }
0x3b: {  	_ = 	snop  }
0x3c: {  	p2 =	seq.s32 s10, $0x1;
	s10 =	sld [smem:$0x3FBA]  }
0x3d: {  	_ =	shalt  }
0x3e: {  	_ =	shalt  }
0x3f: {  	_ =	shalt  }
0x40: {  	_ =	shalt  }
0x41: {  	_ =	shalt  }
0x42: {  	_ =	shalt  }
0x43: {  	_ =	shalt  }
0x44: {  	_ =	shalt  }
0x45: {  	_ =	shalt  }
0x46: {  	_ =	shalt  }
0x47: {  	_ =	shalt  }
0x48: {  	_ =	shalt  }
0x49: {  	_ =	shalt  }
0x4a: {  	_ =	shalt  }
0x4b: {  	_ =	shalt  }
0x4c: {  	_ =	shalt  }
0x4d: {  	_ =	shalt  }
0x4e: {  	_ =	shalt  }
0x4f: {  	_ =	shalt  }
0x50: {  	_ =	shalt  }
0x51: {  	_ =	shalt  }
0x52: {  	_ =	shalt  }
0x53: {  	_ =	shalt  }
0x54: {  	_ =	shalt  }
0x55: {  	_ =	shalt  }
0x56: {  	_ =	shalt  }
0x57: {  	_ =	shalt  }
0x58: {  	_ =	shalt  }
0x59: {  	_ =	shalt  }
0x5a: {  	_ =	shalt  }
0x5b: {  	_ =	shalt  }
0x5c: {  	_ =	shalt  }
0x5d: {  	_ =	shalt  }
0x5e: {  	_ =	shalt  }
0x5f: {  	_ =	shalt  }
0x60: {  	_ =	shalt  }
0x61: {  	_ =	shalt  }
0x62: {  	_ =	shalt  }
0x63: {  	_ =	shalt  }
0x64: {  	_ =	shalt  }
0x65: {  	_ =	shalt  }
0x66: {  	_ =	shalt  }
0x67: {  	_ =	shalt  }
0x68: {  	_ =	shalt  }
0x69: {  	_ =	shalt  }
0x6a: {  	_ =	shalt  }
0x6b: {  	_ =	shalt  }
0x6c: {  	_ =	shalt  }
0x6d: {  	_ =	shalt  }
0x6e: {  	_ =	shalt  }
0x6f: {  	_ =	shalt  }
0x70: {  	_ =	shalt  }
0x71: {  	_ =	shalt  }
0x72: {  	_ =	shalt  }
0x73: {  	_ =	shalt  }
0x74: {  	_ =	shalt  }
0x75: {  	_ =	shalt  }
0x76: {  	_ =	shalt  }
0x77: {  	_ =	shalt  }
0x78: {  	_ =	shalt  }
0x79: {  	_ =	shalt  }
0x7a: {  	_ =	shalt  }
0x7b: {  	_ =	shalt  }
0x7c: {  	_ =	shalt  }
0x7d: {  	_ =	shalt  }
0x7e: {  	_ =	shalt  }
0x7f: {  	_ =	shalt  }
0x80: {  	_ =	shalt  }
0x81: {  	_ =	shalt  }
0x82: {  	_ =	shalt  }
0x83: {  	_ =	shalt  }
0x84: {  	_ =	shalt  }
0x85: {  	_ =	shalt  }
0x86: {  	_ =	shalt  }
0x87: {  	_ =	shalt  }
.Lfunc_end0:
.L_simem_size_0:
called_computation.2_lowered:
.L_overlay_start_0:
0x88: {  	s2 =	sld [smem:$0x3FD9]  }
0x89: {  	s3 =	sld [smem:$0x3FFE];
	_ =	sdelay $0x1  }
0x8a: {  	s1 =	srdreg.scid  }
0x8b: {  	s0 =	sand.u32 $0x1, s1  }
0x8c: {  	s15 =	sshll.u32 s0, $0xA;
	s2 =	sadd.s32 s3, s2  }
0x8d: {  	s2 =	sadd.s32 s2, s15  }
0x8e: {  	[smem:$0x3FC6] =	sst s2  }
0x8f: {  	_ = 	snop  }
0x90: {  	s2 =	sld [smem:$0x3FD0];
	_ =	sdelay $0x2  }
0x91: {  	s16 =	simm.s32 $0xC;
	s4 =	simm.s32 $0x10  }
0x92: {  	[smem:s4], [sflag:s16] =	dma.local [hbm:s2], $0x1  }
0x93: {  	_ =	swait.eq [sflag:s16], $0x1  }
0x94: {  	[sflag:s16] =	ssyncset.done $0x0  }
0x95: {  	[sflag:s16] =	ssyncadd.s32 $0xFFFFFFFF  }
0x96: {  	s17 =	sld [smem:$0x11];
	(tm) =	ssettm $0x1  }
0x97: {  	s18 =	sld [smem:$0x3FFB];
	_ =	sdelay $0x3  }
0x98: {  	_ =	strace s18  }
0x99: {  	s2 =	sld [smem:$0x3FFC];
	_ =	sdelay $0x3  }
0x9a: {  	_ =	strace s2  }
0x9b: {  	s2 =	sld [smem:$0x3FFD];
	_ =	sdelay $0x3  }
0x9c: {  	_ =	strace s2  }
0x9d: {  	_ =	strace $0x8FFFFFFF  }
0x9e: {  	s19 =	sld [smem:$0x3FDB];
	_ =	sdelay $0x1  }
0x9f: {  	s20 =	simm.s32 $_scs_section_size  }
0xa0: {  	s5 =	simm.s32 $_size__tile_overlayer_lowered;
	s6 =	simm.s32 $_tile_overlayer_lowered  }
0xa1: {  	s7 =	simm.s32 $0x1BFF;
	s21 =	sshll.u32 s6, $0x1;
	s4 =	sadd.s32 s20, s19  }
0xa2: {  	s22 =	simm.s32 $0x0;
	s5 =	sshll.u32 s5, $0x1;
	s6 =	sadd.s32 s21, s4  }
0xa3: {  	[timem:s22], [sflag:s7] =	dma.local [hbm:s6], s5  }
0xa4: {  	_ =	swait.ge [sflag:s7], s5  }
0xa5: {  	s5 =	ssub.s32 $0x0, s5;
	[sflag:s7] =	ssyncset.done $0x0  }
0xa6: {  	[sflag:s7] =	ssyncadd.s32 s5;
	_ =	sdelay $0x1  }
0xa7: {  	s23 =	simm.s32 $0x1B8B  }
0xa8: {  	_ =	swait.ge [sflag:s23], $0x1  }
0xa9: {  	[sflag:s23] =	ssyncset.done $0x0  }
0xaa: {  	[sflag:s23] =	ssyncadd.s32 $0xFFFFFFFF  }
0xab: {  	s5 =	sld [smem:$0x0]  }
0xac: {  	s6 =	sand.u32 $0xFFFFFFFE, s1  }
0xad: {  	p0 =	sne.s32 s1, s6  }
0xae: {  	s6 =	sshll.u32 @p0 s6, $0xE  }
0xaf: {  	s6 =	sadd.s32 @p0 $0x11B8D, s6;
	s7 =	sshll.u32 @p0 s5, $0x11  }
0xb0: {  	s6 =	sor.u32 @p0 s7, s6  }
0xb1: {  	[sflag:s6] =	ssyncadd.remote.s32 @p0 $0x1;
	_ =	sdelay $0x1  }
0xb2: {  	s6 =	simm.s32 @p0 $0x1B8D  }
0xb3: {  	_ =	swait.eq @p0 [sflag:s6], $0x1  }
0xb4: {  	[sflag:s6] =	ssyncadd.s32 @p0 $0xFFFFFFFF  }
0xb5: {  	s7 =	sshll.u32 @!p0 s1, $0xE  }
0xb6: {  	s7 =	sor.u32 @!p0 $0x4000, s7;
	s6 =	simm.s32 @!p0 $0x1B8D  }
0xb7: {  	s5 =	sshll.u32 @!p0 s5, $0x11;
	s7 =	sadd.s32 @!p0 $0x11B8D, s7;
	_ =	swait.eq @!p0 [sflag:s6], $0x1  }
0xb8: {  	s5 =	sor.u32 @!p0 s5, s7;
	[sflag:s6] =	ssyncadd.s32 @!p0 $0xFFFFFFFF  }
0xb9: {  	s25 =	simm.s32 $0x1B8E;
	s24 =	sld [smem:$0x3FFE];
	[sflag:s5] =	ssyncadd.remote.s32 @!p0 $0x1  }
0xba: {  	s26 =	simm.s32 $execute0_lowered;
	[smem:$0x3FD2] =	sst s25  }
0xbb: {  	s6 =	sshll.u32 s26, $0x1;
	_ =	strace $0x8000004C;
	[dreg:$0x1] =	wrdreg $0xFFFFFFFF  }
0xbc: {  	s28 =	simm.s32 $_size_execute0_lowered;
	s4 =	sadd.s32 s4, s6;
	[dreg:$0x0] =	wrdreg $0x0  }
0xbd: {  	s6 =	sshll.u32 s28, $0x1;
	[dreg:$0x2] =	wrdreg s4  }
0xbe: {  	[dreg:$0x3] =	wrdreg s6  }
0xbf: {  	[dreg:$0x4] =	wrdreg $0xC0  }
0xc0: {  	_ =	task [dreg:s22], $0x5FFFF  }
0xc1: {  	[dreg:$0x1] =	wrdreg $0xFFFFFFFF  }
0xc2: {  	[dreg:$0x0] =	wrdreg $0x60  }
0xc3: {  	[dreg:$0x2] =	wrdreg s24  }
0xc4: {  	[dreg:$0x3] =	wrdreg s17  }
0xc5: {  	[dreg:$0x4] =	wrdreg $0xA  }
0xc6: {  	_ =	task.clear_ibuf [dreg:s22], $0x5FFFF;
	_ =	strace $0x9000004C  }
0xc7: {  	s29 =	simm.s32 $0xA;
	_ =	strace $0x8000004E  }
0xc8: {  	_ =	swait.ge [sflag:s29], $0x1  }
0xc9: {  	[sflag:s29] =	ssyncadd.s32 $0xFFFFFFFF  }
0xca: {  	_ =	strace $0x9000004E  }
0xcb: {  	_ =	sfence  }
0xcc: {  	s30 =	sld [smem:$0x0];
	_ =	sdelay $0x2  }
0xcd: {  	s31 =	sshll.u32 s1, $0xD;
	s1 =	sshrl.u32 s1, $0x2  }
0xce: {  	s4 =	sand.u32 $0x4000, s31;
	s1 =	sadd.s32 s1, s30  }
0xcf: {  	s0 =	sor.u32 s4, s0;
	s1 =	sshll.u32 s1, $0x11  }
0xd0: {  	s0 =	sor.u32 s1, s0  }
0xd1: {  	s0 =	sadd.s32 $0x8F2B, s0  }
0xd2: {  	[sflag:s0] =	ssyncadd.remote.s32 $0x1  }
0xd3: {  	_ =	sfence.sel $0xFFFF  }
0xd4: {  	[dreg:$0x0] =	wrdreg $0xFFFFFFFF;
	(pc) =	sbr.abs _section_cstart, $3  }
0xd5: {  	[dreg:$0x1] =	wrdreg $0xFFFFFFFF  }
0xd6: {  	_ =	task.clear_ibuf [dreg:s22], $0x2FFFF;
	_ =	strace $0x9FFFFFFF  }
0xd7: {  	(tm) =	ssettm $0x7FFFFFFF  }
tec
execute0_lowered:
.L_overlay_start_1:
0x0: {  	(tag) =	ssettag $0x1  }
0x1: {  	s0 =	srdreg.scid  }
0x2: {  	s2 =	stileid.u32;
	s1 =	rddreg [dreg:$0x0]  }
0x3: {  	s9 =	simm.s32 $0x5;
	s10 =	simm.s32 $0x40;
	s12 =	simm.s32 $0x6B00  }
0x4: {  	s13 =	simm.s32 $0x80;
	s14 =	simm.s32 $0x8B00;
	s15 =	simm.s32 $0xAB00  }
0x5: {  	v0 =	vlaneseq.u32;
	s16 =	simm.s32 $0xCB00;
	s17 =	simm.s32 $0xEB00;
	s18 =	simm.s32 $0x1  }
0x6: {  	s19 =	simm.s32 $0x10B00;
	s20 =	simm.s32 $0x2;
	s21 =	simm.s32 $0x15700;
	v0 =	vmul.u32 $0x40, v0  }
0x7: {  	s22 =	simm.s32 $0x3;
	s0 =	sand.u32 $0x1, s0;
	s3 =	sshll.u32 s2, $0x1  }
0x8: {  	s23 =	simm.s32 $0x4;
	s2 =	rddreg [dreg:$0x1];
	s5 =	sor.u32 s0, s3;
	v1 =	vor.u32 $0x400, v0;
	v2 =	vor.u32 $0x800, v0;
	v3 =	vor.u32 $0xC00, v0  }
0x9: {  	s3 =	simm.s32 $0x0;
	s0 =	ssub.s32 $0x2, s0;
	s4 =	smul.u32 $0x4B00, s5;
	v4 =	vor.u32 $0x1000, v0;
	v5 =	vor.u32 $0x1400, v0;
	v6 =	vor.u32 $0x1800, v0  }
0xa: {  	s24 =	simm.s32 $0x0;
	[smem:$0x7FF] =	sst s3;
	s7 =	sshrl.u32 s0, $0x1;
	v7 =	vor.u32 $0x1C00, v0;
	v8 =	vor.u32 $0x2000, v0;
	v9 =	vor.u32 $0x2400, v0  }
0xb: {  	s5 =	smul.u32 $0x64, s5;
	v10 =	vor.u32 $0x2800, v0;
	v11 =	vor.u32 $0x2C00, v0;
	v12 =	vor.u32 $0x3000, v0;
	_ =	strace $0x8000004D;
	s6 =	sshrl.u32 s4, $0x3  }
0xc: {  	v13 =	vor.u32 $0x3400, v0;
	v14 =	vor.u32 $0x3800, v0;
	v15 =	vor.u32 $0x3C00, v0;
	s0 =	ssub.s32 s0, s7;
	s4 =	sadd.s32 $0x39600, s1;
	s1 =	sadd.s32 s1, s6  }
0xd: {  	v16 =	vor.u32 $0x4000, v0;
	v17 =	vor.u32 $0x4400, v0;
	v18 =	vor.u32 $0x4800, v0;
	s7 =	sadd.s32 $0x8, s2;
	s8 =	smax.u32 s0, $0x1;
	s6 =	sadd.s32 $0x13E00, s1  }
.LBB2_1:
0xe: {  	[tilespmem:s3], [sflag:$0x5] =	stream.linear.gather [hbm4b:s6+s3], $0x4B00, $0x38;
	[tilespmem:$0x1A300] =	vst v63  }
0xf: {  	_ =	swait.ge [sflag:s9], $0x4B00  }
0x10: {  	[sflag:s9] =	ssyncset.done $0x0  }
0x11: {  	s0 =	simm.s32 $0x4B00;
	[sflag:s9] =	ssyncadd.s32 $0xFFFFB500  }
0x12: {  	[tilespmem:s0], [sflag:$0x1] =	stream.indirect.gather [hbm4b:s4+s10], $0x80, s3, s10, $0xb8;
	[tilespmem:$0x1A300] =	vst v63  }
0x13: {  	_ = 	snop  }
0x14: {  	[tilespmem:s12], [sflag:$0x1] =	stream.indirect.gather [hbm4b:s4+s10], $0x80, s10, s10, $0xb8;
	[tilespmem:$0x1A300] =	vst v63  }
0x15: {  	s25 =	simm.s32 $0x0  }
0x16: {  	[tilespmem:s14], [sflag:$0x1] =	stream.indirect.gather [hbm4b:s4+s10], $0x80, s13, s10, $0xb8;
	[tilespmem:$0x1A300] =	vst v63  }
.LBB2_2:
0x17: {  	s26 =	sshllo.u32 s25, $0x1  }
0x18: {  	s0 =	smul.u32 $0x300, s26;
	_ =	sdelay $0x1  }
0x19: {  	s0 =	sshra.s32 s0, $0x2  }
0x1a: {  	[tilespmem:s15], [sflag:$0x2] =	stream.indirect.gather [hbm4b:s4+s10], $0x80, s0, s10, $0xb8;
	[tilespmem:$0x1A300] =	vst v63  }
0x1b: {  	s1 =	sadd.s32 $0x40, s0  }
0x1c: {  	[tilespmem:s16], [sflag:$0x2] =	stream.indirect.gather [hbm4b:s4+s10], $0x80, s1, s10, $0xb8;
	[tilespmem:$0x1A300] =	vst v63  }
0x1d: {  	s0 =	sadd.s32 $0x80, s0  }
0x1e: {  	[tilespmem:s17], [sflag:$0x2] =	stream.indirect.gather [hbm4b:s4+s10], $0x80, s0, s10, $0xb8;
	[tilespmem:$0x1A300] =	vst v63  }
0x1f: {  	_ =	swait.ge [sflag:s18], $0x2000  }
0x20: {  	[sflag:s18] =	ssyncset.done $0x0  }
0x21: {  	[sflag:s18] =	ssyncadd.s32 $0xFFFFE000  }
0x22: {  	_ =	swait.ge [sflag:s18], $0x2000  }
0x23: {  	[sflag:s18] =	ssyncset.done $0x0  }
0x24: {  	[sflag:s18] =	ssyncadd.s32 $0xFFFFE000  }
0x25: {  	_ =	swait.ge [sflag:s18], $0x2000  }
0x26: {  	p0 =	seq.s32 s25, $0x0;
	s11 =	simm.s32 $0x0;
	[sflag:s18] =	ssyncset.done $0x0  }
0x27: {  	v19 =	vmov s11;
	s1 =	simm.s32 @!p0 $0x3;
	[sflag:s18] =	ssyncadd.s32 $0xFFFFE000  }
0x28: {  	v19 =	vand.u32 $0x3E, v19;
	_ =	swait.ge @!p0 [sflag:s1], $0x4C00  }
0x29: {  	v19 =	vbroadcast v19, $0x0;
	[sflag:s1] =	ssyncset.done @!p0 $0x0  }
0x2a: {  	s30 =	simm.s32 $0x4B80;
	[sflag:s1] =	ssyncadd.s32 @!p0 $0xFFFFB400  }
0x2b: {  	v21 =	vor.u32 v0, v19;
	v20 =	vld [tilespmem:s30+$0xFFFFFF80];
	_ =	sdelay $0x4  }
0x2c: {  	[tilespmem:v21+s19+$0x0] =	vst.idx.msk $0xffff, v20  }
0x2d: {  	v21 =	vor.u32 v1, v19;
	v20 =	vld [tilespmem:s30+$0xFFFFFF90];
	_ =	sdelay $0x4  }
0x2e: {  	[tilespmem:v21+s19+$0x0] =	vst.idx.msk $0xffff, v20  }
0x2f: {  	v21 =	vor.u32 v2, v19;
	v20 =	vld [tilespmem:s30+$0xFFFFFFA0];
	_ =	sdelay $0x4  }
0x30: {  	[tilespmem:v21+s19+$0x0] =	vst.idx.msk $0xffff, v20  }
0x31: {  	v21 =	vor.u32 v3, v19;
	v20 =	vld [tilespmem:s30+$0xFFFFFFB0];
	_ =	sdelay $0x4  }
0x32: {  	[tilespmem:v21+s19+$0x0] =	vst.idx.msk $0xffff, v20  }
0x33: {  	v21 =	vor.u32 v4, v19;
	v20 =	vld [tilespmem:s30+$0xFFFFFFC0];
	_ =	sdelay $0x4  }
0x34: {  	[tilespmem:v21+s19+$0x0] =	vst.idx.msk $0xffff, v20  }
0x35: {  	v21 =	vor.u32 v5, v19;
	v20 =	vld [tilespmem:s30+$0xFFFFFFD0];
	_ =	sdelay $0x4  }
0x36: {  	[tilespmem:v21+s19+$0x0] =	vst.idx.msk $0xffff, v20  }
0x37: {  	v21 =	vor.u32 v6, v19;
	v20 =	vld [tilespmem:s30+$0xFFFFFFE0];
	_ =	sdelay $0x4  }
0x38: {  	[tilespmem:v21+s19+$0x0] =	vst.idx.msk $0xffff, v20  }
0x39: {  	v21 =	vor.u32 v7, v19;
	v20 =	vld [tilespmem:s30+$0xFFFFFFF0];
	_ =	sdelay $0x4  }
0x3a: {  	s28 =	simm.s32 $0x6B80;
	[tilespmem:v21+s19+$0x0] =	vst.idx.msk $0xffff, v20  }
0x3b: {  	v21 =	vor.u32 v8, v19;
	v20 =	vld [tilespmem:s28+$0xFFFFFF80];
	_ =	sdelay $0x4  }
0x3c: {  	[tilespmem:v21+s19+$0x0] =	vst.idx.msk $0xffff, v20  }
0x3d: {  	v21 =	vor.u32 v9, v19;
	v20 =	vld [tilespmem:s28+$0xFFFFFF90];
	_ =	sdelay $0x4  }
0x3e: {  	[tilespmem:v21+s19+$0x0] =	vst.idx.msk $0xffff, v20  }
0x3f: {  	v21 =	vor.u32 v10, v19;
	v20 =	vld [tilespmem:s28+$0xFFFFFFA0];
	_ =	sdelay $0x4  }
0x40: {  	[tilespmem:v21+s19+$0x0] =	vst.idx.msk $0xffff, v20  }
0x41: {  	v21 =	vor.u32 v11, v19;
	v20 =	vld [tilespmem:s28+$0xFFFFFFB0];
	_ =	sdelay $0x4  }
0x42: {  	[tilespmem:v21+s19+$0x0] =	vst.idx.msk $0xffff, v20  }
0x43: {  	v21 =	vor.u32 v12, v19;
	v20 =	vld [tilespmem:s28+$0xFFFFFFC0];
	_ =	sdelay $0x4  }
0x44: {  	[tilespmem:v21+s19+$0x0] =	vst.idx.msk $0xffff, v20  }
0x45: {  	v21 =	vor.u32 v13, v19;
	v20 =	vld [tilespmem:s28+$0xFFFFFFD0];
	_ =	sdelay $0x4  }
0x46: {  	[tilespmem:v21+s19+$0x0] =	vst.idx.msk $0xffff, v20  }
0x47: {  	v21 =	vor.u32 v14, v19;
	v20 =	vld [tilespmem:s28+$0xFFFFFFE0];
	_ =	sdelay $0x4  }
0x48: {  	[tilespmem:v21+s19+$0x0] =	vst.idx.msk $0xffff, v20  }
0x49: {  	v21 =	vor.u32 v15, v19;
	v20 =	vld [tilespmem:s28+$0xFFFFFFF0];
	_ =	sdelay $0x4  }
0x4a: {  	s29 =	simm.s32 $0x8BA0;
	[tilespmem:v21+s19+$0x0] =	vst.idx.msk $0xffff, v20  }
0x4b: {  	v21 =	vor.u32 v16, v19;
	v20 =	vld [tilespmem:s29+$0xFFFFFF60];
	_ =	sdelay $0x4  }
0x4c: {  	[tilespmem:v21+s19+$0x0] =	vst.idx.msk $0xffff, v20  }
0x4d: {  	v21 =	vor.u32 v17, v19;
	v20 =	vld [tilespmem:s29+$0xFFFFFF70];
	_ =	sdelay $0x4  }
0x4e: {  	[tilespmem:v21+s19+$0x0] =	vst.idx.msk $0xffff, v20  }
0x4f: {  	v19 =	vor.u32 v18, v19;
	v20 =	vld [tilespmem:s29+$0xFFFFFF80]  }
0x50: {  	s11 =	simm.s32 $0x1  }
0x51: {  	v21 =	vmov s11  }
0x52: {  	v21 =	vand.u32 $0x3F, v21  }
0x53: {  	v21 =	vbroadcast v21, $0x0  }
0x54: {  	[tilespmem:v19+s19+$0x0] =	vst.idx.msk $0xffff, v20  }
0x55: {  	v20 =	vor.u32 v0, v21;
	v19 =	vld [tilespmem:s30+$0x0];
	_ =	sdelay $0x4  }
0x56: {  	[tilespmem:v20+s19+$0x0] =	vst.idx.msk $0xffff, v19  }
0x57: {  	v20 =	vor.u32 v1, v21;
	v19 =	vld [tilespmem:s30+$0x10];
	_ =	sdelay $0x4  }
0x58: {  	[tilespmem:v20+s19+$0x0] =	vst.idx.msk $0xffff, v19  }
0x59: {  	v20 =	vor.u32 v2, v21;
	v19 =	vld [tilespmem:s30+$0x20];
	_ =	sdelay $0x4  }
0x5a: {  	[tilespmem:v20+s19+$0x0] =	vst.idx.msk $0xffff, v19  }
0x5b: {  	v20 =	vor.u32 v3, v21;
	v19 =	vld [tilespmem:s30+$0x30];
	_ =	sdelay $0x4  }
0x5c: {  	[tilespmem:v20+s19+$0x0] =	vst.idx.msk $0xffff, v19  }
0x5d: {  	v20 =	vor.u32 v4, v21;
	v19 =	vld [tilespmem:s30+$0x40];
	_ =	sdelay $0x4  }
0x5e: {  	[tilespmem:v20+s19+$0x0] =	vst.idx.msk $0xffff, v19  }
0x5f: {  	v20 =	vor.u32 v5, v21;
	v19 =	vld [tilespmem:s30+$0x50];
	_ =	sdelay $0x4  }
0x60: {  	[tilespmem:v20+s19+$0x0] =	vst.idx.msk $0xffff, v19  }
0x61: {  	v20 =	vor.u32 v6, v21;
	v19 =	vld [tilespmem:s30+$0x60];
	_ =	sdelay $0x4  }
0x62: {  	[tilespmem:v20+s19+$0x0] =	vst.idx.msk $0xffff, v19  }
0x63: {  	v20 =	vor.u32 v7, v21;
	v19 =	vld [tilespmem:s30+$0x70];
	_ =	sdelay $0x4  }
0x64: {  	[tilespmem:v20+s19+$0x0] =	vst.idx.msk $0xffff, v19  }
0x65: {  	v20 =	vor.u32 v8, v21;
	v19 =	vld [tilespmem:s28+$0x0];
	_ =	sdelay $0x4  }
0x66: {  	[tilespmem:v20+s19+$0x0] =	vst.idx.msk $0xffff, v19  }
0x67: {  	v20 =	vor.u32 v9, v21;
	v19 =	vld [tilespmem:s28+$0x10];
	_ =	sdelay $0x4  }
0x68: {  	[tilespmem:v20+s19+$0x0] =	vst.idx.msk $0xffff, v19  }
0x69: {  	v20 =	vor.u32 v10, v21;
	v19 =	vld [tilespmem:s28+$0x20];
	_ =	sdelay $0x4  }
0x6a: {  	[tilespmem:v20+s19+$0x0] =	vst.idx.msk $0xffff, v19  }
0x6b: {  	v20 =	vor.u32 v11, v21;
	v19 =	vld [tilespmem:s28+$0x30];
	_ =	sdelay $0x4  }
0x6c: {  	[tilespmem:v20+s19+$0x0] =	vst.idx.msk $0xffff, v19  }
0x6d: {  	v20 =	vor.u32 v12, v21;
	v19 =	vld [tilespmem:s28+$0x40];
	_ =	sdelay $0x4  }
0x6e: {  	[tilespmem:v20+s19+$0x0] =	vst.idx.msk $0xffff, v19  }
0x6f: {  	v20 =	vor.u32 v13, v21;
	v19 =	vld [tilespmem:s28+$0x50];
	_ =	sdelay $0x4  }
0x70: {  	[tilespmem:v20+s19+$0x0] =	vst.idx.msk $0xffff, v19  }
0x71: {  	v20 =	vor.u32 v14, v21;
	v19 =	vld [tilespmem:s28+$0x60];
	_ =	sdelay $0x4  }
0x72: {  	[tilespmem:v20+s19+$0x0] =	vst.idx.msk $0xffff, v19  }
0x73: {  	v20 =	vor.u32 v15, v21;
	v19 =	vld [tilespmem:s28+$0x70];
	_ =	sdelay $0x4  }
0x74: {  	[tilespmem:v20+s19+$0x0] =	vst.idx.msk $0xffff, v19  }
0x75: {  	v20 =	vor.u32 v16, v21;
	v19 =	vld [tilespmem:s29+$0xFFFFFFE0];
	_ =	sdelay $0x4  }
0x76: {  	[tilespmem:v20+s19+$0x0] =	vst.idx.msk $0xffff, v19  }
0x77: {  	v20 =	vor.u32 v17, v21;
	v19 =	vld [tilespmem:s29+$0xFFFFFFF0];
	_ =	sdelay $0x4  }
0x78: {  	[tilespmem:v20+s19+$0x0] =	vst.idx.msk $0xffff, v19  }
0x79: {  	v21 =	vor.u32 v18, v21;
	v20 =	vld [tilespmem:s29+$0x0]  }
0x7a: {  	s1 =	simm.s32 $0x2  }
0x7b: {  	s31 =	sshll.u32 s25, $0x1;
	s0 =	simm.s32 $0x4;
	v19 =	vmov s1  }
.LBB2_3:
0x7c: {  	p1 =	slt.u32 s0, $0x3E;
	v19 =	vand.u32 $0x3E, v19  }
0x7d: {  	v19 =	vbroadcast v19, $0x0  }
0x7e: {  	s30 =	sadd.s32 $0x100, s30;
	[tilespmem:v21+s19+$0x0] =	vst.idx.msk $0xffff, v20  }
0x7f: {  	v20 =	vld [tilespmem:s30+$0xFFFFFF80];
	v21 =	vor.u32 v0, v19;
	_ =	sdelay $0x4  }
0x80: {  	[tilespmem:v21+s19+$0x0] =	vst.idx.msk $0xffff, v20  }
0x81: {  	v21 =	vor.u32 v1, v19;
	v20 =	vld [tilespmem:s30+$0xFFFFFF90];
	_ =	sdelay $0x4  }
0x82: {  	[tilespmem:v21+s19+$0x0] =	vst.idx.msk $0xffff, v20  }
0x83: {  	v21 =	vor.u32 v2, v19;
	v20 =	vld [tilespmem:s30+$0xFFFFFFA0];
	_ =	sdelay $0x4  }
0x84: {  	[tilespmem:v21+s19+$0x0] =	vst.idx.msk $0xffff, v20  }
0x85: {  	v21 =	vor.u32 v3, v19;
	v20 =	vld [tilespmem:s30+$0xFFFFFFB0];
	_ =	sdelay $0x4  }
0x86: {  	[tilespmem:v21+s19+$0x0] =	vst.idx.msk $0xffff, v20  }
0x87: {  	v21 =	vor.u32 v4, v19;
	v20 =	vld [tilespmem:s30+$0xFFFFFFC0];
	_ =	sdelay $0x4  }
0x88: {  	[tilespmem:v21+s19+$0x0] =	vst.idx.msk $0xffff, v20  }
0x89: {  	v21 =	vor.u32 v5, v19;
	v20 =	vld [tilespmem:s30+$0xFFFFFFD0];
	_ =	sdelay $0x4  }
0x8a: {  	[tilespmem:v21+s19+$0x0] =	vst.idx.msk $0xffff, v20  }
0x8b: {  	v21 =	vor.u32 v6, v19;
	v20 =	vld [tilespmem:s30+$0xFFFFFFE0];
	_ =	sdelay $0x4  }
0x8c: {  	[tilespmem:v21+s19+$0x0] =	vst.idx.msk $0xffff, v20  }
0x8d: {  	v21 =	vor.u32 v7, v19;
	v20 =	vld [tilespmem:s30+$0xFFFFFFF0];
	_ =	sdelay $0x4  }
0x8e: {  	s28 =	sadd.s32 $0x100, s28;
	[tilespmem:v21+s19+$0x0] =	vst.idx.msk $0xffff, v20  }
0x8f: {  	v21 =	vor.u32 v8, v19;
	v20 =	vld [tilespmem:s28+$0xFFFFFF80];
	_ =	sdelay $0x4  }
0x90: {  	[tilespmem:v21+s19+$0x0] =	vst.idx.msk $0xffff, v20  }
0x91: {  	v21 =	vor.u32 v9, v19;
	v20 =	vld [tilespmem:s28+$0xFFFFFF90];
	_ =	sdelay $0x4  }
0x92: {  	[tilespmem:v21+s19+$0x0] =	vst.idx.msk $0xffff, v20  }
0x93: {  	v21 =	vor.u32 v10, v19;
	v20 =	vld [tilespmem:s28+$0xFFFFFFA0];
	_ =	sdelay $0x4  }
0x94: {  	[tilespmem:v21+s19+$0x0] =	vst.idx.msk $0xffff, v20  }
0x95: {  	v21 =	vor.u32 v11, v19;
	v20 =	vld [tilespmem:s28+$0xFFFFFFB0];
	_ =	sdelay $0x4  }
0x96: {  	[tilespmem:v21+s19+$0x0] =	vst.idx.msk $0xffff, v20  }
0x97: {  	v21 =	vor.u32 v12, v19;
	v20 =	vld [tilespmem:s28+$0xFFFFFFC0];
	_ =	sdelay $0x4  }
0x98: {  	[tilespmem:v21+s19+$0x0] =	vst.idx.msk $0xffff, v20  }
0x99: {  	v21 =	vor.u32 v13, v19;
	v20 =	vld [tilespmem:s28+$0xFFFFFFD0];
	_ =	sdelay $0x4  }
0x9a: {  	[tilespmem:v21+s19+$0x0] =	vst.idx.msk $0xffff, v20  }
0x9b: {  	v21 =	vor.u32 v14, v19;
	v20 =	vld [tilespmem:s28+$0xFFFFFFE0];
	_ =	sdelay $0x4  }
0x9c: {  	[tilespmem:v21+s19+$0x0] =	vst.idx.msk $0xffff, v20  }
0x9d: {  	v21 =	vor.u32 v15, v19;
	v20 =	vld [tilespmem:s28+$0xFFFFFFF0];
	_ =	sdelay $0x4  }
0x9e: {  	s29 =	sadd.s32 $0x100, s29;
	[tilespmem:v21+s19+$0x0] =	vst.idx.msk $0xffff, v20  }
0x9f: {  	v21 =	vor.u32 v16, v19;
	v20 =	vld [tilespmem:s29+$0xFFFFFF60];
	_ =	sdelay $0x4  }
0xa0: {  	[tilespmem:v21+s19+$0x0] =	vst.idx.msk $0xffff, v20  }
0xa1: {  	v21 =	vor.u32 v17, v19;
	v20 =	vld [tilespmem:s29+$0xFFFFFF70];
	_ =	sdelay $0x4  }
0xa2: {  	[tilespmem:v21+s19+$0x0] =	vst.idx.msk $0xffff, v20  }
0xa3: {  	v21 =	vor.u32 v18, v19;
	v20 =	vld [tilespmem:s29+$0xFFFFFF80]  }
0xa4: {  	s11 =	sadd.s32 $0x1, s1;
	s1 =	smov.u32 s0  }
0xa5: {  	v19 =	vmov s11  }
0xa6: {  	v19 =	vand.u32 $0x3F, v19  }
0xa7: {  	v19 =	vbroadcast v19, $0x0  }
0xa8: {  	[tilespmem:v21+s19+$0x0] =	vst.idx.msk $0xffff, v20  }
0xa9: {  	v21 =	vor.u32 v0, v19;
	v20 =	vld [tilespmem:s30+$0x0];
	_ =	sdelay $0x4  }
0xaa: {  	[tilespmem:v21+s19+$0x0] =	vst.idx.msk $0xffff, v20  }
0xab: {  	v21 =	vor.u32 v1, v19;
	v20 =	vld [tilespmem:s30+$0x10];
	_ =	sdelay $0x4  }
0xac: {  	[tilespmem:v21+s19+$0x0] =	vst.idx.msk $0xffff, v20  }
0xad: {  	v21 =	vor.u32 v2, v19;
	v20 =	vld [tilespmem:s30+$0x20];
	_ =	sdelay $0x4  }
0xae: {  	[tilespmem:v21+s19+$0x0] =	vst.idx.msk $0xffff, v20  }
0xaf: {  	v21 =	vor.u32 v3, v19;
	v20 =	vld [tilespmem:s30+$0x30];
	_ =	sdelay $0x4  }
0xb0: {  	[tilespmem:v21+s19+$0x0] =	vst.idx.msk $0xffff, v20  }
0xb1: {  	v21 =	vor.u32 v4, v19;
	v20 =	vld [tilespmem:s30+$0x40];
	_ =	sdelay $0x4  }
0xb2: {  	[tilespmem:v21+s19+$0x0] =	vst.idx.msk $0xffff, v20  }
0xb3: {  	v21 =	vor.u32 v5, v19;
	v20 =	vld [tilespmem:s30+$0x50];
	_ =	sdelay $0x4  }
0xb4: {  	[tilespmem:v21+s19+$0x0] =	vst.idx.msk $0xffff, v20  }
0xb5: {  	v21 =	vor.u32 v6, v19;
	v20 =	vld [tilespmem:s30+$0x60];
	_ =	sdelay $0x4  }
0xb6: {  	[tilespmem:v21+s19+$0x0] =	vst.idx.msk $0xffff, v20  }
0xb7: {  	v21 =	vor.u32 v7, v19;
	v20 =	vld [tilespmem:s30+$0x70];
	_ =	sdelay $0x4  }
0xb8: {  	[tilespmem:v21+s19+$0x0] =	vst.idx.msk $0xffff, v20  }
0xb9: {  	v21 =	vor.u32 v8, v19;
	v20 =	vld [tilespmem:s28+$0x0];
	_ =	sdelay $0x4  }
0xba: {  	[tilespmem:v21+s19+$0x0] =	vst.idx.msk $0xffff, v20  }
0xbb: {  	v21 =	vor.u32 v9, v19;
	v20 =	vld [tilespmem:s28+$0x10];
	_ =	sdelay $0x4  }
0xbc: {  	[tilespmem:v21+s19+$0x0] =	vst.idx.msk $0xffff, v20  }
0xbd: {  	v21 =	vor.u32 v10, v19;
	v20 =	vld [tilespmem:s28+$0x20];
	_ =	sdelay $0x4  }
0xbe: {  	[tilespmem:v21+s19+$0x0] =	vst.idx.msk $0xffff, v20  }
0xbf: {  	v21 =	vor.u32 v11, v19;
	v20 =	vld [tilespmem:s28+$0x30];
	_ =	sdelay $0x4  }
0xc0: {  	[tilespmem:v21+s19+$0x0] =	vst.idx.msk $0xffff, v20  }
0xc1: {  	v21 =	vor.u32 v12, v19;
	v20 =	vld [tilespmem:s28+$0x40];
	_ =	sdelay $0x4  }
0xc2: {  	[tilespmem:v21+s19+$0x0] =	vst.idx.msk $0xffff, v20  }
0xc3: {  	v21 =	vor.u32 v13, v19;
	v20 =	vld [tilespmem:s28+$0x50];
	_ =	sdelay $0x4  }
0xc4: {  	[tilespmem:v21+s19+$0x0] =	vst.idx.msk $0xffff, v20  }
0xc5: {  	v21 =	vor.u32 v14, v19;
	v20 =	vld [tilespmem:s28+$0x60];
	_ =	sdelay $0x4  }
0xc6: {  	[tilespmem:v21+s19+$0x0] =	vst.idx.msk $0xffff, v20  }
0xc7: {  	v21 =	vor.u32 v15, v19;
	v20 =	vld [tilespmem:s28+$0x70];
	_ =	sdelay $0x4  }
0xc8: {  	[tilespmem:v21+s19+$0x0] =	vst.idx.msk $0xffff, v20  }
0xc9: {  	v21 =	vor.u32 v16, v19;
	v20 =	vld [tilespmem:s29+$0xFFFFFFE0];
	_ =	sdelay $0x4  }
0xca: {  	[tilespmem:v21+s19+$0x0] =	vst.idx.msk $0xffff, v20  }
0xcb: {  	v21 =	vor.u32 v17, v19;
	v20 =	vld [tilespmem:s29+$0xFFFFFFF0];
	_ =	sdelay $0x3  }
.Ltmp0:
0xcc: {  	(pc) =	sbr.rel @p1 .LBB2_3-.Ltmp0, $3  }
0xcd: {  	[tilespmem:v21+s19+$0x0] =	vst.idx.msk $0xffff, v20  }
0xce: {  	v21 =	vor.u32 v18, v19;
	v20 =	vld [tilespmem:s29+$0x0];
	_ =	sdelay $0x1  }
0xcf: {  	s0 =	sadd.s32 $0x2, s0;
	v19 =	vmov s1  }
0xd0: {  	_ =	sdelay $0x1  }
0xd1: {  	v19 =	vand.u32 $0x3E, v19  }
0xd2: {  	v19 =	vbroadcast v19, $0x0  }
0xd3: {  	s0 =	sadd.s32 $0x100, s30;
	[tilespmem:v21+s19+$0x0] =	vst.idx.msk $0xffff, v20  }
0xd4: {  	v20 =	vld [tilespmem:s0+$0xFFFFFF80];
	v45 =	vor.u32 v0, v19;
	_ =	sdelay $0x4  }
0xd5: {  	[tilespmem:v45+s19+$0x0] =	vst.idx.msk $0xffff, v20  }
0xd6: {  	v46 =	vor.u32 v1, v19;
	v20 =	vld [tilespmem:s0+$0xFFFFFF90];
	_ =	sdelay $0x4  }
0xd7: {  	[tilespmem:v46+s19+$0x0] =	vst.idx.msk $0xffff, v20  }
0xd8: {  	v47 =	vor.u32 v2, v19;
	v20 =	vld [tilespmem:s0+$0xFFFFFFA0];
	_ =	sdelay $0x4  }
0xd9: {  	[tilespmem:v47+s19+$0x0] =	vst.idx.msk $0xffff, v20  }
0xda: {  	v48 =	vor.u32 v3, v19;
	v20 =	vld [tilespmem:s0+$0xFFFFFFB0];
	_ =	sdelay $0x4  }
0xdb: {  	[tilespmem:v48+s19+$0x0] =	vst.idx.msk $0xffff, v20  }
0xdc: {  	v49 =	vor.u32 v4, v19;
	v20 =	vld [tilespmem:s0+$0xFFFFFFC0];
	_ =	sdelay $0x4  }
0xdd: {  	[tilespmem:v49+s19+$0x0] =	vst.idx.msk $0xffff, v20  }
0xde: {  	v50 =	vor.u32 v5, v19;
	v20 =	vld [tilespmem:s0+$0xFFFFFFD0];
	_ =	sdelay $0x4  }
0xdf: {  	[tilespmem:v50+s19+$0x0] =	vst.idx.msk $0xffff, v20  }
0xe0: {  	v51 =	vor.u32 v6, v19;
	v20 =	vld [tilespmem:s0+$0xFFFFFFE0];
	_ =	sdelay $0x4  }
0xe1: {  	[tilespmem:v51+s19+$0x0] =	vst.idx.msk $0xffff, v20  }
0xe2: {  	v52 =	vor.u32 v7, v19;
	v20 =	vld [tilespmem:s0+$0xFFFFFFF0];
	_ =	sdelay $0x4  }
0xe3: {  	s28 =	sadd.s32 $0x100, s28;
	[tilespmem:v52+s19+$0x0] =	vst.idx.msk $0xffff, v20  }
0xe4: {  	v53 =	vor.u32 v8, v19;
	v20 =	vld [tilespmem:s28+$0xFFFFFF80];
	_ =	sdelay $0x4  }
0xe5: {  	[tilespmem:v53+s19+$0x0] =	vst.idx.msk $0xffff, v20  }
0xe6: {  	v54 =	vor.u32 v9, v19;
	v20 =	vld [tilespmem:s28+$0xFFFFFF90];
	_ =	sdelay $0x4  }
0xe7: {  	[tilespmem:v54+s19+$0x0] =	vst.idx.msk $0xffff, v20  }
0xe8: {  	v55 =	vor.u32 v10, v19;
	v20 =	vld [tilespmem:s28+$0xFFFFFFA0];
	_ =	sdelay $0x4  }
0xe9: {  	[tilespmem:v55+s19+$0x0] =	vst.idx.msk $0xffff, v20  }
0xea: {  	v56 =	vor.u32 v11, v19;
	v20 =	vld [tilespmem:s28+$0xFFFFFFB0];
	_ =	sdelay $0x4  }
0xeb: {  	[tilespmem:v56+s19+$0x0] =	vst.idx.msk $0xffff, v20  }
0xec: {  	v57 =	vor.u32 v12, v19;
	v20 =	vld [tilespmem:s28+$0xFFFFFFC0];
	_ =	sdelay $0x4  }
0xed: {  	[tilespmem:v57+s19+$0x0] =	vst.idx.msk $0xffff, v20  }
0xee: {  	v58 =	vor.u32 v13, v19;
	v20 =	vld [tilespmem:s28+$0xFFFFFFD0];
	_ =	sdelay $0x4  }
0xef: {  	[tilespmem:v58+s19+$0x0] =	vst.idx.msk $0xffff, v20  }
0xf0: {  	v59 =	vor.u32 v14, v19;
	v20 =	vld [tilespmem:s28+$0xFFFFFFE0];
	_ =	sdelay $0x4  }
0xf1: {  	[tilespmem:v59+s19+$0x0] =	vst.idx.msk $0xffff, v20  }
0xf2: {  	v60 =	vor.u32 v15, v19;
	v20 =	vld [tilespmem:s28+$0xFFFFFFF0];
	_ =	sdelay $0x4  }
0xf3: {  	s29 =	sadd.s32 $0x100, s29;
	[tilespmem:v60+s19+$0x0] =	vst.idx.msk $0xffff, v20  }
0xf4: {  	v61 =	vor.u32 v16, v19;
	v20 =	vld [tilespmem:s29+$0xFFFFFF60];
	_ =	sdelay $0x4  }
0xf5: {  	[tilespmem:v61+s19+$0x0] =	vst.idx.msk $0xffff, v20  }
0xf6: {  	v62 =	vor.u32 v17, v19;
	v20 =	vld [tilespmem:s29+$0xFFFFFF70];
	_ =	sdelay $0x4  }
0xf7: {  	[tilespmem:v62+s19+$0x0] =	vst.idx.msk $0xffff, v20  }
0xf8: {  	v19 =	vor.u32 v18, v19;
	v20 =	vld [tilespmem:s29+$0xFFFFFF80]  }
0xf9: {  	s1 =	sadd.s32 $0x1, s1  }
0xfa: {  	v63 =	vmov s1  }
0xfb: {  	v21 =	vand.u32 $0x3F, v63  }
0xfc: {  	v21 =	vbroadcast v21, $0x0  }
0xfd: {  	[tilespmem:v19+s19+$0x0] =	vst.idx.msk $0xffff, v20  }
0xfe: {  	v20 =	vor.u32 v0, v21;
	v19 =	vld [tilespmem:s0+$0x0];
	_ =	sdelay $0x4  }
0xff: {  	[tilespmem:v20+s19+$0x0] =	vst.idx.msk $0xffff, v19  }
0x100: {  	v20 =	vor.u32 v1, v21;
	v19 =	vld [tilespmem:s0+$0x10];
	_ =	sdelay $0x4  }
0x101: {  	[tilespmem:v20+s19+$0x0] =	vst.idx.msk $0xffff, v19  }
0x102: {  	v20 =	vor.u32 v2, v21;
	v19 =	vld [tilespmem:s0+$0x20];
	_ =	sdelay $0x4  }
0x103: {  	[tilespmem:v20+s19+$0x0] =	vst.idx.msk $0xffff, v19  }
0x104: {  	v20 =	vor.u32 v3, v21;
	v19 =	vld [tilespmem:s0+$0x30];
	_ =	sdelay $0x4  }
0x105: {  	[tilespmem:v20+s19+$0x0] =	vst.idx.msk $0xffff, v19  }
0x106: {  	v20 =	vor.u32 v4, v21;
	v19 =	vld [tilespmem:s0+$0x40];
	_ =	sdelay $0x4  }
0x107: {  	[tilespmem:v20+s19+$0x0] =	vst.idx.msk $0xffff, v19  }
0x108: {  	v20 =	vor.u32 v5, v21;
	v19 =	vld [tilespmem:s0+$0x50];
	_ =	sdelay $0x4  }
0x109: {  	[tilespmem:v20+s19+$0x0] =	vst.idx.msk $0xffff, v19  }
0x10a: {  	v20 =	vor.u32 v6, v21;
	v19 =	vld [tilespmem:s0+$0x60];
	_ =	sdelay $0x4  }
0x10b: {  	[tilespmem:v20+s19+$0x0] =	vst.idx.msk $0xffff, v19  }
0x10c: {  	v20 =	vor.u32 v7, v21;
	v19 =	vld [tilespmem:s0+$0x70];
	_ =	sdelay $0x4  }
0x10d: {  	[tilespmem:v20+s19+$0x0] =	vst.idx.msk $0xffff, v19  }
0x10e: {  	v20 =	vor.u32 v8, v21;
	v19 =	vld [tilespmem:s28+$0x0];
	_ =	sdelay $0x4  }
0x10f: {  	[tilespmem:v20+s19+$0x0] =	vst.idx.msk $0xffff, v19  }
0x110: {  	v20 =	vor.u32 v9, v21;
	v19 =	vld [tilespmem:s28+$0x10];
	_ =	sdelay $0x4  }
0x111: {  	[tilespmem:v20+s19+$0x0] =	vst.idx.msk $0xffff, v19  }
0x112: {  	v20 =	vor.u32 v10, v21;
	v19 =	vld [tilespmem:s28+$0x20];
	_ =	sdelay $0x4  }
0x113: {  	[tilespmem:v20+s19+$0x0] =	vst.idx.msk $0xffff, v19  }
0x114: {  	v20 =	vor.u32 v11, v21;
	v19 =	vld [tilespmem:s28+$0x30];
	_ =	sdelay $0x4  }
0x115: {  	[tilespmem:v20+s19+$0x0] =	vst.idx.msk $0xffff, v19  }
0x116: {  	v20 =	vor.u32 v12, v21;
	v19 =	vld [tilespmem:s28+$0x40];
	_ =	sdelay $0x4  }
0x117: {  	[tilespmem:v20+s19+$0x0] =	vst.idx.msk $0xffff, v19  }
0x118: {  	v20 =	vor.u32 v13, v21;
	v19 =	vld [tilespmem:s28+$0x50];
	_ =	sdelay $0x4  }
0x119: {  	[tilespmem:v20+s19+$0x0] =	vst.idx.msk $0xffff, v19  }
0x11a: {  	v20 =	vor.u32 v14, v21;
	v19 =	vld [tilespmem:s28+$0x60];
	_ =	sdelay $0x4  }
0x11b: {  	[tilespmem:v20+s19+$0x0] =	vst.idx.msk $0xffff, v19  }
0x11c: {  	v20 =	vor.u32 v15, v21;
	v19 =	vld [tilespmem:s28+$0x70];
	_ =	sdelay $0x4  }
0x11d: {  	[tilespmem:v20+s19+$0x0] =	vst.idx.msk $0xffff, v19  }
0x11e: {  	v20 =	vor.u32 v16, v21;
	v19 =	vld [tilespmem:s29+$0xFFFFFFE0];
	_ =	sdelay $0x4  }
0x11f: {  	[tilespmem:v20+s19+$0x0] =	vst.idx.msk $0xffff, v19  }
0x120: {  	v20 =	vor.u32 v17, v21;
	v19 =	vld [tilespmem:s29+$0xFFFFFFF0];
	_ =	sdelay $0x4  }
0x121: {  	s28 =	sadd.s32 s5, s31;
	[tilespmem:v20+s19+$0x0] =	vst.idx.msk $0xffff, v19  }
0x122: {  	s30 =	sshrl.u32 s28, $0x6;
	v20 =	vor.u32 v18, v21;
	v19 =	vld [tilespmem:s29+$0x0]  }
0x123: {  	s0 =	sshll.u32 s28, $0x9;
	s1 =	smul.u32 $0x130000, s30  }
0x124: {  	s0 =	sand.u32 $0x7C00, s0  }
0x125: {  	s0 =	sor.u32 s0, s1  }
0x126: {  	s0 =	sshrl.u32 s0, $0x3  }
0x127: {  	s31 =	simm.s32 $0x10B00;
	s1 =	simm.s32 $0x800;
	s0 =	sadd.s32 s2, s0;
	[tilespmem:v20+s19+$0x0] =	vst.idx.msk $0xffff, v19  }
0x128: {  	[hbm4b:s0+s10] =	stream.strided.scatter [tilespmem:s31], [sflag:$0x3], $0x200, s13, s10, $0x38;
	[tilespmem:$0x1A300] =	vst v63  }
.LBB2_5:
0x129: {  	p1 =	sne.s32 s1, $0x12800  }
.Ltmp1:
0x12a: {  	_ = 	snop;
	(pc) =	sbr.rel @p1 .LBB2_5-.Ltmp1, $4  }
0x12b: {  	_ = 	snop  }
0x12c: {  	s11 =	sshra.s32 s1, $0x2;
	s1 =	sadd.s32 $0x800, s1  }
0x12d: {  	s0 =	sadd.s32 $0x1000, s0;
	s11 =	sadd.s32 $0x10B00, s11  }
0x12e: {  	[hbm4b:s0+s10] =	stream.strided.scatter [tilespmem:s11], [sflag:$0x3], $0x200, s13, s10, $0x38;
	[tilespmem:$0x1A300] =	vst v63  }
0x12f: {  	p1 =	seq.s32 s25, $0x31  }
0x130: {  	s0 =	smul.u32 @!p1 $0x600, s25;
	_ =	sdelay $0x1  }
0x131: {  	s0 =	sshra.s32 @!p1 s0, $0x2  }
0x132: {  	s11 =	simm.s32 @!p1 $0x40;
	s28 =	simm.s32 @!p1 $0x4B00;
	s1 =	sadd.s32 @!p1 $0x180, s0  }
0x133: {  	[tilespmem:s28], [sflag:$0x1] =	stream.indirect.gather @!p1 [hbm4b:s4+s11], $0x80, s1, s11, $0xb8;
	[tilespmem:$0x1A300] =	vst v63  }
0x134: {  	s1 =	sadd.s32 @!p1 $0x1C0, s0;
	s28 =	simm.s32 @!p1 $0x6B00  }
0x135: {  	[tilespmem:s28], [sflag:$0x1] =	stream.indirect.gather @!p1 [hbm4b:s4+s11], $0x80, s1, s11, $0xb8;
	[tilespmem:$0x1A300] =	vst v63  }
0x136: {  	s0 =	sadd.s32 @!p1 $0x200, s0;
	s1 =	simm.s32 @!p1 $0x8B00  }
0x137: {  	[tilespmem:s1], [sflag:$0x1] =	stream.indirect.gather @!p1 [hbm4b:s4+s11], $0x80, s0, s11, $0xb8;
	[tilespmem:$0x1A300] =	vst v63  }
0x138: {  	_ =	swait.ge [sflag:s20], $0x2000  }
0x139: {  	[sflag:s20] =	ssyncset.done $0x0  }
0x13a: {  	[sflag:s20] =	ssyncadd.s32 $0xFFFFE000  }
0x13b: {  	_ =	swait.ge [sflag:s20], $0x2000  }
0x13c: {  	[sflag:s20] =	ssyncset.done $0x0  }
0x13d: {  	[sflag:s20] =	ssyncadd.s32 $0xFFFFE000  }
0x13e: {  	_ =	swait.ge [sflag:s20], $0x2000  }
0x13f: {  	s11 =	simm.s32 $0x0;
	[sflag:s20] =	ssyncset.done $0x0  }
0x140: {  	s1 =	simm.s32 @!p0 $0x4;
	v19 =	vmov s11;
	[sflag:s20] =	ssyncadd.s32 $0xFFFFE000  }
0x141: {  	v19 =	vand.u32 $0x3E, v19;
	_ =	swait.ge @!p0 [sflag:s1], $0x4C00  }
0x142: {  	v19 =	vbroadcast v19, $0x0;
	[sflag:s1] =	ssyncset.done @!p0 $0x0  }
0x143: {  	s30 =	simm.s32 $0xAB80;
	[sflag:s1] =	ssyncadd.s32 @!p0 $0xFFFFB400  }
0x144: {  	v21 =	vor.u32 v0, v19;
	v20 =	vld [tilespmem:s30+$0xFFFFFF80];
	_ =	sdelay $0x4  }
0x145: {  	[tilespmem:v21+s21+$0x0] =	vst.idx.msk $0xffff, v20  }
0x146: {  	v21 =	vor.u32 v1, v19;
	v20 =	vld [tilespmem:s30+$0xFFFFFF90];
	_ =	sdelay $0x4  }
0x147: {  	[tilespmem:v21+s21+$0x0] =	vst.idx.msk $0xffff, v20  }
0x148: {  	v21 =	vor.u32 v2, v19;
	v20 =	vld [tilespmem:s30+$0xFFFFFFA0];
	_ =	sdelay $0x4  }
0x149: {  	[tilespmem:v21+s21+$0x0] =	vst.idx.msk $0xffff, v20  }
0x14a: {  	v21 =	vor.u32 v3, v19;
	v20 =	vld [tilespmem:s30+$0xFFFFFFB0];
	_ =	sdelay $0x4  }
0x14b: {  	[tilespmem:v21+s21+$0x0] =	vst.idx.msk $0xffff, v20  }
0x14c: {  	v21 =	vor.u32 v4, v19;
	v20 =	vld [tilespmem:s30+$0xFFFFFFC0];
	_ =	sdelay $0x4  }
0x14d: {  	[tilespmem:v21+s21+$0x0] =	vst.idx.msk $0xffff, v20  }
0x14e: {  	v21 =	vor.u32 v5, v19;
	v20 =	vld [tilespmem:s30+$0xFFFFFFD0];
	_ =	sdelay $0x4  }
0x14f: {  	[tilespmem:v21+s21+$0x0] =	vst.idx.msk $0xffff, v20  }
0x150: {  	v21 =	vor.u32 v6, v19;
	v20 =	vld [tilespmem:s30+$0xFFFFFFE0];
	_ =	sdelay $0x4  }
0x151: {  	[tilespmem:v21+s21+$0x0] =	vst.idx.msk $0xffff, v20  }
0x152: {  	v21 =	vor.u32 v7, v19;
	v20 =	vld [tilespmem:s30+$0xFFFFFFF0];
	_ =	sdelay $0x4  }
0x153: {  	s28 =	simm.s32 $0xCB80;
	[tilespmem:v21+s21+$0x0] =	vst.idx.msk $0xffff, v20  }
0x154: {  	v21 =	vor.u32 v8, v19;
	v20 =	vld [tilespmem:s28+$0xFFFFFF80];
	_ =	sdelay $0x4  }
0x155: {  	[tilespmem:v21+s21+$0x0] =	vst.idx.msk $0xffff, v20  }
0x156: {  	v21 =	vor.u32 v9, v19;
	v20 =	vld [tilespmem:s28+$0xFFFFFF90];
	_ =	sdelay $0x4  }
0x157: {  	[tilespmem:v21+s21+$0x0] =	vst.idx.msk $0xffff, v20  }
0x158: {  	v21 =	vor.u32 v10, v19;
	v20 =	vld [tilespmem:s28+$0xFFFFFFA0];
	_ =	sdelay $0x4  }
0x159: {  	[tilespmem:v21+s21+$0x0] =	vst.idx.msk $0xffff, v20  }
0x15a: {  	v21 =	vor.u32 v11, v19;
	v20 =	vld [tilespmem:s28+$0xFFFFFFB0];
	_ =	sdelay $0x4  }
0x15b: {  	[tilespmem:v21+s21+$0x0] =	vst.idx.msk $0xffff, v20  }
0x15c: {  	v21 =	vor.u32 v12, v19;
	v20 =	vld [tilespmem:s28+$0xFFFFFFC0];
	_ =	sdelay $0x4  }
0x15d: {  	[tilespmem:v21+s21+$0x0] =	vst.idx.msk $0xffff, v20  }
0x15e: {  	v21 =	vor.u32 v13, v19;
	v20 =	vld [tilespmem:s28+$0xFFFFFFD0];
	_ =	sdelay $0x4  }
0x15f: {  	[tilespmem:v21+s21+$0x0] =	vst.idx.msk $0xffff, v20  }
0x160: {  	v21 =	vor.u32 v14, v19;
	v20 =	vld [tilespmem:s28+$0xFFFFFFE0];
	_ =	sdelay $0x4  }
0x161: {  	[tilespmem:v21+s21+$0x0] =	vst.idx.msk $0xffff, v20  }
0x162: {  	v21 =	vor.u32 v15, v19;
	v20 =	vld [tilespmem:s28+$0xFFFFFFF0];
	_ =	sdelay $0x4  }
0x163: {  	s29 =	simm.s32 $0xEBA0;
	[tilespmem:v21+s21+$0x0] =	vst.idx.msk $0xffff, v20  }
0x164: {  	v21 =	vor.u32 v16, v19;
	v20 =	vld [tilespmem:s29+$0xFFFFFF60];
	_ =	sdelay $0x4  }
0x165: {  	[tilespmem:v21+s21+$0x0] =	vst.idx.msk $0xffff, v20  }
0x166: {  	v21 =	vor.u32 v17, v19;
	v20 =	vld [tilespmem:s29+$0xFFFFFF70];
	_ =	sdelay $0x4  }
0x167: {  	[tilespmem:v21+s21+$0x0] =	vst.idx.msk $0xffff, v20  }
0x168: {  	v19 =	vor.u32 v18, v19;
	v20 =	vld [tilespmem:s29+$0xFFFFFF80]  }
0x169: {  	s31 =	simm.s32 $0x1  }
0x16a: {  	v21 =	vmov s31  }
0x16b: {  	v21 =	vand.u32 $0x3F, v21  }
0x16c: {  	v21 =	vbroadcast v21, $0x0  }
0x16d: {  	[tilespmem:v19+s21+$0x0] =	vst.idx.msk $0xffff, v20  }
0x16e: {  	v20 =	vor.u32 v0, v21;
	v19 =	vld [tilespmem:s30+$0x0];
	_ =	sdelay $0x4  }
0x16f: {  	[tilespmem:v20+s21+$0x0] =	vst.idx.msk $0xffff, v19  }
0x170: {  	v20 =	vor.u32 v1, v21;
	v19 =	vld [tilespmem:s30+$0x10];
	_ =	sdelay $0x4  }
0x171: {  	[tilespmem:v20+s21+$0x0] =	vst.idx.msk $0xffff, v19  }
0x172: {  	v20 =	vor.u32 v2, v21;
	v19 =	vld [tilespmem:s30+$0x20];
	_ =	sdelay $0x4  }
0x173: {  	[tilespmem:v20+s21+$0x0] =	vst.idx.msk $0xffff, v19  }
0x174: {  	v20 =	vor.u32 v3, v21;
	v19 =	vld [tilespmem:s30+$0x30];
	_ =	sdelay $0x4  }
0x175: {  	[tilespmem:v20+s21+$0x0] =	vst.idx.msk $0xffff, v19  }
0x176: {  	v20 =	vor.u32 v4, v21;
	v19 =	vld [tilespmem:s30+$0x40];
	_ =	sdelay $0x4  }
0x177: {  	[tilespmem:v20+s21+$0x0] =	vst.idx.msk $0xffff, v19  }
0x178: {  	v20 =	vor.u32 v5, v21;
	v19 =	vld [tilespmem:s30+$0x50];
	_ =	sdelay $0x4  }
0x179: {  	[tilespmem:v20+s21+$0x0] =	vst.idx.msk $0xffff, v19  }
0x17a: {  	v20 =	vor.u32 v6, v21;
	v19 =	vld [tilespmem:s30+$0x60];
	_ =	sdelay $0x4  }
0x17b: {  	[tilespmem:v20+s21+$0x0] =	vst.idx.msk $0xffff, v19  }
0x17c: {  	v20 =	vor.u32 v7, v21;
	v19 =	vld [tilespmem:s30+$0x70];
	_ =	sdelay $0x4  }
0x17d: {  	[tilespmem:v20+s21+$0x0] =	vst.idx.msk $0xffff, v19  }
0x17e: {  	v20 =	vor.u32 v8, v21;
	v19 =	vld [tilespmem:s28+$0x0];
	_ =	sdelay $0x4  }
0x17f: {  	[tilespmem:v20+s21+$0x0] =	vst.idx.msk $0xffff, v19  }
0x180: {  	v20 =	vor.u32 v9, v21;
	v19 =	vld [tilespmem:s28+$0x10];
	_ =	sdelay $0x4  }
0x181: {  	[tilespmem:v20+s21+$0x0] =	vst.idx.msk $0xffff, v19  }
0x182: {  	v20 =	vor.u32 v10, v21;
	v19 =	vld [tilespmem:s28+$0x20];
	_ =	sdelay $0x4  }
0x183: {  	[tilespmem:v20+s21+$0x0] =	vst.idx.msk $0xffff, v19  }
0x184: {  	v20 =	vor.u32 v11, v21;
	v19 =	vld [tilespmem:s28+$0x30];
	_ =	sdelay $0x4  }
0x185: {  	[tilespmem:v20+s21+$0x0] =	vst.idx.msk $0xffff, v19  }
0x186: {  	v20 =	vor.u32 v12, v21;
	v19 =	vld [tilespmem:s28+$0x40];
	_ =	sdelay $0x4  }
0x187: {  	[tilespmem:v20+s21+$0x0] =	vst.idx.msk $0xffff, v19  }
0x188: {  	v20 =	vor.u32 v13, v21;
	v19 =	vld [tilespmem:s28+$0x50];
	_ =	sdelay $0x4  }
0x189: {  	[tilespmem:v20+s21+$0x0] =	vst.idx.msk $0xffff, v19  }
0x18a: {  	v20 =	vor.u32 v14, v21;
	v19 =	vld [tilespmem:s28+$0x60];
	_ =	sdelay $0x4  }
0x18b: {  	[tilespmem:v20+s21+$0x0] =	vst.idx.msk $0xffff, v19  }
0x18c: {  	v20 =	vor.u32 v15, v21;
	v19 =	vld [tilespmem:s28+$0x70];
	_ =	sdelay $0x4  }
0x18d: {  	[tilespmem:v20+s21+$0x0] =	vst.idx.msk $0xffff, v19  }
0x18e: {  	v20 =	vor.u32 v16, v21;
	v19 =	vld [tilespmem:s29+$0xFFFFFFE0];
	_ =	sdelay $0x4  }
0x18f: {  	[tilespmem:v20+s21+$0x0] =	vst.idx.msk $0xffff, v19  }
0x190: {  	v20 =	vor.u32 v17, v21;
	v19 =	vld [tilespmem:s29+$0xFFFFFFF0];
	_ =	sdelay $0x4  }
0x191: {  	[tilespmem:v20+s21+$0x0] =	vst.idx.msk $0xffff, v19  }
0x192: {  	v21 =	vor.u32 v18, v21;
	v20 =	vld [tilespmem:s29+$0x0]  }
0x193: {  	s1 =	simm.s32 $0x2  }
0x194: {  	s0 =	simm.s32 $0x4;
	v19 =	vmov s1  }
.LBB2_7:
0x195: {  	p0 =	slt.u32 s0, $0x3E;
	v19 =	vand.u32 $0x3E, v19  }
0x196: {  	v19 =	vbroadcast v19, $0x0  }
0x197: {  	s30 =	sadd.s32 $0x100, s30;
	[tilespmem:v21+s21+$0x0] =	vst.idx.msk $0xffff, v20  }
0x198: {  	v20 =	vld [tilespmem:s30+$0xFFFFFF80];
	v21 =	vor.u32 v0, v19;
	_ =	sdelay $0x4  }
0x199: {  	[tilespmem:v21+s21+$0x0] =	vst.idx.msk $0xffff, v20  }
0x19a: {  	v21 =	vor.u32 v1, v19;
	v20 =	vld [tilespmem:s30+$0xFFFFFF90];
	_ =	sdelay $0x4  }
0x19b: {  	[tilespmem:v21+s21+$0x0] =	vst.idx.msk $0xffff, v20  }
0x19c: {  	v21 =	vor.u32 v2, v19;
	v20 =	vld [tilespmem:s30+$0xFFFFFFA0];
	_ =	sdelay $0x4  }
0x19d: {  	[tilespmem:v21+s21+$0x0] =	vst.idx.msk $0xffff, v20  }
0x19e: {  	v21 =	vor.u32 v3, v19;
	v20 =	vld [tilespmem:s30+$0xFFFFFFB0];
	_ =	sdelay $0x4  }
0x19f: {  	[tilespmem:v21+s21+$0x0] =	vst.idx.msk $0xffff, v20  }
0x1a0: {  	v21 =	vor.u32 v4, v19;
	v20 =	vld [tilespmem:s30+$0xFFFFFFC0];
	_ =	sdelay $0x4  }
0x1a1: {  	[tilespmem:v21+s21+$0x0] =	vst.idx.msk $0xffff, v20  }
0x1a2: {  	v21 =	vor.u32 v5, v19;
	v20 =	vld [tilespmem:s30+$0xFFFFFFD0];
	_ =	sdelay $0x4  }
0x1a3: {  	[tilespmem:v21+s21+$0x0] =	vst.idx.msk $0xffff, v20  }
0x1a4: {  	v21 =	vor.u32 v6, v19;
	v20 =	vld [tilespmem:s30+$0xFFFFFFE0];
	_ =	sdelay $0x4  }
0x1a5: {  	[tilespmem:v21+s21+$0x0] =	vst.idx.msk $0xffff, v20  }
0x1a6: {  	v21 =	vor.u32 v7, v19;
	v20 =	vld [tilespmem:s30+$0xFFFFFFF0];
	_ =	sdelay $0x4  }
0x1a7: {  	s28 =	sadd.s32 $0x100, s28;
	[tilespmem:v21+s21+$0x0] =	vst.idx.msk $0xffff, v20  }
0x1a8: {  	v21 =	vor.u32 v8, v19;
	v20 =	vld [tilespmem:s28+$0xFFFFFF80];
	_ =	sdelay $0x4  }
0x1a9: {  	[tilespmem:v21+s21+$0x0] =	vst.idx.msk $0xffff, v20  }
0x1aa: {  	v21 =	vor.u32 v9, v19;
	v20 =	vld [tilespmem:s28+$0xFFFFFF90];
	_ =	sdelay $0x4  }
0x1ab: {  	[tilespmem:v21+s21+$0x0] =	vst.idx.msk $0xffff, v20  }
0x1ac: {  	v21 =	vor.u32 v10, v19;
	v20 =	vld [tilespmem:s28+$0xFFFFFFA0];
	_ =	sdelay $0x4  }
0x1ad: {  	[tilespmem:v21+s21+$0x0] =	vst.idx.msk $0xffff, v20  }
0x1ae: {  	v21 =	vor.u32 v11, v19;
	v20 =	vld [tilespmem:s28+$0xFFFFFFB0];
	_ =	sdelay $0x4  }
0x1af: {  	[tilespmem:v21+s21+$0x0] =	vst.idx.msk $0xffff, v20  }
0x1b0: {  	v21 =	vor.u32 v12, v19;
	v20 =	vld [tilespmem:s28+$0xFFFFFFC0];
	_ =	sdelay $0x4  }
0x1b1: {  	[tilespmem:v21+s21+$0x0] =	vst.idx.msk $0xffff, v20  }
0x1b2: {  	v21 =	vor.u32 v13, v19;
	v20 =	vld [tilespmem:s28+$0xFFFFFFD0];
	_ =	sdelay $0x4  }
0x1b3: {  	[tilespmem:v21+s21+$0x0] =	vst.idx.msk $0xffff, v20  }
0x1b4: {  	v21 =	vor.u32 v14, v19;
	v20 =	vld [tilespmem:s28+$0xFFFFFFE0];
	_ =	sdelay $0x4  }
0x1b5: {  	[tilespmem:v21+s21+$0x0] =	vst.idx.msk $0xffff, v20  }
0x1b6: {  	v21 =	vor.u32 v15, v19;
	v20 =	vld [tilespmem:s28+$0xFFFFFFF0];
	_ =	sdelay $0x4  }
0x1b7: {  	s29 =	sadd.s32 $0x100, s29;
	[tilespmem:v21+s21+$0x0] =	vst.idx.msk $0xffff, v20  }
0x1b8: {  	v21 =	vor.u32 v16, v19;
	v20 =	vld [tilespmem:s29+$0xFFFFFF60];
	_ =	sdelay $0x4  }
0x1b9: {  	[tilespmem:v21+s21+$0x0] =	vst.idx.msk $0xffff, v20  }
0x1ba: {  	v21 =	vor.u32 v17, v19;
	v20 =	vld [tilespmem:s29+$0xFFFFFF70];
	_ =	sdelay $0x4  }
0x1bb: {  	[tilespmem:v21+s21+$0x0] =	vst.idx.msk $0xffff, v20  }
0x1bc: {  	v21 =	vor.u32 v18, v19;
	v20 =	vld [tilespmem:s29+$0xFFFFFF80]  }
0x1bd: {  	s11 =	sadd.s32 $0x1, s1;
	s1 =	smov.u32 s0  }
0x1be: {  	v19 =	vmov s11  }
0x1bf: {  	v19 =	vand.u32 $0x3F, v19  }
0x1c0: {  	v19 =	vbroadcast v19, $0x0  }
0x1c1: {  	[tilespmem:v21+s21+$0x0] =	vst.idx.msk $0xffff, v20  }
0x1c2: {  	v21 =	vor.u32 v0, v19;
	v20 =	vld [tilespmem:s30+$0x0];
	_ =	sdelay $0x4  }
0x1c3: {  	[tilespmem:v21+s21+$0x0] =	vst.idx.msk $0xffff, v20  }
0x1c4: {  	v21 =	vor.u32 v1, v19;
	v20 =	vld [tilespmem:s30+$0x10];
	_ =	sdelay $0x4  }
0x1c5: {  	[tilespmem:v21+s21+$0x0] =	vst.idx.msk $0xffff, v20  }
0x1c6: {  	v21 =	vor.u32 v2, v19;
	v20 =	vld [tilespmem:s30+$0x20];
	_ =	sdelay $0x4  }
0x1c7: {  	[tilespmem:v21+s21+$0x0] =	vst.idx.msk $0xffff, v20  }
0x1c8: {  	v21 =	vor.u32 v3, v19;
	v20 =	vld [tilespmem:s30+$0x30];
	_ =	sdelay $0x4  }
0x1c9: {  	[tilespmem:v21+s21+$0x0] =	vst.idx.msk $0xffff, v20  }
0x1ca: {  	v21 =	vor.u32 v4, v19;
	v20 =	vld [tilespmem:s30+$0x40];
	_ =	sdelay $0x4  }
0x1cb: {  	[tilespmem:v21+s21+$0x0] =	vst.idx.msk $0xffff, v20  }
0x1cc: {  	v21 =	vor.u32 v5, v19;
	v20 =	vld [tilespmem:s30+$0x50];
	_ =	sdelay $0x4  }
0x1cd: {  	[tilespmem:v21+s21+$0x0] =	vst.idx.msk $0xffff, v20  }
0x1ce: {  	v21 =	vor.u32 v6, v19;
	v20 =	vld [tilespmem:s30+$0x60];
	_ =	sdelay $0x4  }
0x1cf: {  	[tilespmem:v21+s21+$0x0] =	vst.idx.msk $0xffff, v20  }
0x1d0: {  	v21 =	vor.u32 v7, v19;
	v20 =	vld [tilespmem:s30+$0x70];
	_ =	sdelay $0x4  }
0x1d1: {  	[tilespmem:v21+s21+$0x0] =	vst.idx.msk $0xffff, v20  }
0x1d2: {  	v21 =	vor.u32 v8, v19;
	v20 =	vld [tilespmem:s28+$0x0];
	_ =	sdelay $0x4  }
0x1d3: {  	[tilespmem:v21+s21+$0x0] =	vst.idx.msk $0xffff, v20  }
0x1d4: {  	v21 =	vor.u32 v9, v19;
	v20 =	vld [tilespmem:s28+$0x10];
	_ =	sdelay $0x4  }
0x1d5: {  	[tilespmem:v21+s21+$0x0] =	vst.idx.msk $0xffff, v20  }
0x1d6: {  	v21 =	vor.u32 v10, v19;
	v20 =	vld [tilespmem:s28+$0x20];
	_ =	sdelay $0x4  }
0x1d7: {  	[tilespmem:v21+s21+$0x0] =	vst.idx.msk $0xffff, v20  }
0x1d8: {  	v21 =	vor.u32 v11, v19;
	v20 =	vld [tilespmem:s28+$0x30];
	_ =	sdelay $0x4  }
0x1d9: {  	[tilespmem:v21+s21+$0x0] =	vst.idx.msk $0xffff, v20  }
0x1da: {  	v21 =	vor.u32 v12, v19;
	v20 =	vld [tilespmem:s28+$0x40];
	_ =	sdelay $0x4  }
0x1db: {  	[tilespmem:v21+s21+$0x0] =	vst.idx.msk $0xffff, v20  }
0x1dc: {  	v21 =	vor.u32 v13, v19;
	v20 =	vld [tilespmem:s28+$0x50];
	_ =	sdelay $0x4  }
0x1dd: {  	[tilespmem:v21+s21+$0x0] =	vst.idx.msk $0xffff, v20  }
0x1de: {  	v21 =	vor.u32 v14, v19;
	v20 =	vld [tilespmem:s28+$0x60];
	_ =	sdelay $0x4  }
0x1df: {  	[tilespmem:v21+s21+$0x0] =	vst.idx.msk $0xffff, v20  }
0x1e0: {  	v21 =	vor.u32 v15, v19;
	v20 =	vld [tilespmem:s28+$0x70];
	_ =	sdelay $0x4  }
0x1e1: {  	[tilespmem:v21+s21+$0x0] =	vst.idx.msk $0xffff, v20  }
0x1e2: {  	v21 =	vor.u32 v16, v19;
	v20 =	vld [tilespmem:s29+$0xFFFFFFE0];
	_ =	sdelay $0x4  }
0x1e3: {  	[tilespmem:v21+s21+$0x0] =	vst.idx.msk $0xffff, v20  }
0x1e4: {  	v21 =	vor.u32 v17, v19;
	v20 =	vld [tilespmem:s29+$0xFFFFFFF0];
	_ =	sdelay $0x3  }
.Ltmp2:
0x1e5: {  	(pc) =	sbr.rel @p0 .LBB2_7-.Ltmp2, $3  }
0x1e6: {  	[tilespmem:v21+s21+$0x0] =	vst.idx.msk $0xffff, v20  }
0x1e7: {  	v21 =	vor.u32 v18, v19;
	v20 =	vld [tilespmem:s29+$0x0];
	_ =	sdelay $0x1  }
0x1e8: {  	s0 =	sadd.s32 $0x2, s0;
	v19 =	vmov s1  }
0x1e9: {  	_ =	sdelay $0x1  }
0x1ea: {  	v19 =	vand.u32 $0x3E, v19  }
0x1eb: {  	v19 =	vbroadcast v19, $0x0  }
0x1ec: {  	s0 =	sadd.s32 $0x100, s30;
	[tilespmem:v21+s21+$0x0] =	vst.idx.msk $0xffff, v20  }
0x1ed: {  	v20 =	vld [tilespmem:s0+$0xFFFFFF80];
	v45 =	vor.u32 v0, v19;
	_ =	sdelay $0x4  }
0x1ee: {  	[tilespmem:v45+s21+$0x0] =	vst.idx.msk $0xffff, v20  }
0x1ef: {  	v46 =	vor.u32 v1, v19;
	v20 =	vld [tilespmem:s0+$0xFFFFFF90];
	_ =	sdelay $0x4  }
0x1f0: {  	[tilespmem:v46+s21+$0x0] =	vst.idx.msk $0xffff, v20  }
0x1f1: {  	v47 =	vor.u32 v2, v19;
	v20 =	vld [tilespmem:s0+$0xFFFFFFA0];
	_ =	sdelay $0x4  }
0x1f2: {  	[tilespmem:v47+s21+$0x0] =	vst.idx.msk $0xffff, v20  }
0x1f3: {  	v48 =	vor.u32 v3, v19;
	v20 =	vld [tilespmem:s0+$0xFFFFFFB0];
	_ =	sdelay $0x4  }
0x1f4: {  	[tilespmem:v48+s21+$0x0] =	vst.idx.msk $0xffff, v20  }
0x1f5: {  	v49 =	vor.u32 v4, v19;
	v20 =	vld [tilespmem:s0+$0xFFFFFFC0];
	_ =	sdelay $0x4  }
0x1f6: {  	[tilespmem:v49+s21+$0x0] =	vst.idx.msk $0xffff, v20  }
0x1f7: {  	v50 =	vor.u32 v5, v19;
	v20 =	vld [tilespmem:s0+$0xFFFFFFD0];
	_ =	sdelay $0x4  }
0x1f8: {  	[tilespmem:v50+s21+$0x0] =	vst.idx.msk $0xffff, v20  }
0x1f9: {  	v51 =	vor.u32 v6, v19;
	v20 =	vld [tilespmem:s0+$0xFFFFFFE0];
	_ =	sdelay $0x4  }
0x1fa: {  	[tilespmem:v51+s21+$0x0] =	vst.idx.msk $0xffff, v20  }
0x1fb: {  	v52 =	vor.u32 v7, v19;
	v20 =	vld [tilespmem:s0+$0xFFFFFFF0];
	_ =	sdelay $0x4  }
0x1fc: {  	s28 =	sadd.s32 $0x100, s28;
	[tilespmem:v52+s21+$0x0] =	vst.idx.msk $0xffff, v20  }
0x1fd: {  	v53 =	vor.u32 v8, v19;
	v20 =	vld [tilespmem:s28+$0xFFFFFF80];
	_ =	sdelay $0x4  }
0x1fe: {  	[tilespmem:v53+s21+$0x0] =	vst.idx.msk $0xffff, v20  }
0x1ff: {  	v54 =	vor.u32 v9, v19;
	v20 =	vld [tilespmem:s28+$0xFFFFFF90];
	_ =	sdelay $0x4  }
0x200: {  	[tilespmem:v54+s21+$0x0] =	vst.idx.msk $0xffff, v20  }
0x201: {  	v55 =	vor.u32 v10, v19;
	v20 =	vld [tilespmem:s28+$0xFFFFFFA0];
	_ =	sdelay $0x4  }
0x202: {  	[tilespmem:v55+s21+$0x0] =	vst.idx.msk $0xffff, v20  }
0x203: {  	v56 =	vor.u32 v11, v19;
	v20 =	vld [tilespmem:s28+$0xFFFFFFB0];
	_ =	sdelay $0x4  }
0x204: {  	[tilespmem:v56+s21+$0x0] =	vst.idx.msk $0xffff, v20  }
0x205: {  	v57 =	vor.u32 v12, v19;
	v20 =	vld [tilespmem:s28+$0xFFFFFFC0];
	_ =	sdelay $0x4  }
0x206: {  	[tilespmem:v57+s21+$0x0] =	vst.idx.msk $0xffff, v20  }
0x207: {  	v58 =	vor.u32 v13, v19;
	v20 =	vld [tilespmem:s28+$0xFFFFFFD0];
	_ =	sdelay $0x4  }
0x208: {  	[tilespmem:v58+s21+$0x0] =	vst.idx.msk $0xffff, v20  }
0x209: {  	v59 =	vor.u32 v14, v19;
	v20 =	vld [tilespmem:s28+$0xFFFFFFE0];
	_ =	sdelay $0x4  }
0x20a: {  	[tilespmem:v59+s21+$0x0] =	vst.idx.msk $0xffff, v20  }
0x20b: {  	v60 =	vor.u32 v15, v19;
	v20 =	vld [tilespmem:s28+$0xFFFFFFF0];
	_ =	sdelay $0x4  }
0x20c: {  	s29 =	sadd.s32 $0x100, s29;
	[tilespmem:v60+s21+$0x0] =	vst.idx.msk $0xffff, v20  }
0x20d: {  	v61 =	vor.u32 v16, v19;
	v20 =	vld [tilespmem:s29+$0xFFFFFF60];
	_ =	sdelay $0x4  }
0x20e: {  	[tilespmem:v61+s21+$0x0] =	vst.idx.msk $0xffff, v20  }
0x20f: {  	v62 =	vor.u32 v17, v19;
	v20 =	vld [tilespmem:s29+$0xFFFFFF70];
	_ =	sdelay $0x4  }
0x210: {  	[tilespmem:v62+s21+$0x0] =	vst.idx.msk $0xffff, v20  }
0x211: {  	v19 =	vor.u32 v18, v19;
	v20 =	vld [tilespmem:s29+$0xFFFFFF80]  }
0x212: {  	s1 =	sadd.s32 $0x1, s1  }
0x213: {  	v63 =	vmov s1  }
0x214: {  	v21 =	vand.u32 $0x3F, v63  }
0x215: {  	v21 =	vbroadcast v21, $0x0  }
0x216: {  	[tilespmem:v19+s21+$0x0] =	vst.idx.msk $0xffff, v20  }
0x217: {  	v20 =	vor.u32 v0, v21;
	v19 =	vld [tilespmem:s0+$0x0];
	_ =	sdelay $0x4  }
0x218: {  	[tilespmem:v20+s21+$0x0] =	vst.idx.msk $0xffff, v19  }
0x219: {  	v20 =	vor.u32 v1, v21;
	v19 =	vld [tilespmem:s0+$0x10];
	_ =	sdelay $0x4  }
0x21a: {  	[tilespmem:v20+s21+$0x0] =	vst.idx.msk $0xffff, v19  }
0x21b: {  	v20 =	vor.u32 v2, v21;
	v19 =	vld [tilespmem:s0+$0x20];
	_ =	sdelay $0x4  }
0x21c: {  	[tilespmem:v20+s21+$0x0] =	vst.idx.msk $0xffff, v19  }
0x21d: {  	v20 =	vor.u32 v3, v21;
	v19 =	vld [tilespmem:s0+$0x30];
	_ =	sdelay $0x4  }
0x21e: {  	[tilespmem:v20+s21+$0x0] =	vst.idx.msk $0xffff, v19  }
0x21f: {  	v20 =	vor.u32 v4, v21;
	v19 =	vld [tilespmem:s0+$0x40];
	_ =	sdelay $0x4  }
0x220: {  	[tilespmem:v20+s21+$0x0] =	vst.idx.msk $0xffff, v19  }
0x221: {  	v20 =	vor.u32 v5, v21;
	v19 =	vld [tilespmem:s0+$0x50];
	_ =	sdelay $0x4  }
0x222: {  	[tilespmem:v20+s21+$0x0] =	vst.idx.msk $0xffff, v19  }
0x223: {  	v20 =	vor.u32 v6, v21;
	v19 =	vld [tilespmem:s0+$0x60];
	_ =	sdelay $0x4  }
0x224: {  	[tilespmem:v20+s21+$0x0] =	vst.idx.msk $0xffff, v19  }
0x225: {  	v20 =	vor.u32 v7, v21;
	v19 =	vld [tilespmem:s0+$0x70];
	_ =	sdelay $0x4  }
0x226: {  	[tilespmem:v20+s21+$0x0] =	vst.idx.msk $0xffff, v19  }
0x227: {  	v20 =	vor.u32 v8, v21;
	v19 =	vld [tilespmem:s28+$0x0];
	_ =	sdelay $0x4  }
0x228: {  	[tilespmem:v20+s21+$0x0] =	vst.idx.msk $0xffff, v19  }
0x229: {  	v20 =	vor.u32 v9, v21;
	v19 =	vld [tilespmem:s28+$0x10];
	_ =	sdelay $0x4  }
0x22a: {  	[tilespmem:v20+s21+$0x0] =	vst.idx.msk $0xffff, v19  }
0x22b: {  	v20 =	vor.u32 v10, v21;
	v19 =	vld [tilespmem:s28+$0x20];
	_ =	sdelay $0x4  }
0x22c: {  	[tilespmem:v20+s21+$0x0] =	vst.idx.msk $0xffff, v19  }
0x22d: {  	v20 =	vor.u32 v11, v21;
	v19 =	vld [tilespmem:s28+$0x30];
	_ =	sdelay $0x4  }
0x22e: {  	[tilespmem:v20+s21+$0x0] =	vst.idx.msk $0xffff, v19  }
0x22f: {  	v20 =	vor.u32 v12, v21;
	v19 =	vld [tilespmem:s28+$0x40];
	_ =	sdelay $0x4  }
0x230: {  	[tilespmem:v20+s21+$0x0] =	vst.idx.msk $0xffff, v19  }
0x231: {  	v20 =	vor.u32 v13, v21;
	v19 =	vld [tilespmem:s28+$0x50];
	_ =	sdelay $0x4  }
0x232: {  	[tilespmem:v20+s21+$0x0] =	vst.idx.msk $0xffff, v19  }
0x233: {  	v20 =	vor.u32 v14, v21;
	v19 =	vld [tilespmem:s28+$0x60];
	_ =	sdelay $0x4  }
0x234: {  	[tilespmem:v20+s21+$0x0] =	vst.idx.msk $0xffff, v19  }
0x235: {  	v20 =	vor.u32 v15, v21;
	v19 =	vld [tilespmem:s28+$0x70];
	_ =	sdelay $0x4  }
0x236: {  	[tilespmem:v20+s21+$0x0] =	vst.idx.msk $0xffff, v19  }
0x237: {  	v20 =	vor.u32 v16, v21;
	v19 =	vld [tilespmem:s29+$0xFFFFFFE0];
	_ =	sdelay $0x4  }
0x238: {  	[tilespmem:v20+s21+$0x0] =	vst.idx.msk $0xffff, v19  }
0x239: {  	v20 =	vor.u32 v17, v21;
	v19 =	vld [tilespmem:s29+$0xFFFFFFF0];
	_ =	sdelay $0x4  }
0x23a: {  	s28 =	sadd.s32 s5, s26;
	[tilespmem:v20+s21+$0x0] =	vst.idx.msk $0xffff, v19  }
0x23b: {  	s30 =	sshrl.u32 s28, $0x6;
	v20 =	vor.u32 v18, v21;
	v19 =	vld [tilespmem:s29+$0x0]  }
0x23c: {  	s0 =	sshll.u32 s28, $0x9;
	s1 =	smul.u32 $0x130000, s30  }
0x23d: {  	s0 =	sand.u32 $0x7C00, s0  }
0x23e: {  	s0 =	sor.u32 s0, s1  }
0x23f: {  	s0 =	sshrl.u32 s0, $0x3  }
0x240: {  	s31 =	simm.s32 $0x15700;
	s1 =	simm.s32 $0x800;
	s0 =	sadd.s32 s0, s7;
	[tilespmem:v20+s21+$0x0] =	vst.idx.msk $0xffff, v19  }
0x241: {  	[hbm4b:s0+s10] =	stream.strided.scatter [tilespmem:s31], [sflag:$0x4], $0x200, s13, s10, $0x38;
	[tilespmem:$0x1A300] =	vst v63  }
.LBB2_9:
0x242: {  	p0 =	sne.s32 s1, $0x12800  }
.Ltmp3:
0x243: {  	_ = 	snop;
	(pc) =	sbr.rel @p0 .LBB2_9-.Ltmp3, $4  }
0x244: {  	_ = 	snop  }
0x245: {  	s11 =	sshra.s32 s1, $0x2;
	s1 =	sadd.s32 $0x800, s1  }
0x246: {  	s0 =	sadd.s32 $0x1000, s0;
	s11 =	sadd.s32 $0x15700, s11  }
0x247: {  	[hbm4b:s0+s10] =	stream.strided.scatter [tilespmem:s11], [sflag:$0x4], $0x200, s13, s10, $0x38;
	[tilespmem:$0x1A300] =	vst v63  }
0x248: {  	s25 =	sadd.s32 $0x1, s25  }
0x249: {  	p0 =	sne.s32 s25, $0x32  }
.Ltmp4:
0x24a: {  	_ = 	snop;
	(pc) =	sbr.rel @p0 .LBB2_2-.Ltmp4, $1  }
0x24b: {  	_ =	sdelay $0x3  }
0x24c: {  	s24 =	sadd.s32 $0x1, s24  }
0x24d: {  	_ =	swait.ge [sflag:s22], $0x4C00;
	p0 =	sne.s32 s24, s8  }
.Ltmp5:
0x24e: {  	[sflag:s22] =	ssyncset.done $0x0;
	(pc) =	sbr.rel @p0 .LBB2_1-.Ltmp5, $4  }
0x24f: {  	[sflag:s22] =	ssyncadd.s32 $0xFFFFB400  }
0x250: {  	_ =	swait.ge [sflag:s23], $0x4C00  }
0x251: {  	[sflag:s23] =	ssyncset.done $0x0  }
0x252: {  	[sflag:s23] =	ssyncadd.s32 $0xFFFFB400  }
0x253: {  	_ =	sfence.sel $0x180000  }
0x254: {  	[bflag:$0x0] =	sbarrier.arrive $0xFFFF  }
0x255: {  	_ =	strace $0x9000004D  }
0x256: {  	s0 =	stileid.u32;
	[bflag:$0x2] =	sbarrier.arrive $0xFFFF  }
0x257: {  	p0 =	sne.s32 s0, $0x0;
	s0 =	rddreg [dreg:$0x2]  }
0x258: {  	s0 =	sadd.s32 @!p0 $0x100000, s0  }
0x259: {  	[sflag:s0] =	ssyncadd.tile.s32 @!p0 $0x1;
	_ =	shalt  }
.Lfunc_end2:
_tile_overlayer_lowered:
.L_overlay_start_2:
0x25a: {  	(tag) =	ssettag $0x2  }
0x25b: {  	s0 =	rddreg [dreg:$0x0];
	s2 =	stileid.u32  }
0x25c: {  	s1 =	rddreg [dreg:$0x1];
	p0 =	sne.s32 s2, $0x0  }
0x25d: {  	s3 =	rddreg [dreg:$0x2];
	[bflag:$0x3] =	sbarrier.arrive $0xFFFF;
	s2 =	simm.s32 @!p0 $0x1C05  }
0x25e: {  	[timem:s3], [sflag:s2] =	dma.local @!p0 [hbm:s0], s1  }
0x25f: {  	s0 =	simm.s32 @!p0 $0x5  }
0x260: {  	_ =	swait.ge @!p0 [sflag:s0], s1  }
0x261: {  	s1 =	ssub.s32 @!p0 $0x0, s1;
	[sflag:s0] =	ssyncset.done @!p0 $0x0  }
0x262: {  	[sflag:s0] =	ssyncadd.s32 @!p0 s1  }
0x263: {  	[bflag:$0x3] =	sbarrier.arrive $0xFFFF  }
0x264: {  	_ =	shalt  }

// kernel: sparse-core-data-format-call.cloned.1.call-start
scs
called_computation_lowered:
.L_overlay_start_0:
0x0: {  	s2 =	sld [smem:$0x3FD9]  }
0x1: {  	s3 =	sld [smem:$0x3FFE];
	_ =	sdelay $0x1  }
0x2: {  	s1 =	srdreg.scid  }
0x3: {  	s0 =	sand.u32 $0x1, s1  }
0x4: {  	s16 =	sshll.u32 s0, $0xA;
	s2 =	sadd.s32 s3, s2  }
0x5: {  	s2 =	sadd.s32 s2, s16  }
0x6: {  	[smem:$0x3FC6] =	sst s2  }
0x7: {  	_ = 	snop  }
0x8: {  	s2 =	sld [smem:$0x3FD0];
	_ =	sdelay $0x2  }
0x9: {  	s17 =	simm.s32 $0xC;
	s4 =	simm.s32 $0x10  }
0xa: {  	[smem:s4], [sflag:s17] =	dma.local [hbm:s2], $0x1  }
0xb: {  	_ =	swait.eq [sflag:s17], $0x1  }
0xc: {  	[sflag:s17] =	ssyncset.done $0x0  }
0xd: {  	s18 =	sld [smem:$0x11];
	[sflag:s17] =	ssyncadd.s32 $0xFFFFFFFF  }
0xe: {  	s19 =	sld [smem:$0x12];
	(tm) =	ssettm $0x1  }
0xf: {  	s20 =	sld [smem:$0x3FFB];
	_ =	sdelay $0x3  }
0x10: {  	_ =	strace s20  }
0x11: {  	s4 =	sld [smem:$0x3FFC];
	_ =	sdelay $0x3  }
0x12: {  	_ =	strace s4  }
0x13: {  	s4 =	sld [smem:$0x3FFD];
	_ =	sdelay $0x3  }
0x14: {  	_ =	strace s4  }
0x15: {  	_ =	strace $0x8FFFFFFF  }
0x16: {  	s21 =	sld [smem:$0x3FDB];
	_ =	sdelay $0x1  }
0x17: {  	s5 =	simm.s32 $_scs_section_size  }
0x18: {  	s6 =	simm.s32 $_size__tile_overlayer_lowered;
	s7 =	simm.s32 $_tile_overlayer_lowered  }
0x19: {  	s24 =	simm.s32 $0x1BFF;
	s23 =	sshll.u32 s7, $0x1;
	s4 =	sadd.s32 s5, s21  }
0x1a: {  	s8 =	simm.s32 $0x0;
	s22 =	sshll.u32 s6, $0x1;
	s6 =	sadd.s32 s23, s4  }
0x1b: {  	[timem:s8], [sflag:s24] =	dma.local [hbm:s6], s22  }
0x1c: {  	_ =	swait.ge [sflag:s24], s22  }
0x1d: {  	s5 =	ssub.s32 $0x0, s22;
	[sflag:s24] =	ssyncset.done $0x0  }
0x1e: {  	[sflag:s24] =	ssyncadd.s32 s5;
	_ =	sdelay $0x1  }
0x1f: {  	s25 =	simm.s32 $0x1B8B  }
0x20: {  	_ =	swait.ge [sflag:s25], $0x1  }
0x21: {  	[sflag:s25] =	ssyncset.done $0x0  }
0x22: {  	s26 =	simm.s32 $0x1B8E;
	[sflag:s25] =	ssyncadd.s32 $0xFFFFFFFF  }
0x23: {  	s27 =	simm.s32 $execute0_lowered;
	[smem:$0x3FD2] =	sst s26  }
0x24: {  	s5 =	sshll.u32 s27, $0x1;
	_ =	strace $0x80000046;
	[dreg:$0x1] =	wrdreg $0xFFFFFFFF  }
0x25: {  	s28 =	simm.s32 $_size_execute0_lowered;
	s4 =	sadd.s32 s4, s5;
	[dreg:$0x0] =	wrdreg $0x0  }
0x26: {  	s5 =	sshll.u32 s28, $0x1;
	[dreg:$0x2] =	wrdreg s4  }
0x27: {  	[dreg:$0x3] =	wrdreg s5  }
0x28: {  	[dreg:$0x4] =	wrdreg $0xC0  }
0x29: {  	_ =	task [dreg:s8], $0x5FFFF  }
0x2a: {  	[dreg:$0x1] =	wrdreg $0xFFFFFFFF  }
0x2b: {  	[dreg:$0x0] =	wrdreg $0x60  }
0x2c: {  	[dreg:$0x2] =	wrdreg s18  }
0x2d: {  	[dreg:$0x3] =	wrdreg s19  }
0x2e: {  	[dreg:$0x4] =	wrdreg $0x9  }
0x2f: {  	_ =	task.clear_ibuf [dreg:s8], $0x5FFFF;
	_ =	strace $0x90000046  }
0x30: {  	s29 =	simm.s32 $0x9;
	_ =	strace $0x80000048  }
0x31: {  	_ =	swait.ge [sflag:s29], $0x1  }
0x32: {  	[sflag:s29] =	ssyncadd.s32 $0xFFFFFFFF  }
0x33: {  	_ =	strace $0x90000048  }
0x34: {  	_ =	sfence  }
0x35: {  	s30 =	sld [smem:$0x0];
	_ =	sdelay $0x2  }
0x36: {  	s31 =	sshll.u32 s1, $0xD;
	s1 =	sshrl.u32 s1, $0x2  }
0x37: {  	s3 =	sand.u32 $0x4000, s31;
	s1 =	sadd.s32 s1, s30  }
0x38: {  	s0 =	sor.u32 s3, s0;
	s1 =	sshll.u32 s1, $0x11  }
0x39: {  	s0 =	sor.u32 s1, s0  }
0x3a: {  	s0 =	sadd.s32 $0x8F2B, s0  }
0x3b: {  	[sflag:s0] =	ssyncadd.remote.s32 $0x1  }
0x3c: {  	_ =	sfence.sel $0xFFFF  }
0x3d: {  	[dreg:$0x0] =	wrdreg $0xFFFFFFFF;
	(pc) =	sbr.abs _section_cstart, $3  }
0x3e: {  	[dreg:$0x1] =	wrdreg $0xFFFFFFFF  }
0x3f: {  	_ =	task.clear_ibuf [dreg:s8], $0x2FFFF;
	_ =	strace $0x9FFFFFFF  }
0x40: {  	(tm) =	ssettm $0x7FFFFFFF  }
0x41: {  	_ =	shalt  }
tec
execute0_lowered:
.L_overlay_start_1:
0x0: {  	(tag) =	ssettag $0x1  }
0x1: {  	s0 =	srdreg.scid;
	s2 =	rddreg [dreg:$0x0]  }
0x2: {  	s4 =	rddreg [dreg:$0x1];
	s31 =	simm.s32 $0x2;
	s17 =	simm.s32 $0x0  }
0x3: {  	p0 =	por $0x0, $0x0;
	s8 =	simm.s32 $0x200;
	s1 =	sshll.u32 s0, $0x4  }
0x4: {  	s16 =	simm.s32 $0x0;
	s0 =	stileid.u32;
	s1 =	sand.u32 $0x10, s1  }
0x5: {  	s18 =	simm.s32 $0x0;
	s9 =	simm.s32 $0x0;
	s1 =	sor.u32 s0, s1  }
0x6: {  	s10 =	simm.s32 $0x0;
	s11 =	simm.s32 $0x0;
	s3 =	sshll.u32 s1, $0x7  }
.Ltmp0:
0x7: {  	s13 =	simm.s32 $0x0;
	s5 =	ssub.s32 $0x18680, s3;
	(pc) =	sbr.rel .LBB1_1-.Ltmp0, $4  }
0x8: {  	s14 =	simm.s32 $0x0;
	s1 =	rddreg [dreg:$0x2];
	s6 =	sshrl.u32 s5, $0xC  }
0x9: {  	_ =	strace $0x80000047;
	s5 =	simm.s32 $0x1;
	s7 =	smul.u32 $0x3, s6  }
0xa: {  	s15 =	simm.s32 $0x0;
	s12 =	smov.u32 s3;
	[sflag:s5] =	ssyncpa.u1 $0x0  }
0xb: {  	[sflag:s31] =	ssyncpa.u1 $0x0;
	s6 =	sadd.s32 $0x3, s7;
	s7 =	sadd.s32 $0x4, s7  }
.LBB1_5:
0xc: {  	p1 =	slt.u32 s15, $0x2  }
0xd: {  	p2 =	sgt.s32 @!p1 s18, $0x3;
	s20 =	sshra.s32 @!p1 s18, $0x1F  }
0xe: {  	s19 =	smov.u32 s18;
	p2 =	por !p2, p1;
	s18 =	sand.u32 @!p1 s20, s18  }
0xf: {  	s20 =	sshra.s32 @!p1 s17, $0x1F;
	s19 =	simm.s32 @p2 $0x3;
	p2 =	sgt.s32 @!p1 s17, $0x18620  }
0x10: {  	s18 =	ssub.s32 @!p1 s19, s18;
	p2 =	por !p2, p1;
	s19 =	smov.u32 s17  }
0x11: {  	s17 =	sand.u32 @!p1 s20, s17;
	s20 =	sadd.s32 @!p1 $0xFFFFFFFD, s18;
	s19 =	simm.s32 @p2 $0x18620  }
0x12: {  	s18 =	ssub.s32 @!p1 $0x4, s18;
	p2 =	sgt.s32 @!p1 s20, $0x0;
	s20 =	ssub.s32 @!p1 $0x0, s16  }
0x13: {  	s17 =	ssub.s32 @!p1 s19, s17;
	p2 =	por !p2, p1;
	s16 =	smin.u32 @!p1 s16, s20  }
0x14: {  	s19 =	sadd.s32 @!p1 $0xFFFE79E0, s17;
	s18 =	simm.s32 @!p2 $0x0;
	p2 =	sgt.s32 @!p1 s16, $0x7F  }
0x15: {  	s17 =	ssub.s32 @!p1 $0x186A0, s17;
	s16 =	ssub.s32 @!p1 $0x80, s16;
	p2 =	por !p2, p1  }
0x16: {  	s20 =	smov.u32 s13;
	s16 =	simm.s32 @!p2 $0x0;
	p2 =	sgt.s32 @!p1 s19, $0x7F  }
0x17: {  	s19 =	sadd.s32 $0x1000, s12;
	p2 =	por !p2, p1;
	s16 =	smul.u32 @!p1 s18, s16  }
0x18: {  	s18 =	sadd.s32 $0x80, s13;
	s17 =	simm.s32 @!p2 $0x0;
	p2 =	sgt.s32 s19, $0x1869F  }
0x19: {  	s16 =	smul.u32 @!p1 s17, s16;
	s20 =	smov.u32 @p2 s18  }
0x1a: {  	s19 =	smov.u32 @p2 s3;
	s17 =	simm.s32 $0x1;
	p2 =	sgt.s32 s20, $0x7F  }
0x1b: {  	s17 =	simm.s32 @!p2 $0x0  }
0x1c: {  	p0 =	por !p0, !p0;
	s23 =	sadd.s32 s17, s14  }
0x1d: {  	s21 =	simm.s32 @!p1 $0x2;
	s20 =	simm.s32 @p2 $0x0;
	p2 =	sgt.s32 s23, $0x2  }
0x1e: {  	s18 =	smov.u32 s11;
	s23 =	simm.s32 @p2 $0x0;
	p2 =	sne.s32 s15, s7  }
.Ltmp1:
0x1f: {  	s11 =	smov.u32 s14;
	s16 =	sand.u32 @!p1 $0x3FFFFFFF, s16;
	(pc) =	sbr.rel @!p2 .LBB1_6-.Ltmp1, $4  }
0x20: {  	_ =	swait.ge @!p1 [sflag:s21], s16;
	s22 =	ssub.s32 @!p1 $0x0, s16;
	s17 =	smov.u32 s9  }
0x21: {  	s16 =	smov.u32 s10;
	s9 =	smov.u32 s12;
	s10 =	smov.u32 s13  }
0x22: {  	s12 =	smov.u32 s19;
	s13 =	smov.u32 s20;
	[sflag:s21] =	ssyncset.done @!p1 $0x0  }
0x23: {  	s15 =	sadd.s32 $0x1, s15;
	[sflag:s21] =	ssyncadd.s32 @!p1 s22;
	s14 =	smov.u32 s23  }
.LBB1_1:
0x24: {  	p1 =	sge.u32 s15, s6  }
0x25: {  	s19 =	sshrl.u32 @!p1 s13, $0x3  }
0x26: {  	s20 =	sshll.u32 @!p1 s12, $0x3;
	s19 =	smul.u32 @!p1 $0xC3800, s19  }
0x27: {  	s21 =	sshll.u32 @!p1 s13, $0x7;
	s20 =	sand.u32 @!p1 $0xFFFFFC00, s20  }
0x28: {  	s19 =	sadd.s32 @!p1 s19, s20;
	s20 =	sand.u32 @!p1 $0x380, s21  }
0x29: {  	s21 =	sand.u32 @!p1 $0x7F, s12;
	s19 =	sor.u32 @!p1 s20, s19  }
0x2a: {  	s20 =	sor.u32 @!p1 s21, s19  }
0x2b: {  	s21 =	smulhi.u32 @!p1 $0xA79C7B17, s20  }
0x2c: {  	s19 =	smulhi.u32 @!p1 $0xA79C7B17, s19  }
0x2d: {  	s21 =	sshrl.u32 @!p1 s21, $0x10  }
0x2e: {  	s19 =	sshrl.u32 @!p1 s19, $0x10;
	s21 =	smul.u32 @!p1 $0x18700, s21  }
0x2f: {  	s22 =	sxor.u32 @!p1 $0xFFFFFFFF, s15;
	s23 =	smul.u32 @!p1 $0x187000, s14;
	s19 =	sand.u32 @!p1 $0x7F, s19  }
0x30: {  	s22 =	sshll.u32 @!p1 s22, $0xE;
	s19 =	smul.u32 @!p1 $0x30E0, s19;
	s20 =	ssub.s32 @!p1 s20, s21  }
0x31: {  	s21 =	sand.u32 @!p1 $0x4000, s22;
	s22 =	sadd.s32 @!p1 s2, s23;
	s23 =	sand.u32 @!p1 $0x7, s20  }
0x32: {  	s20 =	sshrl.u32 @!p1 s20, $0x3;
	s19 =	sadd.s32 @!p1 s19, s22;
	s22 =	sshll.u32 @!p1 s23, $0x12  }
0x33: {  	s19 =	sadd.s32 @!p1 s20, s19;
	s20 =	sor.u32 @!p1 $0x400, s22;
	s22 =	simm.s32 @!p1 $0xC3800  }
0x34: {  	[tilespmem:s21], [sflag:$0x1] =	stream.strided.gather @!p1 [hbm4b:s19+s20], $0x4000, s22, s20, $0x38;
	[tilespmem:$0x10100] =	vst v63  }
0x35: {  	p1 =	seq.s32 s15, $0x0  }
0x36: {  	p2 =	sge.u32 @!p1 s15, s7  }
0x37: {  	p1 =	por p1, p2  }
.Ltmp2:
0x38: {  	_ = 	snop;
	(pc) =	sbr.rel @p1 .LBB1_5-.Ltmp2, $1  }
0x39: {  	_ =	sdelay $0x3  }
0x3a: {  	s19 =	simm.s32 $0x1  }
0x3b: {  	_ =	swait.ge [sflag:s5], $0x4000;
	s19 =	simm.s32 @!p0 $0x0  }
0x3c: {  	[sflag:s5] =	ssyncset.done $0x0;
	s20 =	sshll.u32 s19, $0xE  }
0x3d: {  	[sflag:s5] =	ssyncadd.s32 $0xFFFFC000;
	s20 =	sor.u32 $0x40, s20  }
0x3e: {  	s19 =	smul.u32 $0x10200, s19;
	v0 =	vld [tilespmem:s20+$0x30]  }
0x3f: {  	v1 =	vld [tilespmem:s20+$0xFFFFFFD0]  }
0x40: {  	s19 =	sshrl.u32 s19, $0x2;
	v5 =	vld [tilespmem:s20+$0xFFFFFFE0]  }
0x41: {  	v6 =	vld [tilespmem:s20+$0xFFFFFFF0];
	s22 =	sor.u32 $0x8000, s19  }
0x42: {  	s31 =	sand.u32 $0x1, s15;
	v4 =	vld [tilespmem:s20+$0x0];
	s21 =	sadd.s32 $0x0, s22  }
0x43: {  	v3 =	vld [tilespmem:s20+$0x10];
	s19 =	smul.u32 $0x10200, s31;
	[tilespmem:s21+$0x3870 ss:$0x81] =	vst.msk $0xffff, v0  }
0x44: {  	v2 =	vld [tilespmem:s20+$0x20];
	[tilespmem:s21+$0x810 ss:$0x81] =	vst.msk $0xffff, v1  }
0x45: {  	s19 =	sshrl.u32 s19, $0x2;
	v1 =	vld [tilespmem:s20+$0xFFFFFFC0];
	[tilespmem:s21+$0x1020 ss:$0x81] =	vst.msk $0xffff, v5;
	s20 =	sadd.s32 $0x80, s20  }
0x46: {  	s23 =	simm.s32 $0x4;
	s24 =	simm.s32 $0x8;
	s19 =	sor.u32 $0x8000, s19;
	[tilespmem:s21+$0x1830 ss:$0x81] =	vst.msk $0xffff, v6;
	v0 =	vld [tilespmem:s20+$0x30]  }
.LBB1_3:
0x47: {  	p1 =	sne.s32 s24, $0x1FC;
	v5 =	vld [tilespmem:s20+$0xFFFFFFD0];
	[tilespmem:s21+$0x2040 ss:$0x81] =	vst.msk $0xffff, v4  }
0x48: {  	v6 =	vld [tilespmem:s20+$0xFFFFFFE0];
	[tilespmem:s21+$0x2850 ss:$0x81] =	vst.msk $0xffff, v3  }
0x49: {  	s25 =	sshra.s32 s23, $0x2;
	s23 =	smov.u32 s24;
	v7 =	vld [tilespmem:s20+$0xFFFFFFF0];
	[tilespmem:s21+$0x3060 ss:$0x81] =	vst.msk $0xffff, v2  }
.Ltmp3:
0x4a: {  	v4 =	vld [tilespmem:s20+$0x0];
	[tilespmem:s21+$0x0 ss:$0x81] =	vst.msk $0xffff, v1;
	s21 =	sadd.s32 s25, s22;
	(pc) =	sbr.rel @p1 .LBB1_3-.Ltmp3, $4  }
0x4b: {  	v3 =	vld [tilespmem:s20+$0x10];
	[tilespmem:s21+$0x3870 ss:$0x81] =	vst.msk $0xffff, v0  }
0x4c: {  	[tilespmem:s21+$0x810 ss:$0x81] =	vst.msk $0xffff, v5;
	v2 =	vld [tilespmem:s20+$0x20]  }
0x4d: {  	v1 =	vld [tilespmem:s20+$0xFFFFFFC0];
	[tilespmem:s21+$0x1020 ss:$0x81] =	vst.msk $0xffff, v6;
	s20 =	sadd.s32 $0x80, s20  }
0x4e: {  	s24 =	sadd.s32 $0x4, s24;
	v0 =	vld [tilespmem:s20+$0x30];
	[tilespmem:s21+$0x1830 ss:$0x81] =	vst.msk $0xffff, v7  }
0x4f: {  	s23 =	sshra.s32 s23, $0x2;
	p1 =	sgt.s32 s11, $0x3;
	s24 =	sshra.s32 s11, $0x1F  }
0x50: {  	p2 =	sgt.s32 s9, $0x18620;
	s25 =	smov.u32 s9;
	s26 =	sshra.s32 s9, $0x1F  }
0x51: {  	v5 =	vld [tilespmem:s20+$0xFFFFFFD0];
	[tilespmem:s21+$0x2040 ss:$0x81] =	vst.msk $0xffff, v4;
	s27 =	ssub.s32 $0x0, s10;
	s22 =	sadd.s32 s23, s22;
	s23 =	smov.u32 s11  }
0x52: {  	v58 =	vld [tilespmem:s20+$0xFFFFFFE0];
	s24 =	sand.u32 s24, s11;
	[tilespmem:s21+$0x2850 ss:$0x81] =	vst.msk $0xffff, v3;
	s25 =	simm.s32 @!p2 $0x18620;
	s28 =	sand.u32 s26, s9  }
0x53: {  	v59 =	vld [tilespmem:s20+$0xFFFFFFF0];
	s31 =	smin.u32 s10, s27;
	s26 =	sshll.u32 s9, $0x6;
	s23 =	simm.s32 @!p1 $0x3;
	[tilespmem:s21+$0x3060 ss:$0x81] =	vst.msk $0xffff, v2  }
0x54: {  	v60 =	vld [tilespmem:s20+$0x0];
	s27 =	sshrl.u32 s10, $0x3;
	s30 =	ssub.s32 s25, s28;
	s23 =	ssub.s32 s23, s24;
	[tilespmem:s21+$0x0 ss:$0x81] =	vst.msk $0xffff, v1  }
0x55: {  	v61 =	vld [tilespmem:s20+$0x10];
	p2 =	sgt.s32 s31, $0x7F;
	s24 =	ssub.s32 $0x80, s31;
	s29 =	sadd.s32 $0xFFFFFFFD, s23;
	[tilespmem:s22+$0x3870 ss:$0x81] =	vst.msk $0xffff, v0  }
0x56: {  	v62 =	vld [tilespmem:s20+$0x20];
	s25 =	sadd.s32 $0xFFFE79E0, s30;
	s23 =	ssub.s32 $0x4, s23;
	p1 =	sgt.s32 s29, $0x0;
	[tilespmem:s22+$0x810 ss:$0x81] =	vst.msk $0xffff, v5  }
0x57: {  	v63 =	vld [tilespmem:s20+$0xFFFFFFC0];
	s20 =	ssub.s32 $0x186A0, s30;
	s24 =	simm.s32 @p2 $0x0;
	[tilespmem:s22+$0x1020 ss:$0x81] =	vst.msk $0xffff, v58;
	s23 =	simm.s32 @p1 $0x0  }
0x58: {  	[tilespmem:s22+$0x1830 ss:$0x81] =	vst.msk $0xffff, v59;
	p1 =	sgt.s32 s25, $0x7F;
	s25 =	sshll.u32 s11, $0x4;
	s24 =	smul.u32 s23, s24  }
.Ltmp4:
0x59: {  	[tilespmem:s22+$0x2040 ss:$0x81] =	vst.msk $0xffff, v60;
	s20 =	simm.s32 @p1 $0x0;
	s23 =	sand.u32 $0x30, s25;
	(pc) =	sbr.rel .LBB1_5-.Ltmp4, $4  }
0x5a: {  	s28 =	sand.u32 $0x7, s10;
	[tilespmem:s22+$0x2850 ss:$0x81] =	vst.msk $0xffff, v61;
	s23 =	sadd.s32 s4, s23;
	s20 =	smul.u32 s20, s24  }
0x5b: {  	s30 =	sshll.u32 s28, $0x12;
	[tilespmem:s22+$0x3060 ss:$0x81] =	vst.msk $0xffff, v62;
	s29 =	sand.u32 $0xF, s27;
	s21 =	sadd.s32 s26, s23  }
0x5c: {  	s31 =	sor.u32 $0x80, s30;
	[tilespmem:s22+$0x0 ss:$0x81] =	vst.msk $0xffff, v63;
	s21 =	sadd.s32 s29, s21;
	s20 =	sand.u32 $0x3FFFFFFF, s20  }
0x5d: {  	[hbm4b:s21+s31] =	stream.strided.scatter [tilespmem:s19], [sflag:$0x2], s20, s8, s31, $0x20;
	[tilespmem:$0x10100] =	vst v63  }
.LBB1_6:
0x5e: {  	_ =	sfence.sel $0x180000  }
0x5f: {  	s2 =	simm.s32 $0x1;
	[bflag:$0x0] =	sbarrier.arrive $0xFFFF  }
0x60: {  	s31 =	simm.s32 $0x2;
	[sflag:s2] =	ssyncpa.u1 $0x1  }
0x61: {  	[sflag:s31] =	ssyncpa.u1 $0x1  }
0x62: {  	p0 =	sne.s32 s0, $0x0;
	_ =	strace $0x90000047  }
0x63: {  	s0 =	sadd.s32 @!p0 $0x100000, s1;
	[bflag:$0x2] =	sbarrier.arrive $0xFFFF  }
0x64: {  	[sflag:s0] =	ssyncadd.tile.s32 @!p0 $0x1;
	_ =	shalt  }
.Lfunc_end1:
_tile_overlayer_lowered:
.L_overlay_start_2:
0x65: {  	(tag) =	ssettag $0x2  }
0x66: {  	s0 =	rddreg [dreg:$0x0];
	s2 =	stileid.u32  }
0x67: {  	s1 =	rddreg [dreg:$0x1];
	p0 =	sne.s32 s2, $0x0  }
0x68: {  	s3 =	rddreg [dreg:$0x2];
	[bflag:$0x3] =	sbarrier.arrive $0xFFFF;
	s2 =	simm.s32 @!p0 $0x1C01  }
0x69: {  	[timem:s3], [sflag:s2] =	dma.local @!p0 [hbm:s0], s1  }
0x6a: {  	s0 =	simm.s32 @!p0 $0x1  }
0x6b: {  	_ =	swait.ge @!p0 [sflag:s0], s1  }
0x6c: {  	s1 =	ssub.s32 @!p0 $0x0, s1;
	[sflag:s0] =	ssyncset.done @!p0 $0x0  }
0x6d: {  	[sflag:s0] =	ssyncadd.s32 @!p0 s1  }
0x6e: {  	[bflag:$0x3] =	sbarrier.arrive $0xFFFF  }
0x6f: {  	_ =	shalt  }

</sc_bundles>
